<compile_context>
chip_gen: v7x
topology: tpu7x:2x2x1
jax: 0.10.2.dev20260603
libtpu: 0.0.44.dev20260713+nightly
codegen_flags: <defaults>
</compile_context>

<pallas_src>
import jax
import jax.numpy as jnp
from jax import lax
from jax.experimental import pallas as pl
from jax.experimental.pallas import tpu as pltpu
from jax.experimental.pallas import tpu_sc as plsc

CH = 128
NC = 2
NS = 16
NW = NC * NS


def _stripe_chunks(stripe):
    out = []
    off = 0
    while off < stripe:
        ln = min(CH, stripe - off)
        out.append((off, ln))
        off += ln
    return out


RING = 2


def _make_sc_agg(n_acc, k_per_tile, width, gather, dtype=jnp.float32):
    stripe = n_acc // NS
    chunks = _stripe_chunks(stripe)
    mesh = plsc.VectorSubcoreMesh(core_axis_name="c", subcore_axis_name="s")
    nbuf = RING if gather else 1
    idxb = k_per_tile // 2 if gather else k_per_tile
    assert idxb % RING == 0 and k_per_tile % 8 == 0

    scratch = [pltpu.VMEM((idxb, CH), jnp.int32)]
    if gather:
        scratch.append(pltpu.VMEM((idxb, CH), jnp.int32))
    scratch += [pltpu.VMEM((CH, width), dtype)] * nbuf
    scratch.append(pltpu.VMEM_SHARED((n_acc, width), dtype))
    scratch += [pltpu.SemaphoreType.DMA] * (2 * nbuf)

    def body_common(src_hbm, dst_hbm, table_hbm, zeros_hbm, out_hbm,
                    idxd_v, idxs_v, bufs, acc, gsem, ssem):
        c = lax.axis_index("c")
        s = lax.axis_index("s")
        wid = c * NS + s
        base = wid * k_per_tile
        stripe0 = s * stripe

        pltpu.sync_copy(zeros_hbm, bufs[0])
        for off, ln in chunks:
            pltpu.sync_copy(bufs[0].at[pl.ds(0, ln)],
                            acc.at[pl.ds(stripe0 + off, ln)])

        def drain(buf, sem):
            pltpu.make_async_copy(zeros_hbm, buf, sem).wait()

        if gather:
            plsc.subcore_barrier()
            for blk in range(k_per_tile // idxb):
                blk_base = base + blk * idxb
                pltpu.sync_copy(dst_hbm.at[pl.ds(blk_base, idxb)], idxd_v)
                pltpu.sync_copy(src_hbm.at[pl.ds(blk_base, idxb)], idxs_v)

                pltpu.sync_copy(zeros_hbm, bufs[1])
                pltpu.async_copy(table_hbm.at[idxs_v.at[0]], bufs[0], gsem[0])
                pltpu.async_copy(bufs[1], acc.at[idxd_v.at[0]],
                                 ssem[1], add=True)

                def half(j0, j1, j2):
                    drain(bufs[1], ssem[1])
                    pltpu.async_copy(table_hbm.at[idxs_v.at[j1]],
                                     bufs[1], gsem[1])
                    drain(bufs[0], gsem[0])
                    pltpu.async_copy(bufs[0], acc.at[idxd_v.at[j0]],
                                     ssem[0], add=True)
                    drain(bufs[1], gsem[1])
                    pltpu.async_copy(bufs[1], acc.at[idxd_v.at[j1]],
                                     ssem[1], add=True)
                    drain(bufs[0], ssem[0])
                    if j2 is not None:
                        pltpu.async_copy(table_hbm.at[idxs_v.at[j2]],
                                         bufs[0], gsem[0])

                def step(g, carry):
                    j = 2 * g
                    half(j, j + 1, j + 2)
                    return carry

                lax.fori_loop(0, idxb // 2 - 1, step, 0)
                half(idxb - 2, idxb - 1, None)
                drain(bufs[1], ssem[1])
        else:
            pltpu.sync_copy(dst_hbm.at[pl.ds(base, k_per_tile)], idxd_v)
            pltpu.sync_copy(table_hbm, bufs[0])
            plsc.subcore_barrier()
            fire = 8

            def step(g, carry):
                j0 = g * fire
                for b in range(fire):
                    pltpu.async_copy(bufs[0], acc.at[idxd_v.at[j0 + b]],
                                     ssem[0], add=True)
                for b in range(fire):
                    drain(bufs[0], ssem[0])
                return carry

            lax.fori_loop(0, k_per_tile // fire, step, 0)

        plsc.subcore_barrier()

        out_base = c * n_acc + stripe0
        for off, ln in chunks:
            pltpu.sync_copy(acc.at[pl.ds(stripe0 + off, ln)],
                            bufs[0].at[pl.ds(0, ln)])
            pltpu.sync_copy(bufs[0].at[pl.ds(0, ln)],
                            out_hbm.at[pl.ds(out_base + off, ln)])

    if gather:
        def body(src_hbm, dst_hbm, table_hbm, zeros_hbm, out_hbm,
                 idxd_v, idxs_v, b0, b1, acc, g0, g1, s0, s1):
            body_common(src_hbm, dst_hbm, table_hbm, zeros_hbm, out_hbm,
                        idxd_v, idxs_v, [b0, b1], acc, [g0, g1], [s0, s1])
    else:
        def body(dst_hbm, table_hbm, zeros_hbm, out_hbm,
                 idxd_v, b0, acc, g0, s0):
            body_common(None, dst_hbm, table_hbm, zeros_hbm, out_hbm,
                        idxd_v, None, [b0], acc, [g0], [s0])

    return pl.kernel(
        body,
        out_type=jax.ShapeDtypeStruct((NC * n_acc, width), dtype),
        mesh=mesh,
        scratch_types=scratch,
    )


def _dinv_from(degs):
    deg = degs[0, :, 0:1] + degs[1, :, 0:1] + 1.0
    return lax.rsqrt(deg)


def _tc_b_body(x_ref, w1_ref, degs_ref, g1_ref):
    dinv = _dinv_from(degs_ref[...])
    h = jnp.dot(x_ref[...], w1_ref[...],
                preferred_element_type=jnp.float32,
                precision=lax.Precision.HIGHEST)
    g1_ref[...] = dinv * h


def _tc_d_body(p_ref, g1_ref, degs_ref, w2_ref, b1_ref, g2_ref):
    dinv = _dinv_from(degs_ref[...])
    p = p_ref[...]
    agg = p[0] + p[1] + g1_ref[...]
    out1 = dinv * agg + b1_ref[...]
    h2 = jnp.dot(out1, w2_ref[...],
                 preferred_element_type=jnp.float32,
                 precision=lax.Precision.HIGHEST)
    g2_ref[...] = (dinv * h2).astype(g2_ref.dtype)


def _tc_f_body(q_ref, g2_ref, degs_ref, b2_ref, out_ref):
    dinv = _dinv_from(degs_ref[...])
    q = q_ref[...].astype(jnp.float32)
    g2f = g2_ref[...].astype(jnp.float32)
    d_out = out_ref.shape[1]
    z = (dinv * (q[0] + q[1] + g2f) + b2_ref[...])[:, :d_out]
    zmax = jnp.max(z, axis=1, keepdims=True)
    zmin = jnp.min(z, axis=1, keepdims=True)
    s = (z - zmin) / (zmax - zmin)
    nrm = jnp.sqrt(jnp.sum(s * s, axis=1, keepdims=True))
    out_ref[...] = s / jnp.maximum(nrm, 1e-12)


@jax.jit
def kernel(x, edge_index, W1, b1, W2, b2):
    n, d_in = x.shape
    d_hid = W1.shape[1]
    d_out = W2.shape[1]
    e = edge_index.shape[1]

    k_per_tile = -(-(-(-e // (CH * NW))) // 8) * 8
    e_pad = k_per_tile * CH * NW
    stripe = -(-(n + 112) // (NS * 8)) * 8
    n_acc = NS * stripe
    pad_rows = n_acc - n

    src = edge_index[0].astype(jnp.int32)
    dst = edge_index[1].astype(jnp.int32)
    npad = e_pad - e
    src_p = jnp.concatenate([src, jnp.arange(npad, dtype=jnp.int32) % n])
    dst_p = jnp.concatenate(
        [dst, n + (jnp.arange(npad, dtype=jnp.int32) % pad_rows)])
    src2 = src_p.reshape(NW * k_per_tile, CH)
    dst2 = dst_p.reshape(NW * k_per_tile, CH)

    dp = 128
    W2p = jnp.zeros((d_hid, dp), jnp.float32).at[:, :d_out].set(W2)
    b2p = jnp.zeros((1, dp), jnp.float32).at[0, :d_out].set(b2)

    dw = 128
    ones_blk = jnp.zeros((CH, dw), jnp.float32).at[:, 0].set(1.0)
    zeros_h = jnp.zeros((CH, d_hid), jnp.float32)
    zeros_p = jnp.zeros((CH, dp), jnp.float32)

    deg_k = _make_sc_agg(n_acc, k_per_tile, dw, gather=False)
    degs = deg_k(dst2, ones_blk, zeros_p).reshape(NC, n_acc, dw)

    bk = 1000
    grid = (n // bk,)
    g1 = pl.pallas_call(
        _tc_b_body,
        grid=grid,
        in_specs=[
            pl.BlockSpec((bk, d_in), lambda i: (i, 0)),
            pl.BlockSpec((d_in, d_hid), lambda i: (0, 0)),
            pl.BlockSpec((NC, bk, 128), lambda i: (0, i, 0)),
        ],
        out_specs=pl.BlockSpec((bk, d_hid), lambda i: (i, 0)),
        out_shape=jax.ShapeDtypeStruct((n, d_hid), jnp.float32),
    )(x, W1, degs)

    agg1_k = _make_sc_agg(n_acc, k_per_tile, d_hid, gather=True)
    P = agg1_k(src2, dst2, g1, zeros_h).reshape(NC, n_acc, d_hid)

    g2 = pl.pallas_call(
        _tc_d_body,
        grid=grid,
        in_specs=[
            pl.BlockSpec((NC, bk, d_hid), lambda i: (0, i, 0)),
            pl.BlockSpec((bk, d_hid), lambda i: (i, 0)),
            pl.BlockSpec((NC, bk, 128), lambda i: (0, i, 0)),
            pl.BlockSpec((d_hid, dp), lambda i: (0, 0)),
            pl.BlockSpec((1, d_hid), lambda i: (0, 0)),
        ],
        out_specs=pl.BlockSpec((bk, dp), lambda i: (i, 0)),
        out_shape=jax.ShapeDtypeStruct((n, dp), jnp.float32),
    )(P, g1, degs, W2p, b1.reshape(1, d_hid))

    agg2_k = _make_sc_agg(n_acc, k_per_tile, dp, gather=True)
    Q = agg2_k(src2, dst2, g2, zeros_p).reshape(NC, n_acc, dp)

    out = pl.pallas_call(
        _tc_f_body,
        grid=grid,
        in_specs=[
            pl.BlockSpec((NC, bk, dp), lambda i: (0, i, 0)),
            pl.BlockSpec((bk, dp), lambda i: (i, 0)),
            pl.BlockSpec((NC, bk, 128), lambda i: (0, i, 0)),
            pl.BlockSpec((1, dp), lambda i: (0, 0)),
        ],
        out_specs=pl.BlockSpec((bk, d_out), lambda i: (i, 0)),
        out_shape=jax.ShapeDtypeStruct((n, d_out), jnp.float32),
    )(Q, g2, degs, b2p)

    return out

# --- scband reference (transcript-rebuilt; emitter-appended) ---
"""Pipeline reference for scband-gcnencoder2-scale-35201551958716 (READ-ONLY COPY).

The authoritative reference and input builder live on the scoring server;
editing this copy changes nothing except your own understanding.
"""

import jax, jax.numpy as jnp
import numpy as np

N = 10000
E = 320000
D_IN = 128
D_HID = 128  # 2 * out_channels
D_OUT = 64


def gcn_conv(x, edge_index, W, b, n_nodes):
    # PyG GCNConv with add_self_loops=True, symmetric normalization, bias
    src = edge_index[0]
    dst = edge_index[1]
    loop = jnp.arange(n_nodes, dtype=edge_index.dtype)
    src = jnp.concatenate([src, loop])
    dst = jnp.concatenate([dst, loop])
    ones = jnp.ones(src.shape[0], dtype=x.dtype)
    deg = jax.ops.segment_sum(ones, dst, num_segments=n_nodes)
    dinv = jnp.where(deg > 0, deg ** -0.5, 0.0)
    norm = dinv[src] * dinv[dst]
    h = x @ W
    msgs = h[src] * norm[:, None]
    out = jax.ops.segment_sum(msgs, dst, num_segments=n_nodes)
    return out + b


def scale(z):
    zmax = jnp.max(z, axis=1, keepdims=True)
    zmin = jnp.min(z, axis=1, keepdims=True)
    return (z - zmin) / (zmax - zmin)


def setup_inputs(seed: int = 0) -> dict:
    key = jax.random.key(seed)
    k1, k2, k3, k4, k5, k6 = jax.random.split(key, 6)
    x = jax.random.normal(k1, (N, D_IN), dtype=jnp.float32)
    edge_index = jax.random.randint(k2, (2, E), 0, N, dtype=jnp.int64)
    W1 = jax.random.normal(k3, (D_IN, D_HID), dtype=jnp.float32) * (1.0 / np.sqrt(D_IN))
    b1 = jnp.zeros((D_HID,), dtype=jnp.float32)
    W2 = jax.random.normal(k4, (D_HID, D_OUT), dtype=jnp.float32) * (1.0 / np.sqrt(D_HID))
    b2 = jnp.zeros((D_OUT,), dtype=jnp.float32)
    return {"x": x, "edge_index": edge_index, "W1": W1, "b1": b1, "W2": W2, "b2": b2}


def reference(x, edge_index, W1, b1, W2, b2):
    h = gcn_conv(x, edge_index, W1, b1, N)
    h = gcn_conv(h, edge_index, W2, b2, N)
    h = scale(h)
    nrm = jnp.linalg.norm(h, axis=1, keepdims=True)
    return h / jnp.clip(nrm, 1e-12)

if __name__ == "__main__":
    import jax
    _d = setup_inputs()
    print(jax.jit(kernel)(*tuple(_d.values())))

</pallas_src>

<mosaic_0001>
#map = affine_map<(d0, d1) -> (0, 0)>
module attributes {stable_mosaic.version = 14 : i64} {
  func.func @body(%arg0: i32, %arg1: i32, %arg2: memref<2560x128xi32, #tpu.memory_space<hbm>>, %arg3: memref<2560x128xi32, #tpu.memory_space<hbm>>, %arg4: memref<10000x128xf32, #tpu.memory_space<hbm>>, %arg5: memref<128x128xf32, #tpu.memory_space<hbm>>, %arg6: memref<20224x128xf32, #tpu.memory_space<hbm>>, %arg7: memref<40x128xi32, #tpu.memory_space<vmem>>, %arg8: memref<40x128xi32, #tpu.memory_space<vmem>>, %arg9: memref<128x128xf32, #tpu.memory_space<vmem>>, %arg10: memref<128x128xf32, #tpu.memory_space<vmem>>, %arg11: memref<10112x128xf32, #tpu.memory_space<vmem_shared>>, %arg12: memref<!tpu.dma_semaphore, #tpu.memory_space<semaphore_mem>>, %arg13: memref<!tpu.dma_semaphore, #tpu.memory_space<semaphore_mem>>, %arg14: memref<!tpu.dma_semaphore, #tpu.memory_space<semaphore_mem>>, %arg15: memref<!tpu.dma_semaphore, #tpu.memory_space<semaphore_mem>>) attributes {dimension_semantics = [#tpu.dimension_semantics<core_parallel>, #tpu.dimension_semantics<subcore_parallel>], iteration_bounds = array<i64: 2, 16>, scalar_prefetch = 0 : i64, scratch_operands = 9 : i64, tpu.core_type = #tpu.core_type<sc_vector_subcore>, window_params = [{transform_indices = #map}, {transform_indices = #map}, {transform_indices = #map}, {transform_indices = #map}, {transform_indices = #map}]} {
    %mul3A = arith.constant 16 : i32
    %mul3A_0 = arith.muli %arg0, %mul3A : i32
    %add3A = arith.addi %mul3A_0, %arg1 : i32
    %mul3A_1 = arith.constant 80 : i32
    %mul3A_2 = arith.muli %add3A, %mul3A_1 : i32
    %mul3A_3 = arith.constant 632 : i32
    %mul3A_4 = arith.muli %arg1, %mul3A_3 : i32
    "tpu.region"() ({
      %run_scoped3A = tpu.sem_alloc : memref<!tpu.dma_semaphore, #tpu.memory_space<semaphore_mem>>
      tpu.enqueue_dma source(%arg5 : memref<128x128xf32, #tpu.memory_space<hbm>>) target(%arg9 : memref<128x128xf32, #tpu.memory_space<vmem>>) target_semaphore(%run_scoped3A : memref<!tpu.dma_semaphore, #tpu.memory_space<semaphore_mem>>)
      tpu.wait_dma2 semaphore(%run_scoped3A : memref<!tpu.dma_semaphore, #tpu.memory_space<semaphore_mem>>) src(%arg5 : memref<128x128xf32, #tpu.memory_space<hbm>>) dst(%arg9 : memref<128x128xf32, #tpu.memory_space<vmem>>)
      tpu.yield
    }) : () -> ()
    %add3A_5 = arith.constant 0 : i32
    %add3A_6 = arith.addi %mul3A_4, %add3A_5 : i32
    "tpu.region"() ({
      %run_scoped3A = tpu.sem_alloc : memref<!tpu.dma_semaphore, #tpu.memory_space<semaphore_mem>>
      %dma_start3A_123 = arith.constant 0 : i32
      %dma_start3A_124 = arith.constant 0 : i32
      %dma_start3A_125 = tpu.memref_slice %arg9[%dma_start3A_123, %dma_start3A_124] : memref<128x128xf32, #tpu.memory_space<vmem>> -> memref<128x128xf32, #tpu.memory_space<vmem>>
      %dma_start3A_126 = arith.constant 0 : i32
      %dma_start3A_127 = tpu.memref_slice %arg11[%add3A_6, %dma_start3A_126] : memref<10112x128xf32, #tpu.memory_space<vmem_shared>> -> memref<128x128xf32, #tpu.memory_space<vmem_shared>>
      %dma_start3A_128 = arith.constant 0 : i32
      %dma_start3A_129 = tpu.memref_slice %arg11[%add3A_6, %dma_start3A_128] : memref<10112x128xf32, #tpu.memory_space<vmem_shared>> -> memref<128x128xf32, #tpu.memory_space<vmem_shared>>
      %dma_start3A_130 = arith.constant 0 : i32
      %dma_start3A_131 = arith.constant 0 : i32
      %dma_start3A_132 = tpu.memref_slice %arg9[%dma_start3A_130, %dma_start3A_131] : memref<128x128xf32, #tpu.memory_space<vmem>> -> memref<128x128xf32, #tpu.memory_space<vmem>>
      tpu.enqueue_dma source(%dma_start3A_132 : memref<128x128xf32, #tpu.memory_space<vmem>>) target(%dma_start3A_129 : memref<128x128xf32, #tpu.memory_space<vmem_shared>>) target_semaphore(%run_scoped3A : memref<!tpu.dma_semaphore, #tpu.memory_space<semaphore_mem>>)
      %dma_wait3A = arith.constant 0 : i32
      %dma_wait3A_133 = arith.constant 0 : i32
      %dma_wait3A_134 = tpu.memref_slice %arg9[%dma_wait3A, %dma_wait3A_133] : memref<128x128xf32, #tpu.memory_space<vmem>> -> memref<128x128xf32, #tpu.memory_space<vmem>>
      %dma_wait3A_135 = arith.constant 0 : i32
      %dma_wait3A_136 = tpu.memref_slice %arg11[%add3A_6, %dma_wait3A_135] : memref<10112x128xf32, #tpu.memory_space<vmem_shared>> -> memref<128x128xf32, #tpu.memory_space<vmem_shared>>
      %dma_wait3A_137 = arith.constant 0 : i32
      %dma_wait3A_138 = tpu.memref_slice %arg11[%add3A_6, %dma_wait3A_137] : memref<10112x128xf32, #tpu.memory_space<vmem_shared>> -> memref<128x128xf32, #tpu.memory_space<vmem_shared>>
      %dma_wait3A_139 = arith.constant 0 : i32
      %dma_wait3A_140 = arith.constant 0 : i32
      %dma_wait3A_141 = tpu.memref_slice %arg9[%dma_wait3A_139, %dma_wait3A_140] : memref<128x128xf32, #tpu.memory_space<vmem>> -> memref<128x128xf32, #tpu.memory_space<vmem>>
      tpu.wait_dma2 semaphore(%run_scoped3A : memref<!tpu.dma_semaphore, #tpu.memory_space<semaphore_mem>>) src(%dma_wait3A_141 : memref<128x128xf32, #tpu.memory_space<vmem>>) dst(%dma_wait3A_138 : memref<128x128xf32, #tpu.memory_space<vmem_shared>>)
      tpu.yield
    }) : () -> ()
    %add3A_7 = arith.constant 128 : i32
    %add3A_8 = arith.addi %mul3A_4, %add3A_7 : i32
    "tpu.region"() ({
      %run_scoped3A = tpu.sem_alloc : memref<!tpu.dma_semaphore, #tpu.memory_space<semaphore_mem>>
      %dma_start3A_123 = arith.constant 0 : i32
      %dma_start3A_124 = arith.constant 0 : i32
      %dma_start3A_125 = tpu.memref_slice %arg9[%dma_start3A_123, %dma_start3A_124] : memref<128x128xf32, #tpu.memory_space<vmem>> -> memref<128x128xf32, #tpu.memory_space<vmem>>
      %dma_start3A_126 = arith.constant 0 : i32
      %dma_start3A_127 = tpu.memref_slice %arg11[%add3A_8, %dma_start3A_126] : memref<10112x128xf32, #tpu.memory_space<vmem_shared>> -> memref<128x128xf32, #tpu.memory_space<vmem_shared>>
      %dma_start3A_128 = arith.constant 0 : i32
      %dma_start3A_129 = tpu.memref_slice %arg11[%add3A_8, %dma_start3A_128] : memref<10112x128xf32, #tpu.memory_space<vmem_shared>> -> memref<128x128xf32, #tpu.memory_space<vmem_shared>>
      %dma_start3A_130 = arith.constant 0 : i32
      %dma_start3A_131 = arith.constant 0 : i32
      %dma_start3A_132 = tpu.memref_slice %arg9[%dma_start3A_130, %dma_start3A_131] : memref<128x128xf32, #tpu.memory_space<vmem>> -> memref<128x128xf32, #tpu.memory_space<vmem>>
      tpu.enqueue_dma source(%dma_start3A_132 : memref<128x128xf32, #tpu.memory_space<vmem>>) target(%dma_start3A_129 : memref<128x128xf32, #tpu.memory_space<vmem_shared>>) target_semaphore(%run_scoped3A : memref<!tpu.dma_semaphore, #tpu.memory_space<semaphore_mem>>)
      %dma_wait3A = arith.constant 0 : i32
      %dma_wait3A_133 = arith.constant 0 : i32
      %dma_wait3A_134 = tpu.memref_slice %arg9[%dma_wait3A, %dma_wait3A_133] : memref<128x128xf32, #tpu.memory_space<vmem>> -> memref<128x128xf32, #tpu.memory_space<vmem>>
      %dma_wait3A_135 = arith.constant 0 : i32
      %dma_wait3A_136 = tpu.memref_slice %arg11[%add3A_8, %dma_wait3A_135] : memref<10112x128xf32, #tpu.memory_space<vmem_shared>> -> memref<128x128xf32, #tpu.memory_space<vmem_shared>>
      %dma_wait3A_137 = arith.constant 0 : i32
      %dma_wait3A_138 = tpu.memref_slice %arg11[%add3A_8, %dma_wait3A_137] : memref<10112x128xf32, #tpu.memory_space<vmem_shared>> -> memref<128x128xf32, #tpu.memory_space<vmem_shared>>
      %dma_wait3A_139 = arith.constant 0 : i32
      %dma_wait3A_140 = arith.constant 0 : i32
      %dma_wait3A_141 = tpu.memref_slice %arg9[%dma_wait3A_139, %dma_wait3A_140] : memref<128x128xf32, #tpu.memory_space<vmem>> -> memref<128x128xf32, #tpu.memory_space<vmem>>
      tpu.wait_dma2 semaphore(%run_scoped3A : memref<!tpu.dma_semaphore, #tpu.memory_space<semaphore_mem>>) src(%dma_wait3A_141 : memref<128x128xf32, #tpu.memory_space<vmem>>) dst(%dma_wait3A_138 : memref<128x128xf32, #tpu.memory_space<vmem_shared>>)
      tpu.yield
    }) : () -> ()
    %add3A_9 = arith.constant 256 : i32
    %add3A_10 = arith.addi %mul3A_4, %add3A_9 : i32
    "tpu.region"() ({
      %run_scoped3A = tpu.sem_alloc : memref<!tpu.dma_semaphore, #tpu.memory_space<semaphore_mem>>
      %dma_start3A_123 = arith.constant 0 : i32
      %dma_start3A_124 = arith.constant 0 : i32
      %dma_start3A_125 = tpu.memref_slice %arg9[%dma_start3A_123, %dma_start3A_124] : memref<128x128xf32, #tpu.memory_space<vmem>> -> memref<128x128xf32, #tpu.memory_space<vmem>>
      %dma_start3A_126 = arith.constant 0 : i32
      %dma_start3A_127 = tpu.memref_slice %arg11[%add3A_10, %dma_start3A_126] : memref<10112x128xf32, #tpu.memory_space<vmem_shared>> -> memref<128x128xf32, #tpu.memory_space<vmem_shared>>
      %dma_start3A_128 = arith.constant 0 : i32
      %dma_start3A_129 = tpu.memref_slice %arg11[%add3A_10, %dma_start3A_128] : memref<10112x128xf32, #tpu.memory_space<vmem_shared>> -> memref<128x128xf32, #tpu.memory_space<vmem_shared>>
      %dma_start3A_130 = arith.constant 0 : i32
      %dma_start3A_131 = arith.constant 0 : i32
      %dma_start3A_132 = tpu.memref_slice %arg9[%dma_start3A_130, %dma_start3A_131] : memref<128x128xf32, #tpu.memory_space<vmem>> -> memref<128x128xf32, #tpu.memory_space<vmem>>
      tpu.enqueue_dma source(%dma_start3A_132 : memref<128x128xf32, #tpu.memory_space<vmem>>) target(%dma_start3A_129 : memref<128x128xf32, #tpu.memory_space<vmem_shared>>) target_semaphore(%run_scoped3A : memref<!tpu.dma_semaphore, #tpu.memory_space<semaphore_mem>>)
      %dma_wait3A = arith.constant 0 : i32
      %dma_wait3A_133 = arith.constant 0 : i32
      %dma_wait3A_134 = tpu.memref_slice %arg9[%dma_wait3A, %dma_wait3A_133] : memref<128x128xf32, #tpu.memory_space<vmem>> -> memref<128x128xf32, #tpu.memory_space<vmem>>
      %dma_wait3A_135 = arith.constant 0 : i32
      %dma_wait3A_136 = tpu.memref_slice %arg11[%add3A_10, %dma_wait3A_135] : memref<10112x128xf32, #tpu.memory_space<vmem_shared>> -> memref<128x128xf32, #tpu.memory_space<vmem_shared>>
      %dma_wait3A_137 = arith.constant 0 : i32
      %dma_wait3A_138 = tpu.memref_slice %arg11[%add3A_10, %dma_wait3A_137] : memref<10112x128xf32, #tpu.memory_space<vmem_shared>> -> memref<128x128xf32, #tpu.memory_space<vmem_shared>>
      %dma_wait3A_139 = arith.constant 0 : i32
      %dma_wait3A_140 = arith.constant 0 : i32
      %dma_wait3A_141 = tpu.memref_slice %arg9[%dma_wait3A_139, %dma_wait3A_140] : memref<128x128xf32, #tpu.memory_space<vmem>> -> memref<128x128xf32, #tpu.memory_space<vmem>>
      tpu.wait_dma2 semaphore(%run_scoped3A : memref<!tpu.dma_semaphore, #tpu.memory_space<semaphore_mem>>) src(%dma_wait3A_141 : memref<128x128xf32, #tpu.memory_space<vmem>>) dst(%dma_wait3A_138 : memref<128x128xf32, #tpu.memory_space<vmem_shared>>)
      tpu.yield
    }) : () -> ()
    %add3A_11 = arith.constant 384 : i32
    %add3A_12 = arith.addi %mul3A_4, %add3A_11 : i32
    "tpu.region"() ({
      %run_scoped3A = tpu.sem_alloc : memref<!tpu.dma_semaphore, #tpu.memory_space<semaphore_mem>>
      %dma_start3A_123 = arith.constant 0 : i32
      %dma_start3A_124 = arith.constant 0 : i32
      %dma_start3A_125 = tpu.memref_slice %arg9[%dma_start3A_123, %dma_start3A_124] : memref<128x128xf32, #tpu.memory_space<vmem>> -> memref<128x128xf32, #tpu.memory_space<vmem>>
      %dma_start3A_126 = arith.constant 0 : i32
      %dma_start3A_127 = tpu.memref_slice %arg11[%add3A_12, %dma_start3A_126] : memref<10112x128xf32, #tpu.memory_space<vmem_shared>> -> memref<128x128xf32, #tpu.memory_space<vmem_shared>>
      %dma_start3A_128 = arith.constant 0 : i32
      %dma_start3A_129 = tpu.memref_slice %arg11[%add3A_12, %dma_start3A_128] : memref<10112x128xf32, #tpu.memory_space<vmem_shared>> -> memref<128x128xf32, #tpu.memory_space<vmem_shared>>
      %dma_start3A_130 = arith.constant 0 : i32
      %dma_start3A_131 = arith.constant 0 : i32
      %dma_start3A_132 = tpu.memref_slice %arg9[%dma_start3A_130, %dma_start3A_131] : memref<128x128xf32, #tpu.memory_space<vmem>> -> memref<128x128xf32, #tpu.memory_space<vmem>>
      tpu.enqueue_dma source(%dma_start3A_132 : memref<128x128xf32, #tpu.memory_space<vmem>>) target(%dma_start3A_129 : memref<128x128xf32, #tpu.memory_space<vmem_shared>>) target_semaphore(%run_scoped3A : memref<!tpu.dma_semaphore, #tpu.memory_space<semaphore_mem>>)
      %dma_wait3A = arith.constant 0 : i32
      %dma_wait3A_133 = arith.constant 0 : i32
      %dma_wait3A_134 = tpu.memref_slice %arg9[%dma_wait3A, %dma_wait3A_133] : memref<128x128xf32, #tpu.memory_space<vmem>> -> memref<128x128xf32, #tpu.memory_space<vmem>>
      %dma_wait3A_135 = arith.constant 0 : i32
      %dma_wait3A_136 = tpu.memref_slice %arg11[%add3A_12, %dma_wait3A_135] : memref<10112x128xf32, #tpu.memory_space<vmem_shared>> -> memref<128x128xf32, #tpu.memory_space<vmem_shared>>
      %dma_wait3A_137 = arith.constant 0 : i32
      %dma_wait3A_138 = tpu.memref_slice %arg11[%add3A_12, %dma_wait3A_137] : memref<10112x128xf32, #tpu.memory_space<vmem_shared>> -> memref<128x128xf32, #tpu.memory_space<vmem_shared>>
      %dma_wait3A_139 = arith.constant 0 : i32
      %dma_wait3A_140 = arith.constant 0 : i32
      %dma_wait3A_141 = tpu.memref_slice %arg9[%dma_wait3A_139, %dma_wait3A_140] : memref<128x128xf32, #tpu.memory_space<vmem>> -> memref<128x128xf32, #tpu.memory_space<vmem>>
      tpu.wait_dma2 semaphore(%run_scoped3A : memref<!tpu.dma_semaphore, #tpu.memory_space<semaphore_mem>>) src(%dma_wait3A_141 : memref<128x128xf32, #tpu.memory_space<vmem>>) dst(%dma_wait3A_138 : memref<128x128xf32, #tpu.memory_space<vmem_shared>>)
      tpu.yield
    }) : () -> ()
    %add3A_13 = arith.constant 512 : i32
    %add3A_14 = arith.addi %mul3A_4, %add3A_13 : i32
    "tpu.region"() ({
      %run_scoped3A = tpu.sem_alloc : memref<!tpu.dma_semaphore, #tpu.memory_space<semaphore_mem>>
      %dma_start3A_123 = arith.constant 0 : i32
      %dma_start3A_124 = arith.constant 0 : i32
      %dma_start3A_125 = tpu.memref_slice %arg9[%dma_start3A_123, %dma_start3A_124] : memref<128x128xf32, #tpu.memory_space<vmem>> -> memref<120x128xf32, #tpu.memory_space<vmem>>
      %dma_start3A_126 = arith.constant 0 : i32
      %dma_start3A_127 = tpu.memref_slice %arg11[%add3A_14, %dma_start3A_126] : memref<10112x128xf32, #tpu.memory_space<vmem_shared>> -> memref<120x128xf32, #tpu.memory_space<vmem_shared>>
      %dma_start3A_128 = arith.constant 0 : i32
      %dma_start3A_129 = tpu.memref_slice %arg11[%add3A_14, %dma_start3A_128] : memref<10112x128xf32, #tpu.memory_space<vmem_shared>> -> memref<120x128xf32, #tpu.memory_space<vmem_shared>>
      %dma_start3A_130 = arith.constant 0 : i32
      %dma_start3A_131 = arith.constant 0 : i32
      %dma_start3A_132 = tpu.memref_slice %arg9[%dma_start3A_130, %dma_start3A_131] : memref<128x128xf32, #tpu.memory_space<vmem>> -> memref<120x128xf32, #tpu.memory_space<vmem>>
      tpu.enqueue_dma source(%dma_start3A_132 : memref<120x128xf32, #tpu.memory_space<vmem>>) target(%dma_start3A_129 : memref<120x128xf32, #tpu.memory_space<vmem_shared>>) target_semaphore(%run_scoped3A : memref<!tpu.dma_semaphore, #tpu.memory_space<semaphore_mem>>)
      %dma_wait3A = arith.constant 0 : i32
      %dma_wait3A_133 = arith.constant 0 : i32
      %dma_wait3A_134 = tpu.memref_slice %arg9[%dma_wait3A, %dma_wait3A_133] : memref<128x128xf32, #tpu.memory_space<vmem>> -> memref<120x128xf32, #tpu.memory_space<vmem>>
      %dma_wait3A_135 = arith.constant 0 : i32
      %dma_wait3A_136 = tpu.memref_slice %arg11[%add3A_14, %dma_wait3A_135] : memref<10112x128xf32, #tpu.memory_space<vmem_shared>> -> memref<120x128xf32, #tpu.memory_space<vmem_shared>>
      %dma_wait3A_137 = arith.constant 0 : i32
      %dma_wait3A_138 = tpu.memref_slice %arg11[%add3A_14, %dma_wait3A_137] : memref<10112x128xf32, #tpu.memory_space<vmem_shared>> -> memref<120x128xf32, #tpu.memory_space<vmem_shared>>
      %dma_wait3A_139 = arith.constant 0 : i32
      %dma_wait3A_140 = arith.constant 0 : i32
      %dma_wait3A_141 = tpu.memref_slice %arg9[%dma_wait3A_139, %dma_wait3A_140] : memref<128x128xf32, #tpu.memory_space<vmem>> -> memref<120x128xf32, #tpu.memory_space<vmem>>
      tpu.wait_dma2 semaphore(%run_scoped3A : memref<!tpu.dma_semaphore, #tpu.memory_space<semaphore_mem>>) src(%dma_wait3A_141 : memref<120x128xf32, #tpu.memory_space<vmem>>) dst(%dma_wait3A_138 : memref<120x128xf32, #tpu.memory_space<vmem_shared>>)
      tpu.yield
    }) : () -> ()
    %barrier3A = arith.constant 0 : index
    tpu.barrier barrier_id(%barrier3A)
    %add3A_15 = arith.constant 0 : i32
    %add3A_16 = arith.addi %mul3A_2, %add3A_15 : i32
    "tpu.region"() ({
      %run_scoped3A = tpu.sem_alloc : memref<!tpu.dma_semaphore, #tpu.memory_space<semaphore_mem>>
      %dma_start3A_123 = arith.constant 0 : i32
      %dma_start3A_124 = tpu.memref_slice %arg3[%add3A_16, %dma_start3A_123] : memref<2560x128xi32, #tpu.memory_space<hbm>> -> memref<40x128xi32, #tpu.memory_space<hbm>>
      %dma_start3A_125 = arith.constant 0 : i32
      %dma_start3A_126 = tpu.memref_slice %arg3[%add3A_16, %dma_start3A_125] : memref<2560x128xi32, #tpu.memory_space<hbm>> -> memref<40x128xi32, #tpu.memory_space<hbm>>
      tpu.enqueue_dma source(%dma_start3A_126 : memref<40x128xi32, #tpu.memory_space<hbm>>) target(%arg7 : memref<40x128xi32, #tpu.memory_space<vmem>>) target_semaphore(%run_scoped3A : memref<!tpu.dma_semaphore, #tpu.memory_space<semaphore_mem>>)
      %dma_wait3A = arith.constant 0 : i32
      %dma_wait3A_127 = tpu.memref_slice %arg3[%add3A_16, %dma_wait3A] : memref<2560x128xi32, #tpu.memory_space<hbm>> -> memref<40x128xi32, #tpu.memory_space<hbm>>
      %dma_wait3A_128 = arith.constant 0 : i32
      %dma_wait3A_129 = tpu.memref_slice %arg3[%add3A_16, %dma_wait3A_128] : memref<2560x128xi32, #tpu.memory_space<hbm>> -> memref<40x128xi32, #tpu.memory_space<hbm>>
      tpu.wait_dma2 semaphore(%run_scoped3A : memref<!tpu.dma_semaphore, #tpu.memory_space<semaphore_mem>>) src(%dma_wait3A_129 : memref<40x128xi32, #tpu.memory_space<hbm>>) dst(%arg7 : memref<40x128xi32, #tpu.memory_space<vmem>>)
      tpu.yield
    }) : () -> ()
    "tpu.region"() ({
      %run_scoped3A = tpu.sem_alloc : memref<!tpu.dma_semaphore, #tpu.memory_space<semaphore_mem>>
      %dma_start3A_123 = arith.constant 0 : i32
      %dma_start3A_124 = tpu.memref_slice %arg2[%add3A_16, %dma_start3A_123] : memref<2560x128xi32, #tpu.memory_space<hbm>> -> memref<40x128xi32, #tpu.memory_space<hbm>>
      %dma_start3A_125 = arith.constant 0 : i32
      %dma_start3A_126 = tpu.memref_slice %arg2[%add3A_16, %dma_start3A_125] : memref<2560x128xi32, #tpu.memory_space<hbm>> -> memref<40x128xi32, #tpu.memory_space<hbm>>
      tpu.enqueue_dma source(%dma_start3A_126 : memref<40x128xi32, #tpu.memory_space<hbm>>) target(%arg8 : memref<40x128xi32, #tpu.memory_space<vmem>>) target_semaphore(%run_scoped3A : memref<!tpu.dma_semaphore, #tpu.memory_space<semaphore_mem>>)
      %dma_wait3A = arith.constant 0 : i32
      %dma_wait3A_127 = tpu.memref_slice %arg2[%add3A_16, %dma_wait3A] : memref<2560x128xi32, #tpu.memory_space<hbm>> -> memref<40x128xi32, #tpu.memory_space<hbm>>
      %dma_wait3A_128 = arith.constant 0 : i32
      %dma_wait3A_129 = tpu.memref_slice %arg2[%add3A_16, %dma_wait3A_128] : memref<2560x128xi32, #tpu.memory_space<hbm>> -> memref<40x128xi32, #tpu.memory_space<hbm>>
      tpu.wait_dma2 semaphore(%run_scoped3A : memref<!tpu.dma_semaphore, #tpu.memory_space<semaphore_mem>>) src(%dma_wait3A_129 : memref<40x128xi32, #tpu.memory_space<hbm>>) dst(%arg8 : memref<40x128xi32, #tpu.memory_space<vmem>>)
      tpu.yield
    }) : () -> ()
    "tpu.region"() ({
      %run_scoped3A = tpu.sem_alloc : memref<!tpu.dma_semaphore, #tpu.memory_space<semaphore_mem>>
      tpu.enqueue_dma source(%arg5 : memref<128x128xf32, #tpu.memory_space<hbm>>) target(%arg10 : memref<128x128xf32, #tpu.memory_space<vmem>>) target_semaphore(%run_scoped3A : memref<!tpu.dma_semaphore, #tpu.memory_space<semaphore_mem>>)
      tpu.wait_dma2 semaphore(%run_scoped3A : memref<!tpu.dma_semaphore, #tpu.memory_space<semaphore_mem>>) src(%arg5 : memref<128x128xf32, #tpu.memory_space<hbm>>) dst(%arg10 : memref<128x128xf32, #tpu.memory_space<vmem>>)
      tpu.yield
    }) : () -> ()
    %dma_start3A = arith.constant 0 : i32
    %dma_start3A_17 = arith.constant 0 : i32
    %dma_start3A_18 = tpu.memref_slice %arg8[%dma_start3A, %dma_start3A_17] : memref<40x128xi32, #tpu.memory_space<vmem>> -> memref<1x128xi32, #tpu.memory_space<vmem>>
    %dma_start3A_19 = tpu.memref_squeeze %dma_start3A_18 : memref<1x128xi32, #tpu.memory_space<vmem>> -> memref<128xi32, #tpu.memory_space<vmem>>
    %dma_start3A_20 = arith.constant 0 : i32
    %dma_start3A_21 = arith.constant 0 : i32
    %dma_start3A_22 = tpu.memref_slice %arg4[%dma_start3A_20, %dma_start3A_21] : memref<10000x128xf32, #tpu.memory_space<hbm>> -> memref<10000x128xf32, #tpu.memory_space<hbm>>
    tpu.enqueue_indirect_dma source(%dma_start3A_22 : memref<10000x128xf32, #tpu.memory_space<hbm>>) target(%arg9 : memref<128x128xf32, #tpu.memory_space<vmem>>) offsets(%dma_start3A_19 : memref<128xi32, #tpu.memory_space<vmem>>) semaphore(%arg12 : memref<!tpu.dma_semaphore, #tpu.memory_space<semaphore_mem>>)
    %dma_start3A_23 = arith.constant 0 : i32
    %dma_start3A_24 = arith.constant 0 : i32
    %dma_start3A_25 = tpu.memref_slice %arg7[%dma_start3A_23, %dma_start3A_24] : memref<40x128xi32, #tpu.memory_space<vmem>> -> memref<1x128xi32, #tpu.memory_space<vmem>>
    %dma_start3A_26 = tpu.memref_squeeze %dma_start3A_25 : memref<1x128xi32, #tpu.memory_space<vmem>> -> memref<128xi32, #tpu.memory_space<vmem>>
    %dma_start3A_27 = arith.constant 0 : i32
    %dma_start3A_28 = arith.constant 0 : i32
    %dma_start3A_29 = tpu.memref_slice %arg11[%dma_start3A_27, %dma_start3A_28] : memref<10112x128xf32, #tpu.memory_space<vmem_shared>> -> memref<10112x128xf32, #tpu.memory_space<vmem_shared>>
    tpu.enqueue_indirect_dma source(%arg10 : memref<128x128xf32, #tpu.memory_space<vmem>>) target(%dma_start3A_29 : memref<10112x128xf32, #tpu.memory_space<vmem_shared>>) offsets(%dma_start3A_26 : memref<128xi32, #tpu.memory_space<vmem>>) semaphore(%arg15 : memref<!tpu.dma_semaphore, #tpu.memory_space<semaphore_mem>>) {add = true}
    %scan3A = arith.constant 0 : i32
    %scan3A_30 = arith.constant 0 : i32
    %scan3A_31 = arith.constant 19 : i32
    %scan3A_32 = arith.addi %scan3A_30, %scan3A_31 : i32
    %scan3A_33 = arith.constant 1 : i32
    scf.for %scan3A_123 = %scan3A_30 to %scan3A_32 step %scan3A_33  : i32 {
      %mul3A_124 = arith.constant 2 : i32
      %mul3A_125 = arith.muli %mul3A_124, %scan3A_123 : i32
      %add3A_126 = arith.constant 1 : i32
      %add3A_127 = arith.addi %mul3A_125, %add3A_126 : i32
      %add3A_128 = arith.constant 2 : i32
      %add3A_129 = arith.addi %mul3A_125, %add3A_128 : i32
      tpu.wait_dma2 semaphore(%arg15 : memref<!tpu.dma_semaphore, #tpu.memory_space<semaphore_mem>>) src(%arg5 : memref<128x128xf32, #tpu.memory_space<hbm>>) dst(%arg10 : memref<128x128xf32, #tpu.memory_space<vmem>>)
      %dma_start3A_130 = arith.constant 0 : i32
      %dma_start3A_131 = tpu.memref_slice %arg8[%add3A_127, %dma_start3A_130] : memref<40x128xi32, #tpu.memory_space<vmem>> -> memref<1x128xi32, #tpu.memory_space<vmem>>
      %dma_start3A_132 = tpu.memref_squeeze %dma_start3A_131 : memref<1x128xi32, #tpu.memory_space<vmem>> -> memref<128xi32, #tpu.memory_space<vmem>>
      %dma_start3A_133 = arith.constant 0 : i32
      %dma_start3A_134 = arith.constant 0 : i32
      %dma_start3A_135 = tpu.memref_slice %arg4[%dma_start3A_133, %dma_start3A_134] : memref<10000x128xf32, #tpu.memory_space<hbm>> -> memref<10000x128xf32, #tpu.memory_space<hbm>>
      tpu.enqueue_indirect_dma source(%dma_start3A_135 : memref<10000x128xf32, #tpu.memory_space<hbm>>) target(%arg10 : memref<128x128xf32, #tpu.memory_space<vmem>>) offsets(%dma_start3A_132 : memref<128xi32, #tpu.memory_space<vmem>>) semaphore(%arg13 : memref<!tpu.dma_semaphore, #tpu.memory_space<semaphore_mem>>)
      tpu.wait_dma2 semaphore(%arg12 : memref<!tpu.dma_semaphore, #tpu.memory_space<semaphore_mem>>) src(%arg5 : memref<128x128xf32, #tpu.memory_space<hbm>>) dst(%arg9 : memref<128x128xf32, #tpu.memory_space<vmem>>)
      %dma_start3A_136 = arith.constant 0 : i32
      %dma_start3A_137 = tpu.memref_slice %arg7[%mul3A_125, %dma_start3A_136] : memref<40x128xi32, #tpu.memory_space<vmem>> -> memref<1x128xi32, #tpu.memory_space<vmem>>
      %dma_start3A_138 = tpu.memref_squeeze %dma_start3A_137 : memref<1x128xi32, #tpu.memory_space<vmem>> -> memref<128xi32, #tpu.memory_space<vmem>>
      %dma_start3A_139 = arith.constant 0 : i32
      %dma_start3A_140 = arith.constant 0 : i32
      %dma_start3A_141 = tpu.memref_slice %arg11[%dma_start3A_139, %dma_start3A_140] : memref<10112x128xf32, #tpu.memory_space<vmem_shared>> -> memref<10112x128xf32, #tpu.memory_space<vmem_shared>>
      tpu.enqueue_indirect_dma source(%arg9 : memref<128x128xf32, #tpu.memory_space<vmem>>) target(%dma_start3A_141 : memref<10112x128xf32, #tpu.memory_space<vmem_shared>>) offsets(%dma_start3A_138 : memref<128xi32, #tpu.memory_space<vmem>>) semaphore(%arg14 : memref<!tpu.dma_semaphore, #tpu.memory_space<semaphore_mem>>) {add = true}
      tpu.wait_dma2 semaphore(%arg13 : memref<!tpu.dma_semaphore, #tpu.memory_space<semaphore_mem>>) src(%arg5 : memref<128x128xf32, #tpu.memory_space<hbm>>) dst(%arg10 : memref<128x128xf32, #tpu.memory_space<vmem>>)
      %dma_start3A_142 = arith.constant 0 : i32
      %dma_start3A_143 = tpu.memref_slice %arg7[%add3A_127, %dma_start3A_142] : memref<40x128xi32, #tpu.memory_space<vmem>> -> memref<1x128xi32, #tpu.memory_space<vmem>>
      %dma_start3A_144 = tpu.memref_squeeze %dma_start3A_143 : memref<1x128xi32, #tpu.memory_space<vmem>> -> memref<128xi32, #tpu.memory_space<vmem>>
      %dma_start3A_145 = arith.constant 0 : i32
      %dma_start3A_146 = arith.constant 0 : i32
      %dma_start3A_147 = tpu.memref_slice %arg11[%dma_start3A_145, %dma_start3A_146] : memref<10112x128xf32, #tpu.memory_space<vmem_shared>> -> memref<10112x128xf32, #tpu.memory_space<vmem_shared>>
      tpu.enqueue_indirect_dma source(%arg10 : memref<128x128xf32, #tpu.memory_space<vmem>>) target(%dma_start3A_147 : memref<10112x128xf32, #tpu.memory_space<vmem_shared>>) offsets(%dma_start3A_144 : memref<128xi32, #tpu.memory_space<vmem>>) semaphore(%arg15 : memref<!tpu.dma_semaphore, #tpu.memory_space<semaphore_mem>>) {add = true}
      tpu.wait_dma2 semaphore(%arg14 : memref<!tpu.dma_semaphore, #tpu.memory_space<semaphore_mem>>) src(%arg5 : memref<128x128xf32, #tpu.memory_space<hbm>>) dst(%arg9 : memref<128x128xf32, #tpu.memory_space<vmem>>)
      %dma_start3A_148 = arith.constant 0 : i32
      %dma_start3A_149 = tpu.memref_slice %arg8[%add3A_129, %dma_start3A_148] : memref<40x128xi32, #tpu.memory_space<vmem>> -> memref<1x128xi32, #tpu.memory_space<vmem>>
      %dma_start3A_150 = tpu.memref_squeeze %dma_start3A_149 : memref<1x128xi32, #tpu.memory_space<vmem>> -> memref<128xi32, #tpu.memory_space<vmem>>
      %dma_start3A_151 = arith.constant 0 : i32
      %dma_start3A_152 = arith.constant 0 : i32
      %dma_start3A_153 = tpu.memref_slice %arg4[%dma_start3A_151, %dma_start3A_152] : memref<10000x128xf32, #tpu.memory_space<hbm>> -> memref<10000x128xf32, #tpu.memory_space<hbm>>
      tpu.enqueue_indirect_dma source(%dma_start3A_153 : memref<10000x128xf32, #tpu.memory_space<hbm>>) target(%arg9 : memref<128x128xf32, #tpu.memory_space<vmem>>) offsets(%dma_start3A_150 : memref<128xi32, #tpu.memory_space<vmem>>) semaphore(%arg12 : memref<!tpu.dma_semaphore, #tpu.memory_space<semaphore_mem>>)
    }
    %scan3A_34 = arith.constant 19 : i32
    tpu.wait_dma2 semaphore(%arg15 : memref<!tpu.dma_semaphore, #tpu.memory_space<semaphore_mem>>) src(%arg5 : memref<128x128xf32, #tpu.memory_space<hbm>>) dst(%arg10 : memref<128x128xf32, #tpu.memory_space<vmem>>)
    %dma_start3A_35 = arith.constant 39 : i32
    %dma_start3A_36 = arith.constant 0 : i32
    %dma_start3A_37 = tpu.memref_slice %arg8[%dma_start3A_35, %dma_start3A_36] : memref<40x128xi32, #tpu.memory_space<vmem>> -> memref<1x128xi32, #tpu.memory_space<vmem>>
    %dma_start3A_38 = tpu.memref_squeeze %dma_start3A_37 : memref<1x128xi32, #tpu.memory_space<vmem>> -> memref<128xi32, #tpu.memory_space<vmem>>
    %dma_start3A_39 = arith.constant 0 : i32
    %dma_start3A_40 = arith.constant 0 : i32
    %dma_start3A_41 = tpu.memref_slice %arg4[%dma_start3A_39, %dma_start3A_40] : memref<10000x128xf32, #tpu.memory_space<hbm>> -> memref<10000x128xf32, #tpu.memory_space<hbm>>
    tpu.enqueue_indirect_dma source(%dma_start3A_41 : memref<10000x128xf32, #tpu.memory_space<hbm>>) target(%arg10 : memref<128x128xf32, #tpu.memory_space<vmem>>) offsets(%dma_start3A_38 : memref<128xi32, #tpu.memory_space<vmem>>) semaphore(%arg13 : memref<!tpu.dma_semaphore, #tpu.memory_space<semaphore_mem>>)
    tpu.wait_dma2 semaphore(%arg12 : memref<!tpu.dma_semaphore, #tpu.memory_space<semaphore_mem>>) src(%arg5 : memref<128x128xf32, #tpu.memory_space<hbm>>) dst(%arg9 : memref<128x128xf32, #tpu.memory_space<vmem>>)
    %dma_start3A_42 = arith.constant 38 : i32
    %dma_start3A_43 = arith.constant 0 : i32
    %dma_start3A_44 = tpu.memref_slice %arg7[%dma_start3A_42, %dma_start3A_43] : memref<40x128xi32, #tpu.memory_space<vmem>> -> memref<1x128xi32, #tpu.memory_space<vmem>>
    %dma_start3A_45 = tpu.memref_squeeze %dma_start3A_44 : memref<1x128xi32, #tpu.memory_space<vmem>> -> memref<128xi32, #tpu.memory_space<vmem>>
    %dma_start3A_46 = arith.constant 0 : i32
    %dma_start3A_47 = arith.constant 0 : i32
    %dma_start3A_48 = tpu.memref_slice %arg11[%dma_start3A_46, %dma_start3A_47] : memref<10112x128xf32, #tpu.memory_space<vmem_shared>> -> memref<10112x128xf32, #tpu.memory_space<vmem_shared>>
    tpu.enqueue_indirect_dma source(%arg9 : memref<128x128xf32, #tpu.memory_space<vmem>>) target(%dma_start3A_48 : memref<10112x128xf32, #tpu.memory_space<vmem_shared>>) offsets(%dma_start3A_45 : memref<128xi32, #tpu.memory_space<vmem>>) semaphore(%arg14 : memref<!tpu.dma_semaphore, #tpu.memory_space<semaphore_mem>>) {add = true}
    tpu.wait_dma2 semaphore(%arg13 : memref<!tpu.dma_semaphore, #tpu.memory_space<semaphore_mem>>) src(%arg5 : memref<128x128xf32, #tpu.memory_space<hbm>>) dst(%arg10 : memref<128x128xf32, #tpu.memory_space<vmem>>)
    %dma_start3A_49 = arith.constant 39 : i32
    %dma_start3A_50 = arith.constant 0 : i32
    %dma_start3A_51 = tpu.memref_slice %arg7[%dma_start3A_49, %dma_start3A_50] : memref<40x128xi32, #tpu.memory_space<vmem>> -> memref<1x128xi32, #tpu.memory_space<vmem>>
    %dma_start3A_52 = tpu.memref_squeeze %dma_start3A_51 : memref<1x128xi32, #tpu.memory_space<vmem>> -> memref<128xi32, #tpu.memory_space<vmem>>
    %dma_start3A_53 = arith.constant 0 : i32
    %dma_start3A_54 = arith.constant 0 : i32
    %dma_start3A_55 = tpu.memref_slice %arg11[%dma_start3A_53, %dma_start3A_54] : memref<10112x128xf32, #tpu.memory_space<vmem_shared>> -> memref<10112x128xf32, #tpu.memory_space<vmem_shared>>
    tpu.enqueue_indirect_dma source(%arg10 : memref<128x128xf32, #tpu.memory_space<vmem>>) target(%dma_start3A_55 : memref<10112x128xf32, #tpu.memory_space<vmem_shared>>) offsets(%dma_start3A_52 : memref<128xi32, #tpu.memory_space<vmem>>) semaphore(%arg15 : memref<!tpu.dma_semaphore, #tpu.memory_space<semaphore_mem>>) {add = true}
    tpu.wait_dma2 semaphore(%arg14 : memref<!tpu.dma_semaphore, #tpu.memory_space<semaphore_mem>>) src(%arg5 : memref<128x128xf32, #tpu.memory_space<hbm>>) dst(%arg9 : memref<128x128xf32, #tpu.memory_space<vmem>>)
    tpu.wait_dma2 semaphore(%arg15 : memref<!tpu.dma_semaphore, #tpu.memory_space<semaphore_mem>>) src(%arg5 : memref<128x128xf32, #tpu.memory_space<hbm>>) dst(%arg10 : memref<128x128xf32, #tpu.memory_space<vmem>>)
    %add3A_56 = arith.constant 40 : i32
    %add3A_57 = arith.addi %mul3A_2, %add3A_56 : i32
    "tpu.region"() ({
      %run_scoped3A = tpu.sem_alloc : memref<!tpu.dma_semaphore, #tpu.memory_space<semaphore_mem>>
      %dma_start3A_123 = arith.constant 0 : i32
      %dma_start3A_124 = tpu.memref_slice %arg3[%add3A_57, %dma_start3A_123] : memref<2560x128xi32, #tpu.memory_space<hbm>> -> memref<40x128xi32, #tpu.memory_space<hbm>>
      %dma_start3A_125 = arith.constant 0 : i32
      %dma_start3A_126 = tpu.memref_slice %arg3[%add3A_57, %dma_start3A_125] : memref<2560x128xi32, #tpu.memory_space<hbm>> -> memref<40x128xi32, #tpu.memory_space<hbm>>
      tpu.enqueue_dma source(%dma_start3A_126 : memref<40x128xi32, #tpu.memory_space<hbm>>) target(%arg7 : memref<40x128xi32, #tpu.memory_space<vmem>>) target_semaphore(%run_scoped3A : memref<!tpu.dma_semaphore, #tpu.memory_space<semaphore_mem>>)
      %dma_wait3A = arith.constant 0 : i32
      %dma_wait3A_127 = tpu.memref_slice %arg3[%add3A_57, %dma_wait3A] : memref<2560x128xi32, #tpu.memory_space<hbm>> -> memref<40x128xi32, #tpu.memory_space<hbm>>
      %dma_wait3A_128 = arith.constant 0 : i32
      %dma_wait3A_129 = tpu.memref_slice %arg3[%add3A_57, %dma_wait3A_128] : memref<2560x128xi32, #tpu.memory_space<hbm>> -> memref<40x128xi32, #tpu.memory_space<hbm>>
      tpu.wait_dma2 semaphore(%run_scoped3A : memref<!tpu.dma_semaphore, #tpu.memory_space<semaphore_mem>>) src(%dma_wait3A_129 : memref<40x128xi32, #tpu.memory_space<hbm>>) dst(%arg7 : memref<40x128xi32, #tpu.memory_space<vmem>>)
      tpu.yield
    }) : () -> ()
    "tpu.region"() ({
      %run_scoped3A = tpu.sem_alloc : memref<!tpu.dma_semaphore, #tpu.memory_space<semaphore_mem>>
      %dma_start3A_123 = arith.constant 0 : i32
      %dma_start3A_124 = tpu.memref_slice %arg2[%add3A_57, %dma_start3A_123] : memref<2560x128xi32, #tpu.memory_space<hbm>> -> memref<40x128xi32, #tpu.memory_space<hbm>>
      %dma_start3A_125 = arith.constant 0 : i32
      %dma_start3A_126 = tpu.memref_slice %arg2[%add3A_57, %dma_start3A_125] : memref<2560x128xi32, #tpu.memory_space<hbm>> -> memref<40x128xi32, #tpu.memory_space<hbm>>
      tpu.enqueue_dma source(%dma_start3A_126 : memref<40x128xi32, #tpu.memory_space<hbm>>) target(%arg8 : memref<40x128xi32, #tpu.memory_space<vmem>>) target_semaphore(%run_scoped3A : memref<!tpu.dma_semaphore, #tpu.memory_space<semaphore_mem>>)
      %dma_wait3A = arith.constant 0 : i32
      %dma_wait3A_127 = tpu.memref_slice %arg2[%add3A_57, %dma_wait3A] : memref<2560x128xi32, #tpu.memory_space<hbm>> -> memref<40x128xi32, #tpu.memory_space<hbm>>
      %dma_wait3A_128 = arith.constant 0 : i32
      %dma_wait3A_129 = tpu.memref_slice %arg2[%add3A_57, %dma_wait3A_128] : memref<2560x128xi32, #tpu.memory_space<hbm>> -> memref<40x128xi32, #tpu.memory_space<hbm>>
      tpu.wait_dma2 semaphore(%run_scoped3A : memref<!tpu.dma_semaphore, #tpu.memory_space<semaphore_mem>>) src(%dma_wait3A_129 : memref<40x128xi32, #tpu.memory_space<hbm>>) dst(%arg8 : memref<40x128xi32, #tpu.memory_space<vmem>>)
      tpu.yield
    }) : () -> ()
    "tpu.region"() ({
      %run_scoped3A = tpu.sem_alloc : memref<!tpu.dma_semaphore, #tpu.memory_space<semaphore_mem>>
      tpu.enqueue_dma source(%arg5 : memref<128x128xf32, #tpu.memory_space<hbm>>) target(%arg10 : memref<128x128xf32, #tpu.memory_space<vmem>>) target_semaphore(%run_scoped3A : memref<!tpu.dma_semaphore, #tpu.memory_space<semaphore_mem>>)
      tpu.wait_dma2 semaphore(%run_scoped3A : memref<!tpu.dma_semaphore, #tpu.memory_space<semaphore_mem>>) src(%arg5 : memref<128x128xf32, #tpu.memory_space<hbm>>) dst(%arg10 : memref<128x128xf32, #tpu.memory_space<vmem>>)
      tpu.yield
    }) : () -> ()
    %dma_start3A_58 = arith.constant 0 : i32
    %dma_start3A_59 = arith.constant 0 : i32
    %dma_start3A_60 = tpu.memref_slice %arg8[%dma_start3A_58, %dma_start3A_59] : memref<40x128xi32, #tpu.memory_space<vmem>> -> memref<1x128xi32, #tpu.memory_space<vmem>>
    %dma_start3A_61 = tpu.memref_squeeze %dma_start3A_60 : memref<1x128xi32, #tpu.memory_space<vmem>> -> memref<128xi32, #tpu.memory_space<vmem>>
    %dma_start3A_62 = arith.constant 0 : i32
    %dma_start3A_63 = arith.constant 0 : i32
    %dma_start3A_64 = tpu.memref_slice %arg4[%dma_start3A_62, %dma_start3A_63] : memref<10000x128xf32, #tpu.memory_space<hbm>> -> memref<10000x128xf32, #tpu.memory_space<hbm>>
    tpu.enqueue_indirect_dma source(%dma_start3A_64 : memref<10000x128xf32, #tpu.memory_space<hbm>>) target(%arg9 : memref<128x128xf32, #tpu.memory_space<vmem>>) offsets(%dma_start3A_61 : memref<128xi32, #tpu.memory_space<vmem>>) semaphore(%arg12 : memref<!tpu.dma_semaphore, #tpu.memory_space<semaphore_mem>>)
    %dma_start3A_65 = arith.constant 0 : i32
    %dma_start3A_66 = arith.constant 0 : i32
    %dma_start3A_67 = tpu.memref_slice %arg7[%dma_start3A_65, %dma_start3A_66] : memref<40x128xi32, #tpu.memory_space<vmem>> -> memref<1x128xi32, #tpu.memory_space<vmem>>
    %dma_start3A_68 = tpu.memref_squeeze %dma_start3A_67 : memref<1x128xi32, #tpu.memory_space<vmem>> -> memref<128xi32, #tpu.memory_space<vmem>>
    %dma_start3A_69 = arith.constant 0 : i32
    %dma_start3A_70 = arith.constant 0 : i32
    %dma_start3A_71 = tpu.memref_slice %arg11[%dma_start3A_69, %dma_start3A_70] : memref<10112x128xf32, #tpu.memory_space<vmem_shared>> -> memref<10112x128xf32, #tpu.memory_space<vmem_shared>>
    tpu.enqueue_indirect_dma source(%arg10 : memref<128x128xf32, #tpu.memory_space<vmem>>) target(%dma_start3A_71 : memref<10112x128xf32, #tpu.memory_space<vmem_shared>>) offsets(%dma_start3A_68 : memref<128xi32, #tpu.memory_space<vmem>>) semaphore(%arg15 : memref<!tpu.dma_semaphore, #tpu.memory_space<semaphore_mem>>) {add = true}
    %scan3A_72 = arith.constant 0 : i32
    %scan3A_73 = arith.constant 0 : i32
    %scan3A_74 = arith.constant 19 : i32
    %scan3A_75 = arith.addi %scan3A_73, %scan3A_74 : i32
    %scan3A_76 = arith.constant 1 : i32
    scf.for %scan3A_123 = %scan3A_73 to %scan3A_75 step %scan3A_76  : i32 {
      %mul3A_124 = arith.constant 2 : i32
      %mul3A_125 = arith.muli %mul3A_124, %scan3A_123 : i32
      %add3A_126 = arith.constant 1 : i32
      %add3A_127 = arith.addi %mul3A_125, %add3A_126 : i32
      %add3A_128 = arith.constant 2 : i32
      %add3A_129 = arith.addi %mul3A_125, %add3A_128 : i32
      tpu.wait_dma2 semaphore(%arg15 : memref<!tpu.dma_semaphore, #tpu.memory_space<semaphore_mem>>) src(%arg5 : memref<128x128xf32, #tpu.memory_space<hbm>>) dst(%arg10 : memref<128x128xf32, #tpu.memory_space<vmem>>)
      %dma_start3A_130 = arith.constant 0 : i32
      %dma_start3A_131 = tpu.memref_slice %arg8[%add3A_127, %dma_start3A_130] : memref<40x128xi32, #tpu.memory_space<vmem>> -> memref<1x128xi32, #tpu.memory_space<vmem>>
      %dma_start3A_132 = tpu.memref_squeeze %dma_start3A_131 : memref<1x128xi32, #tpu.memory_space<vmem>> -> memref<128xi32, #tpu.memory_space<vmem>>
      %dma_start3A_133 = arith.constant 0 : i32
      %dma_start3A_134 = arith.constant 0 : i32
      %dma_start3A_135 = tpu.memref_slice %arg4[%dma_start3A_133, %dma_start3A_134] : memref<10000x128xf32, #tpu.memory_space<hbm>> -> memref<10000x128xf32, #tpu.memory_space<hbm>>
      tpu.enqueue_indirect_dma source(%dma_start3A_135 : memref<10000x128xf32, #tpu.memory_space<hbm>>) target(%arg10 : memref<128x128xf32, #tpu.memory_space<vmem>>) offsets(%dma_start3A_132 : memref<128xi32, #tpu.memory_space<vmem>>) semaphore(%arg13 : memref<!tpu.dma_semaphore, #tpu.memory_space<semaphore_mem>>)
      tpu.wait_dma2 semaphore(%arg12 : memref<!tpu.dma_semaphore, #tpu.memory_space<semaphore_mem>>) src(%arg5 : memref<128x128xf32, #tpu.memory_space<hbm>>) dst(%arg9 : memref<128x128xf32, #tpu.memory_space<vmem>>)
      %dma_start3A_136 = arith.constant 0 : i32
      %dma_start3A_137 = tpu.memref_slice %arg7[%mul3A_125, %dma_start3A_136] : memref<40x128xi32, #tpu.memory_space<vmem>> -> memref<1x128xi32, #tpu.memory_space<vmem>>
      %dma_start3A_138 = tpu.memref_squeeze %dma_start3A_137 : memref<1x128xi32, #tpu.memory_space<vmem>> -> memref<128xi32, #tpu.memory_space<vmem>>
      %dma_start3A_139 = arith.constant 0 : i32
      %dma_start3A_140 = arith.constant 0 : i32
      %dma_start3A_141 = tpu.memref_slice %arg11[%dma_start3A_139, %dma_start3A_140] : memref<10112x128xf32, #tpu.memory_space<vmem_shared>> -> memref<10112x128xf32, #tpu.memory_space<vmem_shared>>
      tpu.enqueue_indirect_dma source(%arg9 : memref<128x128xf32, #tpu.memory_space<vmem>>) target(%dma_start3A_141 : memref<10112x128xf32, #tpu.memory_space<vmem_shared>>) offsets(%dma_start3A_138 : memref<128xi32, #tpu.memory_space<vmem>>) semaphore(%arg14 : memref<!tpu.dma_semaphore, #tpu.memory_space<semaphore_mem>>) {add = true}
      tpu.wait_dma2 semaphore(%arg13 : memref<!tpu.dma_semaphore, #tpu.memory_space<semaphore_mem>>) src(%arg5 : memref<128x128xf32, #tpu.memory_space<hbm>>) dst(%arg10 : memref<128x128xf32, #tpu.memory_space<vmem>>)
      %dma_start3A_142 = arith.constant 0 : i32
      %dma_start3A_143 = tpu.memref_slice %arg7[%add3A_127, %dma_start3A_142] : memref<40x128xi32, #tpu.memory_space<vmem>> -> memref<1x128xi32, #tpu.memory_space<vmem>>
      %dma_start3A_144 = tpu.memref_squeeze %dma_start3A_143 : memref<1x128xi32, #tpu.memory_space<vmem>> -> memref<128xi32, #tpu.memory_space<vmem>>
      %dma_start3A_145 = arith.constant 0 : i32
      %dma_start3A_146 = arith.constant 0 : i32
      %dma_start3A_147 = tpu.memref_slice %arg11[%dma_start3A_145, %dma_start3A_146] : memref<10112x128xf32, #tpu.memory_space<vmem_shared>> -> memref<10112x128xf32, #tpu.memory_space<vmem_shared>>
      tpu.enqueue_indirect_dma source(%arg10 : memref<128x128xf32, #tpu.memory_space<vmem>>) target(%dma_start3A_147 : memref<10112x128xf32, #tpu.memory_space<vmem_shared>>) offsets(%dma_start3A_144 : memref<128xi32, #tpu.memory_space<vmem>>) semaphore(%arg15 : memref<!tpu.dma_semaphore, #tpu.memory_space<semaphore_mem>>) {add = true}
      tpu.wait_dma2 semaphore(%arg14 : memref<!tpu.dma_semaphore, #tpu.memory_space<semaphore_mem>>) src(%arg5 : memref<128x128xf32, #tpu.memory_space<hbm>>) dst(%arg9 : memref<128x128xf32, #tpu.memory_space<vmem>>)
      %dma_start3A_148 = arith.constant 0 : i32
      %dma_start3A_149 = tpu.memref_slice %arg8[%add3A_129, %dma_start3A_148] : memref<40x128xi32, #tpu.memory_space<vmem>> -> memref<1x128xi32, #tpu.memory_space<vmem>>
      %dma_start3A_150 = tpu.memref_squeeze %dma_start3A_149 : memref<1x128xi32, #tpu.memory_space<vmem>> -> memref<128xi32, #tpu.memory_space<vmem>>
      %dma_start3A_151 = arith.constant 0 : i32
      %dma_start3A_152 = arith.constant 0 : i32
      %dma_start3A_153 = tpu.memref_slice %arg4[%dma_start3A_151, %dma_start3A_152] : memref<10000x128xf32, #tpu.memory_space<hbm>> -> memref<10000x128xf32, #tpu.memory_space<hbm>>
      tpu.enqueue_indirect_dma source(%dma_start3A_153 : memref<10000x128xf32, #tpu.memory_space<hbm>>) target(%arg9 : memref<128x128xf32, #tpu.memory_space<vmem>>) offsets(%dma_start3A_150 : memref<128xi32, #tpu.memory_space<vmem>>) semaphore(%arg12 : memref<!tpu.dma_semaphore, #tpu.memory_space<semaphore_mem>>)
    }
    %scan3A_77 = arith.constant 19 : i32
    tpu.wait_dma2 semaphore(%arg15 : memref<!tpu.dma_semaphore, #tpu.memory_space<semaphore_mem>>) src(%arg5 : memref<128x128xf32, #tpu.memory_space<hbm>>) dst(%arg10 : memref<128x128xf32, #tpu.memory_space<vmem>>)
    %dma_start3A_78 = arith.constant 39 : i32
    %dma_start3A_79 = arith.constant 0 : i32
    %dma_start3A_80 = tpu.memref_slice %arg8[%dma_start3A_78, %dma_start3A_79] : memref<40x128xi32, #tpu.memory_space<vmem>> -> memref<1x128xi32, #tpu.memory_space<vmem>>
    %dma_start3A_81 = tpu.memref_squeeze %dma_start3A_80 : memref<1x128xi32, #tpu.memory_space<vmem>> -> memref<128xi32, #tpu.memory_space<vmem>>
    %dma_start3A_82 = arith.constant 0 : i32
    %dma_start3A_83 = arith.constant 0 : i32
    %dma_start3A_84 = tpu.memref_slice %arg4[%dma_start3A_82, %dma_start3A_83] : memref<10000x128xf32, #tpu.memory_space<hbm>> -> memref<10000x128xf32, #tpu.memory_space<hbm>>
    tpu.enqueue_indirect_dma source(%dma_start3A_84 : memref<10000x128xf32, #tpu.memory_space<hbm>>) target(%arg10 : memref<128x128xf32, #tpu.memory_space<vmem>>) offsets(%dma_start3A_81 : memref<128xi32, #tpu.memory_space<vmem>>) semaphore(%arg13 : memref<!tpu.dma_semaphore, #tpu.memory_space<semaphore_mem>>)
    tpu.wait_dma2 semaphore(%arg12 : memref<!tpu.dma_semaphore, #tpu.memory_space<semaphore_mem>>) src(%arg5 : memref<128x128xf32, #tpu.memory_space<hbm>>) dst(%arg9 : memref<128x128xf32, #tpu.memory_space<vmem>>)
    %dma_start3A_85 = arith.constant 38 : i32
    %dma_start3A_86 = arith.constant 0 : i32
    %dma_start3A_87 = tpu.memref_slice %arg7[%dma_start3A_85, %dma_start3A_86] : memref<40x128xi32, #tpu.memory_space<vmem>> -> memref<1x128xi32, #tpu.memory_space<vmem>>
    %dma_start3A_88 = tpu.memref_squeeze %dma_start3A_87 : memref<1x128xi32, #tpu.memory_space<vmem>> -> memref<128xi32, #tpu.memory_space<vmem>>
    %dma_start3A_89 = arith.constant 0 : i32
    %dma_start3A_90 = arith.constant 0 : i32
    %dma_start3A_91 = tpu.memref_slice %arg11[%dma_start3A_89, %dma_start3A_90] : memref<10112x128xf32, #tpu.memory_space<vmem_shared>> -> memref<10112x128xf32, #tpu.memory_space<vmem_shared>>
    tpu.enqueue_indirect_dma source(%arg9 : memref<128x128xf32, #tpu.memory_space<vmem>>) target(%dma_start3A_91 : memref<10112x128xf32, #tpu.memory_space<vmem_shared>>) offsets(%dma_start3A_88 : memref<128xi32, #tpu.memory_space<vmem>>) semaphore(%arg14 : memref<!tpu.dma_semaphore, #tpu.memory_space<semaphore_mem>>) {add = true}
    tpu.wait_dma2 semaphore(%arg13 : memref<!tpu.dma_semaphore, #tpu.memory_space<semaphore_mem>>) src(%arg5 : memref<128x128xf32, #tpu.memory_space<hbm>>) dst(%arg10 : memref<128x128xf32, #tpu.memory_space<vmem>>)
    %dma_start3A_92 = arith.constant 39 : i32
    %dma_start3A_93 = arith.constant 0 : i32
    %dma_start3A_94 = tpu.memref_slice %arg7[%dma_start3A_92, %dma_start3A_93] : memref<40x128xi32, #tpu.memory_space<vmem>> -> memref<1x128xi32, #tpu.memory_space<vmem>>
    %dma_start3A_95 = tpu.memref_squeeze %dma_start3A_94 : memref<1x128xi32, #tpu.memory_space<vmem>> -> memref<128xi32, #tpu.memory_space<vmem>>
    %dma_start3A_96 = arith.constant 0 : i32
    %dma_start3A_97 = arith.constant 0 : i32
    %dma_start3A_98 = tpu.memref_slice %arg11[%dma_start3A_96, %dma_start3A_97] : memref<10112x128xf32, #tpu.memory_space<vmem_shared>> -> memref<10112x128xf32, #tpu.memory_space<vmem_shared>>
    tpu.enqueue_indirect_dma source(%arg10 : memref<128x128xf32, #tpu.memory_space<vmem>>) target(%dma_start3A_98 : memref<10112x128xf32, #tpu.memory_space<vmem_shared>>) offsets(%dma_start3A_95 : memref<128xi32, #tpu.memory_space<vmem>>) semaphore(%arg15 : memref<!tpu.dma_semaphore, #tpu.memory_space<semaphore_mem>>) {add = true}
    tpu.wait_dma2 semaphore(%arg14 : memref<!tpu.dma_semaphore, #tpu.memory_space<semaphore_mem>>) src(%arg5 : memref<128x128xf32, #tpu.memory_space<hbm>>) dst(%arg9 : memref<128x128xf32, #tpu.memory_space<vmem>>)
    tpu.wait_dma2 semaphore(%arg15 : memref<!tpu.dma_semaphore, #tpu.memory_space<semaphore_mem>>) src(%arg5 : memref<128x128xf32, #tpu.memory_space<hbm>>) dst(%arg10 : memref<128x128xf32, #tpu.memory_space<vmem>>)
    %barrier3A_99 = arith.constant 0 : index
    tpu.barrier barrier_id(%barrier3A_99)
    %mul3A_100 = arith.constant 10112 : i32
    %mul3A_101 = arith.muli %arg0, %mul3A_100 : i32
    %add3A_102 = arith.addi %mul3A_101, %mul3A_4 : i32
    %add3A_103 = arith.constant 0 : i32
    %add3A_104 = arith.addi %mul3A_4, %add3A_103 : i32
    "tpu.region"() ({
      %run_scoped3A = tpu.sem_alloc : memref<!tpu.dma_semaphore, #tpu.memory_space<semaphore_mem>>
      %dma_start3A_123 = arith.constant 0 : i32
      %dma_start3A_124 = arith.constant 0 : i32
      %dma_start3A_125 = tpu.memref_slice %arg9[%dma_start3A_123, %dma_start3A_124] : memref<128x128xf32, #tpu.memory_space<vmem>> -> memref<128x128xf32, #tpu.memory_space<vmem>>
      %dma_start3A_126 = arith.constant 0 : i32
      %dma_start3A_127 = tpu.memref_slice %arg11[%add3A_104, %dma_start3A_126] : memref<10112x128xf32, #tpu.memory_space<vmem_shared>> -> memref<128x128xf32, #tpu.memory_space<vmem_shared>>
      %dma_start3A_128 = arith.constant 0 : i32
      %dma_start3A_129 = arith.constant 0 : i32
      %dma_start3A_130 = tpu.memref_slice %arg9[%dma_start3A_128, %dma_start3A_129] : memref<128x128xf32, #tpu.memory_space<vmem>> -> memref<128x128xf32, #tpu.memory_space<vmem>>
      %dma_start3A_131 = arith.constant 0 : i32
      %dma_start3A_132 = tpu.memref_slice %arg11[%add3A_104, %dma_start3A_131] : memref<10112x128xf32, #tpu.memory_space<vmem_shared>> -> memref<128x128xf32, #tpu.memory_space<vmem_shared>>
      tpu.enqueue_dma source(%dma_start3A_132 : memref<128x128xf32, #tpu.memory_space<vmem_shared>>) target(%dma_start3A_130 : memref<128x128xf32, #tpu.memory_space<vmem>>) target_semaphore(%run_scoped3A : memref<!tpu.dma_semaphore, #tpu.memory_space<semaphore_mem>>)
      %dma_wait3A = arith.constant 0 : i32
      %dma_wait3A_133 = arith.constant 0 : i32
      %dma_wait3A_134 = tpu.memref_slice %arg9[%dma_wait3A, %dma_wait3A_133] : memref<128x128xf32, #tpu.memory_space<vmem>> -> memref<128x128xf32, #tpu.memory_space<vmem>>
      %dma_wait3A_135 = arith.constant 0 : i32
      %dma_wait3A_136 = tpu.memref_slice %arg11[%add3A_104, %dma_wait3A_135] : memref<10112x128xf32, #tpu.memory_space<vmem_shared>> -> memref<128x128xf32, #tpu.memory_space<vmem_shared>>
      %dma_wait3A_137 = arith.constant 0 : i32
      %dma_wait3A_138 = arith.constant 0 : i32
      %dma_wait3A_139 = tpu.memref_slice %arg9[%dma_wait3A_137, %dma_wait3A_138] : memref<128x128xf32, #tpu.memory_space<vmem>> -> memref<128x128xf32, #tpu.memory_space<vmem>>
      %dma_wait3A_140 = arith.constant 0 : i32
      %dma_wait3A_141 = tpu.memref_slice %arg11[%add3A_104, %dma_wait3A_140] : memref<10112x128xf32, #tpu.memory_space<vmem_shared>> -> memref<128x128xf32, #tpu.memory_space<vmem_shared>>
      tpu.wait_dma2 semaphore(%run_scoped3A : memref<!tpu.dma_semaphore, #tpu.memory_space<semaphore_mem>>) src(%dma_wait3A_141 : memref<128x128xf32, #tpu.memory_space<vmem_shared>>) dst(%dma_wait3A_139 : memref<128x128xf32, #tpu.memory_space<vmem>>)
      tpu.yield
    }) : () -> ()
    %add3A_105 = arith.constant 0 : i32
    %add3A_106 = arith.addi %add3A_102, %add3A_105 : i32
    "tpu.region"() ({
      %run_scoped3A = tpu.sem_alloc : memref<!tpu.dma_semaphore, #tpu.memory_space<semaphore_mem>>
      %dma_start3A_123 = arith.constant 0 : i32
      %dma_start3A_124 = arith.constant 0 : i32
      %dma_start3A_125 = tpu.memref_slice %arg9[%dma_start3A_123, %dma_start3A_124] : memref<128x128xf32, #tpu.memory_space<vmem>> -> memref<128x128xf32, #tpu.memory_space<vmem>>
      %dma_start3A_126 = arith.constant 0 : i32
      %dma_start3A_127 = tpu.memref_slice %arg6[%add3A_106, %dma_start3A_126] : memref<20224x128xf32, #tpu.memory_space<hbm>> -> memref<128x128xf32, #tpu.memory_space<hbm>>
      %dma_start3A_128 = arith.constant 0 : i32
      %dma_start3A_129 = tpu.memref_slice %arg6[%add3A_106, %dma_start3A_128] : memref<20224x128xf32, #tpu.memory_space<hbm>> -> memref<128x128xf32, #tpu.memory_space<hbm>>
      %dma_start3A_130 = arith.constant 0 : i32
      %dma_start3A_131 = arith.constant 0 : i32
      %dma_start3A_132 = tpu.memref_slice %arg9[%dma_start3A_130, %dma_start3A_131] : memref<128x128xf32, #tpu.memory_space<vmem>> -> memref<128x128xf32, #tpu.memory_space<vmem>>
      tpu.enqueue_dma source(%dma_start3A_132 : memref<128x128xf32, #tpu.memory_space<vmem>>) target(%dma_start3A_129 : memref<128x128xf32, #tpu.memory_space<hbm>>) target_semaphore(%run_scoped3A : memref<!tpu.dma_semaphore, #tpu.memory_space<semaphore_mem>>)
      %dma_wait3A = arith.constant 0 : i32
      %dma_wait3A_133 = arith.constant 0 : i32
      %dma_wait3A_134 = tpu.memref_slice %arg9[%dma_wait3A, %dma_wait3A_133] : memref<128x128xf32, #tpu.memory_space<vmem>> -> memref<128x128xf32, #tpu.memory_space<vmem>>
      %dma_wait3A_135 = arith.constant 0 : i32
      %dma_wait3A_136 = tpu.memref_slice %arg6[%add3A_106, %dma_wait3A_135] : memref<20224x128xf32, #tpu.memory_space<hbm>> -> memref<128x128xf32, #tpu.memory_space<hbm>>
      %dma_wait3A_137 = arith.constant 0 : i32
      %dma_wait3A_138 = tpu.memref_slice %arg6[%add3A_106, %dma_wait3A_137] : memref<20224x128xf32, #tpu.memory_space<hbm>> -> memref<128x128xf32, #tpu.memory_space<hbm>>
      %dma_wait3A_139 = arith.constant 0 : i32
      %dma_wait3A_140 = arith.constant 0 : i32
      %dma_wait3A_141 = tpu.memref_slice %arg9[%dma_wait3A_139, %dma_wait3A_140] : memref<128x128xf32, #tpu.memory_space<vmem>> -> memref<128x128xf32, #tpu.memory_space<vmem>>
      tpu.wait_dma2 semaphore(%run_scoped3A : memref<!tpu.dma_semaphore, #tpu.memory_space<semaphore_mem>>) src(%dma_wait3A_141 : memref<128x128xf32, #tpu.memory_space<vmem>>) dst(%dma_wait3A_138 : memref<128x128xf32, #tpu.memory_space<hbm>>)
      tpu.yield
    }) : () -> ()
    %add3A_107 = arith.constant 128 : i32
    %add3A_108 = arith.addi %mul3A_4, %add3A_107 : i32
    "tpu.region"() ({
      %run_scoped3A = tpu.sem_alloc : memref<!tpu.dma_semaphore, #tpu.memory_space<semaphore_mem>>
      %dma_start3A_123 = arith.constant 0 : i32
      %dma_start3A_124 = arith.constant 0 : i32
      %dma_start3A_125 = tpu.memref_slice %arg9[%dma_start3A_123, %dma_start3A_124] : memref<128x128xf32, #tpu.memory_space<vmem>> -> memref<128x128xf32, #tpu.memory_space<vmem>>
      %dma_start3A_126 = arith.constant 0 : i32
      %dma_start3A_127 = tpu.memref_slice %arg11[%add3A_108, %dma_start3A_126] : memref<10112x128xf32, #tpu.memory_space<vmem_shared>> -> memref<128x128xf32, #tpu.memory_space<vmem_shared>>
      %dma_start3A_128 = arith.constant 0 : i32
      %dma_start3A_129 = arith.constant 0 : i32
      %dma_start3A_130 = tpu.memref_slice %arg9[%dma_start3A_128, %dma_start3A_129] : memref<128x128xf32, #tpu.memory_space<vmem>> -> memref<128x128xf32, #tpu.memory_space<vmem>>
      %dma_start3A_131 = arith.constant 0 : i32
      %dma_start3A_132 = tpu.memref_slice %arg11[%add3A_108, %dma_start3A_131] : memref<10112x128xf32, #tpu.memory_space<vmem_shared>> -> memref<128x128xf32, #tpu.memory_space<vmem_shared>>
      tpu.enqueue_dma source(%dma_start3A_132 : memref<128x128xf32, #tpu.memory_space<vmem_shared>>) target(%dma_start3A_130 : memref<128x128xf32, #tpu.memory_space<vmem>>) target_semaphore(%run_scoped3A : memref<!tpu.dma_semaphore, #tpu.memory_space<semaphore_mem>>)
      %dma_wait3A = arith.constant 0 : i32
      %dma_wait3A_133 = arith.constant 0 : i32
      %dma_wait3A_134 = tpu.memref_slice %arg9[%dma_wait3A, %dma_wait3A_133] : memref<128x128xf32, #tpu.memory_space<vmem>> -> memref<128x128xf32, #tpu.memory_space<vmem>>
      %dma_wait3A_135 = arith.constant 0 : i32
      %dma_wait3A_136 = tpu.memref_slice %arg11[%add3A_108, %dma_wait3A_135] : memref<10112x128xf32, #tpu.memory_space<vmem_shared>> -> memref<128x128xf32, #tpu.memory_space<vmem_shared>>
      %dma_wait3A_137 = arith.constant 0 : i32
      %dma_wait3A_138 = arith.constant 0 : i32
      %dma_wait3A_139 = tpu.memref_slice %arg9[%dma_wait3A_137, %dma_wait3A_138] : memref<128x128xf32, #tpu.memory_space<vmem>> -> memref<128x128xf32, #tpu.memory_space<vmem>>
      %dma_wait3A_140 = arith.constant 0 : i32
      %dma_wait3A_141 = tpu.memref_slice %arg11[%add3A_108, %dma_wait3A_140] : memref<10112x128xf32, #tpu.memory_space<vmem_shared>> -> memref<128x128xf32, #tpu.memory_space<vmem_shared>>
      tpu.wait_dma2 semaphore(%run_scoped3A : memref<!tpu.dma_semaphore, #tpu.memory_space<semaphore_mem>>) src(%dma_wait3A_141 : memref<128x128xf32, #tpu.memory_space<vmem_shared>>) dst(%dma_wait3A_139 : memref<128x128xf32, #tpu.memory_space<vmem>>)
      tpu.yield
    }) : () -> ()
    %add3A_109 = arith.constant 128 : i32
    %add3A_110 = arith.addi %add3A_102, %add3A_109 : i32
    "tpu.region"() ({
      %run_scoped3A = tpu.sem_alloc : memref<!tpu.dma_semaphore, #tpu.memory_space<semaphore_mem>>
      %dma_start3A_123 = arith.constant 0 : i32
      %dma_start3A_124 = arith.constant 0 : i32
      %dma_start3A_125 = tpu.memref_slice %arg9[%dma_start3A_123, %dma_start3A_124] : memref<128x128xf32, #tpu.memory_space<vmem>> -> memref<128x128xf32, #tpu.memory_space<vmem>>
      %dma_start3A_126 = arith.constant 0 : i32
      %dma_start3A_127 = tpu.memref_slice %arg6[%add3A_110, %dma_start3A_126] : memref<20224x128xf32, #tpu.memory_space<hbm>> -> memref<128x128xf32, #tpu.memory_space<hbm>>
      %dma_start3A_128 = arith.constant 0 : i32
      %dma_start3A_129 = tpu.memref_slice %arg6[%add3A_110, %dma_start3A_128] : memref<20224x128xf32, #tpu.memory_space<hbm>> -> memref<128x128xf32, #tpu.memory_space<hbm>>
      %dma_start3A_130 = arith.constant 0 : i32
      %dma_start3A_131 = arith.constant 0 : i32
      %dma_start3A_132 = tpu.memref_slice %arg9[%dma_start3A_130, %dma_start3A_131] : memref<128x128xf32, #tpu.memory_space<vmem>> -> memref<128x128xf32, #tpu.memory_space<vmem>>
      tpu.enqueue_dma source(%dma_start3A_132 : memref<128x128xf32, #tpu.memory_space<vmem>>) target(%dma_start3A_129 : memref<128x128xf32, #tpu.memory_space<hbm>>) target_semaphore(%run_scoped3A : memref<!tpu.dma_semaphore, #tpu.memory_space<semaphore_mem>>)
      %dma_wait3A = arith.constant 0 : i32
      %dma_wait3A_133 = arith.constant 0 : i32
      %dma_wait3A_134 = tpu.memref_slice %arg9[%dma_wait3A, %dma_wait3A_133] : memref<128x128xf32, #tpu.memory_space<vmem>> -> memref<128x128xf32, #tpu.memory_space<vmem>>
      %dma_wait3A_135 = arith.constant 0 : i32
      %dma_wait3A_136 = tpu.memref_slice %arg6[%add3A_110, %dma_wait3A_135] : memref<20224x128xf32, #tpu.memory_space<hbm>> -> memref<128x128xf32, #tpu.memory_space<hbm>>
      %dma_wait3A_137 = arith.constant 0 : i32
      %dma_wait3A_138 = tpu.memref_slice %arg6[%add3A_110, %dma_wait3A_137] : memref<20224x128xf32, #tpu.memory_space<hbm>> -> memref<128x128xf32, #tpu.memory_space<hbm>>
      %dma_wait3A_139 = arith.constant 0 : i32
      %dma_wait3A_140 = arith.constant 0 : i32
      %dma_wait3A_141 = tpu.memref_slice %arg9[%dma_wait3A_139, %dma_wait3A_140] : memref<128x128xf32, #tpu.memory_space<vmem>> -> memref<128x128xf32, #tpu.memory_space<vmem>>
      tpu.wait_dma2 semaphore(%run_scoped3A : memref<!tpu.dma_semaphore, #tpu.memory_space<semaphore_mem>>) src(%dma_wait3A_141 : memref<128x128xf32, #tpu.memory_space<vmem>>) dst(%dma_wait3A_138 : memref<128x128xf32, #tpu.memory_space<hbm>>)
      tpu.yield
    }) : () -> ()
    %add3A_111 = arith.constant 256 : i32
    %add3A_112 = arith.addi %mul3A_4, %add3A_111 : i32
    "tpu.region"() ({
      %run_scoped3A = tpu.sem_alloc : memref<!tpu.dma_semaphore, #tpu.memory_space<semaphore_mem>>
      %dma_start3A_123 = arith.constant 0 : i32
      %dma_start3A_124 = arith.constant 0 : i32
      %dma_start3A_125 = tpu.memref_slice %arg9[%dma_start3A_123, %dma_start3A_124] : memref<128x128xf32, #tpu.memory_space<vmem>> -> memref<128x128xf32, #tpu.memory_space<vmem>>
      %dma_start3A_126 = arith.constant 0 : i32
      %dma_start3A_127 = tpu.memref_slice %arg11[%add3A_112, %dma_start3A_126] : memref<10112x128xf32, #tpu.memory_space<vmem_shared>> -> memref<128x128xf32, #tpu.memory_space<vmem_shared>>
      %dma_start3A_128 = arith.constant 0 : i32
      %dma_start3A_129 = arith.constant 0 : i32
      %dma_start3A_130 = tpu.memref_slice %arg9[%dma_start3A_128, %dma_start3A_129] : memref<128x128xf32, #tpu.memory_space<vmem>> -> memref<128x128xf32, #tpu.memory_space<vmem>>
      %dma_start3A_131 = arith.constant 0 : i32
      %dma_start3A_132 = tpu.memref_slice %arg11[%add3A_112, %dma_start3A_131] : memref<10112x128xf32, #tpu.memory_space<vmem_shared>> -> memref<128x128xf32, #tpu.memory_space<vmem_shared>>
      tpu.enqueue_dma source(%dma_start3A_132 : memref<128x128xf32, #tpu.memory_space<vmem_shared>>) target(%dma_start3A_130 : memref<128x128xf32, #tpu.memory_space<vmem>>) target_semaphore(%run_scoped3A : memref<!tpu.dma_semaphore, #tpu.memory_space<semaphore_mem>>)
      %dma_wait3A = arith.constant 0 : i32
      %dma_wait3A_133 = arith.constant 0 : i32
      %dma_wait3A_134 = tpu.memref_slice %arg9[%dma_wait3A, %dma_wait3A_133] : memref<128x128xf32, #tpu.memory_space<vmem>> -> memref<128x128xf32, #tpu.memory_space<vmem>>
      %dma_wait3A_135 = arith.constant 0 : i32
      %dma_wait3A_136 = tpu.memref_slice %arg11[%add3A_112, %dma_wait3A_135] : memref<10112x128xf32, #tpu.memory_space<vmem_shared>> -> memref<128x128xf32, #tpu.memory_space<vmem_shared>>
      %dma_wait3A_137 = arith.constant 0 : i32
      %dma_wait3A_138 = arith.constant 0 : i32
      %dma_wait3A_139 = tpu.memref_slice %arg9[%dma_wait3A_137, %dma_wait3A_138] : memref<128x128xf32, #tpu.memory_space<vmem>> -> memref<128x128xf32, #tpu.memory_space<vmem>>
      %dma_wait3A_140 = arith.constant 0 : i32
      %dma_wait3A_141 = tpu.memref_slice %arg11[%add3A_112, %dma_wait3A_140] : memref<10112x128xf32, #tpu.memory_space<vmem_shared>> -> memref<128x128xf32, #tpu.memory_space<vmem_shared>>
      tpu.wait_dma2 semaphore(%run_scoped3A : memref<!tpu.dma_semaphore, #tpu.memory_space<semaphore_mem>>) src(%dma_wait3A_141 : memref<128x128xf32, #tpu.memory_space<vmem_shared>>) dst(%dma_wait3A_139 : memref<128x128xf32, #tpu.memory_space<vmem>>)
      tpu.yield
    }) : () -> ()
    %add3A_113 = arith.constant 256 : i32
    %add3A_114 = arith.addi %add3A_102, %add3A_113 : i32
    "tpu.region"() ({
      %run_scoped3A = tpu.sem_alloc : memref<!tpu.dma_semaphore, #tpu.memory_space<semaphore_mem>>
      %dma_start3A_123 = arith.constant 0 : i32
      %dma_start3A_124 = arith.constant 0 : i32
      %dma_start3A_125 = tpu.memref_slice %arg9[%dma_start3A_123, %dma_start3A_124] : memref<128x128xf32, #tpu.memory_space<vmem>> -> memref<128x128xf32, #tpu.memory_space<vmem>>
      %dma_start3A_126 = arith.constant 0 : i32
      %dma_start3A_127 = tpu.memref_slice %arg6[%add3A_114, %dma_start3A_126] : memref<20224x128xf32, #tpu.memory_space<hbm>> -> memref<128x128xf32, #tpu.memory_space<hbm>>
      %dma_start3A_128 = arith.constant 0 : i32
      %dma_start3A_129 = tpu.memref_slice %arg6[%add3A_114, %dma_start3A_128] : memref<20224x128xf32, #tpu.memory_space<hbm>> -> memref<128x128xf32, #tpu.memory_space<hbm>>
      %dma_start3A_130 = arith.constant 0 : i32
      %dma_start3A_131 = arith.constant 0 : i32
      %dma_start3A_132 = tpu.memref_slice %arg9[%dma_start3A_130, %dma_start3A_131] : memref<128x128xf32, #tpu.memory_space<vmem>> -> memref<128x128xf32, #tpu.memory_space<vmem>>
      tpu.enqueue_dma source(%dma_start3A_132 : memref<128x128xf32, #tpu.memory_space<vmem>>) target(%dma_start3A_129 : memref<128x128xf32, #tpu.memory_space<hbm>>) target_semaphore(%run_scoped3A : memref<!tpu.dma_semaphore, #tpu.memory_space<semaphore_mem>>)
      %dma_wait3A = arith.constant 0 : i32
      %dma_wait3A_133 = arith.constant 0 : i32
      %dma_wait3A_134 = tpu.memref_slice %arg9[%dma_wait3A, %dma_wait3A_133] : memref<128x128xf32, #tpu.memory_space<vmem>> -> memref<128x128xf32, #tpu.memory_space<vmem>>
      %dma_wait3A_135 = arith.constant 0 : i32
      %dma_wait3A_136 = tpu.memref_slice %arg6[%add3A_114, %dma_wait3A_135] : memref<20224x128xf32, #tpu.memory_space<hbm>> -> memref<128x128xf32, #tpu.memory_space<hbm>>
      %dma_wait3A_137 = arith.constant 0 : i32
      %dma_wait3A_138 = tpu.memref_slice %arg6[%add3A_114, %dma_wait3A_137] : memref<20224x128xf32, #tpu.memory_space<hbm>> -> memref<128x128xf32, #tpu.memory_space<hbm>>
      %dma_wait3A_139 = arith.constant 0 : i32
      %dma_wait3A_140 = arith.constant 0 : i32
      %dma_wait3A_141 = tpu.memref_slice %arg9[%dma_wait3A_139, %dma_wait3A_140] : memref<128x128xf32, #tpu.memory_space<vmem>> -> memref<128x128xf32, #tpu.memory_space<vmem>>
      tpu.wait_dma2 semaphore(%run_scoped3A : memref<!tpu.dma_semaphore, #tpu.memory_space<semaphore_mem>>) src(%dma_wait3A_141 : memref<128x128xf32, #tpu.memory_space<vmem>>) dst(%dma_wait3A_138 : memref<128x128xf32, #tpu.memory_space<hbm>>)
      tpu.yield
    }) : () -> ()
    %add3A_115 = arith.constant 384 : i32
    %add3A_116 = arith.addi %mul3A_4, %add3A_115 : i32
    "tpu.region"() ({
      %run_scoped3A = tpu.sem_alloc : memref<!tpu.dma_semaphore, #tpu.memory_space<semaphore_mem>>
      %dma_start3A_123 = arith.constant 0 : i32
      %dma_start3A_124 = arith.constant 0 : i32
      %dma_start3A_125 = tpu.memref_slice %arg9[%dma_start3A_123, %dma_start3A_124] : memref<128x128xf32, #tpu.memory_space<vmem>> -> memref<128x128xf32, #tpu.memory_space<vmem>>
      %dma_start3A_126 = arith.constant 0 : i32
      %dma_start3A_127 = tpu.memref_slice %arg11[%add3A_116, %dma_start3A_126] : memref<10112x128xf32, #tpu.memory_space<vmem_shared>> -> memref<128x128xf32, #tpu.memory_space<vmem_shared>>
      %dma_start3A_128 = arith.constant 0 : i32
      %dma_start3A_129 = arith.constant 0 : i32
      %dma_start3A_130 = tpu.memref_slice %arg9[%dma_start3A_128, %dma_start3A_129] : memref<128x128xf32, #tpu.memory_space<vmem>> -> memref<128x128xf32, #tpu.memory_space<vmem>>
      %dma_start3A_131 = arith.constant 0 : i32
      %dma_start3A_132 = tpu.memref_slice %arg11[%add3A_116, %dma_start3A_131] : memref<10112x128xf32, #tpu.memory_space<vmem_shared>> -> memref<128x128xf32, #tpu.memory_space<vmem_shared>>
      tpu.enqueue_dma source(%dma_start3A_132 : memref<128x128xf32, #tpu.memory_space<vmem_shared>>) target(%dma_start3A_130 : memref<128x128xf32, #tpu.memory_space<vmem>>) target_semaphore(%run_scoped3A : memref<!tpu.dma_semaphore, #tpu.memory_space<semaphore_mem>>)
      %dma_wait3A = arith.constant 0 : i32
      %dma_wait3A_133 = arith.constant 0 : i32
      %dma_wait3A_134 = tpu.memref_slice %arg9[%dma_wait3A, %dma_wait3A_133] : memref<128x128xf32, #tpu.memory_space<vmem>> -> memref<128x128xf32, #tpu.memory_space<vmem>>
      %dma_wait3A_135 = arith.constant 0 : i32
      %dma_wait3A_136 = tpu.memref_slice %arg11[%add3A_116, %dma_wait3A_135] : memref<10112x128xf32, #tpu.memory_space<vmem_shared>> -> memref<128x128xf32, #tpu.memory_space<vmem_shared>>
      %dma_wait3A_137 = arith.constant 0 : i32
      %dma_wait3A_138 = arith.constant 0 : i32
      %dma_wait3A_139 = tpu.memref_slice %arg9[%dma_wait3A_137, %dma_wait3A_138] : memref<128x128xf32, #tpu.memory_space<vmem>> -> memref<128x128xf32, #tpu.memory_space<vmem>>
      %dma_wait3A_140 = arith.constant 0 : i32
      %dma_wait3A_141 = tpu.memref_slice %arg11[%add3A_116, %dma_wait3A_140] : memref<10112x128xf32, #tpu.memory_space<vmem_shared>> -> memref<128x128xf32, #tpu.memory_space<vmem_shared>>
      tpu.wait_dma2 semaphore(%run_scoped3A : memref<!tpu.dma_semaphore, #tpu.memory_space<semaphore_mem>>) src(%dma_wait3A_141 : memref<128x128xf32, #tpu.memory_space<vmem_shared>>) dst(%dma_wait3A_139 : memref<128x128xf32, #tpu.memory_space<vmem>>)
      tpu.yield
    }) : () -> ()
    %add3A_117 = arith.constant 384 : i32
    %add3A_118 = arith.addi %add3A_102, %add3A_117 : i32
    "tpu.region"() ({
      %run_scoped3A = tpu.sem_alloc : memref<!tpu.dma_semaphore, #tpu.memory_space<semaphore_mem>>
      %dma_start3A_123 = arith.constant 0 : i32
      %dma_start3A_124 = arith.constant 0 : i32
      %dma_start3A_125 = tpu.memref_slice %arg9[%dma_start3A_123, %dma_start3A_124] : memref<128x128xf32, #tpu.memory_space<vmem>> -> memref<128x128xf32, #tpu.memory_space<vmem>>
      %dma_start3A_126 = arith.constant 0 : i32
      %dma_start3A_127 = tpu.memref_slice %arg6[%add3A_118, %dma_start3A_126] : memref<20224x128xf32, #tpu.memory_space<hbm>> -> memref<128x128xf32, #tpu.memory_space<hbm>>
      %dma_start3A_128 = arith.constant 0 : i32
      %dma_start3A_129 = tpu.memref_slice %arg6[%add3A_118, %dma_start3A_128] : memref<20224x128xf32, #tpu.memory_space<hbm>> -> memref<128x128xf32, #tpu.memory_space<hbm>>
      %dma_start3A_130 = arith.constant 0 : i32
      %dma_start3A_131 = arith.constant 0 : i32
      %dma_start3A_132 = tpu.memref_slice %arg9[%dma_start3A_130, %dma_start3A_131] : memref<128x128xf32, #tpu.memory_space<vmem>> -> memref<128x128xf32, #tpu.memory_space<vmem>>
      tpu.enqueue_dma source(%dma_start3A_132 : memref<128x128xf32, #tpu.memory_space<vmem>>) target(%dma_start3A_129 : memref<128x128xf32, #tpu.memory_space<hbm>>) target_semaphore(%run_scoped3A : memref<!tpu.dma_semaphore, #tpu.memory_space<semaphore_mem>>)
      %dma_wait3A = arith.constant 0 : i32
      %dma_wait3A_133 = arith.constant 0 : i32
      %dma_wait3A_134 = tpu.memref_slice %arg9[%dma_wait3A, %dma_wait3A_133] : memref<128x128xf32, #tpu.memory_space<vmem>> -> memref<128x128xf32, #tpu.memory_space<vmem>>
      %dma_wait3A_135 = arith.constant 0 : i32
      %dma_wait3A_136 = tpu.memref_slice %arg6[%add3A_118, %dma_wait3A_135] : memref<20224x128xf32, #tpu.memory_space<hbm>> -> memref<128x128xf32, #tpu.memory_space<hbm>>
      %dma_wait3A_137 = arith.constant 0 : i32
      %dma_wait3A_138 = tpu.memref_slice %arg6[%add3A_118, %dma_wait3A_137] : memref<20224x128xf32, #tpu.memory_space<hbm>> -> memref<128x128xf32, #tpu.memory_space<hbm>>
      %dma_wait3A_139 = arith.constant 0 : i32
      %dma_wait3A_140 = arith.constant 0 : i32
      %dma_wait3A_141 = tpu.memref_slice %arg9[%dma_wait3A_139, %dma_wait3A_140] : memref<128x128xf32, #tpu.memory_space<vmem>> -> memref<128x128xf32, #tpu.memory_space<vmem>>
      tpu.wait_dma2 semaphore(%run_scoped3A : memref<!tpu.dma_semaphore, #tpu.memory_space<semaphore_mem>>) src(%dma_wait3A_141 : memref<128x128xf32, #tpu.memory_space<vmem>>) dst(%dma_wait3A_138 : memref<128x128xf32, #tpu.memory_space<hbm>>)
      tpu.yield
    }) : () -> ()
    %add3A_119 = arith.constant 512 : i32
    %add3A_120 = arith.addi %mul3A_4, %add3A_119 : i32
    "tpu.region"() ({
      %run_scoped3A = tpu.sem_alloc : memref<!tpu.dma_semaphore, #tpu.memory_space<semaphore_mem>>
      %dma_start3A_123 = arith.constant 0 : i32
      %dma_start3A_124 = arith.constant 0 : i32
      %dma_start3A_125 = tpu.memref_slice %arg9[%dma_start3A_123, %dma_start3A_124] : memref<128x128xf32, #tpu.memory_space<vmem>> -> memref<120x128xf32, #tpu.memory_space<vmem>>
      %dma_start3A_126 = arith.constant 0 : i32
      %dma_start3A_127 = tpu.memref_slice %arg11[%add3A_120, %dma_start3A_126] : memref<10112x128xf32, #tpu.memory_space<vmem_shared>> -> memref<120x128xf32, #tpu.memory_space<vmem_shared>>
      %dma_start3A_128 = arith.constant 0 : i32
      %dma_start3A_129 = arith.constant 0 : i32
      %dma_start3A_130 = tpu.memref_slice %arg9[%dma_start3A_128, %dma_start3A_129] : memref<128x128xf32, #tpu.memory_space<vmem>> -> memref<120x128xf32, #tpu.memory_space<vmem>>
      %dma_start3A_131 = arith.constant 0 : i32
      %dma_start3A_132 = tpu.memref_slice %arg11[%add3A_120, %dma_start3A_131] : memref<10112x128xf32, #tpu.memory_space<vmem_shared>> -> memref<120x128xf32, #tpu.memory_space<vmem_shared>>
      tpu.enqueue_dma source(%dma_start3A_132 : memref<120x128xf32, #tpu.memory_space<vmem_shared>>) target(%dma_start3A_130 : memref<120x128xf32, #tpu.memory_space<vmem>>) target_semaphore(%run_scoped3A : memref<!tpu.dma_semaphore, #tpu.memory_space<semaphore_mem>>)
      %dma_wait3A = arith.constant 0 : i32
      %dma_wait3A_133 = arith.constant 0 : i32
      %dma_wait3A_134 = tpu.memref_slice %arg9[%dma_wait3A, %dma_wait3A_133] : memref<128x128xf32, #tpu.memory_space<vmem>> -> memref<120x128xf32, #tpu.memory_space<vmem>>
      %dma_wait3A_135 = arith.constant 0 : i32
      %dma_wait3A_136 = tpu.memref_slice %arg11[%add3A_120, %dma_wait3A_135] : memref<10112x128xf32, #tpu.memory_space<vmem_shared>> -> memref<120x128xf32, #tpu.memory_space<vmem_shared>>
      %dma_wait3A_137 = arith.constant 0 : i32
      %dma_wait3A_138 = arith.constant 0 : i32
      %dma_wait3A_139 = tpu.memref_slice %arg9[%dma_wait3A_137, %dma_wait3A_138] : memref<128x128xf32, #tpu.memory_space<vmem>> -> memref<120x128xf32, #tpu.memory_space<vmem>>
      %dma_wait3A_140 = arith.constant 0 : i32
      %dma_wait3A_141 = tpu.memref_slice %arg11[%add3A_120, %dma_wait3A_140] : memref<10112x128xf32, #tpu.memory_space<vmem_shared>> -> memref<120x128xf32, #tpu.memory_space<vmem_shared>>
      tpu.wait_dma2 semaphore(%run_scoped3A : memref<!tpu.dma_semaphore, #tpu.memory_space<semaphore_mem>>) src(%dma_wait3A_141 : memref<120x128xf32, #tpu.memory_space<vmem_shared>>) dst(%dma_wait3A_139 : memref<120x128xf32, #tpu.memory_space<vmem>>)
      tpu.yield
    }) : () -> ()
    %add3A_121 = arith.constant 512 : i32
    %add3A_122 = arith.addi %add3A_102, %add3A_121 : i32
    "tpu.region"() ({
      %run_scoped3A = tpu.sem_alloc : memref<!tpu.dma_semaphore, #tpu.memory_space<semaphore_mem>>
      %dma_start3A_123 = arith.constant 0 : i32
      %dma_start3A_124 = arith.constant 0 : i32
      %dma_start3A_125 = tpu.memref_slice %arg9[%dma_start3A_123, %dma_start3A_124] : memref<128x128xf32, #tpu.memory_space<vmem>> -> memref<120x128xf32, #tpu.memory_space<vmem>>
      %dma_start3A_126 = arith.constant 0 : i32
      %dma_start3A_127 = tpu.memref_slice %arg6[%add3A_122, %dma_start3A_126] : memref<20224x128xf32, #tpu.memory_space<hbm>> -> memref<120x128xf32, #tpu.memory_space<hbm>>
      %dma_start3A_128 = arith.constant 0 : i32
      %dma_start3A_129 = tpu.memref_slice %arg6[%add3A_122, %dma_start3A_128] : memref<20224x128xf32, #tpu.memory_space<hbm>> -> memref<120x128xf32, #tpu.memory_space<hbm>>
      %dma_start3A_130 = arith.constant 0 : i32
      %dma_start3A_131 = arith.constant 0 : i32
      %dma_start3A_132 = tpu.memref_slice %arg9[%dma_start3A_130, %dma_start3A_131] : memref<128x128xf32, #tpu.memory_space<vmem>> -> memref<120x128xf32, #tpu.memory_space<vmem>>
      tpu.enqueue_dma source(%dma_start3A_132 : memref<120x128xf32, #tpu.memory_space<vmem>>) target(%dma_start3A_129 : memref<120x128xf32, #tpu.memory_space<hbm>>) target_semaphore(%run_scoped3A : memref<!tpu.dma_semaphore, #tpu.memory_space<semaphore_mem>>)
      %dma_wait3A = arith.constant 0 : i32
      %dma_wait3A_133 = arith.constant 0 : i32
      %dma_wait3A_134 = tpu.memref_slice %arg9[%dma_wait3A, %dma_wait3A_133] : memref<128x128xf32, #tpu.memory_space<vmem>> -> memref<120x128xf32, #tpu.memory_space<vmem>>
      %dma_wait3A_135 = arith.constant 0 : i32
      %dma_wait3A_136 = tpu.memref_slice %arg6[%add3A_122, %dma_wait3A_135] : memref<20224x128xf32, #tpu.memory_space<hbm>> -> memref<120x128xf32, #tpu.memory_space<hbm>>
      %dma_wait3A_137 = arith.constant 0 : i32
      %dma_wait3A_138 = tpu.memref_slice %arg6[%add3A_122, %dma_wait3A_137] : memref<20224x128xf32, #tpu.memory_space<hbm>> -> memref<120x128xf32, #tpu.memory_space<hbm>>
      %dma_wait3A_139 = arith.constant 0 : i32
      %dma_wait3A_140 = arith.constant 0 : i32
      %dma_wait3A_141 = tpu.memref_slice %arg9[%dma_wait3A_139, %dma_wait3A_140] : memref<128x128xf32, #tpu.memory_space<vmem>> -> memref<120x128xf32, #tpu.memory_space<vmem>>
      tpu.wait_dma2 semaphore(%run_scoped3A : memref<!tpu.dma_semaphore, #tpu.memory_space<semaphore_mem>>) src(%dma_wait3A_141 : memref<120x128xf32, #tpu.memory_space<vmem>>) dst(%dma_wait3A_138 : memref<120x128xf32, #tpu.memory_space<hbm>>)
      tpu.yield
    }) : () -> ()
    return
  }
}

#map = affine_map<(d0, d1) -> (0, 0)>
module attributes {stable_mosaic.version = 14 : i64} {
  func.func @body(%arg0: i32, %arg1: i32, %arg2: memref<2560x128xi32, #tpu.memory_space<hbm>>, %arg3: memref<128x128xf32, #tpu.memory_space<hbm>>, %arg4: memref<128x128xf32, #tpu.memory_space<hbm>>, %arg5: memref<20224x128xf32, #tpu.memory_space<hbm>>, %arg6: memref<80x128xi32, #tpu.memory_space<vmem>>, %arg7: memref<128x128xf32, #tpu.memory_space<vmem>>, %arg8: memref<10112x128xf32, #tpu.memory_space<vmem_shared>>, %arg9: memref<!tpu.dma_semaphore, #tpu.memory_space<semaphore_mem>>, %arg10: memref<!tpu.dma_semaphore, #tpu.memory_space<semaphore_mem>>) attributes {dimension_semantics = [#tpu.dimension_semantics<core_parallel>, #tpu.dimension_semantics<subcore_parallel>], iteration_bounds = array<i64: 2, 16>, scalar_prefetch = 0 : i64, scratch_operands = 5 : i64, tpu.core_type = #tpu.core_type<sc_vector_subcore>, window_params = [{transform_indices = #map}, {transform_indices = #map}, {transform_indices = #map}, {transform_indices = #map}]} {
    %mul3A = arith.constant 16 : i32
    %mul3A_0 = arith.muli %arg0, %mul3A : i32
    %add3A = arith.addi %mul3A_0, %arg1 : i32
    %mul3A_1 = arith.constant 80 : i32
    %mul3A_2 = arith.muli %add3A, %mul3A_1 : i32
    %mul3A_3 = arith.constant 632 : i32
    %mul3A_4 = arith.muli %arg1, %mul3A_3 : i32
    "tpu.region"() ({
      %run_scoped3A = tpu.sem_alloc : memref<!tpu.dma_semaphore, #tpu.memory_space<semaphore_mem>>
      tpu.enqueue_dma source(%arg4 : memref<128x128xf32, #tpu.memory_space<hbm>>) target(%arg7 : memref<128x128xf32, #tpu.memory_space<vmem>>) target_semaphore(%run_scoped3A : memref<!tpu.dma_semaphore, #tpu.memory_space<semaphore_mem>>)
      tpu.wait_dma2 semaphore(%run_scoped3A : memref<!tpu.dma_semaphore, #tpu.memory_space<semaphore_mem>>) src(%arg4 : memref<128x128xf32, #tpu.memory_space<hbm>>) dst(%arg7 : memref<128x128xf32, #tpu.memory_space<vmem>>)
      tpu.yield
    }) : () -> ()
    %add3A_5 = arith.constant 0 : i32
    %add3A_6 = arith.addi %mul3A_4, %add3A_5 : i32
    "tpu.region"() ({
      %run_scoped3A = tpu.sem_alloc : memref<!tpu.dma_semaphore, #tpu.memory_space<semaphore_mem>>
      %dma_start3A = arith.constant 0 : i32
      %dma_start3A_44 = arith.constant 0 : i32
      %dma_start3A_45 = tpu.memref_slice %arg7[%dma_start3A, %dma_start3A_44] : memref<128x128xf32, #tpu.memory_space<vmem>> -> memref<128x128xf32, #tpu.memory_space<vmem>>
      %dma_start3A_46 = arith.constant 0 : i32
      %dma_start3A_47 = tpu.memref_slice %arg8[%add3A_6, %dma_start3A_46] : memref<10112x128xf32, #tpu.memory_space<vmem_shared>> -> memref<128x128xf32, #tpu.memory_space<vmem_shared>>
      %dma_start3A_48 = arith.constant 0 : i32
      %dma_start3A_49 = tpu.memref_slice %arg8[%add3A_6, %dma_start3A_48] : memref<10112x128xf32, #tpu.memory_space<vmem_shared>> -> memref<128x128xf32, #tpu.memory_space<vmem_shared>>
      %dma_start3A_50 = arith.constant 0 : i32
      %dma_start3A_51 = arith.constant 0 : i32
      %dma_start3A_52 = tpu.memref_slice %arg7[%dma_start3A_50, %dma_start3A_51] : memref<128x128xf32, #tpu.memory_space<vmem>> -> memref<128x128xf32, #tpu.memory_space<vmem>>
      tpu.enqueue_dma source(%dma_start3A_52 : memref<128x128xf32, #tpu.memory_space<vmem>>) target(%dma_start3A_49 : memref<128x128xf32, #tpu.memory_space<vmem_shared>>) target_semaphore(%run_scoped3A : memref<!tpu.dma_semaphore, #tpu.memory_space<semaphore_mem>>)
      %dma_wait3A = arith.constant 0 : i32
      %dma_wait3A_53 = arith.constant 0 : i32
      %dma_wait3A_54 = tpu.memref_slice %arg7[%dma_wait3A, %dma_wait3A_53] : memref<128x128xf32, #tpu.memory_space<vmem>> -> memref<128x128xf32, #tpu.memory_space<vmem>>
      %dma_wait3A_55 = arith.constant 0 : i32
      %dma_wait3A_56 = tpu.memref_slice %arg8[%add3A_6, %dma_wait3A_55] : memref<10112x128xf32, #tpu.memory_space<vmem_shared>> -> memref<128x128xf32, #tpu.memory_space<vmem_shared>>
      %dma_wait3A_57 = arith.constant 0 : i32
      %dma_wait3A_58 = tpu.memref_slice %arg8[%add3A_6, %dma_wait3A_57] : memref<10112x128xf32, #tpu.memory_space<vmem_shared>> -> memref<128x128xf32, #tpu.memory_space<vmem_shared>>
      %dma_wait3A_59 = arith.constant 0 : i32
      %dma_wait3A_60 = arith.constant 0 : i32
      %dma_wait3A_61 = tpu.memref_slice %arg7[%dma_wait3A_59, %dma_wait3A_60] : memref<128x128xf32, #tpu.memory_space<vmem>> -> memref<128x128xf32, #tpu.memory_space<vmem>>
      tpu.wait_dma2 semaphore(%run_scoped3A : memref<!tpu.dma_semaphore, #tpu.memory_space<semaphore_mem>>) src(%dma_wait3A_61 : memref<128x128xf32, #tpu.memory_space<vmem>>) dst(%dma_wait3A_58 : memref<128x128xf32, #tpu.memory_space<vmem_shared>>)
      tpu.yield
    }) : () -> ()
    %add3A_7 = arith.constant 128 : i32
    %add3A_8 = arith.addi %mul3A_4, %add3A_7 : i32
    "tpu.region"() ({
      %run_scoped3A = tpu.sem_alloc : memref<!tpu.dma_semaphore, #tpu.memory_space<semaphore_mem>>
      %dma_start3A = arith.constant 0 : i32
      %dma_start3A_44 = arith.constant 0 : i32
      %dma_start3A_45 = tpu.memref_slice %arg7[%dma_start3A, %dma_start3A_44] : memref<128x128xf32, #tpu.memory_space<vmem>> -> memref<128x128xf32, #tpu.memory_space<vmem>>
      %dma_start3A_46 = arith.constant 0 : i32
      %dma_start3A_47 = tpu.memref_slice %arg8[%add3A_8, %dma_start3A_46] : memref<10112x128xf32, #tpu.memory_space<vmem_shared>> -> memref<128x128xf32, #tpu.memory_space<vmem_shared>>
      %dma_start3A_48 = arith.constant 0 : i32
      %dma_start3A_49 = tpu.memref_slice %arg8[%add3A_8, %dma_start3A_48] : memref<10112x128xf32, #tpu.memory_space<vmem_shared>> -> memref<128x128xf32, #tpu.memory_space<vmem_shared>>
      %dma_start3A_50 = arith.constant 0 : i32
      %dma_start3A_51 = arith.constant 0 : i32
      %dma_start3A_52 = tpu.memref_slice %arg7[%dma_start3A_50, %dma_start3A_51] : memref<128x128xf32, #tpu.memory_space<vmem>> -> memref<128x128xf32, #tpu.memory_space<vmem>>
      tpu.enqueue_dma source(%dma_start3A_52 : memref<128x128xf32, #tpu.memory_space<vmem>>) target(%dma_start3A_49 : memref<128x128xf32, #tpu.memory_space<vmem_shared>>) target_semaphore(%run_scoped3A : memref<!tpu.dma_semaphore, #tpu.memory_space<semaphore_mem>>)
      %dma_wait3A = arith.constant 0 : i32
      %dma_wait3A_53 = arith.constant 0 : i32
      %dma_wait3A_54 = tpu.memref_slice %arg7[%dma_wait3A, %dma_wait3A_53] : memref<128x128xf32, #tpu.memory_space<vmem>> -> memref<128x128xf32, #tpu.memory_space<vmem>>
      %dma_wait3A_55 = arith.constant 0 : i32
      %dma_wait3A_56 = tpu.memref_slice %arg8[%add3A_8, %dma_wait3A_55] : memref<10112x128xf32, #tpu.memory_space<vmem_shared>> -> memref<128x128xf32, #tpu.memory_space<vmem_shared>>
      %dma_wait3A_57 = arith.constant 0 : i32
      %dma_wait3A_58 = tpu.memref_slice %arg8[%add3A_8, %dma_wait3A_57] : memref<10112x128xf32, #tpu.memory_space<vmem_shared>> -> memref<128x128xf32, #tpu.memory_space<vmem_shared>>
      %dma_wait3A_59 = arith.constant 0 : i32
      %dma_wait3A_60 = arith.constant 0 : i32
      %dma_wait3A_61 = tpu.memref_slice %arg7[%dma_wait3A_59, %dma_wait3A_60] : memref<128x128xf32, #tpu.memory_space<vmem>> -> memref<128x128xf32, #tpu.memory_space<vmem>>
      tpu.wait_dma2 semaphore(%run_scoped3A : memref<!tpu.dma_semaphore, #tpu.memory_space<semaphore_mem>>) src(%dma_wait3A_61 : memref<128x128xf32, #tpu.memory_space<vmem>>) dst(%dma_wait3A_58 : memref<128x128xf32, #tpu.memory_space<vmem_shared>>)
      tpu.yield
    }) : () -> ()
    %add3A_9 = arith.constant 256 : i32
    %add3A_10 = arith.addi %mul3A_4, %add3A_9 : i32
    "tpu.region"() ({
      %run_scoped3A = tpu.sem_alloc : memref<!tpu.dma_semaphore, #tpu.memory_space<semaphore_mem>>
      %dma_start3A = arith.constant 0 : i32
      %dma_start3A_44 = arith.constant 0 : i32
      %dma_start3A_45 = tpu.memref_slice %arg7[%dma_start3A, %dma_start3A_44] : memref<128x128xf32, #tpu.memory_space<vmem>> -> memref<128x128xf32, #tpu.memory_space<vmem>>
      %dma_start3A_46 = arith.constant 0 : i32
      %dma_start3A_47 = tpu.memref_slice %arg8[%add3A_10, %dma_start3A_46] : memref<10112x128xf32, #tpu.memory_space<vmem_shared>> -> memref<128x128xf32, #tpu.memory_space<vmem_shared>>
      %dma_start3A_48 = arith.constant 0 : i32
      %dma_start3A_49 = tpu.memref_slice %arg8[%add3A_10, %dma_start3A_48] : memref<10112x128xf32, #tpu.memory_space<vmem_shared>> -> memref<128x128xf32, #tpu.memory_space<vmem_shared>>
      %dma_start3A_50 = arith.constant 0 : i32
      %dma_start3A_51 = arith.constant 0 : i32
      %dma_start3A_52 = tpu.memref_slice %arg7[%dma_start3A_50, %dma_start3A_51] : memref<128x128xf32, #tpu.memory_space<vmem>> -> memref<128x128xf32, #tpu.memory_space<vmem>>
      tpu.enqueue_dma source(%dma_start3A_52 : memref<128x128xf32, #tpu.memory_space<vmem>>) target(%dma_start3A_49 : memref<128x128xf32, #tpu.memory_space<vmem_shared>>) target_semaphore(%run_scoped3A : memref<!tpu.dma_semaphore, #tpu.memory_space<semaphore_mem>>)
      %dma_wait3A = arith.constant 0 : i32
      %dma_wait3A_53 = arith.constant 0 : i32
      %dma_wait3A_54 = tpu.memref_slice %arg7[%dma_wait3A, %dma_wait3A_53] : memref<128x128xf32, #tpu.memory_space<vmem>> -> memref<128x128xf32, #tpu.memory_space<vmem>>
      %dma_wait3A_55 = arith.constant 0 : i32
      %dma_wait3A_56 = tpu.memref_slice %arg8[%add3A_10, %dma_wait3A_55] : memref<10112x128xf32, #tpu.memory_space<vmem_shared>> -> memref<128x128xf32, #tpu.memory_space<vmem_shared>>
      %dma_wait3A_57 = arith.constant 0 : i32
      %dma_wait3A_58 = tpu.memref_slice %arg8[%add3A_10, %dma_wait3A_57] : memref<10112x128xf32, #tpu.memory_space<vmem_shared>> -> memref<128x128xf32, #tpu.memory_space<vmem_shared>>
      %dma_wait3A_59 = arith.constant 0 : i32
      %dma_wait3A_60 = arith.constant 0 : i32
      %dma_wait3A_61 = tpu.memref_slice %arg7[%dma_wait3A_59, %dma_wait3A_60] : memref<128x128xf32, #tpu.memory_space<vmem>> -> memref<128x128xf32, #tpu.memory_space<vmem>>
      tpu.wait_dma2 semaphore(%run_scoped3A : memref<!tpu.dma_semaphore, #tpu.memory_space<semaphore_mem>>) src(%dma_wait3A_61 : memref<128x128xf32, #tpu.memory_space<vmem>>) dst(%dma_wait3A_58 : memref<128x128xf32, #tpu.memory_space<vmem_shared>>)
      tpu.yield
    }) : () -> ()
    %add3A_11 = arith.constant 384 : i32
    %add3A_12 = arith.addi %mul3A_4, %add3A_11 : i32
    "tpu.region"() ({
      %run_scoped3A = tpu.sem_alloc : memref<!tpu.dma_semaphore, #tpu.memory_space<semaphore_mem>>
      %dma_start3A = arith.constant 0 : i32
      %dma_start3A_44 = arith.constant 0 : i32
      %dma_start3A_45 = tpu.memref_slice %arg7[%dma_start3A, %dma_start3A_44] : memref<128x128xf32, #tpu.memory_space<vmem>> -> memref<128x128xf32, #tpu.memory_space<vmem>>
      %dma_start3A_46 = arith.constant 0 : i32
      %dma_start3A_47 = tpu.memref_slice %arg8[%add3A_12, %dma_start3A_46] : memref<10112x128xf32, #tpu.memory_space<vmem_shared>> -> memref<128x128xf32, #tpu.memory_space<vmem_shared>>
      %dma_start3A_48 = arith.constant 0 : i32
      %dma_start3A_49 = tpu.memref_slice %arg8[%add3A_12, %dma_start3A_48] : memref<10112x128xf32, #tpu.memory_space<vmem_shared>> -> memref<128x128xf32, #tpu.memory_space<vmem_shared>>
      %dma_start3A_50 = arith.constant 0 : i32
      %dma_start3A_51 = arith.constant 0 : i32
      %dma_start3A_52 = tpu.memref_slice %arg7[%dma_start3A_50, %dma_start3A_51] : memref<128x128xf32, #tpu.memory_space<vmem>> -> memref<128x128xf32, #tpu.memory_space<vmem>>
      tpu.enqueue_dma source(%dma_start3A_52 : memref<128x128xf32, #tpu.memory_space<vmem>>) target(%dma_start3A_49 : memref<128x128xf32, #tpu.memory_space<vmem_shared>>) target_semaphore(%run_scoped3A : memref<!tpu.dma_semaphore, #tpu.memory_space<semaphore_mem>>)
      %dma_wait3A = arith.constant 0 : i32
      %dma_wait3A_53 = arith.constant 0 : i32
      %dma_wait3A_54 = tpu.memref_slice %arg7[%dma_wait3A, %dma_wait3A_53] : memref<128x128xf32, #tpu.memory_space<vmem>> -> memref<128x128xf32, #tpu.memory_space<vmem>>
      %dma_wait3A_55 = arith.constant 0 : i32
      %dma_wait3A_56 = tpu.memref_slice %arg8[%add3A_12, %dma_wait3A_55] : memref<10112x128xf32, #tpu.memory_space<vmem_shared>> -> memref<128x128xf32, #tpu.memory_space<vmem_shared>>
      %dma_wait3A_57 = arith.constant 0 : i32
      %dma_wait3A_58 = tpu.memref_slice %arg8[%add3A_12, %dma_wait3A_57] : memref<10112x128xf32, #tpu.memory_space<vmem_shared>> -> memref<128x128xf32, #tpu.memory_space<vmem_shared>>
      %dma_wait3A_59 = arith.constant 0 : i32
      %dma_wait3A_60 = arith.constant 0 : i32
      %dma_wait3A_61 = tpu.memref_slice %arg7[%dma_wait3A_59, %dma_wait3A_60] : memref<128x128xf32, #tpu.memory_space<vmem>> -> memref<128x128xf32, #tpu.memory_space<vmem>>
      tpu.wait_dma2 semaphore(%run_scoped3A : memref<!tpu.dma_semaphore, #tpu.memory_space<semaphore_mem>>) src(%dma_wait3A_61 : memref<128x128xf32, #tpu.memory_space<vmem>>) dst(%dma_wait3A_58 : memref<128x128xf32, #tpu.memory_space<vmem_shared>>)
      tpu.yield
    }) : () -> ()
    %add3A_13 = arith.constant 512 : i32
    %add3A_14 = arith.addi %mul3A_4, %add3A_13 : i32
    "tpu.region"() ({
      %run_scoped3A = tpu.sem_alloc : memref<!tpu.dma_semaphore, #tpu.memory_space<semaphore_mem>>
      %dma_start3A = arith.constant 0 : i32
      %dma_start3A_44 = arith.constant 0 : i32
      %dma_start3A_45 = tpu.memref_slice %arg7[%dma_start3A, %dma_start3A_44] : memref<128x128xf32, #tpu.memory_space<vmem>> -> memref<120x128xf32, #tpu.memory_space<vmem>>
      %dma_start3A_46 = arith.constant 0 : i32
      %dma_start3A_47 = tpu.memref_slice %arg8[%add3A_14, %dma_start3A_46] : memref<10112x128xf32, #tpu.memory_space<vmem_shared>> -> memref<120x128xf32, #tpu.memory_space<vmem_shared>>
      %dma_start3A_48 = arith.constant 0 : i32
      %dma_start3A_49 = tpu.memref_slice %arg8[%add3A_14, %dma_start3A_48] : memref<10112x128xf32, #tpu.memory_space<vmem_shared>> -> memref<120x128xf32, #tpu.memory_space<vmem_shared>>
      %dma_start3A_50 = arith.constant 0 : i32
      %dma_start3A_51 = arith.constant 0 : i32
      %dma_start3A_52 = tpu.memref_slice %arg7[%dma_start3A_50, %dma_start3A_51] : memref<128x128xf32, #tpu.memory_space<vmem>> -> memref<120x128xf32, #tpu.memory_space<vmem>>
      tpu.enqueue_dma source(%dma_start3A_52 : memref<120x128xf32, #tpu.memory_space<vmem>>) target(%dma_start3A_49 : memref<120x128xf32, #tpu.memory_space<vmem_shared>>) target_semaphore(%run_scoped3A : memref<!tpu.dma_semaphore, #tpu.memory_space<semaphore_mem>>)
      %dma_wait3A = arith.constant 0 : i32
      %dma_wait3A_53 = arith.constant 0 : i32
      %dma_wait3A_54 = tpu.memref_slice %arg7[%dma_wait3A, %dma_wait3A_53] : memref<128x128xf32, #tpu.memory_space<vmem>> -> memref<120x128xf32, #tpu.memory_space<vmem>>
      %dma_wait3A_55 = arith.constant 0 : i32
      %dma_wait3A_56 = tpu.memref_slice %arg8[%add3A_14, %dma_wait3A_55] : memref<10112x128xf32, #tpu.memory_space<vmem_shared>> -> memref<120x128xf32, #tpu.memory_space<vmem_shared>>
      %dma_wait3A_57 = arith.constant 0 : i32
      %dma_wait3A_58 = tpu.memref_slice %arg8[%add3A_14, %dma_wait3A_57] : memref<10112x128xf32, #tpu.memory_space<vmem_shared>> -> memref<120x128xf32, #tpu.memory_space<vmem_shared>>
      %dma_wait3A_59 = arith.constant 0 : i32
      %dma_wait3A_60 = arith.constant 0 : i32
      %dma_wait3A_61 = tpu.memref_slice %arg7[%dma_wait3A_59, %dma_wait3A_60] : memref<128x128xf32, #tpu.memory_space<vmem>> -> memref<120x128xf32, #tpu.memory_space<vmem>>
      tpu.wait_dma2 semaphore(%run_scoped3A : memref<!tpu.dma_semaphore, #tpu.memory_space<semaphore_mem>>) src(%dma_wait3A_61 : memref<120x128xf32, #tpu.memory_space<vmem>>) dst(%dma_wait3A_58 : memref<120x128xf32, #tpu.memory_space<vmem_shared>>)
      tpu.yield
    }) : () -> ()
    "tpu.region"() ({
      %run_scoped3A = tpu.sem_alloc : memref<!tpu.dma_semaphore, #tpu.memory_space<semaphore_mem>>
      %dma_start3A = arith.constant 0 : i32
      %dma_start3A_44 = tpu.memref_slice %arg2[%mul3A_2, %dma_start3A] : memref<2560x128xi32, #tpu.memory_space<hbm>> -> memref<80x128xi32, #tpu.memory_space<hbm>>
      %dma_start3A_45 = arith.constant 0 : i32
      %dma_start3A_46 = tpu.memref_slice %arg2[%mul3A_2, %dma_start3A_45] : memref<2560x128xi32, #tpu.memory_space<hbm>> -> memref<80x128xi32, #tpu.memory_space<hbm>>
      tpu.enqueue_dma source(%dma_start3A_46 : memref<80x128xi32, #tpu.memory_space<hbm>>) target(%arg6 : memref<80x128xi32, #tpu.memory_space<vmem>>) target_semaphore(%run_scoped3A : memref<!tpu.dma_semaphore, #tpu.memory_space<semaphore_mem>>)
      %dma_wait3A = arith.constant 0 : i32
      %dma_wait3A_47 = tpu.memref_slice %arg2[%mul3A_2, %dma_wait3A] : memref<2560x128xi32, #tpu.memory_space<hbm>> -> memref<80x128xi32, #tpu.memory_space<hbm>>
      %dma_wait3A_48 = arith.constant 0 : i32
      %dma_wait3A_49 = tpu.memref_slice %arg2[%mul3A_2, %dma_wait3A_48] : memref<2560x128xi32, #tpu.memory_space<hbm>> -> memref<80x128xi32, #tpu.memory_space<hbm>>
      tpu.wait_dma2 semaphore(%run_scoped3A : memref<!tpu.dma_semaphore, #tpu.memory_space<semaphore_mem>>) src(%dma_wait3A_49 : memref<80x128xi32, #tpu.memory_space<hbm>>) dst(%arg6 : memref<80x128xi32, #tpu.memory_space<vmem>>)
      tpu.yield
    }) : () -> ()
    "tpu.region"() ({
      %run_scoped3A = tpu.sem_alloc : memref<!tpu.dma_semaphore, #tpu.memory_space<semaphore_mem>>
      tpu.enqueue_dma source(%arg3 : memref<128x128xf32, #tpu.memory_space<hbm>>) target(%arg7 : memref<128x128xf32, #tpu.memory_space<vmem>>) target_semaphore(%run_scoped3A : memref<!tpu.dma_semaphore, #tpu.memory_space<semaphore_mem>>)
      tpu.wait_dma2 semaphore(%run_scoped3A : memref<!tpu.dma_semaphore, #tpu.memory_space<semaphore_mem>>) src(%arg3 : memref<128x128xf32, #tpu.memory_space<hbm>>) dst(%arg7 : memref<128x128xf32, #tpu.memory_space<vmem>>)
      tpu.yield
    }) : () -> ()
    %barrier3A = arith.constant 0 : index
    tpu.barrier barrier_id(%barrier3A)
    %scan3A = arith.constant 0 : i32
    %scan3A_15 = arith.constant 0 : i32
    %scan3A_16 = arith.constant 10 : i32
    %scan3A_17 = arith.addi %scan3A_15, %scan3A_16 : i32
    %scan3A_18 = arith.constant 1 : i32
    scf.for %scan3A_44 = %scan3A_15 to %scan3A_17 step %scan3A_18  : i32 {
      %mul3A_45 = arith.constant 8 : i32
      %mul3A_46 = arith.muli %scan3A_44, %mul3A_45 : i32
      %add3A_47 = arith.constant 0 : i32
      %add3A_48 = arith.addi %mul3A_46, %add3A_47 : i32
      %dma_start3A = arith.constant 0 : i32
      %dma_start3A_49 = tpu.memref_slice %arg6[%add3A_48, %dma_start3A] : memref<80x128xi32, #tpu.memory_space<vmem>> -> memref<1x128xi32, #tpu.memory_space<vmem>>
      %dma_start3A_50 = tpu.memref_squeeze %dma_start3A_49 : memref<1x128xi32, #tpu.memory_space<vmem>> -> memref<128xi32, #tpu.memory_space<vmem>>
      %dma_start3A_51 = arith.constant 0 : i32
      %dma_start3A_52 = arith.constant 0 : i32
      %dma_start3A_53 = tpu.memref_slice %arg8[%dma_start3A_51, %dma_start3A_52] : memref<10112x128xf32, #tpu.memory_space<vmem_shared>> -> memref<10112x128xf32, #tpu.memory_space<vmem_shared>>
      tpu.enqueue_indirect_dma source(%arg7 : memref<128x128xf32, #tpu.memory_space<vmem>>) target(%dma_start3A_53 : memref<10112x128xf32, #tpu.memory_space<vmem_shared>>) offsets(%dma_start3A_50 : memref<128xi32, #tpu.memory_space<vmem>>) semaphore(%arg10 : memref<!tpu.dma_semaphore, #tpu.memory_space<semaphore_mem>>) {add = true}
      %add3A_54 = arith.constant 1 : i32
      %add3A_55 = arith.addi %mul3A_46, %add3A_54 : i32
      %dma_start3A_56 = arith.constant 0 : i32
      %dma_start3A_57 = tpu.memref_slice %arg6[%add3A_55, %dma_start3A_56] : memref<80x128xi32, #tpu.memory_space<vmem>> -> memref<1x128xi32, #tpu.memory_space<vmem>>
      %dma_start3A_58 = tpu.memref_squeeze %dma_start3A_57 : memref<1x128xi32, #tpu.memory_space<vmem>> -> memref<128xi32, #tpu.memory_space<vmem>>
      %dma_start3A_59 = arith.constant 0 : i32
      %dma_start3A_60 = arith.constant 0 : i32
      %dma_start3A_61 = tpu.memref_slice %arg8[%dma_start3A_59, %dma_start3A_60] : memref<10112x128xf32, #tpu.memory_space<vmem_shared>> -> memref<10112x128xf32, #tpu.memory_space<vmem_shared>>
      tpu.enqueue_indirect_dma source(%arg7 : memref<128x128xf32, #tpu.memory_space<vmem>>) target(%dma_start3A_61 : memref<10112x128xf32, #tpu.memory_space<vmem_shared>>) offsets(%dma_start3A_58 : memref<128xi32, #tpu.memory_space<vmem>>) semaphore(%arg10 : memref<!tpu.dma_semaphore, #tpu.memory_space<semaphore_mem>>) {add = true}
      %add3A_62 = arith.constant 2 : i32
      %add3A_63 = arith.addi %mul3A_46, %add3A_62 : i32
      %dma_start3A_64 = arith.constant 0 : i32
      %dma_start3A_65 = tpu.memref_slice %arg6[%add3A_63, %dma_start3A_64] : memref<80x128xi32, #tpu.memory_space<vmem>> -> memref<1x128xi32, #tpu.memory_space<vmem>>
      %dma_start3A_66 = tpu.memref_squeeze %dma_start3A_65 : memref<1x128xi32, #tpu.memory_space<vmem>> -> memref<128xi32, #tpu.memory_space<vmem>>
      %dma_start3A_67 = arith.constant 0 : i32
      %dma_start3A_68 = arith.constant 0 : i32
      %dma_start3A_69 = tpu.memref_slice %arg8[%dma_start3A_67, %dma_start3A_68] : memref<10112x128xf32, #tpu.memory_space<vmem_shared>> -> memref<10112x128xf32, #tpu.memory_space<vmem_shared>>
      tpu.enqueue_indirect_dma source(%arg7 : memref<128x128xf32, #tpu.memory_space<vmem>>) target(%dma_start3A_69 : memref<10112x128xf32, #tpu.memory_space<vmem_shared>>) offsets(%dma_start3A_66 : memref<128xi32, #tpu.memory_space<vmem>>) semaphore(%arg10 : memref<!tpu.dma_semaphore, #tpu.memory_space<semaphore_mem>>) {add = true}
      %add3A_70 = arith.constant 3 : i32
      %add3A_71 = arith.addi %mul3A_46, %add3A_70 : i32
      %dma_start3A_72 = arith.constant 0 : i32
      %dma_start3A_73 = tpu.memref_slice %arg6[%add3A_71, %dma_start3A_72] : memref<80x128xi32, #tpu.memory_space<vmem>> -> memref<1x128xi32, #tpu.memory_space<vmem>>
      %dma_start3A_74 = tpu.memref_squeeze %dma_start3A_73 : memref<1x128xi32, #tpu.memory_space<vmem>> -> memref<128xi32, #tpu.memory_space<vmem>>
      %dma_start3A_75 = arith.constant 0 : i32
      %dma_start3A_76 = arith.constant 0 : i32
      %dma_start3A_77 = tpu.memref_slice %arg8[%dma_start3A_75, %dma_start3A_76] : memref<10112x128xf32, #tpu.memory_space<vmem_shared>> -> memref<10112x128xf32, #tpu.memory_space<vmem_shared>>
      tpu.enqueue_indirect_dma source(%arg7 : memref<128x128xf32, #tpu.memory_space<vmem>>) target(%dma_start3A_77 : memref<10112x128xf32, #tpu.memory_space<vmem_shared>>) offsets(%dma_start3A_74 : memref<128xi32, #tpu.memory_space<vmem>>) semaphore(%arg10 : memref<!tpu.dma_semaphore, #tpu.memory_space<semaphore_mem>>) {add = true}
      %add3A_78 = arith.constant 4 : i32
      %add3A_79 = arith.addi %mul3A_46, %add3A_78 : i32
      %dma_start3A_80 = arith.constant 0 : i32
      %dma_start3A_81 = tpu.memref_slice %arg6[%add3A_79, %dma_start3A_80] : memref<80x128xi32, #tpu.memory_space<vmem>> -> memref<1x128xi32, #tpu.memory_space<vmem>>
      %dma_start3A_82 = tpu.memref_squeeze %dma_start3A_81 : memref<1x128xi32, #tpu.memory_space<vmem>> -> memref<128xi32, #tpu.memory_space<vmem>>
      %dma_start3A_83 = arith.constant 0 : i32
      %dma_start3A_84 = arith.constant 0 : i32
      %dma_start3A_85 = tpu.memref_slice %arg8[%dma_start3A_83, %dma_start3A_84] : memref<10112x128xf32, #tpu.memory_space<vmem_shared>> -> memref<10112x128xf32, #tpu.memory_space<vmem_shared>>
      tpu.enqueue_indirect_dma source(%arg7 : memref<128x128xf32, #tpu.memory_space<vmem>>) target(%dma_start3A_85 : memref<10112x128xf32, #tpu.memory_space<vmem_shared>>) offsets(%dma_start3A_82 : memref<128xi32, #tpu.memory_space<vmem>>) semaphore(%arg10 : memref<!tpu.dma_semaphore, #tpu.memory_space<semaphore_mem>>) {add = true}
      %add3A_86 = arith.constant 5 : i32
      %add3A_87 = arith.addi %mul3A_46, %add3A_86 : i32
      %dma_start3A_88 = arith.constant 0 : i32
      %dma_start3A_89 = tpu.memref_slice %arg6[%add3A_87, %dma_start3A_88] : memref<80x128xi32, #tpu.memory_space<vmem>> -> memref<1x128xi32, #tpu.memory_space<vmem>>
      %dma_start3A_90 = tpu.memref_squeeze %dma_start3A_89 : memref<1x128xi32, #tpu.memory_space<vmem>> -> memref<128xi32, #tpu.memory_space<vmem>>
      %dma_start3A_91 = arith.constant 0 : i32
      %dma_start3A_92 = arith.constant 0 : i32
      %dma_start3A_93 = tpu.memref_slice %arg8[%dma_start3A_91, %dma_start3A_92] : memref<10112x128xf32, #tpu.memory_space<vmem_shared>> -> memref<10112x128xf32, #tpu.memory_space<vmem_shared>>
      tpu.enqueue_indirect_dma source(%arg7 : memref<128x128xf32, #tpu.memory_space<vmem>>) target(%dma_start3A_93 : memref<10112x128xf32, #tpu.memory_space<vmem_shared>>) offsets(%dma_start3A_90 : memref<128xi32, #tpu.memory_space<vmem>>) semaphore(%arg10 : memref<!tpu.dma_semaphore, #tpu.memory_space<semaphore_mem>>) {add = true}
      %add3A_94 = arith.constant 6 : i32
      %add3A_95 = arith.addi %mul3A_46, %add3A_94 : i32
      %dma_start3A_96 = arith.constant 0 : i32
      %dma_start3A_97 = tpu.memref_slice %arg6[%add3A_95, %dma_start3A_96] : memref<80x128xi32, #tpu.memory_space<vmem>> -> memref<1x128xi32, #tpu.memory_space<vmem>>
      %dma_start3A_98 = tpu.memref_squeeze %dma_start3A_97 : memref<1x128xi32, #tpu.memory_space<vmem>> -> memref<128xi32, #tpu.memory_space<vmem>>
      %dma_start3A_99 = arith.constant 0 : i32
      %dma_start3A_100 = arith.constant 0 : i32
      %dma_start3A_101 = tpu.memref_slice %arg8[%dma_start3A_99, %dma_start3A_100] : memref<10112x128xf32, #tpu.memory_space<vmem_shared>> -> memref<10112x128xf32, #tpu.memory_space<vmem_shared>>
      tpu.enqueue_indirect_dma source(%arg7 : memref<128x128xf32, #tpu.memory_space<vmem>>) target(%dma_start3A_101 : memref<10112x128xf32, #tpu.memory_space<vmem_shared>>) offsets(%dma_start3A_98 : memref<128xi32, #tpu.memory_space<vmem>>) semaphore(%arg10 : memref<!tpu.dma_semaphore, #tpu.memory_space<semaphore_mem>>) {add = true}
      %add3A_102 = arith.constant 7 : i32
      %add3A_103 = arith.addi %mul3A_46, %add3A_102 : i32
      %dma_start3A_104 = arith.constant 0 : i32
      %dma_start3A_105 = tpu.memref_slice %arg6[%add3A_103, %dma_start3A_104] : memref<80x128xi32, #tpu.memory_space<vmem>> -> memref<1x128xi32, #tpu.memory_space<vmem>>
      %dma_start3A_106 = tpu.memref_squeeze %dma_start3A_105 : memref<1x128xi32, #tpu.memory_space<vmem>> -> memref<128xi32, #tpu.memory_space<vmem>>
      %dma_start3A_107 = arith.constant 0 : i32
      %dma_start3A_108 = arith.constant 0 : i32
      %dma_start3A_109 = tpu.memref_slice %arg8[%dma_start3A_107, %dma_start3A_108] : memref<10112x128xf32, #tpu.memory_space<vmem_shared>> -> memref<10112x128xf32, #tpu.memory_space<vmem_shared>>
      tpu.enqueue_indirect_dma source(%arg7 : memref<128x128xf32, #tpu.memory_space<vmem>>) target(%dma_start3A_109 : memref<10112x128xf32, #tpu.memory_space<vmem_shared>>) offsets(%dma_start3A_106 : memref<128xi32, #tpu.memory_space<vmem>>) semaphore(%arg10 : memref<!tpu.dma_semaphore, #tpu.memory_space<semaphore_mem>>) {add = true}
      tpu.wait_dma2 semaphore(%arg10 : memref<!tpu.dma_semaphore, #tpu.memory_space<semaphore_mem>>) src(%arg4 : memref<128x128xf32, #tpu.memory_space<hbm>>) dst(%arg7 : memref<128x128xf32, #tpu.memory_space<vmem>>)
      tpu.wait_dma2 semaphore(%arg10 : memref<!tpu.dma_semaphore, #tpu.memory_space<semaphore_mem>>) src(%arg4 : memref<128x128xf32, #tpu.memory_space<hbm>>) dst(%arg7 : memref<128x128xf32, #tpu.memory_space<vmem>>)
      tpu.wait_dma2 semaphore(%arg10 : memref<!tpu.dma_semaphore, #tpu.memory_space<semaphore_mem>>) src(%arg4 : memref<128x128xf32, #tpu.memory_space<hbm>>) dst(%arg7 : memref<128x128xf32, #tpu.memory_space<vmem>>)
      tpu.wait_dma2 semaphore(%arg10 : memref<!tpu.dma_semaphore, #tpu.memory_space<semaphore_mem>>) src(%arg4 : memref<128x128xf32, #tpu.memory_space<hbm>>) dst(%arg7 : memref<128x128xf32, #tpu.memory_space<vmem>>)
      tpu.wait_dma2 semaphore(%arg10 : memref<!tpu.dma_semaphore, #tpu.memory_space<semaphore_mem>>) src(%arg4 : memref<128x128xf32, #tpu.memory_space<hbm>>) dst(%arg7 : memref<128x128xf32, #tpu.memory_space<vmem>>)
      tpu.wait_dma2 semaphore(%arg10 : memref<!tpu.dma_semaphore, #tpu.memory_space<semaphore_mem>>) src(%arg4 : memref<128x128xf32, #tpu.memory_space<hbm>>) dst(%arg7 : memref<128x128xf32, #tpu.memory_space<vmem>>)
      tpu.wait_dma2 semaphore(%arg10 : memref<!tpu.dma_semaphore, #tpu.memory_space<semaphore_mem>>) src(%arg4 : memref<128x128xf32, #tpu.memory_space<hbm>>) dst(%arg7 : memref<128x128xf32, #tpu.memory_space<vmem>>)
      tpu.wait_dma2 semaphore(%arg10 : memref<!tpu.dma_semaphore, #tpu.memory_space<semaphore_mem>>) src(%arg4 : memref<128x128xf32, #tpu.memory_space<hbm>>) dst(%arg7 : memref<128x128xf32, #tpu.memory_space<vmem>>)
    }
    %scan3A_19 = arith.constant 10 : i32
    %barrier3A_20 = arith.constant 0 : index
    tpu.barrier barrier_id(%barrier3A_20)
    %mul3A_21 = arith.constant 10112 : i32
    %mul3A_22 = arith.muli %arg0, %mul3A_21 : i32
    %add3A_23 = arith.addi %mul3A_22, %mul3A_4 : i32
    %add3A_24 = arith.constant 0 : i32
    %add3A_25 = arith.addi %mul3A_4, %add3A_24 : i32
    "tpu.region"() ({
      %run_scoped3A = tpu.sem_alloc : memref<!tpu.dma_semaphore, #tpu.memory_space<semaphore_mem>>
      %dma_start3A = arith.constant 0 : i32
      %dma_start3A_44 = arith.constant 0 : i32
      %dma_start3A_45 = tpu.memref_slice %arg7[%dma_start3A, %dma_start3A_44] : memref<128x128xf32, #tpu.memory_space<vmem>> -> memref<128x128xf32, #tpu.memory_space<vmem>>
      %dma_start3A_46 = arith.constant 0 : i32
      %dma_start3A_47 = tpu.memref_slice %arg8[%add3A_25, %dma_start3A_46] : memref<10112x128xf32, #tpu.memory_space<vmem_shared>> -> memref<128x128xf32, #tpu.memory_space<vmem_shared>>
      %dma_start3A_48 = arith.constant 0 : i32
      %dma_start3A_49 = arith.constant 0 : i32
      %dma_start3A_50 = tpu.memref_slice %arg7[%dma_start3A_48, %dma_start3A_49] : memref<128x128xf32, #tpu.memory_space<vmem>> -> memref<128x128xf32, #tpu.memory_space<vmem>>
      %dma_start3A_51 = arith.constant 0 : i32
      %dma_start3A_52 = tpu.memref_slice %arg8[%add3A_25, %dma_start3A_51] : memref<10112x128xf32, #tpu.memory_space<vmem_shared>> -> memref<128x128xf32, #tpu.memory_space<vmem_shared>>
      tpu.enqueue_dma source(%dma_start3A_52 : memref<128x128xf32, #tpu.memory_space<vmem_shared>>) target(%dma_start3A_50 : memref<128x128xf32, #tpu.memory_space<vmem>>) target_semaphore(%run_scoped3A : memref<!tpu.dma_semaphore, #tpu.memory_space<semaphore_mem>>)
      %dma_wait3A = arith.constant 0 : i32
      %dma_wait3A_53 = arith.constant 0 : i32
      %dma_wait3A_54 = tpu.memref_slice %arg7[%dma_wait3A, %dma_wait3A_53] : memref<128x128xf32, #tpu.memory_space<vmem>> -> memref<128x128xf32, #tpu.memory_space<vmem>>
      %dma_wait3A_55 = arith.constant 0 : i32
      %dma_wait3A_56 = tpu.memref_slice %arg8[%add3A_25, %dma_wait3A_55] : memref<10112x128xf32, #tpu.memory_space<vmem_shared>> -> memref<128x128xf32, #tpu.memory_space<vmem_shared>>
      %dma_wait3A_57 = arith.constant 0 : i32
      %dma_wait3A_58 = arith.constant 0 : i32
      %dma_wait3A_59 = tpu.memref_slice %arg7[%dma_wait3A_57, %dma_wait3A_58] : memref<128x128xf32, #tpu.memory_space<vmem>> -> memref<128x128xf32, #tpu.memory_space<vmem>>
      %dma_wait3A_60 = arith.constant 0 : i32
      %dma_wait3A_61 = tpu.memref_slice %arg8[%add3A_25, %dma_wait3A_60] : memref<10112x128xf32, #tpu.memory_space<vmem_shared>> -> memref<128x128xf32, #tpu.memory_space<vmem_shared>>
      tpu.wait_dma2 semaphore(%run_scoped3A : memref<!tpu.dma_semaphore, #tpu.memory_space<semaphore_mem>>) src(%dma_wait3A_61 : memref<128x128xf32, #tpu.memory_space<vmem_shared>>) dst(%dma_wait3A_59 : memref<128x128xf32, #tpu.memory_space<vmem>>)
      tpu.yield
    }) : () -> ()
    %add3A_26 = arith.constant 0 : i32
    %add3A_27 = arith.addi %add3A_23, %add3A_26 : i32
    "tpu.region"() ({
      %run_scoped3A = tpu.sem_alloc : memref<!tpu.dma_semaphore, #tpu.memory_space<semaphore_mem>>
      %dma_start3A = arith.constant 0 : i32
      %dma_start3A_44 = arith.constant 0 : i32
      %dma_start3A_45 = tpu.memref_slice %arg7[%dma_start3A, %dma_start3A_44] : memref<128x128xf32, #tpu.memory_space<vmem>> -> memref<128x128xf32, #tpu.memory_space<vmem>>
      %dma_start3A_46 = arith.constant 0 : i32
      %dma_start3A_47 = tpu.memref_slice %arg5[%add3A_27, %dma_start3A_46] : memref<20224x128xf32, #tpu.memory_space<hbm>> -> memref<128x128xf32, #tpu.memory_space<hbm>>
      %dma_start3A_48 = arith.constant 0 : i32
      %dma_start3A_49 = tpu.memref_slice %arg5[%add3A_27, %dma_start3A_48] : memref<20224x128xf32, #tpu.memory_space<hbm>> -> memref<128x128xf32, #tpu.memory_space<hbm>>
      %dma_start3A_50 = arith.constant 0 : i32
      %dma_start3A_51 = arith.constant 0 : i32
      %dma_start3A_52 = tpu.memref_slice %arg7[%dma_start3A_50, %dma_start3A_51] : memref<128x128xf32, #tpu.memory_space<vmem>> -> memref<128x128xf32, #tpu.memory_space<vmem>>
      tpu.enqueue_dma source(%dma_start3A_52 : memref<128x128xf32, #tpu.memory_space<vmem>>) target(%dma_start3A_49 : memref<128x128xf32, #tpu.memory_space<hbm>>) target_semaphore(%run_scoped3A : memref<!tpu.dma_semaphore, #tpu.memory_space<semaphore_mem>>)
      %dma_wait3A = arith.constant 0 : i32
      %dma_wait3A_53 = arith.constant 0 : i32
      %dma_wait3A_54 = tpu.memref_slice %arg7[%dma_wait3A, %dma_wait3A_53] : memref<128x128xf32, #tpu.memory_space<vmem>> -> memref<128x128xf32, #tpu.memory_space<vmem>>
      %dma_wait3A_55 = arith.constant 0 : i32
      %dma_wait3A_56 = tpu.memref_slice %arg5[%add3A_27, %dma_wait3A_55] : memref<20224x128xf32, #tpu.memory_space<hbm>> -> memref<128x128xf32, #tpu.memory_space<hbm>>
      %dma_wait3A_57 = arith.constant 0 : i32
      %dma_wait3A_58 = tpu.memref_slice %arg5[%add3A_27, %dma_wait3A_57] : memref<20224x128xf32, #tpu.memory_space<hbm>> -> memref<128x128xf32, #tpu.memory_space<hbm>>
      %dma_wait3A_59 = arith.constant 0 : i32
      %dma_wait3A_60 = arith.constant 0 : i32
      %dma_wait3A_61 = tpu.memref_slice %arg7[%dma_wait3A_59, %dma_wait3A_60] : memref<128x128xf32, #tpu.memory_space<vmem>> -> memref<128x128xf32, #tpu.memory_space<vmem>>
      tpu.wait_dma2 semaphore(%run_scoped3A : memref<!tpu.dma_semaphore, #tpu.memory_space<semaphore_mem>>) src(%dma_wait3A_61 : memref<128x128xf32, #tpu.memory_space<vmem>>) dst(%dma_wait3A_58 : memref<128x128xf32, #tpu.memory_space<hbm>>)
      tpu.yield
    }) : () -> ()
    %add3A_28 = arith.constant 128 : i32
    %add3A_29 = arith.addi %mul3A_4, %add3A_28 : i32
    "tpu.region"() ({
      %run_scoped3A = tpu.sem_alloc : memref<!tpu.dma_semaphore, #tpu.memory_space<semaphore_mem>>
      %dma_start3A = arith.constant 0 : i32
      %dma_start3A_44 = arith.constant 0 : i32
      %dma_start3A_45 = tpu.memref_slice %arg7[%dma_start3A, %dma_start3A_44] : memref<128x128xf32, #tpu.memory_space<vmem>> -> memref<128x128xf32, #tpu.memory_space<vmem>>
      %dma_start3A_46 = arith.constant 0 : i32
      %dma_start3A_47 = tpu.memref_slice %arg8[%add3A_29, %dma_start3A_46] : memref<10112x128xf32, #tpu.memory_space<vmem_shared>> -> memref<128x128xf32, #tpu.memory_space<vmem_shared>>
      %dma_start3A_48 = arith.constant 0 : i32
      %dma_start3A_49 = arith.constant 0 : i32
      %dma_start3A_50 = tpu.memref_slice %arg7[%dma_start3A_48, %dma_start3A_49] : memref<128x128xf32, #tpu.memory_space<vmem>> -> memref<128x128xf32, #tpu.memory_space<vmem>>
      %dma_start3A_51 = arith.constant 0 : i32
      %dma_start3A_52 = tpu.memref_slice %arg8[%add3A_29, %dma_start3A_51] : memref<10112x128xf32, #tpu.memory_space<vmem_shared>> -> memref<128x128xf32, #tpu.memory_space<vmem_shared>>
      tpu.enqueue_dma source(%dma_start3A_52 : memref<128x128xf32, #tpu.memory_space<vmem_shared>>) target(%dma_start3A_50 : memref<128x128xf32, #tpu.memory_space<vmem>>) target_semaphore(%run_scoped3A : memref<!tpu.dma_semaphore, #tpu.memory_space<semaphore_mem>>)
      %dma_wait3A = arith.constant 0 : i32
      %dma_wait3A_53 = arith.constant 0 : i32
      %dma_wait3A_54 = tpu.memref_slice %arg7[%dma_wait3A, %dma_wait3A_53] : memref<128x128xf32, #tpu.memory_space<vmem>> -> memref<128x128xf32, #tpu.memory_space<vmem>>
      %dma_wait3A_55 = arith.constant 0 : i32
      %dma_wait3A_56 = tpu.memref_slice %arg8[%add3A_29, %dma_wait3A_55] : memref<10112x128xf32, #tpu.memory_space<vmem_shared>> -> memref<128x128xf32, #tpu.memory_space<vmem_shared>>
      %dma_wait3A_57 = arith.constant 0 : i32
      %dma_wait3A_58 = arith.constant 0 : i32
      %dma_wait3A_59 = tpu.memref_slice %arg7[%dma_wait3A_57, %dma_wait3A_58] : memref<128x128xf32, #tpu.memory_space<vmem>> -> memref<128x128xf32, #tpu.memory_space<vmem>>
      %dma_wait3A_60 = arith.constant 0 : i32
      %dma_wait3A_61 = tpu.memref_slice %arg8[%add3A_29, %dma_wait3A_60] : memref<10112x128xf32, #tpu.memory_space<vmem_shared>> -> memref<128x128xf32, #tpu.memory_space<vmem_shared>>
      tpu.wait_dma2 semaphore(%run_scoped3A : memref<!tpu.dma_semaphore, #tpu.memory_space<semaphore_mem>>) src(%dma_wait3A_61 : memref<128x128xf32, #tpu.memory_space<vmem_shared>>) dst(%dma_wait3A_59 : memref<128x128xf32, #tpu.memory_space<vmem>>)
      tpu.yield
    }) : () -> ()
    %add3A_30 = arith.constant 128 : i32
    %add3A_31 = arith.addi %add3A_23, %add3A_30 : i32
    "tpu.region"() ({
      %run_scoped3A = tpu.sem_alloc : memref<!tpu.dma_semaphore, #tpu.memory_space<semaphore_mem>>
      %dma_start3A = arith.constant 0 : i32
      %dma_start3A_44 = arith.constant 0 : i32
      %dma_start3A_45 = tpu.memref_slice %arg7[%dma_start3A, %dma_start3A_44] : memref<128x128xf32, #tpu.memory_space<vmem>> -> memref<128x128xf32, #tpu.memory_space<vmem>>
      %dma_start3A_46 = arith.constant 0 : i32
      %dma_start3A_47 = tpu.memref_slice %arg5[%add3A_31, %dma_start3A_46] : memref<20224x128xf32, #tpu.memory_space<hbm>> -> memref<128x128xf32, #tpu.memory_space<hbm>>
      %dma_start3A_48 = arith.constant 0 : i32
      %dma_start3A_49 = tpu.memref_slice %arg5[%add3A_31, %dma_start3A_48] : memref<20224x128xf32, #tpu.memory_space<hbm>> -> memref<128x128xf32, #tpu.memory_space<hbm>>
      %dma_start3A_50 = arith.constant 0 : i32
      %dma_start3A_51 = arith.constant 0 : i32
      %dma_start3A_52 = tpu.memref_slice %arg7[%dma_start3A_50, %dma_start3A_51] : memref<128x128xf32, #tpu.memory_space<vmem>> -> memref<128x128xf32, #tpu.memory_space<vmem>>
      tpu.enqueue_dma source(%dma_start3A_52 : memref<128x128xf32, #tpu.memory_space<vmem>>) target(%dma_start3A_49 : memref<128x128xf32, #tpu.memory_space<hbm>>) target_semaphore(%run_scoped3A : memref<!tpu.dma_semaphore, #tpu.memory_space<semaphore_mem>>)
      %dma_wait3A = arith.constant 0 : i32
      %dma_wait3A_53 = arith.constant 0 : i32
      %dma_wait3A_54 = tpu.memref_slice %arg7[%dma_wait3A, %dma_wait3A_53] : memref<128x128xf32, #tpu.memory_space<vmem>> -> memref<128x128xf32, #tpu.memory_space<vmem>>
      %dma_wait3A_55 = arith.constant 0 : i32
      %dma_wait3A_56 = tpu.memref_slice %arg5[%add3A_31, %dma_wait3A_55] : memref<20224x128xf32, #tpu.memory_space<hbm>> -> memref<128x128xf32, #tpu.memory_space<hbm>>
      %dma_wait3A_57 = arith.constant 0 : i32
      %dma_wait3A_58 = tpu.memref_slice %arg5[%add3A_31, %dma_wait3A_57] : memref<20224x128xf32, #tpu.memory_space<hbm>> -> memref<128x128xf32, #tpu.memory_space<hbm>>
      %dma_wait3A_59 = arith.constant 0 : i32
      %dma_wait3A_60 = arith.constant 0 : i32
      %dma_wait3A_61 = tpu.memref_slice %arg7[%dma_wait3A_59, %dma_wait3A_60] : memref<128x128xf32, #tpu.memory_space<vmem>> -> memref<128x128xf32, #tpu.memory_space<vmem>>
      tpu.wait_dma2 semaphore(%run_scoped3A : memref<!tpu.dma_semaphore, #tpu.memory_space<semaphore_mem>>) src(%dma_wait3A_61 : memref<128x128xf32, #tpu.memory_space<vmem>>) dst(%dma_wait3A_58 : memref<128x128xf32, #tpu.memory_space<hbm>>)
      tpu.yield
    }) : () -> ()
    %add3A_32 = arith.constant 256 : i32
    %add3A_33 = arith.addi %mul3A_4, %add3A_32 : i32
    "tpu.region"() ({
      %run_scoped3A = tpu.sem_alloc : memref<!tpu.dma_semaphore, #tpu.memory_space<semaphore_mem>>
      %dma_start3A = arith.constant 0 : i32
      %dma_start3A_44 = arith.constant 0 : i32
      %dma_start3A_45 = tpu.memref_slice %arg7[%dma_start3A, %dma_start3A_44] : memref<128x128xf32, #tpu.memory_space<vmem>> -> memref<128x128xf32, #tpu.memory_space<vmem>>
      %dma_start3A_46 = arith.constant 0 : i32
      %dma_start3A_47 = tpu.memref_slice %arg8[%add3A_33, %dma_start3A_46] : memref<10112x128xf32, #tpu.memory_space<vmem_shared>> -> memref<128x128xf32, #tpu.memory_space<vmem_shared>>
      %dma_start3A_48 = arith.constant 0 : i32
      %dma_start3A_49 = arith.constant 0 : i32
      %dma_start3A_50 = tpu.memref_slice %arg7[%dma_start3A_48, %dma_start3A_49] : memref<128x128xf32, #tpu.memory_space<vmem>> -> memref<128x128xf32, #tpu.memory_space<vmem>>
      %dma_start3A_51 = arith.constant 0 : i32
      %dma_start3A_52 = tpu.memref_slice %arg8[%add3A_33, %dma_start3A_51] : memref<10112x128xf32, #tpu.memory_space<vmem_shared>> -> memref<128x128xf32, #tpu.memory_space<vmem_shared>>
      tpu.enqueue_dma source(%dma_start3A_52 : memref<128x128xf32, #tpu.memory_space<vmem_shared>>) target(%dma_start3A_50 : memref<128x128xf32, #tpu.memory_space<vmem>>) target_semaphore(%run_scoped3A : memref<!tpu.dma_semaphore, #tpu.memory_space<semaphore_mem>>)
      %dma_wait3A = arith.constant 0 : i32
      %dma_wait3A_53 = arith.constant 0 : i32
      %dma_wait3A_54 = tpu.memref_slice %arg7[%dma_wait3A, %dma_wait3A_53] : memref<128x128xf32, #tpu.memory_space<vmem>> -> memref<128x128xf32, #tpu.memory_space<vmem>>
      %dma_wait3A_55 = arith.constant 0 : i32
      %dma_wait3A_56 = tpu.memref_slice %arg8[%add3A_33, %dma_wait3A_55] : memref<10112x128xf32, #tpu.memory_space<vmem_shared>> -> memref<128x128xf32, #tpu.memory_space<vmem_shared>>
      %dma_wait3A_57 = arith.constant 0 : i32
      %dma_wait3A_58 = arith.constant 0 : i32
      %dma_wait3A_59 = tpu.memref_slice %arg7[%dma_wait3A_57, %dma_wait3A_58] : memref<128x128xf32, #tpu.memory_space<vmem>> -> memref<128x128xf32, #tpu.memory_space<vmem>>
      %dma_wait3A_60 = arith.constant 0 : i32
      %dma_wait3A_61 = tpu.memref_slice %arg8[%add3A_33, %dma_wait3A_60] : memref<10112x128xf32, #tpu.memory_space<vmem_shared>> -> memref<128x128xf32, #tpu.memory_space<vmem_shared>>
      tpu.wait_dma2 semaphore(%run_scoped3A : memref<!tpu.dma_semaphore, #tpu.memory_space<semaphore_mem>>) src(%dma_wait3A_61 : memref<128x128xf32, #tpu.memory_space<vmem_shared>>) dst(%dma_wait3A_59 : memref<128x128xf32, #tpu.memory_space<vmem>>)
      tpu.yield
    }) : () -> ()
    %add3A_34 = arith.constant 256 : i32
    %add3A_35 = arith.addi %add3A_23, %add3A_34 : i32
    "tpu.region"() ({
      %run_scoped3A = tpu.sem_alloc : memref<!tpu.dma_semaphore, #tpu.memory_space<semaphore_mem>>
      %dma_start3A = arith.constant 0 : i32
      %dma_start3A_44 = arith.constant 0 : i32
      %dma_start3A_45 = tpu.memref_slice %arg7[%dma_start3A, %dma_start3A_44] : memref<128x128xf32, #tpu.memory_space<vmem>> -> memref<128x128xf32, #tpu.memory_space<vmem>>
      %dma_start3A_46 = arith.constant 0 : i32
      %dma_start3A_47 = tpu.memref_slice %arg5[%add3A_35, %dma_start3A_46] : memref<20224x128xf32, #tpu.memory_space<hbm>> -> memref<128x128xf32, #tpu.memory_space<hbm>>
      %dma_start3A_48 = arith.constant 0 : i32
      %dma_start3A_49 = tpu.memref_slice %arg5[%add3A_35, %dma_start3A_48] : memref<20224x128xf32, #tpu.memory_space<hbm>> -> memref<128x128xf32, #tpu.memory_space<hbm>>
      %dma_start3A_50 = arith.constant 0 : i32
      %dma_start3A_51 = arith.constant 0 : i32
      %dma_start3A_52 = tpu.memref_slice %arg7[%dma_start3A_50, %dma_start3A_51] : memref<128x128xf32, #tpu.memory_space<vmem>> -> memref<128x128xf32, #tpu.memory_space<vmem>>
      tpu.enqueue_dma source(%dma_start3A_52 : memref<128x128xf32, #tpu.memory_space<vmem>>) target(%dma_start3A_49 : memref<128x128xf32, #tpu.memory_space<hbm>>) target_semaphore(%run_scoped3A : memref<!tpu.dma_semaphore, #tpu.memory_space<semaphore_mem>>)
      %dma_wait3A = arith.constant 0 : i32
      %dma_wait3A_53 = arith.constant 0 : i32
      %dma_wait3A_54 = tpu.memref_slice %arg7[%dma_wait3A, %dma_wait3A_53] : memref<128x128xf32, #tpu.memory_space<vmem>> -> memref<128x128xf32, #tpu.memory_space<vmem>>
      %dma_wait3A_55 = arith.constant 0 : i32
      %dma_wait3A_56 = tpu.memref_slice %arg5[%add3A_35, %dma_wait3A_55] : memref<20224x128xf32, #tpu.memory_space<hbm>> -> memref<128x128xf32, #tpu.memory_space<hbm>>
      %dma_wait3A_57 = arith.constant 0 : i32
      %dma_wait3A_58 = tpu.memref_slice %arg5[%add3A_35, %dma_wait3A_57] : memref<20224x128xf32, #tpu.memory_space<hbm>> -> memref<128x128xf32, #tpu.memory_space<hbm>>
      %dma_wait3A_59 = arith.constant 0 : i32
      %dma_wait3A_60 = arith.constant 0 : i32
      %dma_wait3A_61 = tpu.memref_slice %arg7[%dma_wait3A_59, %dma_wait3A_60] : memref<128x128xf32, #tpu.memory_space<vmem>> -> memref<128x128xf32, #tpu.memory_space<vmem>>
      tpu.wait_dma2 semaphore(%run_scoped3A : memref<!tpu.dma_semaphore, #tpu.memory_space<semaphore_mem>>) src(%dma_wait3A_61 : memref<128x128xf32, #tpu.memory_space<vmem>>) dst(%dma_wait3A_58 : memref<128x128xf32, #tpu.memory_space<hbm>>)
      tpu.yield
    }) : () -> ()
    %add3A_36 = arith.constant 384 : i32
    %add3A_37 = arith.addi %mul3A_4, %add3A_36 : i32
    "tpu.region"() ({
      %run_scoped3A = tpu.sem_alloc : memref<!tpu.dma_semaphore, #tpu.memory_space<semaphore_mem>>
      %dma_start3A = arith.constant 0 : i32
      %dma_start3A_44 = arith.constant 0 : i32
      %dma_start3A_45 = tpu.memref_slice %arg7[%dma_start3A, %dma_start3A_44] : memref<128x128xf32, #tpu.memory_space<vmem>> -> memref<128x128xf32, #tpu.memory_space<vmem>>
      %dma_start3A_46 = arith.constant 0 : i32
      %dma_start3A_47 = tpu.memref_slice %arg8[%add3A_37, %dma_start3A_46] : memref<10112x128xf32, #tpu.memory_space<vmem_shared>> -> memref<128x128xf32, #tpu.memory_space<vmem_shared>>
      %dma_start3A_48 = arith.constant 0 : i32
      %dma_start3A_49 = arith.constant 0 : i32
      %dma_start3A_50 = tpu.memref_slice %arg7[%dma_start3A_48, %dma_start3A_49] : memref<128x128xf32, #tpu.memory_space<vmem>> -> memref<128x128xf32, #tpu.memory_space<vmem>>
      %dma_start3A_51 = arith.constant 0 : i32
      %dma_start3A_52 = tpu.memref_slice %arg8[%add3A_37, %dma_start3A_51] : memref<10112x128xf32, #tpu.memory_space<vmem_shared>> -> memref<128x128xf32, #tpu.memory_space<vmem_shared>>
      tpu.enqueue_dma source(%dma_start3A_52 : memref<128x128xf32, #tpu.memory_space<vmem_shared>>) target(%dma_start3A_50 : memref<128x128xf32, #tpu.memory_space<vmem>>) target_semaphore(%run_scoped3A : memref<!tpu.dma_semaphore, #tpu.memory_space<semaphore_mem>>)
      %dma_wait3A = arith.constant 0 : i32
      %dma_wait3A_53 = arith.constant 0 : i32
      %dma_wait3A_54 = tpu.memref_slice %arg7[%dma_wait3A, %dma_wait3A_53] : memref<128x128xf32, #tpu.memory_space<vmem>> -> memref<128x128xf32, #tpu.memory_space<vmem>>
      %dma_wait3A_55 = arith.constant 0 : i32
      %dma_wait3A_56 = tpu.memref_slice %arg8[%add3A_37, %dma_wait3A_55] : memref<10112x128xf32, #tpu.memory_space<vmem_shared>> -> memref<128x128xf32, #tpu.memory_space<vmem_shared>>
      %dma_wait3A_57 = arith.constant 0 : i32
      %dma_wait3A_58 = arith.constant 0 : i32
      %dma_wait3A_59 = tpu.memref_slice %arg7[%dma_wait3A_57, %dma_wait3A_58] : memref<128x128xf32, #tpu.memory_space<vmem>> -> memref<128x128xf32, #tpu.memory_space<vmem>>
      %dma_wait3A_60 = arith.constant 0 : i32
      %dma_wait3A_61 = tpu.memref_slice %arg8[%add3A_37, %dma_wait3A_60] : memref<10112x128xf32, #tpu.memory_space<vmem_shared>> -> memref<128x128xf32, #tpu.memory_space<vmem_shared>>
      tpu.wait_dma2 semaphore(%run_scoped3A : memref<!tpu.dma_semaphore, #tpu.memory_space<semaphore_mem>>) src(%dma_wait3A_61 : memref<128x128xf32, #tpu.memory_space<vmem_shared>>) dst(%dma_wait3A_59 : memref<128x128xf32, #tpu.memory_space<vmem>>)
      tpu.yield
    }) : () -> ()
    %add3A_38 = arith.constant 384 : i32
    %add3A_39 = arith.addi %add3A_23, %add3A_38 : i32
    "tpu.region"() ({
      %run_scoped3A = tpu.sem_alloc : memref<!tpu.dma_semaphore, #tpu.memory_space<semaphore_mem>>
      %dma_start3A = arith.constant 0 : i32
      %dma_start3A_44 = arith.constant 0 : i32
      %dma_start3A_45 = tpu.memref_slice %arg7[%dma_start3A, %dma_start3A_44] : memref<128x128xf32, #tpu.memory_space<vmem>> -> memref<128x128xf32, #tpu.memory_space<vmem>>
      %dma_start3A_46 = arith.constant 0 : i32
      %dma_start3A_47 = tpu.memref_slice %arg5[%add3A_39, %dma_start3A_46] : memref<20224x128xf32, #tpu.memory_space<hbm>> -> memref<128x128xf32, #tpu.memory_space<hbm>>
      %dma_start3A_48 = arith.constant 0 : i32
      %dma_start3A_49 = tpu.memref_slice %arg5[%add3A_39, %dma_start3A_48] : memref<20224x128xf32, #tpu.memory_space<hbm>> -> memref<128x128xf32, #tpu.memory_space<hbm>>
      %dma_start3A_50 = arith.constant 0 : i32
      %dma_start3A_51 = arith.constant 0 : i32
      %dma_start3A_52 = tpu.memref_slice %arg7[%dma_start3A_50, %dma_start3A_51] : memref<128x128xf32, #tpu.memory_space<vmem>> -> memref<128x128xf32, #tpu.memory_space<vmem>>
      tpu.enqueue_dma source(%dma_start3A_52 : memref<128x128xf32, #tpu.memory_space<vmem>>) target(%dma_start3A_49 : memref<128x128xf32, #tpu.memory_space<hbm>>) target_semaphore(%run_scoped3A : memref<!tpu.dma_semaphore, #tpu.memory_space<semaphore_mem>>)
      %dma_wait3A = arith.constant 0 : i32
      %dma_wait3A_53 = arith.constant 0 : i32
      %dma_wait3A_54 = tpu.memref_slice %arg7[%dma_wait3A, %dma_wait3A_53] : memref<128x128xf32, #tpu.memory_space<vmem>> -> memref<128x128xf32, #tpu.memory_space<vmem>>
      %dma_wait3A_55 = arith.constant 0 : i32
      %dma_wait3A_56 = tpu.memref_slice %arg5[%add3A_39, %dma_wait3A_55] : memref<20224x128xf32, #tpu.memory_space<hbm>> -> memref<128x128xf32, #tpu.memory_space<hbm>>
      %dma_wait3A_57 = arith.constant 0 : i32
      %dma_wait3A_58 = tpu.memref_slice %arg5[%add3A_39, %dma_wait3A_57] : memref<20224x128xf32, #tpu.memory_space<hbm>> -> memref<128x128xf32, #tpu.memory_space<hbm>>
      %dma_wait3A_59 = arith.constant 0 : i32
      %dma_wait3A_60 = arith.constant 0 : i32
      %dma_wait3A_61 = tpu.memref_slice %arg7[%dma_wait3A_59, %dma_wait3A_60] : memref<128x128xf32, #tpu.memory_space<vmem>> -> memref<128x128xf32, #tpu.memory_space<vmem>>
      tpu.wait_dma2 semaphore(%run_scoped3A : memref<!tpu.dma_semaphore, #tpu.memory_space<semaphore_mem>>) src(%dma_wait3A_61 : memref<128x128xf32, #tpu.memory_space<vmem>>) dst(%dma_wait3A_58 : memref<128x128xf32, #tpu.memory_space<hbm>>)
      tpu.yield
    }) : () -> ()
    %add3A_40 = arith.constant 512 : i32
    %add3A_41 = arith.addi %mul3A_4, %add3A_40 : i32
    "tpu.region"() ({
      %run_scoped3A = tpu.sem_alloc : memref<!tpu.dma_semaphore, #tpu.memory_space<semaphore_mem>>
      %dma_start3A = arith.constant 0 : i32
      %dma_start3A_44 = arith.constant 0 : i32
      %dma_start3A_45 = tpu.memref_slice %arg7[%dma_start3A, %dma_start3A_44] : memref<128x128xf32, #tpu.memory_space<vmem>> -> memref<120x128xf32, #tpu.memory_space<vmem>>
      %dma_start3A_46 = arith.constant 0 : i32
      %dma_start3A_47 = tpu.memref_slice %arg8[%add3A_41, %dma_start3A_46] : memref<10112x128xf32, #tpu.memory_space<vmem_shared>> -> memref<120x128xf32, #tpu.memory_space<vmem_shared>>
      %dma_start3A_48 = arith.constant 0 : i32
      %dma_start3A_49 = arith.constant 0 : i32
      %dma_start3A_50 = tpu.memref_slice %arg7[%dma_start3A_48, %dma_start3A_49] : memref<128x128xf32, #tpu.memory_space<vmem>> -> memref<120x128xf32, #tpu.memory_space<vmem>>
      %dma_start3A_51 = arith.constant 0 : i32
      %dma_start3A_52 = tpu.memref_slice %arg8[%add3A_41, %dma_start3A_51] : memref<10112x128xf32, #tpu.memory_space<vmem_shared>> -> memref<120x128xf32, #tpu.memory_space<vmem_shared>>
      tpu.enqueue_dma source(%dma_start3A_52 : memref<120x128xf32, #tpu.memory_space<vmem_shared>>) target(%dma_start3A_50 : memref<120x128xf32, #tpu.memory_space<vmem>>) target_semaphore(%run_scoped3A : memref<!tpu.dma_semaphore, #tpu.memory_space<semaphore_mem>>)
      %dma_wait3A = arith.constant 0 : i32
      %dma_wait3A_53 = arith.constant 0 : i32
      %dma_wait3A_54 = tpu.memref_slice %arg7[%dma_wait3A, %dma_wait3A_53] : memref<128x128xf32, #tpu.memory_space<vmem>> -> memref<120x128xf32, #tpu.memory_space<vmem>>
      %dma_wait3A_55 = arith.constant 0 : i32
      %dma_wait3A_56 = tpu.memref_slice %arg8[%add3A_41, %dma_wait3A_55] : memref<10112x128xf32, #tpu.memory_space<vmem_shared>> -> memref<120x128xf32, #tpu.memory_space<vmem_shared>>
      %dma_wait3A_57 = arith.constant 0 : i32
      %dma_wait3A_58 = arith.constant 0 : i32
      %dma_wait3A_59 = tpu.memref_slice %arg7[%dma_wait3A_57, %dma_wait3A_58] : memref<128x128xf32, #tpu.memory_space<vmem>> -> memref<120x128xf32, #tpu.memory_space<vmem>>
      %dma_wait3A_60 = arith.constant 0 : i32
      %dma_wait3A_61 = tpu.memref_slice %arg8[%add3A_41, %dma_wait3A_60] : memref<10112x128xf32, #tpu.memory_space<vmem_shared>> -> memref<120x128xf32, #tpu.memory_space<vmem_shared>>
      tpu.wait_dma2 semaphore(%run_scoped3A : memref<!tpu.dma_semaphore, #tpu.memory_space<semaphore_mem>>) src(%dma_wait3A_61 : memref<120x128xf32, #tpu.memory_space<vmem_shared>>) dst(%dma_wait3A_59 : memref<120x128xf32, #tpu.memory_space<vmem>>)
      tpu.yield
    }) : () -> ()
    %add3A_42 = arith.constant 512 : i32
    %add3A_43 = arith.addi %add3A_23, %add3A_42 : i32
    "tpu.region"() ({
      %run_scoped3A = tpu.sem_alloc : memref<!tpu.dma_semaphore, #tpu.memory_space<semaphore_mem>>
      %dma_start3A = arith.constant 0 : i32
      %dma_start3A_44 = arith.constant 0 : i32
      %dma_start3A_45 = tpu.memref_slice %arg7[%dma_start3A, %dma_start3A_44] : memref<128x128xf32, #tpu.memory_space<vmem>> -> memref<120x128xf32, #tpu.memory_space<vmem>>
      %dma_start3A_46 = arith.constant 0 : i32
      %dma_start3A_47 = tpu.memref_slice %arg5[%add3A_43, %dma_start3A_46] : memref<20224x128xf32, #tpu.memory_space<hbm>> -> memref<120x128xf32, #tpu.memory_space<hbm>>
      %dma_start3A_48 = arith.constant 0 : i32
      %dma_start3A_49 = tpu.memref_slice %arg5[%add3A_43, %dma_start3A_48] : memref<20224x128xf32, #tpu.memory_space<hbm>> -> memref<120x128xf32, #tpu.memory_space<hbm>>
      %dma_start3A_50 = arith.constant 0 : i32
      %dma_start3A_51 = arith.constant 0 : i32
      %dma_start3A_52 = tpu.memref_slice %arg7[%dma_start3A_50, %dma_start3A_51] : memref<128x128xf32, #tpu.memory_space<vmem>> -> memref<120x128xf32, #tpu.memory_space<vmem>>
      tpu.enqueue_dma source(%dma_start3A_52 : memref<120x128xf32, #tpu.memory_space<vmem>>) target(%dma_start3A_49 : memref<120x128xf32, #tpu.memory_space<hbm>>) target_semaphore(%run_scoped3A : memref<!tpu.dma_semaphore, #tpu.memory_space<semaphore_mem>>)
      %dma_wait3A = arith.constant 0 : i32
      %dma_wait3A_53 = arith.constant 0 : i32
      %dma_wait3A_54 = tpu.memref_slice %arg7[%dma_wait3A, %dma_wait3A_53] : memref<128x128xf32, #tpu.memory_space<vmem>> -> memref<120x128xf32, #tpu.memory_space<vmem>>
      %dma_wait3A_55 = arith.constant 0 : i32
      %dma_wait3A_56 = tpu.memref_slice %arg5[%add3A_43, %dma_wait3A_55] : memref<20224x128xf32, #tpu.memory_space<hbm>> -> memref<120x128xf32, #tpu.memory_space<hbm>>
      %dma_wait3A_57 = arith.constant 0 : i32
      %dma_wait3A_58 = tpu.memref_slice %arg5[%add3A_43, %dma_wait3A_57] : memref<20224x128xf32, #tpu.memory_space<hbm>> -> memref<120x128xf32, #tpu.memory_space<hbm>>
      %dma_wait3A_59 = arith.constant 0 : i32
      %dma_wait3A_60 = arith.constant 0 : i32
      %dma_wait3A_61 = tpu.memref_slice %arg7[%dma_wait3A_59, %dma_wait3A_60] : memref<128x128xf32, #tpu.memory_space<vmem>> -> memref<120x128xf32, #tpu.memory_space<vmem>>
      tpu.wait_dma2 semaphore(%run_scoped3A : memref<!tpu.dma_semaphore, #tpu.memory_space<semaphore_mem>>) src(%dma_wait3A_61 : memref<120x128xf32, #tpu.memory_space<vmem>>) dst(%dma_wait3A_58 : memref<120x128xf32, #tpu.memory_space<hbm>>)
      tpu.yield
    }) : () -> ()
    return
  }
}

#map = affine_map<(d0, d1) -> (0, 0)>
module attributes {stable_mosaic.version = 14 : i64} {
  func.func @body(%arg0: i32, %arg1: i32, %arg2: memref<2560x128xi32, #tpu.memory_space<hbm>>, %arg3: memref<2560x128xi32, #tpu.memory_space<hbm>>, %arg4: memref<10000x128xf32, #tpu.memory_space<hbm>>, %arg5: memref<128x128xf32, #tpu.memory_space<hbm>>, %arg6: memref<20224x128xf32, #tpu.memory_space<hbm>>, %arg7: memref<40x128xi32, #tpu.memory_space<vmem>>, %arg8: memref<40x128xi32, #tpu.memory_space<vmem>>, %arg9: memref<128x128xf32, #tpu.memory_space<vmem>>, %arg10: memref<128x128xf32, #tpu.memory_space<vmem>>, %arg11: memref<10112x128xf32, #tpu.memory_space<vmem_shared>>, %arg12: memref<!tpu.dma_semaphore, #tpu.memory_space<semaphore_mem>>, %arg13: memref<!tpu.dma_semaphore, #tpu.memory_space<semaphore_mem>>, %arg14: memref<!tpu.dma_semaphore, #tpu.memory_space<semaphore_mem>>, %arg15: memref<!tpu.dma_semaphore, #tpu.memory_space<semaphore_mem>>) attributes {dimension_semantics = [#tpu.dimension_semantics<core_parallel>, #tpu.dimension_semantics<subcore_parallel>], iteration_bounds = array<i64: 2, 16>, scalar_prefetch = 0 : i64, scratch_operands = 9 : i64, tpu.core_type = #tpu.core_type<sc_vector_subcore>, window_params = [{transform_indices = #map}, {transform_indices = #map}, {transform_indices = #map}, {transform_indices = #map}, {transform_indices = #map}]} {
    %mul3A = arith.constant 16 : i32
    %mul3A_0 = arith.muli %arg0, %mul3A : i32
    %add3A = arith.addi %mul3A_0, %arg1 : i32
    %mul3A_1 = arith.constant 80 : i32
    %mul3A_2 = arith.muli %add3A, %mul3A_1 : i32
    %mul3A_3 = arith.constant 632 : i32
    %mul3A_4 = arith.muli %arg1, %mul3A_3 : i32
    "tpu.region"() ({
      %run_scoped3A = tpu.sem_alloc : memref<!tpu.dma_semaphore, #tpu.memory_space<semaphore_mem>>
      tpu.enqueue_dma source(%arg5 : memref<128x128xf32, #tpu.memory_space<hbm>>) target(%arg9 : memref<128x128xf32, #tpu.memory_space<vmem>>) target_semaphore(%run_scoped3A : memref<!tpu.dma_semaphore, #tpu.memory_space<semaphore_mem>>)
      tpu.wait_dma2 semaphore(%run_scoped3A : memref<!tpu.dma_semaphore, #tpu.memory_space<semaphore_mem>>) src(%arg5 : memref<128x128xf32, #tpu.memory_space<hbm>>) dst(%arg9 : memref<128x128xf32, #tpu.memory_space<vmem>>)
      tpu.yield
    }) : () -> ()
    %add3A_5 = arith.constant 0 : i32
    %add3A_6 = arith.addi %mul3A_4, %add3A_5 : i32
    "tpu.region"() ({
      %run_scoped3A = tpu.sem_alloc : memref<!tpu.dma_semaphore, #tpu.memory_space<semaphore_mem>>
      %dma_start3A_123 = arith.constant 0 : i32
      %dma_start3A_124 = arith.constant 0 : i32
      %dma_start3A_125 = tpu.memref_slice %arg9[%dma_start3A_123, %dma_start3A_124] : memref<128x128xf32, #tpu.memory_space<vmem>> -> memref<128x128xf32, #tpu.memory_space<vmem>>
      %dma_start3A_126 = arith.constant 0 : i32
      %dma_start3A_127 = tpu.memref_slice %arg11[%add3A_6, %dma_start3A_126] : memref<10112x128xf32, #tpu.memory_space<vmem_shared>> -> memref<128x128xf32, #tpu.memory_space<vmem_shared>>
      %dma_start3A_128 = arith.constant 0 : i32
      %dma_start3A_129 = tpu.memref_slice %arg11[%add3A_6, %dma_start3A_128] : memref<10112x128xf32, #tpu.memory_space<vmem_shared>> -> memref<128x128xf32, #tpu.memory_space<vmem_shared>>
      %dma_start3A_130 = arith.constant 0 : i32
      %dma_start3A_131 = arith.constant 0 : i32
      %dma_start3A_132 = tpu.memref_slice %arg9[%dma_start3A_130, %dma_start3A_131] : memref<128x128xf32, #tpu.memory_space<vmem>> -> memref<128x128xf32, #tpu.memory_space<vmem>>
      tpu.enqueue_dma source(%dma_start3A_132 : memref<128x128xf32, #tpu.memory_space<vmem>>) target(%dma_start3A_129 : memref<128x128xf32, #tpu.memory_space<vmem_shared>>) target_semaphore(%run_scoped3A : memref<!tpu.dma_semaphore, #tpu.memory_space<semaphore_mem>>)
      %dma_wait3A = arith.constant 0 : i32
      %dma_wait3A_133 = arith.constant 0 : i32
      %dma_wait3A_134 = tpu.memref_slice %arg9[%dma_wait3A, %dma_wait3A_133] : memref<128x128xf32, #tpu.memory_space<vmem>> -> memref<128x128xf32, #tpu.memory_space<vmem>>
      %dma_wait3A_135 = arith.constant 0 : i32
      %dma_wait3A_136 = tpu.memref_slice %arg11[%add3A_6, %dma_wait3A_135] : memref<10112x128xf32, #tpu.memory_space<vmem_shared>> -> memref<128x128xf32, #tpu.memory_space<vmem_shared>>
      %dma_wait3A_137 = arith.constant 0 : i32
      %dma_wait3A_138 = tpu.memref_slice %arg11[%add3A_6, %dma_wait3A_137] : memref<10112x128xf32, #tpu.memory_space<vmem_shared>> -> memref<128x128xf32, #tpu.memory_space<vmem_shared>>
      %dma_wait3A_139 = arith.constant 0 : i32
      %dma_wait3A_140 = arith.constant 0 : i32
      %dma_wait3A_141 = tpu.memref_slice %arg9[%dma_wait3A_139, %dma_wait3A_140] : memref<128x128xf32, #tpu.memory_space<vmem>> -> memref<128x128xf32, #tpu.memory_space<vmem>>
      tpu.wait_dma2 semaphore(%run_scoped3A : memref<!tpu.dma_semaphore, #tpu.memory_space<semaphore_mem>>) src(%dma_wait3A_141 : memref<128x128xf32, #tpu.memory_space<vmem>>) dst(%dma_wait3A_138 : memref<128x128xf32, #tpu.memory_space<vmem_shared>>)
      tpu.yield
    }) : () -> ()
    %add3A_7 = arith.constant 128 : i32
    %add3A_8 = arith.addi %mul3A_4, %add3A_7 : i32
    "tpu.region"() ({
      %run_scoped3A = tpu.sem_alloc : memref<!tpu.dma_semaphore, #tpu.memory_space<semaphore_mem>>
      %dma_start3A_123 = arith.constant 0 : i32
      %dma_start3A_124 = arith.constant 0 : i32
      %dma_start3A_125 = tpu.memref_slice %arg9[%dma_start3A_123, %dma_start3A_124] : memref<128x128xf32, #tpu.memory_space<vmem>> -> memref<128x128xf32, #tpu.memory_space<vmem>>
      %dma_start3A_126 = arith.constant 0 : i32
      %dma_start3A_127 = tpu.memref_slice %arg11[%add3A_8, %dma_start3A_126] : memref<10112x128xf32, #tpu.memory_space<vmem_shared>> -> memref<128x128xf32, #tpu.memory_space<vmem_shared>>
      %dma_start3A_128 = arith.constant 0 : i32
      %dma_start3A_129 = tpu.memref_slice %arg11[%add3A_8, %dma_start3A_128] : memref<10112x128xf32, #tpu.memory_space<vmem_shared>> -> memref<128x128xf32, #tpu.memory_space<vmem_shared>>
      %dma_start3A_130 = arith.constant 0 : i32
      %dma_start3A_131 = arith.constant 0 : i32
      %dma_start3A_132 = tpu.memref_slice %arg9[%dma_start3A_130, %dma_start3A_131] : memref<128x128xf32, #tpu.memory_space<vmem>> -> memref<128x128xf32, #tpu.memory_space<vmem>>
      tpu.enqueue_dma source(%dma_start3A_132 : memref<128x128xf32, #tpu.memory_space<vmem>>) target(%dma_start3A_129 : memref<128x128xf32, #tpu.memory_space<vmem_shared>>) target_semaphore(%run_scoped3A : memref<!tpu.dma_semaphore, #tpu.memory_space<semaphore_mem>>)
      %dma_wait3A = arith.constant 0 : i32
      %dma_wait3A_133 = arith.constant 0 : i32
      %dma_wait3A_134 = tpu.memref_slice %arg9[%dma_wait3A, %dma_wait3A_133] : memref<128x128xf32, #tpu.memory_space<vmem>> -> memref<128x128xf32, #tpu.memory_space<vmem>>
      %dma_wait3A_135 = arith.constant 0 : i32
      %dma_wait3A_136 = tpu.memref_slice %arg11[%add3A_8, %dma_wait3A_135] : memref<10112x128xf32, #tpu.memory_space<vmem_shared>> -> memref<128x128xf32, #tpu.memory_space<vmem_shared>>
      %dma_wait3A_137 = arith.constant 0 : i32
      %dma_wait3A_138 = tpu.memref_slice %arg11[%add3A_8, %dma_wait3A_137] : memref<10112x128xf32, #tpu.memory_space<vmem_shared>> -> memref<128x128xf32, #tpu.memory_space<vmem_shared>>
      %dma_wait3A_139 = arith.constant 0 : i32
      %dma_wait3A_140 = arith.constant 0 : i32
      %dma_wait3A_141 = tpu.memref_slice %arg9[%dma_wait3A_139, %dma_wait3A_140] : memref<128x128xf32, #tpu.memory_space<vmem>> -> memref<128x128xf32, #tpu.memory_space<vmem>>
      tpu.wait_dma2 semaphore(%run_scoped3A : memref<!tpu.dma_semaphore, #tpu.memory_space<semaphore_mem>>) src(%dma_wait3A_141 : memref<128x128xf32, #tpu.memory_space<vmem>>) dst(%dma_wait3A_138 : memref<128x128xf32, #tpu.memory_space<vmem_shared>>)
      tpu.yield
    }) : () -> ()
    %add3A_9 = arith.constant 256 : i32
    %add3A_10 = arith.addi %mul3A_4, %add3A_9 : i32
    "tpu.region"() ({
      %run_scoped3A = tpu.sem_alloc : memref<!tpu.dma_semaphore, #tpu.memory_space<semaphore_mem>>
      %dma_start3A_123 = arith.constant 0 : i32
      %dma_start3A_124 = arith.constant 0 : i32
      %dma_start3A_125 = tpu.memref_slice %arg9[%dma_start3A_123, %dma_start3A_124] : memref<128x128xf32, #tpu.memory_space<vmem>> -> memref<128x128xf32, #tpu.memory_space<vmem>>
      %dma_start3A_126 = arith.constant 0 : i32
      %dma_start3A_127 = tpu.memref_slice %arg11[%add3A_10, %dma_start3A_126] : memref<10112x128xf32, #tpu.memory_space<vmem_shared>> -> memref<128x128xf32, #tpu.memory_space<vmem_shared>>
      %dma_start3A_128 = arith.constant 0 : i32
      %dma_start3A_129 = tpu.memref_slice %arg11[%add3A_10, %dma_start3A_128] : memref<10112x128xf32, #tpu.memory_space<vmem_shared>> -> memref<128x128xf32, #tpu.memory_space<vmem_shared>>
      %dma_start3A_130 = arith.constant 0 : i32
      %dma_start3A_131 = arith.constant 0 : i32
      %dma_start3A_132 = tpu.memref_slice %arg9[%dma_start3A_130, %dma_start3A_131] : memref<128x128xf32, #tpu.memory_space<vmem>> -> memref<128x128xf32, #tpu.memory_space<vmem>>
      tpu.enqueue_dma source(%dma_start3A_132 : memref<128x128xf32, #tpu.memory_space<vmem>>) target(%dma_start3A_129 : memref<128x128xf32, #tpu.memory_space<vmem_shared>>) target_semaphore(%run_scoped3A : memref<!tpu.dma_semaphore, #tpu.memory_space<semaphore_mem>>)
      %dma_wait3A = arith.constant 0 : i32
      %dma_wait3A_133 = arith.constant 0 : i32
      %dma_wait3A_134 = tpu.memref_slice %arg9[%dma_wait3A, %dma_wait3A_133] : memref<128x128xf32, #tpu.memory_space<vmem>> -> memref<128x128xf32, #tpu.memory_space<vmem>>
      %dma_wait3A_135 = arith.constant 0 : i32
      %dma_wait3A_136 = tpu.memref_slice %arg11[%add3A_10, %dma_wait3A_135] : memref<10112x128xf32, #tpu.memory_space<vmem_shared>> -> memref<128x128xf32, #tpu.memory_space<vmem_shared>>
      %dma_wait3A_137 = arith.constant 0 : i32
      %dma_wait3A_138 = tpu.memref_slice %arg11[%add3A_10, %dma_wait3A_137] : memref<10112x128xf32, #tpu.memory_space<vmem_shared>> -> memref<128x128xf32, #tpu.memory_space<vmem_shared>>
      %dma_wait3A_139 = arith.constant 0 : i32
      %dma_wait3A_140 = arith.constant 0 : i32
      %dma_wait3A_141 = tpu.memref_slice %arg9[%dma_wait3A_139, %dma_wait3A_140] : memref<128x128xf32, #tpu.memory_space<vmem>> -> memref<128x128xf32, #tpu.memory_space<vmem>>
      tpu.wait_dma2 semaphore(%run_scoped3A : memref<!tpu.dma_semaphore, #tpu.memory_space<semaphore_mem>>) src(%dma_wait3A_141 : memref<128x128xf32, #tpu.memory_space<vmem>>) dst(%dma_wait3A_138 : memref<128x128xf32, #tpu.memory_space<vmem_shared>>)
      tpu.yield
    }) : () -> ()
    %add3A_11 = arith.constant 384 : i32
    %add3A_12 = arith.addi %mul3A_4, %add3A_11 : i32
    "tpu.region"() ({
      %run_scoped3A = tpu.sem_alloc : memref<!tpu.dma_semaphore, #tpu.memory_space<semaphore_mem>>
      %dma_start3A_123 = arith.constant 0 : i32
      %dma_start3A_124 = arith.constant 0 : i32
      %dma_start3A_125 = tpu.memref_slice %arg9[%dma_start3A_123, %dma_start3A_124] : memref<128x128xf32, #tpu.memory_space<vmem>> -> memref<128x128xf32, #tpu.memory_space<vmem>>
      %dma_start3A_126 = arith.constant 0 : i32
      %dma_start3A_127 = tpu.memref_slice %arg11[%add3A_12, %dma_start3A_126] : memref<10112x128xf32, #tpu.memory_space<vmem_shared>> -> memref<128x128xf32, #tpu.memory_space<vmem_shared>>
      %dma_start3A_128 = arith.constant 0 : i32
      %dma_start3A_129 = tpu.memref_slice %arg11[%add3A_12, %dma_start3A_128] : memref<10112x128xf32, #tpu.memory_space<vmem_shared>> -> memref<128x128xf32, #tpu.memory_space<vmem_shared>>
      %dma_start3A_130 = arith.constant 0 : i32
      %dma_start3A_131 = arith.constant 0 : i32
      %dma_start3A_132 = tpu.memref_slice %arg9[%dma_start3A_130, %dma_start3A_131] : memref<128x128xf32, #tpu.memory_space<vmem>> -> memref<128x128xf32, #tpu.memory_space<vmem>>
      tpu.enqueue_dma source(%dma_start3A_132 : memref<128x128xf32, #tpu.memory_space<vmem>>) target(%dma_start3A_129 : memref<128x128xf32, #tpu.memory_space<vmem_shared>>) target_semaphore(%run_scoped3A : memref<!tpu.dma_semaphore, #tpu.memory_space<semaphore_mem>>)
      %dma_wait3A = arith.constant 0 : i32
      %dma_wait3A_133 = arith.constant 0 : i32
      %dma_wait3A_134 = tpu.memref_slice %arg9[%dma_wait3A, %dma_wait3A_133] : memref<128x128xf32, #tpu.memory_space<vmem>> -> memref<128x128xf32, #tpu.memory_space<vmem>>
      %dma_wait3A_135 = arith.constant 0 : i32
      %dma_wait3A_136 = tpu.memref_slice %arg11[%add3A_12, %dma_wait3A_135] : memref<10112x128xf32, #tpu.memory_space<vmem_shared>> -> memref<128x128xf32, #tpu.memory_space<vmem_shared>>
      %dma_wait3A_137 = arith.constant 0 : i32
      %dma_wait3A_138 = tpu.memref_slice %arg11[%add3A_12, %dma_wait3A_137] : memref<10112x128xf32, #tpu.memory_space<vmem_shared>> -> memref<128x128xf32, #tpu.memory_space<vmem_shared>>
      %dma_wait3A_139 = arith.constant 0 : i32
      %dma_wait3A_140 = arith.constant 0 : i32
      %dma_wait3A_141 = tpu.memref_slice %arg9[%dma_wait3A_139, %dma_wait3A_140] : memref<128x128xf32, #tpu.memory_space<vmem>> -> memref<128x128xf32, #tpu.memory_space<vmem>>
      tpu.wait_dma2 semaphore(%run_scoped3A : memref<!tpu.dma_semaphore, #tpu.memory_space<semaphore_mem>>) src(%dma_wait3A_141 : memref<128x128xf32, #tpu.memory_space<vmem>>) dst(%dma_wait3A_138 : memref<128x128xf32, #tpu.memory_space<vmem_shared>>)
      tpu.yield
    }) : () -> ()
    %add3A_13 = arith.constant 512 : i32
    %add3A_14 = arith.addi %mul3A_4, %add3A_13 : i32
    "tpu.region"() ({
      %run_scoped3A = tpu.sem_alloc : memref<!tpu.dma_semaphore, #tpu.memory_space<semaphore_mem>>
      %dma_start3A_123 = arith.constant 0 : i32
      %dma_start3A_124 = arith.constant 0 : i32
      %dma_start3A_125 = tpu.memref_slice %arg9[%dma_start3A_123, %dma_start3A_124] : memref<128x128xf32, #tpu.memory_space<vmem>> -> memref<120x128xf32, #tpu.memory_space<vmem>>
      %dma_start3A_126 = arith.constant 0 : i32
      %dma_start3A_127 = tpu.memref_slice %arg11[%add3A_14, %dma_start3A_126] : memref<10112x128xf32, #tpu.memory_space<vmem_shared>> -> memref<120x128xf32, #tpu.memory_space<vmem_shared>>
      %dma_start3A_128 = arith.constant 0 : i32
      %dma_start3A_129 = tpu.memref_slice %arg11[%add3A_14, %dma_start3A_128] : memref<10112x128xf32, #tpu.memory_space<vmem_shared>> -> memref<120x128xf32, #tpu.memory_space<vmem_shared>>
      %dma_start3A_130 = arith.constant 0 : i32
      %dma_start3A_131 = arith.constant 0 : i32
      %dma_start3A_132 = tpu.memref_slice %arg9[%dma_start3A_130, %dma_start3A_131] : memref<128x128xf32, #tpu.memory_space<vmem>> -> memref<120x128xf32, #tpu.memory_space<vmem>>
      tpu.enqueue_dma source(%dma_start3A_132 : memref<120x128xf32, #tpu.memory_space<vmem>>) target(%dma_start3A_129 : memref<120x128xf32, #tpu.memory_space<vmem_shared>>) target_semaphore(%run_scoped3A : memref<!tpu.dma_semaphore, #tpu.memory_space<semaphore_mem>>)
      %dma_wait3A = arith.constant 0 : i32
      %dma_wait3A_133 = arith.constant 0 : i32
      %dma_wait3A_134 = tpu.memref_slice %arg9[%dma_wait3A, %dma_wait3A_133] : memref<128x128xf32, #tpu.memory_space<vmem>> -> memref<120x128xf32, #tpu.memory_space<vmem>>
      %dma_wait3A_135 = arith.constant 0 : i32
      %dma_wait3A_136 = tpu.memref_slice %arg11[%add3A_14, %dma_wait3A_135] : memref<10112x128xf32, #tpu.memory_space<vmem_shared>> -> memref<120x128xf32, #tpu.memory_space<vmem_shared>>
      %dma_wait3A_137 = arith.constant 0 : i32
      %dma_wait3A_138 = tpu.memref_slice %arg11[%add3A_14, %dma_wait3A_137] : memref<10112x128xf32, #tpu.memory_space<vmem_shared>> -> memref<120x128xf32, #tpu.memory_space<vmem_shared>>
      %dma_wait3A_139 = arith.constant 0 : i32
      %dma_wait3A_140 = arith.constant 0 : i32
      %dma_wait3A_141 = tpu.memref_slice %arg9[%dma_wait3A_139, %dma_wait3A_140] : memref<128x128xf32, #tpu.memory_space<vmem>> -> memref<120x128xf32, #tpu.memory_space<vmem>>
      tpu.wait_dma2 semaphore(%run_scoped3A : memref<!tpu.dma_semaphore, #tpu.memory_space<semaphore_mem>>) src(%dma_wait3A_141 : memref<120x128xf32, #tpu.memory_space<vmem>>) dst(%dma_wait3A_138 : memref<120x128xf32, #tpu.memory_space<vmem_shared>>)
      tpu.yield
    }) : () -> ()
    %barrier3A = arith.constant 0 : index
    tpu.barrier barrier_id(%barrier3A)
    %add3A_15 = arith.constant 0 : i32
    %add3A_16 = arith.addi %mul3A_2, %add3A_15 : i32
    "tpu.region"() ({
      %run_scoped3A = tpu.sem_alloc : memref<!tpu.dma_semaphore, #tpu.memory_space<semaphore_mem>>
      %dma_start3A_123 = arith.constant 0 : i32
      %dma_start3A_124 = tpu.memref_slice %arg3[%add3A_16, %dma_start3A_123] : memref<2560x128xi32, #tpu.memory_space<hbm>> -> memref<40x128xi32, #tpu.memory_space<hbm>>
      %dma_start3A_125 = arith.constant 0 : i32
      %dma_start3A_126 = tpu.memref_slice %arg3[%add3A_16, %dma_start3A_125] : memref<2560x128xi32, #tpu.memory_space<hbm>> -> memref<40x128xi32, #tpu.memory_space<hbm>>
      tpu.enqueue_dma source(%dma_start3A_126 : memref<40x128xi32, #tpu.memory_space<hbm>>) target(%arg7 : memref<40x128xi32, #tpu.memory_space<vmem>>) target_semaphore(%run_scoped3A : memref<!tpu.dma_semaphore, #tpu.memory_space<semaphore_mem>>)
      %dma_wait3A = arith.constant 0 : i32
      %dma_wait3A_127 = tpu.memref_slice %arg3[%add3A_16, %dma_wait3A] : memref<2560x128xi32, #tpu.memory_space<hbm>> -> memref<40x128xi32, #tpu.memory_space<hbm>>
      %dma_wait3A_128 = arith.constant 0 : i32
      %dma_wait3A_129 = tpu.memref_slice %arg3[%add3A_16, %dma_wait3A_128] : memref<2560x128xi32, #tpu.memory_space<hbm>> -> memref<40x128xi32, #tpu.memory_space<hbm>>
      tpu.wait_dma2 semaphore(%run_scoped3A : memref<!tpu.dma_semaphore, #tpu.memory_space<semaphore_mem>>) src(%dma_wait3A_129 : memref<40x128xi32, #tpu.memory_space<hbm>>) dst(%arg7 : memref<40x128xi32, #tpu.memory_space<vmem>>)
      tpu.yield
    }) : () -> ()
    "tpu.region"() ({
      %run_scoped3A = tpu.sem_alloc : memref<!tpu.dma_semaphore, #tpu.memory_space<semaphore_mem>>
      %dma_start3A_123 = arith.constant 0 : i32
      %dma_start3A_124 = tpu.memref_slice %arg2[%add3A_16, %dma_start3A_123] : memref<2560x128xi32, #tpu.memory_space<hbm>> -> memref<40x128xi32, #tpu.memory_space<hbm>>
      %dma_start3A_125 = arith.constant 0 : i32
      %dma_start3A_126 = tpu.memref_slice %arg2[%add3A_16, %dma_start3A_125] : memref<2560x128xi32, #tpu.memory_space<hbm>> -> memref<40x128xi32, #tpu.memory_space<hbm>>
      tpu.enqueue_dma source(%dma_start3A_126 : memref<40x128xi32, #tpu.memory_space<hbm>>) target(%arg8 : memref<40x128xi32, #tpu.memory_space<vmem>>) target_semaphore(%run_scoped3A : memref<!tpu.dma_semaphore, #tpu.memory_space<semaphore_mem>>)
      %dma_wait3A = arith.constant 0 : i32
      %dma_wait3A_127 = tpu.memref_slice %arg2[%add3A_16, %dma_wait3A] : memref<2560x128xi32, #tpu.memory_space<hbm>> -> memref<40x128xi32, #tpu.memory_space<hbm>>
      %dma_wait3A_128 = arith.constant 0 : i32
      %dma_wait3A_129 = tpu.memref_slice %arg2[%add3A_16, %dma_wait3A_128] : memref<2560x128xi32, #tpu.memory_space<hbm>> -> memref<40x128xi32, #tpu.memory_space<hbm>>
      tpu.wait_dma2 semaphore(%run_scoped3A : memref<!tpu.dma_semaphore, #tpu.memory_space<semaphore_mem>>) src(%dma_wait3A_129 : memref<40x128xi32, #tpu.memory_space<hbm>>) dst(%arg8 : memref<40x128xi32, #tpu.memory_space<vmem>>)
      tpu.yield
    }) : () -> ()
    "tpu.region"() ({
      %run_scoped3A = tpu.sem_alloc : memref<!tpu.dma_semaphore, #tpu.memory_space<semaphore_mem>>
      tpu.enqueue_dma source(%arg5 : memref<128x128xf32, #tpu.memory_space<hbm>>) target(%arg10 : memref<128x128xf32, #tpu.memory_space<vmem>>) target_semaphore(%run_scoped3A : memref<!tpu.dma_semaphore, #tpu.memory_space<semaphore_mem>>)
      tpu.wait_dma2 semaphore(%run_scoped3A : memref<!tpu.dma_semaphore, #tpu.memory_space<semaphore_mem>>) src(%arg5 : memref<128x128xf32, #tpu.memory_space<hbm>>) dst(%arg10 : memref<128x128xf32, #tpu.memory_space<vmem>>)
      tpu.yield
    }) : () -> ()
    %dma_start3A = arith.constant 0 : i32
    %dma_start3A_17 = arith.constant 0 : i32
    %dma_start3A_18 = tpu.memref_slice %arg8[%dma_start3A, %dma_start3A_17] : memref<40x128xi32, #tpu.memory_space<vmem>> -> memref<1x128xi32, #tpu.memory_space<vmem>>
    %dma_start3A_19 = tpu.memref_squeeze %dma_start3A_18 : memref<1x128xi32, #tpu.memory_space<vmem>> -> memref<128xi32, #tpu.memory_space<vmem>>
    %dma_start3A_20 = arith.constant 0 : i32
    %dma_start3A_21 = arith.constant 0 : i32
    %dma_start3A_22 = tpu.memref_slice %arg4[%dma_start3A_20, %dma_start3A_21] : memref<10000x128xf32, #tpu.memory_space<hbm>> -> memref<10000x128xf32, #tpu.memory_space<hbm>>
    tpu.enqueue_indirect_dma source(%dma_start3A_22 : memref<10000x128xf32, #tpu.memory_space<hbm>>) target(%arg9 : memref<128x128xf32, #tpu.memory_space<vmem>>) offsets(%dma_start3A_19 : memref<128xi32, #tpu.memory_space<vmem>>) semaphore(%arg12 : memref<!tpu.dma_semaphore, #tpu.memory_space<semaphore_mem>>)
    %dma_start3A_23 = arith.constant 0 : i32
    %dma_start3A_24 = arith.constant 0 : i32
    %dma_start3A_25 = tpu.memref_slice %arg7[%dma_start3A_23, %dma_start3A_24] : memref<40x128xi32, #tpu.memory_space<vmem>> -> memref<1x128xi32, #tpu.memory_space<vmem>>
    %dma_start3A_26 = tpu.memref_squeeze %dma_start3A_25 : memref<1x128xi32, #tpu.memory_space<vmem>> -> memref<128xi32, #tpu.memory_space<vmem>>
    %dma_start3A_27 = arith.constant 0 : i32
    %dma_start3A_28 = arith.constant 0 : i32
    %dma_start3A_29 = tpu.memref_slice %arg11[%dma_start3A_27, %dma_start3A_28] : memref<10112x128xf32, #tpu.memory_space<vmem_shared>> -> memref<10112x128xf32, #tpu.memory_space<vmem_shared>>
    tpu.enqueue_indirect_dma source(%arg10 : memref<128x128xf32, #tpu.memory_space<vmem>>) target(%dma_start3A_29 : memref<10112x128xf32, #tpu.memory_space<vmem_shared>>) offsets(%dma_start3A_26 : memref<128xi32, #tpu.memory_space<vmem>>) semaphore(%arg15 : memref<!tpu.dma_semaphore, #tpu.memory_space<semaphore_mem>>) {add = true}
    %scan3A = arith.constant 0 : i32
    %scan3A_30 = arith.constant 0 : i32
    %scan3A_31 = arith.constant 19 : i32
    %scan3A_32 = arith.addi %scan3A_30, %scan3A_31 : i32
    %scan3A_33 = arith.constant 1 : i32
    scf.for %scan3A_123 = %scan3A_30 to %scan3A_32 step %scan3A_33  : i32 {
      %mul3A_124 = arith.constant 2 : i32
      %mul3A_125 = arith.muli %mul3A_124, %scan3A_123 : i32
      %add3A_126 = arith.constant 1 : i32
      %add3A_127 = arith.addi %mul3A_125, %add3A_126 : i32
      %add3A_128 = arith.constant 2 : i32
      %add3A_129 = arith.addi %mul3A_125, %add3A_128 : i32
      tpu.wait_dma2 semaphore(%arg15 : memref<!tpu.dma_semaphore, #tpu.memory_space<semaphore_mem>>) src(%arg5 : memref<128x128xf32, #tpu.memory_space<hbm>>) dst(%arg10 : memref<128x128xf32, #tpu.memory_space<vmem>>)
      %dma_start3A_130 = arith.constant 0 : i32
      %dma_start3A_131 = tpu.memref_slice %arg8[%add3A_127, %dma_start3A_130] : memref<40x128xi32, #tpu.memory_space<vmem>> -> memref<1x128xi32, #tpu.memory_space<vmem>>
      %dma_start3A_132 = tpu.memref_squeeze %dma_start3A_131 : memref<1x128xi32, #tpu.memory_space<vmem>> -> memref<128xi32, #tpu.memory_space<vmem>>
      %dma_start3A_133 = arith.constant 0 : i32
      %dma_start3A_134 = arith.constant 0 : i32
      %dma_start3A_135 = tpu.memref_slice %arg4[%dma_start3A_133, %dma_start3A_134] : memref<10000x128xf32, #tpu.memory_space<hbm>> -> memref<10000x128xf32, #tpu.memory_space<hbm>>
      tpu.enqueue_indirect_dma source(%dma_start3A_135 : memref<10000x128xf32, #tpu.memory_space<hbm>>) target(%arg10 : memref<128x128xf32, #tpu.memory_space<vmem>>) offsets(%dma_start3A_132 : memref<128xi32, #tpu.memory_space<vmem>>) semaphore(%arg13 : memref<!tpu.dma_semaphore, #tpu.memory_space<semaphore_mem>>)
      tpu.wait_dma2 semaphore(%arg12 : memref<!tpu.dma_semaphore, #tpu.memory_space<semaphore_mem>>) src(%arg5 : memref<128x128xf32, #tpu.memory_space<hbm>>) dst(%arg9 : memref<128x128xf32, #tpu.memory_space<vmem>>)
      %dma_start3A_136 = arith.constant 0 : i32
      %dma_start3A_137 = tpu.memref_slice %arg7[%mul3A_125, %dma_start3A_136] : memref<40x128xi32, #tpu.memory_space<vmem>> -> memref<1x128xi32, #tpu.memory_space<vmem>>
      %dma_start3A_138 = tpu.memref_squeeze %dma_start3A_137 : memref<1x128xi32, #tpu.memory_space<vmem>> -> memref<128xi32, #tpu.memory_space<vmem>>
      %dma_start3A_139 = arith.constant 0 : i32
      %dma_start3A_140 = arith.constant 0 : i32
      %dma_start3A_141 = tpu.memref_slice %arg11[%dma_start3A_139, %dma_start3A_140] : memref<10112x128xf32, #tpu.memory_space<vmem_shared>> -> memref<10112x128xf32, #tpu.memory_space<vmem_shared>>
      tpu.enqueue_indirect_dma source(%arg9 : memref<128x128xf32, #tpu.memory_space<vmem>>) target(%dma_start3A_141 : memref<10112x128xf32, #tpu.memory_space<vmem_shared>>) offsets(%dma_start3A_138 : memref<128xi32, #tpu.memory_space<vmem>>) semaphore(%arg14 : memref<!tpu.dma_semaphore, #tpu.memory_space<semaphore_mem>>) {add = true}
      tpu.wait_dma2 semaphore(%arg13 : memref<!tpu.dma_semaphore, #tpu.memory_space<semaphore_mem>>) src(%arg5 : memref<128x128xf32, #tpu.memory_space<hbm>>) dst(%arg10 : memref<128x128xf32, #tpu.memory_space<vmem>>)
      %dma_start3A_142 = arith.constant 0 : i32
      %dma_start3A_143 = tpu.memref_slice %arg7[%add3A_127, %dma_start3A_142] : memref<40x128xi32, #tpu.memory_space<vmem>> -> memref<1x128xi32, #tpu.memory_space<vmem>>
      %dma_start3A_144 = tpu.memref_squeeze %dma_start3A_143 : memref<1x128xi32, #tpu.memory_space<vmem>> -> memref<128xi32, #tpu.memory_space<vmem>>
      %dma_start3A_145 = arith.constant 0 : i32
      %dma_start3A_146 = arith.constant 0 : i32
      %dma_start3A_147 = tpu.memref_slice %arg11[%dma_start3A_145, %dma_start3A_146] : memref<10112x128xf32, #tpu.memory_space<vmem_shared>> -> memref<10112x128xf32, #tpu.memory_space<vmem_shared>>
      tpu.enqueue_indirect_dma source(%arg10 : memref<128x128xf32, #tpu.memory_space<vmem>>) target(%dma_start3A_147 : memref<10112x128xf32, #tpu.memory_space<vmem_shared>>) offsets(%dma_start3A_144 : memref<128xi32, #tpu.memory_space<vmem>>) semaphore(%arg15 : memref<!tpu.dma_semaphore, #tpu.memory_space<semaphore_mem>>) {add = true}
      tpu.wait_dma2 semaphore(%arg14 : memref<!tpu.dma_semaphore, #tpu.memory_space<semaphore_mem>>) src(%arg5 : memref<128x128xf32, #tpu.memory_space<hbm>>) dst(%arg9 : memref<128x128xf32, #tpu.memory_space<vmem>>)
      %dma_start3A_148 = arith.constant 0 : i32
      %dma_start3A_149 = tpu.memref_slice %arg8[%add3A_129, %dma_start3A_148] : memref<40x128xi32, #tpu.memory_space<vmem>> -> memref<1x128xi32, #tpu.memory_space<vmem>>
      %dma_start3A_150 = tpu.memref_squeeze %dma_start3A_149 : memref<1x128xi32, #tpu.memory_space<vmem>> -> memref<128xi32, #tpu.memory_space<vmem>>
      %dma_start3A_151 = arith.constant 0 : i32
      %dma_start3A_152 = arith.constant 0 : i32
      %dma_start3A_153 = tpu.memref_slice %arg4[%dma_start3A_151, %dma_start3A_152] : memref<10000x128xf32, #tpu.memory_space<hbm>> -> memref<10000x128xf32, #tpu.memory_space<hbm>>
      tpu.enqueue_indirect_dma source(%dma_start3A_153 : memref<10000x128xf32, #tpu.memory_space<hbm>>) target(%arg9 : memref<128x128xf32, #tpu.memory_space<vmem>>) offsets(%dma_start3A_150 : memref<128xi32, #tpu.memory_space<vmem>>) semaphore(%arg12 : memref<!tpu.dma_semaphore, #tpu.memory_space<semaphore_mem>>)
    }
    %scan3A_34 = arith.constant 19 : i32
    tpu.wait_dma2 semaphore(%arg15 : memref<!tpu.dma_semaphore, #tpu.memory_space<semaphore_mem>>) src(%arg5 : memref<128x128xf32, #tpu.memory_space<hbm>>) dst(%arg10 : memref<128x128xf32, #tpu.memory_space<vmem>>)
    %dma_start3A_35 = arith.constant 39 : i32
    %dma_start3A_36 = arith.constant 0 : i32
    %dma_start3A_37 = tpu.memref_slice %arg8[%dma_start3A_35, %dma_start3A_36] : memref<40x128xi32, #tpu.memory_space<vmem>> -> memref<1x128xi32, #tpu.memory_space<vmem>>
    %dma_start3A_38 = tpu.memref_squeeze %dma_start3A_37 : memref<1x128xi32, #tpu.memory_space<vmem>> -> memref<128xi32, #tpu.memory_space<vmem>>
    %dma_start3A_39 = arith.constant 0 : i32
    %dma_start3A_40 = arith.constant 0 : i32
    %dma_start3A_41 = tpu.memref_slice %arg4[%dma_start3A_39, %dma_start3A_40] : memref<10000x128xf32, #tpu.memory_space<hbm>> -> memref<10000x128xf32, #tpu.memory_space<hbm>>
    tpu.enqueue_indirect_dma source(%dma_start3A_41 : memref<10000x128xf32, #tpu.memory_space<hbm>>) target(%arg10 : memref<128x128xf32, #tpu.memory_space<vmem>>) offsets(%dma_start3A_38 : memref<128xi32, #tpu.memory_space<vmem>>) semaphore(%arg13 : memref<!tpu.dma_semaphore, #tpu.memory_space<semaphore_mem>>)
    tpu.wait_dma2 semaphore(%arg12 : memref<!tpu.dma_semaphore, #tpu.memory_space<semaphore_mem>>) src(%arg5 : memref<128x128xf32, #tpu.memory_space<hbm>>) dst(%arg9 : memref<128x128xf32, #tpu.memory_space<vmem>>)
    %dma_start3A_42 = arith.constant 38 : i32
    %dma_start3A_43 = arith.constant 0 : i32
    %dma_start3A_44 = tpu.memref_slice %arg7[%dma_start3A_42, %dma_start3A_43] : memref<40x128xi32, #tpu.memory_space<vmem>> -> memref<1x128xi32, #tpu.memory_space<vmem>>
    %dma_start3A_45 = tpu.memref_squeeze %dma_start3A_44 : memref<1x128xi32, #tpu.memory_space<vmem>> -> memref<128xi32, #tpu.memory_space<vmem>>
    %dma_start3A_46 = arith.constant 0 : i32
    %dma_start3A_47 = arith.constant 0 : i32
    %dma_start3A_48 = tpu.memref_slice %arg11[%dma_start3A_46, %dma_start3A_47] : memref<10112x128xf32, #tpu.memory_space<vmem_shared>> -> memref<10112x128xf32, #tpu.memory_space<vmem_shared>>
    tpu.enqueue_indirect_dma source(%arg9 : memref<128x128xf32, #tpu.memory_space<vmem>>) target(%dma_start3A_48 : memref<10112x128xf32, #tpu.memory_space<vmem_shared>>) offsets(%dma_start3A_45 : memref<128xi32, #tpu.memory_space<vmem>>) semaphore(%arg14 : memref<!tpu.dma_semaphore, #tpu.memory_space<semaphore_mem>>) {add = true}
    tpu.wait_dma2 semaphore(%arg13 : memref<!tpu.dma_semaphore, #tpu.memory_space<semaphore_mem>>) src(%arg5 : memref<128x128xf32, #tpu.memory_space<hbm>>) dst(%arg10 : memref<128x128xf32, #tpu.memory_space<vmem>>)
    %dma_start3A_49 = arith.constant 39 : i32
    %dma_start3A_50 = arith.constant 0 : i32
    %dma_start3A_51 = tpu.memref_slice %arg7[%dma_start3A_49, %dma_start3A_50] : memref<40x128xi32, #tpu.memory_space<vmem>> -> memref<1x128xi32, #tpu.memory_space<vmem>>
    %dma_start3A_52 = tpu.memref_squeeze %dma_start3A_51 : memref<1x128xi32, #tpu.memory_space<vmem>> -> memref<128xi32, #tpu.memory_space<vmem>>
    %dma_start3A_53 = arith.constant 0 : i32
    %dma_start3A_54 = arith.constant 0 : i32
    %dma_start3A_55 = tpu.memref_slice %arg11[%dma_start3A_53, %dma_start3A_54] : memref<10112x128xf32, #tpu.memory_space<vmem_shared>> -> memref<10112x128xf32, #tpu.memory_space<vmem_shared>>
    tpu.enqueue_indirect_dma source(%arg10 : memref<128x128xf32, #tpu.memory_space<vmem>>) target(%dma_start3A_55 : memref<10112x128xf32, #tpu.memory_space<vmem_shared>>) offsets(%dma_start3A_52 : memref<128xi32, #tpu.memory_space<vmem>>) semaphore(%arg15 : memref<!tpu.dma_semaphore, #tpu.memory_space<semaphore_mem>>) {add = true}
    tpu.wait_dma2 semaphore(%arg14 : memref<!tpu.dma_semaphore, #tpu.memory_space<semaphore_mem>>) src(%arg5 : memref<128x128xf32, #tpu.memory_space<hbm>>) dst(%arg9 : memref<128x128xf32, #tpu.memory_space<vmem>>)
    tpu.wait_dma2 semaphore(%arg15 : memref<!tpu.dma_semaphore, #tpu.memory_space<semaphore_mem>>) src(%arg5 : memref<128x128xf32, #tpu.memory_space<hbm>>) dst(%arg10 : memref<128x128xf32, #tpu.memory_space<vmem>>)
    %add3A_56 = arith.constant 40 : i32
    %add3A_57 = arith.addi %mul3A_2, %add3A_56 : i32
    "tpu.region"() ({
      %run_scoped3A = tpu.sem_alloc : memref<!tpu.dma_semaphore, #tpu.memory_space<semaphore_mem>>
      %dma_start3A_123 = arith.constant 0 : i32
      %dma_start3A_124 = tpu.memref_slice %arg3[%add3A_57, %dma_start3A_123] : memref<2560x128xi32, #tpu.memory_space<hbm>> -> memref<40x128xi32, #tpu.memory_space<hbm>>
      %dma_start3A_125 = arith.constant 0 : i32
      %dma_start3A_126 = tpu.memref_slice %arg3[%add3A_57, %dma_start3A_125] : memref<2560x128xi32, #tpu.memory_space<hbm>> -> memref<40x128xi32, #tpu.memory_space<hbm>>
      tpu.enqueue_dma source(%dma_start3A_126 : memref<40x128xi32, #tpu.memory_space<hbm>>) target(%arg7 : memref<40x128xi32, #tpu.memory_space<vmem>>) target_semaphore(%run_scoped3A : memref<!tpu.dma_semaphore, #tpu.memory_space<semaphore_mem>>)
      %dma_wait3A = arith.constant 0 : i32
      %dma_wait3A_127 = tpu.memref_slice %arg3[%add3A_57, %dma_wait3A] : memref<2560x128xi32, #tpu.memory_space<hbm>> -> memref<40x128xi32, #tpu.memory_space<hbm>>
      %dma_wait3A_128 = arith.constant 0 : i32
      %dma_wait3A_129 = tpu.memref_slice %arg3[%add3A_57, %dma_wait3A_128] : memref<2560x128xi32, #tpu.memory_space<hbm>> -> memref<40x128xi32, #tpu.memory_space<hbm>>
      tpu.wait_dma2 semaphore(%run_scoped3A : memref<!tpu.dma_semaphore, #tpu.memory_space<semaphore_mem>>) src(%dma_wait3A_129 : memref<40x128xi32, #tpu.memory_space<hbm>>) dst(%arg7 : memref<40x128xi32, #tpu.memory_space<vmem>>)
      tpu.yield
    }) : () -> ()
    "tpu.region"() ({
      %run_scoped3A = tpu.sem_alloc : memref<!tpu.dma_semaphore, #tpu.memory_space<semaphore_mem>>
      %dma_start3A_123 = arith.constant 0 : i32
      %dma_start3A_124 = tpu.memref_slice %arg2[%add3A_57, %dma_start3A_123] : memref<2560x128xi32, #tpu.memory_space<hbm>> -> memref<40x128xi32, #tpu.memory_space<hbm>>
      %dma_start3A_125 = arith.constant 0 : i32
      %dma_start3A_126 = tpu.memref_slice %arg2[%add3A_57, %dma_start3A_125] : memref<2560x128xi32, #tpu.memory_space<hbm>> -> memref<40x128xi32, #tpu.memory_space<hbm>>
      tpu.enqueue_dma source(%dma_start3A_126 : memref<40x128xi32, #tpu.memory_space<hbm>>) target(%arg8 : memref<40x128xi32, #tpu.memory_space<vmem>>) target_semaphore(%run_scoped3A : memref<!tpu.dma_semaphore, #tpu.memory_space<semaphore_mem>>)
      %dma_wait3A = arith.constant 0 : i32
      %dma_wait3A_127 = tpu.memref_slice %arg2[%add3A_57, %dma_wait3A] : memref<2560x128xi32, #tpu.memory_space<hbm>> -> memref<40x128xi32, #tpu.memory_space<hbm>>
      %dma_wait3A_128 = arith.constant 0 : i32
      %dma_wait3A_129 = tpu.memref_slice %arg2[%add3A_57, %dma_wait3A_128] : memref<2560x128xi32, #tpu.memory_space<hbm>> -> memref<40x128xi32, #tpu.memory_space<hbm>>
      tpu.wait_dma2 semaphore(%run_scoped3A : memref<!tpu.dma_semaphore, #tpu.memory_space<semaphore_mem>>) src(%dma_wait3A_129 : memref<40x128xi32, #tpu.memory_space<hbm>>) dst(%arg8 : memref<40x128xi32, #tpu.memory_space<vmem>>)
      tpu.yield
    }) : () -> ()
    "tpu.region"() ({
      %run_scoped3A = tpu.sem_alloc : memref<!tpu.dma_semaphore, #tpu.memory_space<semaphore_mem>>
      tpu.enqueue_dma source(%arg5 : memref<128x128xf32, #tpu.memory_space<hbm>>) target(%arg10 : memref<128x128xf32, #tpu.memory_space<vmem>>) target_semaphore(%run_scoped3A : memref<!tpu.dma_semaphore, #tpu.memory_space<semaphore_mem>>)
      tpu.wait_dma2 semaphore(%run_scoped3A : memref<!tpu.dma_semaphore, #tpu.memory_space<semaphore_mem>>) src(%arg5 : memref<128x128xf32, #tpu.memory_space<hbm>>) dst(%arg10 : memref<128x128xf32, #tpu.memory_space<vmem>>)
      tpu.yield
    }) : () -> ()
    %dma_start3A_58 = arith.constant 0 : i32
    %dma_start3A_59 = arith.constant 0 : i32
    %dma_start3A_60 = tpu.memref_slice %arg8[%dma_start3A_58, %dma_start3A_59] : memref<40x128xi32, #tpu.memory_space<vmem>> -> memref<1x128xi32, #tpu.memory_space<vmem>>
    %dma_start3A_61 = tpu.memref_squeeze %dma_start3A_60 : memref<1x128xi32, #tpu.memory_space<vmem>> -> memref<128xi32, #tpu.memory_space<vmem>>
    %dma_start3A_62 = arith.constant 0 : i32
    %dma_start3A_63 = arith.constant 0 : i32
    %dma_start3A_64 = tpu.memref_slice %arg4[%dma_start3A_62, %dma_start3A_63] : memref<10000x128xf32, #tpu.memory_space<hbm>> -> memref<10000x128xf32, #tpu.memory_space<hbm>>
    tpu.enqueue_indirect_dma source(%dma_start3A_64 : memref<10000x128xf32, #tpu.memory_space<hbm>>) target(%arg9 : memref<128x128xf32, #tpu.memory_space<vmem>>) offsets(%dma_start3A_61 : memref<128xi32, #tpu.memory_space<vmem>>) semaphore(%arg12 : memref<!tpu.dma_semaphore, #tpu.memory_space<semaphore_mem>>)
    %dma_start3A_65 = arith.constant 0 : i32
    %dma_start3A_66 = arith.constant 0 : i32
    %dma_start3A_67 = tpu.memref_slice %arg7[%dma_start3A_65, %dma_start3A_66] : memref<40x128xi32, #tpu.memory_space<vmem>> -> memref<1x128xi32, #tpu.memory_space<vmem>>
    %dma_start3A_68 = tpu.memref_squeeze %dma_start3A_67 : memref<1x128xi32, #tpu.memory_space<vmem>> -> memref<128xi32, #tpu.memory_space<vmem>>
    %dma_start3A_69 = arith.constant 0 : i32
    %dma_start3A_70 = arith.constant 0 : i32
    %dma_start3A_71 = tpu.memref_slice %arg11[%dma_start3A_69, %dma_start3A_70] : memref<10112x128xf32, #tpu.memory_space<vmem_shared>> -> memref<10112x128xf32, #tpu.memory_space<vmem_shared>>
    tpu.enqueue_indirect_dma source(%arg10 : memref<128x128xf32, #tpu.memory_space<vmem>>) target(%dma_start3A_71 : memref<10112x128xf32, #tpu.memory_space<vmem_shared>>) offsets(%dma_start3A_68 : memref<128xi32, #tpu.memory_space<vmem>>) semaphore(%arg15 : memref<!tpu.dma_semaphore, #tpu.memory_space<semaphore_mem>>) {add = true}
    %scan3A_72 = arith.constant 0 : i32
    %scan3A_73 = arith.constant 0 : i32
    %scan3A_74 = arith.constant 19 : i32
    %scan3A_75 = arith.addi %scan3A_73, %scan3A_74 : i32
    %scan3A_76 = arith.constant 1 : i32
    scf.for %scan3A_123 = %scan3A_73 to %scan3A_75 step %scan3A_76  : i32 {
      %mul3A_124 = arith.constant 2 : i32
      %mul3A_125 = arith.muli %mul3A_124, %scan3A_123 : i32
      %add3A_126 = arith.constant 1 : i32
      %add3A_127 = arith.addi %mul3A_125, %add3A_126 : i32
      %add3A_128 = arith.constant 2 : i32
      %add3A_129 = arith.addi %mul3A_125, %add3A_128 : i32
      tpu.wait_dma2 semaphore(%arg15 : memref<!tpu.dma_semaphore, #tpu.memory_space<semaphore_mem>>) src(%arg5 : memref<128x128xf32, #tpu.memory_space<hbm>>) dst(%arg10 : memref<128x128xf32, #tpu.memory_space<vmem>>)
      %dma_start3A_130 = arith.constant 0 : i32
      %dma_start3A_131 = tpu.memref_slice %arg8[%add3A_127, %dma_start3A_130] : memref<40x128xi32, #tpu.memory_space<vmem>> -> memref<1x128xi32, #tpu.memory_space<vmem>>
      %dma_start3A_132 = tpu.memref_squeeze %dma_start3A_131 : memref<1x128xi32, #tpu.memory_space<vmem>> -> memref<128xi32, #tpu.memory_space<vmem>>
      %dma_start3A_133 = arith.constant 0 : i32
      %dma_start3A_134 = arith.constant 0 : i32
      %dma_start3A_135 = tpu.memref_slice %arg4[%dma_start3A_133, %dma_start3A_134] : memref<10000x128xf32, #tpu.memory_space<hbm>> -> memref<10000x128xf32, #tpu.memory_space<hbm>>
      tpu.enqueue_indirect_dma source(%dma_start3A_135 : memref<10000x128xf32, #tpu.memory_space<hbm>>) target(%arg10 : memref<128x128xf32, #tpu.memory_space<vmem>>) offsets(%dma_start3A_132 : memref<128xi32, #tpu.memory_space<vmem>>) semaphore(%arg13 : memref<!tpu.dma_semaphore, #tpu.memory_space<semaphore_mem>>)
      tpu.wait_dma2 semaphore(%arg12 : memref<!tpu.dma_semaphore, #tpu.memory_space<semaphore_mem>>) src(%arg5 : memref<128x128xf32, #tpu.memory_space<hbm>>) dst(%arg9 : memref<128x128xf32, #tpu.memory_space<vmem>>)
      %dma_start3A_136 = arith.constant 0 : i32
      %dma_start3A_137 = tpu.memref_slice %arg7[%mul3A_125, %dma_start3A_136] : memref<40x128xi32, #tpu.memory_space<vmem>> -> memref<1x128xi32, #tpu.memory_space<vmem>>
      %dma_start3A_138 = tpu.memref_squeeze %dma_start3A_137 : memref<1x128xi32, #tpu.memory_space<vmem>> -> memref<128xi32, #tpu.memory_space<vmem>>
      %dma_start3A_139 = arith.constant 0 : i32
      %dma_start3A_140 = arith.constant 0 : i32
      %dma_start3A_141 = tpu.memref_slice %arg11[%dma_start3A_139, %dma_start3A_140] : memref<10112x128xf32, #tpu.memory_space<vmem_shared>> -> memref<10112x128xf32, #tpu.memory_space<vmem_shared>>
      tpu.enqueue_indirect_dma source(%arg9 : memref<128x128xf32, #tpu.memory_space<vmem>>) target(%dma_start3A_141 : memref<10112x128xf32, #tpu.memory_space<vmem_shared>>) offsets(%dma_start3A_138 : memref<128xi32, #tpu.memory_space<vmem>>) semaphore(%arg14 : memref<!tpu.dma_semaphore, #tpu.memory_space<semaphore_mem>>) {add = true}
      tpu.wait_dma2 semaphore(%arg13 : memref<!tpu.dma_semaphore, #tpu.memory_space<semaphore_mem>>) src(%arg5 : memref<128x128xf32, #tpu.memory_space<hbm>>) dst(%arg10 : memref<128x128xf32, #tpu.memory_space<vmem>>)
      %dma_start3A_142 = arith.constant 0 : i32
      %dma_start3A_143 = tpu.memref_slice %arg7[%add3A_127, %dma_start3A_142] : memref<40x128xi32, #tpu.memory_space<vmem>> -> memref<1x128xi32, #tpu.memory_space<vmem>>
      %dma_start3A_144 = tpu.memref_squeeze %dma_start3A_143 : memref<1x128xi32, #tpu.memory_space<vmem>> -> memref<128xi32, #tpu.memory_space<vmem>>
      %dma_start3A_145 = arith.constant 0 : i32
      %dma_start3A_146 = arith.constant 0 : i32
      %dma_start3A_147 = tpu.memref_slice %arg11[%dma_start3A_145, %dma_start3A_146] : memref<10112x128xf32, #tpu.memory_space<vmem_shared>> -> memref<10112x128xf32, #tpu.memory_space<vmem_shared>>
      tpu.enqueue_indirect_dma source(%arg10 : memref<128x128xf32, #tpu.memory_space<vmem>>) target(%dma_start3A_147 : memref<10112x128xf32, #tpu.memory_space<vmem_shared>>) offsets(%dma_start3A_144 : memref<128xi32, #tpu.memory_space<vmem>>) semaphore(%arg15 : memref<!tpu.dma_semaphore, #tpu.memory_space<semaphore_mem>>) {add = true}
      tpu.wait_dma2 semaphore(%arg14 : memref<!tpu.dma_semaphore, #tpu.memory_space<semaphore_mem>>) src(%arg5 : memref<128x128xf32, #tpu.memory_space<hbm>>) dst(%arg9 : memref<128x128xf32, #tpu.memory_space<vmem>>)
      %dma_start3A_148 = arith.constant 0 : i32
      %dma_start3A_149 = tpu.memref_slice %arg8[%add3A_129, %dma_start3A_148] : memref<40x128xi32, #tpu.memory_space<vmem>> -> memref<1x128xi32, #tpu.memory_space<vmem>>
      %dma_start3A_150 = tpu.memref_squeeze %dma_start3A_149 : memref<1x128xi32, #tpu.memory_space<vmem>> -> memref<128xi32, #tpu.memory_space<vmem>>
      %dma_start3A_151 = arith.constant 0 : i32
      %dma_start3A_152 = arith.constant 0 : i32
      %dma_start3A_153 = tpu.memref_slice %arg4[%dma_start3A_151, %dma_start3A_152] : memref<10000x128xf32, #tpu.memory_space<hbm>> -> memref<10000x128xf32, #tpu.memory_space<hbm>>
      tpu.enqueue_indirect_dma source(%dma_start3A_153 : memref<10000x128xf32, #tpu.memory_space<hbm>>) target(%arg9 : memref<128x128xf32, #tpu.memory_space<vmem>>) offsets(%dma_start3A_150 : memref<128xi32, #tpu.memory_space<vmem>>) semaphore(%arg12 : memref<!tpu.dma_semaphore, #tpu.memory_space<semaphore_mem>>)
    }
    %scan3A_77 = arith.constant 19 : i32
    tpu.wait_dma2 semaphore(%arg15 : memref<!tpu.dma_semaphore, #tpu.memory_space<semaphore_mem>>) src(%arg5 : memref<128x128xf32, #tpu.memory_space<hbm>>) dst(%arg10 : memref<128x128xf32, #tpu.memory_space<vmem>>)
    %dma_start3A_78 = arith.constant 39 : i32
    %dma_start3A_79 = arith.constant 0 : i32
    %dma_start3A_80 = tpu.memref_slice %arg8[%dma_start3A_78, %dma_start3A_79] : memref<40x128xi32, #tpu.memory_space<vmem>> -> memref<1x128xi32, #tpu.memory_space<vmem>>
    %dma_start3A_81 = tpu.memref_squeeze %dma_start3A_80 : memref<1x128xi32, #tpu.memory_space<vmem>> -> memref<128xi32, #tpu.memory_space<vmem>>
    %dma_start3A_82 = arith.constant 0 : i32
    %dma_start3A_83 = arith.constant 0 : i32
    %dma_start3A_84 = tpu.memref_slice %arg4[%dma_start3A_82, %dma_start3A_83] : memref<10000x128xf32, #tpu.memory_space<hbm>> -> memref<10000x128xf32, #tpu.memory_space<hbm>>
    tpu.enqueue_indirect_dma source(%dma_start3A_84 : memref<10000x128xf32, #tpu.memory_space<hbm>>) target(%arg10 : memref<128x128xf32, #tpu.memory_space<vmem>>) offsets(%dma_start3A_81 : memref<128xi32, #tpu.memory_space<vmem>>) semaphore(%arg13 : memref<!tpu.dma_semaphore, #tpu.memory_space<semaphore_mem>>)
    tpu.wait_dma2 semaphore(%arg12 : memref<!tpu.dma_semaphore, #tpu.memory_space<semaphore_mem>>) src(%arg5 : memref<128x128xf32, #tpu.memory_space<hbm>>) dst(%arg9 : memref<128x128xf32, #tpu.memory_space<vmem>>)
    %dma_start3A_85 = arith.constant 38 : i32
    %dma_start3A_86 = arith.constant 0 : i32
    %dma_start3A_87 = tpu.memref_slice %arg7[%dma_start3A_85, %dma_start3A_86] : memref<40x128xi32, #tpu.memory_space<vmem>> -> memref<1x128xi32, #tpu.memory_space<vmem>>
    %dma_start3A_88 = tpu.memref_squeeze %dma_start3A_87 : memref<1x128xi32, #tpu.memory_space<vmem>> -> memref<128xi32, #tpu.memory_space<vmem>>
    %dma_start3A_89 = arith.constant 0 : i32
    %dma_start3A_90 = arith.constant 0 : i32
    %dma_start3A_91 = tpu.memref_slice %arg11[%dma_start3A_89, %dma_start3A_90] : memref<10112x128xf32, #tpu.memory_space<vmem_shared>> -> memref<10112x128xf32, #tpu.memory_space<vmem_shared>>
    tpu.enqueue_indirect_dma source(%arg9 : memref<128x128xf32, #tpu.memory_space<vmem>>) target(%dma_start3A_91 : memref<10112x128xf32, #tpu.memory_space<vmem_shared>>) offsets(%dma_start3A_88 : memref<128xi32, #tpu.memory_space<vmem>>) semaphore(%arg14 : memref<!tpu.dma_semaphore, #tpu.memory_space<semaphore_mem>>) {add = true}
    tpu.wait_dma2 semaphore(%arg13 : memref<!tpu.dma_semaphore, #tpu.memory_space<semaphore_mem>>) src(%arg5 : memref<128x128xf32, #tpu.memory_space<hbm>>) dst(%arg10 : memref<128x128xf32, #tpu.memory_space<vmem>>)
    %dma_start3A_92 = arith.constant 39 : i32
    %dma_start3A_93 = arith.constant 0 : i32
    %dma_start3A_94 = tpu.memref_slice %arg7[%dma_start3A_92, %dma_start3A_93] : memref<40x128xi32, #tpu.memory_space<vmem>> -> memref<1x128xi32, #tpu.memory_space<vmem>>
    %dma_start3A_95 = tpu.memref_squeeze %dma_start3A_94 : memref<1x128xi32, #tpu.memory_space<vmem>> -> memref<128xi32, #tpu.memory_space<vmem>>
    %dma_start3A_96 = arith.constant 0 : i32
    %dma_start3A_97 = arith.constant 0 : i32
    %dma_start3A_98 = tpu.memref_slice %arg11[%dma_start3A_96, %dma_start3A_97] : memref<10112x128xf32, #tpu.memory_space<vmem_shared>> -> memref<10112x128xf32, #tpu.memory_space<vmem_shared>>
    tpu.enqueue_indirect_dma source(%arg10 : memref<128x128xf32, #tpu.memory_space<vmem>>) target(%dma_start3A_98 : memref<10112x128xf32, #tpu.memory_space<vmem_shared>>) offsets(%dma_start3A_95 : memref<128xi32, #tpu.memory_space<vmem>>) semaphore(%arg15 : memref<!tpu.dma_semaphore, #tpu.memory_space<semaphore_mem>>) {add = true}
    tpu.wait_dma2 semaphore(%arg14 : memref<!tpu.dma_semaphore, #tpu.memory_space<semaphore_mem>>) src(%arg5 : memref<128x128xf32, #tpu.memory_space<hbm>>) dst(%arg9 : memref<128x128xf32, #tpu.memory_space<vmem>>)
    tpu.wait_dma2 semaphore(%arg15 : memref<!tpu.dma_semaphore, #tpu.memory_space<semaphore_mem>>) src(%arg5 : memref<128x128xf32, #tpu.memory_space<hbm>>) dst(%arg10 : memref<128x128xf32, #tpu.memory_space<vmem>>)
    %barrier3A_99 = arith.constant 0 : index
    tpu.barrier barrier_id(%barrier3A_99)
    %mul3A_100 = arith.constant 10112 : i32
    %mul3A_101 = arith.muli %arg0, %mul3A_100 : i32
    %add3A_102 = arith.addi %mul3A_101, %mul3A_4 : i32
    %add3A_103 = arith.constant 0 : i32
    %add3A_104 = arith.addi %mul3A_4, %add3A_103 : i32
    "tpu.region"() ({
      %run_scoped3A = tpu.sem_alloc : memref<!tpu.dma_semaphore, #tpu.memory_space<semaphore_mem>>
      %dma_start3A_123 = arith.constant 0 : i32
      %dma_start3A_124 = arith.constant 0 : i32
      %dma_start3A_125 = tpu.memref_slice %arg9[%dma_start3A_123, %dma_start3A_124] : memref<128x128xf32, #tpu.memory_space<vmem>> -> memref<128x128xf32, #tpu.memory_space<vmem>>
      %dma_start3A_126 = arith.constant 0 : i32
      %dma_start3A_127 = tpu.memref_slice %arg11[%add3A_104, %dma_start3A_126] : memref<10112x128xf32, #tpu.memory_space<vmem_shared>> -> memref<128x128xf32, #tpu.memory_space<vmem_shared>>
      %dma_start3A_128 = arith.constant 0 : i32
      %dma_start3A_129 = arith.constant 0 : i32
      %dma_start3A_130 = tpu.memref_slice %arg9[%dma_start3A_128, %dma_start3A_129] : memref<128x128xf32, #tpu.memory_space<vmem>> -> memref<128x128xf32, #tpu.memory_space<vmem>>
      %dma_start3A_131 = arith.constant 0 : i32
      %dma_start3A_132 = tpu.memref_slice %arg11[%add3A_104, %dma_start3A_131] : memref<10112x128xf32, #tpu.memory_space<vmem_shared>> -> memref<128x128xf32, #tpu.memory_space<vmem_shared>>
      tpu.enqueue_dma source(%dma_start3A_132 : memref<128x128xf32, #tpu.memory_space<vmem_shared>>) target(%dma_start3A_130 : memref<128x128xf32, #tpu.memory_space<vmem>>) target_semaphore(%run_scoped3A : memref<!tpu.dma_semaphore, #tpu.memory_space<semaphore_mem>>)
      %dma_wait3A = arith.constant 0 : i32
      %dma_wait3A_133 = arith.constant 0 : i32
      %dma_wait3A_134 = tpu.memref_slice %arg9[%dma_wait3A, %dma_wait3A_133] : memref<128x128xf32, #tpu.memory_space<vmem>> -> memref<128x128xf32, #tpu.memory_space<vmem>>
      %dma_wait3A_135 = arith.constant 0 : i32
      %dma_wait3A_136 = tpu.memref_slice %arg11[%add3A_104, %dma_wait3A_135] : memref<10112x128xf32, #tpu.memory_space<vmem_shared>> -> memref<128x128xf32, #tpu.memory_space<vmem_shared>>
      %dma_wait3A_137 = arith.constant 0 : i32
      %dma_wait3A_138 = arith.constant 0 : i32
      %dma_wait3A_139 = tpu.memref_slice %arg9[%dma_wait3A_137, %dma_wait3A_138] : memref<128x128xf32, #tpu.memory_space<vmem>> -> memref<128x128xf32, #tpu.memory_space<vmem>>
      %dma_wait3A_140 = arith.constant 0 : i32
      %dma_wait3A_141 = tpu.memref_slice %arg11[%add3A_104, %dma_wait3A_140] : memref<10112x128xf32, #tpu.memory_space<vmem_shared>> -> memref<128x128xf32, #tpu.memory_space<vmem_shared>>
      tpu.wait_dma2 semaphore(%run_scoped3A : memref<!tpu.dma_semaphore, #tpu.memory_space<semaphore_mem>>) src(%dma_wait3A_141 : memref<128x128xf32, #tpu.memory_space<vmem_shared>>) dst(%dma_wait3A_139 : memref<128x128xf32, #tpu.memory_space<vmem>>)
      tpu.yield
    }) : () -> ()
    %add3A_105 = arith.constant 0 : i32
    %add3A_106 = arith.addi %add3A_102, %add3A_105 : i32
    "tpu.region"() ({
      %run_scoped3A = tpu.sem_alloc : memref<!tpu.dma_semaphore, #tpu.memory_space<semaphore_mem>>
      %dma_start3A_123 = arith.constant 0 : i32
      %dma_start3A_124 = arith.constant 0 : i32
      %dma_start3A_125 = tpu.memref_slice %arg9[%dma_start3A_123, %dma_start3A_124] : memref<128x128xf32, #tpu.memory_space<vmem>> -> memref<128x128xf32, #tpu.memory_space<vmem>>
      %dma_start3A_126 = arith.constant 0 : i32
      %dma_start3A_127 = tpu.memref_slice %arg6[%add3A_106, %dma_start3A_126] : memref<20224x128xf32, #tpu.memory_space<hbm>> -> memref<128x128xf32, #tpu.memory_space<hbm>>
      %dma_start3A_128 = arith.constant 0 : i32
      %dma_start3A_129 = tpu.memref_slice %arg6[%add3A_106, %dma_start3A_128] : memref<20224x128xf32, #tpu.memory_space<hbm>> -> memref<128x128xf32, #tpu.memory_space<hbm>>
      %dma_start3A_130 = arith.constant 0 : i32
      %dma_start3A_131 = arith.constant 0 : i32
      %dma_start3A_132 = tpu.memref_slice %arg9[%dma_start3A_130, %dma_start3A_131] : memref<128x128xf32, #tpu.memory_space<vmem>> -> memref<128x128xf32, #tpu.memory_space<vmem>>
      tpu.enqueue_dma source(%dma_start3A_132 : memref<128x128xf32, #tpu.memory_space<vmem>>) target(%dma_start3A_129 : memref<128x128xf32, #tpu.memory_space<hbm>>) target_semaphore(%run_scoped3A : memref<!tpu.dma_semaphore, #tpu.memory_space<semaphore_mem>>)
      %dma_wait3A = arith.constant 0 : i32
      %dma_wait3A_133 = arith.constant 0 : i32
      %dma_wait3A_134 = tpu.memref_slice %arg9[%dma_wait3A, %dma_wait3A_133] : memref<128x128xf32, #tpu.memory_space<vmem>> -> memref<128x128xf32, #tpu.memory_space<vmem>>
      %dma_wait3A_135 = arith.constant 0 : i32
      %dma_wait3A_136 = tpu.memref_slice %arg6[%add3A_106, %dma_wait3A_135] : memref<20224x128xf32, #tpu.memory_space<hbm>> -> memref<128x128xf32, #tpu.memory_space<hbm>>
      %dma_wait3A_137 = arith.constant 0 : i32
      %dma_wait3A_138 = tpu.memref_slice %arg6[%add3A_106, %dma_wait3A_137] : memref<20224x128xf32, #tpu.memory_space<hbm>> -> memref<128x128xf32, #tpu.memory_space<hbm>>
      %dma_wait3A_139 = arith.constant 0 : i32
      %dma_wait3A_140 = arith.constant 0 : i32
      %dma_wait3A_141 = tpu.memref_slice %arg9[%dma_wait3A_139, %dma_wait3A_140] : memref<128x128xf32, #tpu.memory_space<vmem>> -> memref<128x128xf32, #tpu.memory_space<vmem>>
      tpu.wait_dma2 semaphore(%run_scoped3A : memref<!tpu.dma_semaphore, #tpu.memory_space<semaphore_mem>>) src(%dma_wait3A_141 : memref<128x128xf32, #tpu.memory_space<vmem>>) dst(%dma_wait3A_138 : memref<128x128xf32, #tpu.memory_space<hbm>>)
      tpu.yield
    }) : () -> ()
    %add3A_107 = arith.constant 128 : i32
    %add3A_108 = arith.addi %mul3A_4, %add3A_107 : i32
    "tpu.region"() ({
      %run_scoped3A = tpu.sem_alloc : memref<!tpu.dma_semaphore, #tpu.memory_space<semaphore_mem>>
      %dma_start3A_123 = arith.constant 0 : i32
      %dma_start3A_124 = arith.constant 0 : i32
      %dma_start3A_125 = tpu.memref_slice %arg9[%dma_start3A_123, %dma_start3A_124] : memref<128x128xf32, #tpu.memory_space<vmem>> -> memref<128x128xf32, #tpu.memory_space<vmem>>
      %dma_start3A_126 = arith.constant 0 : i32
      %dma_start3A_127 = tpu.memref_slice %arg11[%add3A_108, %dma_start3A_126] : memref<10112x128xf32, #tpu.memory_space<vmem_shared>> -> memref<128x128xf32, #tpu.memory_space<vmem_shared>>
      %dma_start3A_128 = arith.constant 0 : i32
      %dma_start3A_129 = arith.constant 0 : i32
      %dma_start3A_130 = tpu.memref_slice %arg9[%dma_start3A_128, %dma_start3A_129] : memref<128x128xf32, #tpu.memory_space<vmem>> -> memref<128x128xf32, #tpu.memory_space<vmem>>
      %dma_start3A_131 = arith.constant 0 : i32
      %dma_start3A_132 = tpu.memref_slice %arg11[%add3A_108, %dma_start3A_131] : memref<10112x128xf32, #tpu.memory_space<vmem_shared>> -> memref<128x128xf32, #tpu.memory_space<vmem_shared>>
      tpu.enqueue_dma source(%dma_start3A_132 : memref<128x128xf32, #tpu.memory_space<vmem_shared>>) target(%dma_start3A_130 : memref<128x128xf32, #tpu.memory_space<vmem>>) target_semaphore(%run_scoped3A : memref<!tpu.dma_semaphore, #tpu.memory_space<semaphore_mem>>)
      %dma_wait3A = arith.constant 0 : i32
      %dma_wait3A_133 = arith.constant 0 : i32
      %dma_wait3A_134 = tpu.memref_slice %arg9[%dma_wait3A, %dma_wait3A_133] : memref<128x128xf32, #tpu.memory_space<vmem>> -> memref<128x128xf32, #tpu.memory_space<vmem>>
      %dma_wait3A_135 = arith.constant 0 : i32
      %dma_wait3A_136 = tpu.memref_slice %arg11[%add3A_108, %dma_wait3A_135] : memref<10112x128xf32, #tpu.memory_space<vmem_shared>> -> memref<128x128xf32, #tpu.memory_space<vmem_shared>>
      %dma_wait3A_137 = arith.constant 0 : i32
      %dma_wait3A_138 = arith.constant 0 : i32
      %dma_wait3A_139 = tpu.memref_slice %arg9[%dma_wait3A_137, %dma_wait3A_138] : memref<128x128xf32, #tpu.memory_space<vmem>> -> memref<128x128xf32, #tpu.memory_space<vmem>>
      %dma_wait3A_140 = arith.constant 0 : i32
      %dma_wait3A_141 = tpu.memref_slice %arg11[%add3A_108, %dma_wait3A_140] : memref<10112x128xf32, #tpu.memory_space<vmem_shared>> -> memref<128x128xf32, #tpu.memory_space<vmem_shared>>
      tpu.wait_dma2 semaphore(%run_scoped3A : memref<!tpu.dma_semaphore, #tpu.memory_space<semaphore_mem>>) src(%dma_wait3A_141 : memref<128x128xf32, #tpu.memory_space<vmem_shared>>) dst(%dma_wait3A_139 : memref<128x128xf32, #tpu.memory_space<vmem>>)
      tpu.yield
    }) : () -> ()
    %add3A_109 = arith.constant 128 : i32
    %add3A_110 = arith.addi %add3A_102, %add3A_109 : i32
    "tpu.region"() ({
      %run_scoped3A = tpu.sem_alloc : memref<!tpu.dma_semaphore, #tpu.memory_space<semaphore_mem>>
      %dma_start3A_123 = arith.constant 0 : i32
      %dma_start3A_124 = arith.constant 0 : i32
      %dma_start3A_125 = tpu.memref_slice %arg9[%dma_start3A_123, %dma_start3A_124] : memref<128x128xf32, #tpu.memory_space<vmem>> -> memref<128x128xf32, #tpu.memory_space<vmem>>
      %dma_start3A_126 = arith.constant 0 : i32
      %dma_start3A_127 = tpu.memref_slice %arg6[%add3A_110, %dma_start3A_126] : memref<20224x128xf32, #tpu.memory_space<hbm>> -> memref<128x128xf32, #tpu.memory_space<hbm>>
      %dma_start3A_128 = arith.constant 0 : i32
      %dma_start3A_129 = tpu.memref_slice %arg6[%add3A_110, %dma_start3A_128] : memref<20224x128xf32, #tpu.memory_space<hbm>> -> memref<128x128xf32, #tpu.memory_space<hbm>>
      %dma_start3A_130 = arith.constant 0 : i32
      %dma_start3A_131 = arith.constant 0 : i32
      %dma_start3A_132 = tpu.memref_slice %arg9[%dma_start3A_130, %dma_start3A_131] : memref<128x128xf32, #tpu.memory_space<vmem>> -> memref<128x128xf32, #tpu.memory_space<vmem>>
      tpu.enqueue_dma source(%dma_start3A_132 : memref<128x128xf32, #tpu.memory_space<vmem>>) target(%dma_start3A_129 : memref<128x128xf32, #tpu.memory_space<hbm>>) target_semaphore(%run_scoped3A : memref<!tpu.dma_semaphore, #tpu.memory_space<semaphore_mem>>)
      %dma_wait3A = arith.constant 0 : i32
      %dma_wait3A_133 = arith.constant 0 : i32
      %dma_wait3A_134 = tpu.memref_slice %arg9[%dma_wait3A, %dma_wait3A_133] : memref<128x128xf32, #tpu.memory_space<vmem>> -> memref<128x128xf32, #tpu.memory_space<vmem>>
      %dma_wait3A_135 = arith.constant 0 : i32
      %dma_wait3A_136 = tpu.memref_slice %arg6[%add3A_110, %dma_wait3A_135] : memref<20224x128xf32, #tpu.memory_space<hbm>> -> memref<128x128xf32, #tpu.memory_space<hbm>>
      %dma_wait3A_137 = arith.constant 0 : i32
      %dma_wait3A_138 = tpu.memref_slice %arg6[%add3A_110, %dma_wait3A_137] : memref<20224x128xf32, #tpu.memory_space<hbm>> -> memref<128x128xf32, #tpu.memory_space<hbm>>
      %dma_wait3A_139 = arith.constant 0 : i32
      %dma_wait3A_140 = arith.constant 0 : i32
      %dma_wait3A_141 = tpu.memref_slice %arg9[%dma_wait3A_139, %dma_wait3A_140] : memref<128x128xf32, #tpu.memory_space<vmem>> -> memref<128x128xf32, #tpu.memory_space<vmem>>
      tpu.wait_dma2 semaphore(%run_scoped3A : memref<!tpu.dma_semaphore, #tpu.memory_space<semaphore_mem>>) src(%dma_wait3A_141 : memref<128x128xf32, #tpu.memory_space<vmem>>) dst(%dma_wait3A_138 : memref<128x128xf32, #tpu.memory_space<hbm>>)
      tpu.yield
    }) : () -> ()
    %add3A_111 = arith.constant 256 : i32
    %add3A_112 = arith.addi %mul3A_4, %add3A_111 : i32
    "tpu.region"() ({
      %run_scoped3A = tpu.sem_alloc : memref<!tpu.dma_semaphore, #tpu.memory_space<semaphore_mem>>
      %dma_start3A_123 = arith.constant 0 : i32
      %dma_start3A_124 = arith.constant 0 : i32
      %dma_start3A_125 = tpu.memref_slice %arg9[%dma_start3A_123, %dma_start3A_124] : memref<128x128xf32, #tpu.memory_space<vmem>> -> memref<128x128xf32, #tpu.memory_space<vmem>>
      %dma_start3A_126 = arith.constant 0 : i32
      %dma_start3A_127 = tpu.memref_slice %arg11[%add3A_112, %dma_start3A_126] : memref<10112x128xf32, #tpu.memory_space<vmem_shared>> -> memref<128x128xf32, #tpu.memory_space<vmem_shared>>
      %dma_start3A_128 = arith.constant 0 : i32
      %dma_start3A_129 = arith.constant 0 : i32
      %dma_start3A_130 = tpu.memref_slice %arg9[%dma_start3A_128, %dma_start3A_129] : memref<128x128xf32, #tpu.memory_space<vmem>> -> memref<128x128xf32, #tpu.memory_space<vmem>>
      %dma_start3A_131 = arith.constant 0 : i32
      %dma_start3A_132 = tpu.memref_slice %arg11[%add3A_112, %dma_start3A_131] : memref<10112x128xf32, #tpu.memory_space<vmem_shared>> -> memref<128x128xf32, #tpu.memory_space<vmem_shared>>
      tpu.enqueue_dma source(%dma_start3A_132 : memref<128x128xf32, #tpu.memory_space<vmem_shared>>) target(%dma_start3A_130 : memref<128x128xf32, #tpu.memory_space<vmem>>) target_semaphore(%run_scoped3A : memref<!tpu.dma_semaphore, #tpu.memory_space<semaphore_mem>>)
      %dma_wait3A = arith.constant 0 : i32
      %dma_wait3A_133 = arith.constant 0 : i32
      %dma_wait3A_134 = tpu.memref_slice %arg9[%dma_wait3A, %dma_wait3A_133] : memref<128x128xf32, #tpu.memory_space<vmem>> -> memref<128x128xf32, #tpu.memory_space<vmem>>
      %dma_wait3A_135 = arith.constant 0 : i32
      %dma_wait3A_136 = tpu.memref_slice %arg11[%add3A_112, %dma_wait3A_135] : memref<10112x128xf32, #tpu.memory_space<vmem_shared>> -> memref<128x128xf32, #tpu.memory_space<vmem_shared>>
      %dma_wait3A_137 = arith.constant 0 : i32
      %dma_wait3A_138 = arith.constant 0 : i32
      %dma_wait3A_139 = tpu.memref_slice %arg9[%dma_wait3A_137, %dma_wait3A_138] : memref<128x128xf32, #tpu.memory_space<vmem>> -> memref<128x128xf32, #tpu.memory_space<vmem>>
      %dma_wait3A_140 = arith.constant 0 : i32
      %dma_wait3A_141 = tpu.memref_slice %arg11[%add3A_112, %dma_wait3A_140] : memref<10112x128xf32, #tpu.memory_space<vmem_shared>> -> memref<128x128xf32, #tpu.memory_space<vmem_shared>>
      tpu.wait_dma2 semaphore(%run_scoped3A : memref<!tpu.dma_semaphore, #tpu.memory_space<semaphore_mem>>) src(%dma_wait3A_141 : memref<128x128xf32, #tpu.memory_space<vmem_shared>>) dst(%dma_wait3A_139 : memref<128x128xf32, #tpu.memory_space<vmem>>)
      tpu.yield
    }) : () -> ()
    %add3A_113 = arith.constant 256 : i32
    %add3A_114 = arith.addi %add3A_102, %add3A_113 : i32
    "tpu.region"() ({
      %run_scoped3A = tpu.sem_alloc : memref<!tpu.dma_semaphore, #tpu.memory_space<semaphore_mem>>
      %dma_start3A_123 = arith.constant 0 : i32
      %dma_start3A_124 = arith.constant 0 : i32
      %dma_start3A_125 = tpu.memref_slice %arg9[%dma_start3A_123, %dma_start3A_124] : memref<128x128xf32, #tpu.memory_space<vmem>> -> memref<128x128xf32, #tpu.memory_space<vmem>>
      %dma_start3A_126 = arith.constant 0 : i32
      %dma_start3A_127 = tpu.memref_slice %arg6[%add3A_114, %dma_start3A_126] : memref<20224x128xf32, #tpu.memory_space<hbm>> -> memref<128x128xf32, #tpu.memory_space<hbm>>
      %dma_start3A_128 = arith.constant 0 : i32
      %dma_start3A_129 = tpu.memref_slice %arg6[%add3A_114, %dma_start3A_128] : memref<20224x128xf32, #tpu.memory_space<hbm>> -> memref<128x128xf32, #tpu.memory_space<hbm>>
      %dma_start3A_130 = arith.constant 0 : i32
      %dma_start3A_131 = arith.constant 0 : i32
      %dma_start3A_132 = tpu.memref_slice %arg9[%dma_start3A_130, %dma_start3A_131] : memref<128x128xf32, #tpu.memory_space<vmem>> -> memref<128x128xf32, #tpu.memory_space<vmem>>
      tpu.enqueue_dma source(%dma_start3A_132 : memref<128x128xf32, #tpu.memory_space<vmem>>) target(%dma_start3A_129 : memref<128x128xf32, #tpu.memory_space<hbm>>) target_semaphore(%run_scoped3A : memref<!tpu.dma_semaphore, #tpu.memory_space<semaphore_mem>>)
      %dma_wait3A = arith.constant 0 : i32
      %dma_wait3A_133 = arith.constant 0 : i32
      %dma_wait3A_134 = tpu.memref_slice %arg9[%dma_wait3A, %dma_wait3A_133] : memref<128x128xf32, #tpu.memory_space<vmem>> -> memref<128x128xf32, #tpu.memory_space<vmem>>
      %dma_wait3A_135 = arith.constant 0 : i32
      %dma_wait3A_136 = tpu.memref_slice %arg6[%add3A_114, %dma_wait3A_135] : memref<20224x128xf32, #tpu.memory_space<hbm>> -> memref<128x128xf32, #tpu.memory_space<hbm>>
      %dma_wait3A_137 = arith.constant 0 : i32
      %dma_wait3A_138 = tpu.memref_slice %arg6[%add3A_114, %dma_wait3A_137] : memref<20224x128xf32, #tpu.memory_space<hbm>> -> memref<128x128xf32, #tpu.memory_space<hbm>>
      %dma_wait3A_139 = arith.constant 0 : i32
      %dma_wait3A_140 = arith.constant 0 : i32
      %dma_wait3A_141 = tpu.memref_slice %arg9[%dma_wait3A_139, %dma_wait3A_140] : memref<128x128xf32, #tpu.memory_space<vmem>> -> memref<128x128xf32, #tpu.memory_space<vmem>>
      tpu.wait_dma2 semaphore(%run_scoped3A : memref<!tpu.dma_semaphore, #tpu.memory_space<semaphore_mem>>) src(%dma_wait3A_141 : memref<128x128xf32, #tpu.memory_space<vmem>>) dst(%dma_wait3A_138 : memref<128x128xf32, #tpu.memory_space<hbm>>)
      tpu.yield
    }) : () -> ()
    %add3A_115 = arith.constant 384 : i32
    %add3A_116 = arith.addi %mul3A_4, %add3A_115 : i32
    "tpu.region"() ({
      %run_scoped3A = tpu.sem_alloc : memref<!tpu.dma_semaphore, #tpu.memory_space<semaphore_mem>>
      %dma_start3A_123 = arith.constant 0 : i32
      %dma_start3A_124 = arith.constant 0 : i32
      %dma_start3A_125 = tpu.memref_slice %arg9[%dma_start3A_123, %dma_start3A_124] : memref<128x128xf32, #tpu.memory_space<vmem>> -> memref<128x128xf32, #tpu.memory_space<vmem>>
      %dma_start3A_126 = arith.constant 0 : i32
      %dma_start3A_127 = tpu.memref_slice %arg11[%add3A_116, %dma_start3A_126] : memref<10112x128xf32, #tpu.memory_space<vmem_shared>> -> memref<128x128xf32, #tpu.memory_space<vmem_shared>>
      %dma_start3A_128 = arith.constant 0 : i32
      %dma_start3A_129 = arith.constant 0 : i32
      %dma_start3A_130 = tpu.memref_slice %arg9[%dma_start3A_128, %dma_start3A_129] : memref<128x128xf32, #tpu.memory_space<vmem>> -> memref<128x128xf32, #tpu.memory_space<vmem>>
      %dma_start3A_131 = arith.constant 0 : i32
      %dma_start3A_132 = tpu.memref_slice %arg11[%add3A_116, %dma_start3A_131] : memref<10112x128xf32, #tpu.memory_space<vmem_shared>> -> memref<128x128xf32, #tpu.memory_space<vmem_shared>>
      tpu.enqueue_dma source(%dma_start3A_132 : memref<128x128xf32, #tpu.memory_space<vmem_shared>>) target(%dma_start3A_130 : memref<128x128xf32, #tpu.memory_space<vmem>>) target_semaphore(%run_scoped3A : memref<!tpu.dma_semaphore, #tpu.memory_space<semaphore_mem>>)
      %dma_wait3A = arith.constant 0 : i32
      %dma_wait3A_133 = arith.constant 0 : i32
      %dma_wait3A_134 = tpu.memref_slice %arg9[%dma_wait3A, %dma_wait3A_133] : memref<128x128xf32, #tpu.memory_space<vmem>> -> memref<128x128xf32, #tpu.memory_space<vmem>>
      %dma_wait3A_135 = arith.constant 0 : i32
      %dma_wait3A_136 = tpu.memref_slice %arg11[%add3A_116, %dma_wait3A_135] : memref<10112x128xf32, #tpu.memory_space<vmem_shared>> -> memref<128x128xf32, #tpu.memory_space<vmem_shared>>
      %dma_wait3A_137 = arith.constant 0 : i32
      %dma_wait3A_138 = arith.constant 0 : i32
      %dma_wait3A_139 = tpu.memref_slice %arg9[%dma_wait3A_137, %dma_wait3A_138] : memref<128x128xf32, #tpu.memory_space<vmem>> -> memref<128x128xf32, #tpu.memory_space<vmem>>
      %dma_wait3A_140 = arith.constant 0 : i32
      %dma_wait3A_141 = tpu.memref_slice %arg11[%add3A_116, %dma_wait3A_140] : memref<10112x128xf32, #tpu.memory_space<vmem_shared>> -> memref<128x128xf32, #tpu.memory_space<vmem_shared>>
      tpu.wait_dma2 semaphore(%run_scoped3A : memref<!tpu.dma_semaphore, #tpu.memory_space<semaphore_mem>>) src(%dma_wait3A_141 : memref<128x128xf32, #tpu.memory_space<vmem_shared>>) dst(%dma_wait3A_139 : memref<128x128xf32, #tpu.memory_space<vmem>>)
      tpu.yield
    }) : () -> ()
    %add3A_117 = arith.constant 384 : i32
    %add3A_118 = arith.addi %add3A_102, %add3A_117 : i32
    "tpu.region"() ({
      %run_scoped3A = tpu.sem_alloc : memref<!tpu.dma_semaphore, #tpu.memory_space<semaphore_mem>>
      %dma_start3A_123 = arith.constant 0 : i32
      %dma_start3A_124 = arith.constant 0 : i32
      %dma_start3A_125 = tpu.memref_slice %arg9[%dma_start3A_123, %dma_start3A_124] : memref<128x128xf32, #tpu.memory_space<vmem>> -> memref<128x128xf32, #tpu.memory_space<vmem>>
      %dma_start3A_126 = arith.constant 0 : i32
      %dma_start3A_127 = tpu.memref_slice %arg6[%add3A_118, %dma_start3A_126] : memref<20224x128xf32, #tpu.memory_space<hbm>> -> memref<128x128xf32, #tpu.memory_space<hbm>>
      %dma_start3A_128 = arith.constant 0 : i32
      %dma_start3A_129 = tpu.memref_slice %arg6[%add3A_118, %dma_start3A_128] : memref<20224x128xf32, #tpu.memory_space<hbm>> -> memref<128x128xf32, #tpu.memory_space<hbm>>
      %dma_start3A_130 = arith.constant 0 : i32
      %dma_start3A_131 = arith.constant 0 : i32
      %dma_start3A_132 = tpu.memref_slice %arg9[%dma_start3A_130, %dma_start3A_131] : memref<128x128xf32, #tpu.memory_space<vmem>> -> memref<128x128xf32, #tpu.memory_space<vmem>>
      tpu.enqueue_dma source(%dma_start3A_132 : memref<128x128xf32, #tpu.memory_space<vmem>>) target(%dma_start3A_129 : memref<128x128xf32, #tpu.memory_space<hbm>>) target_semaphore(%run_scoped3A : memref<!tpu.dma_semaphore, #tpu.memory_space<semaphore_mem>>)
      %dma_wait3A = arith.constant 0 : i32
      %dma_wait3A_133 = arith.constant 0 : i32
      %dma_wait3A_134 = tpu.memref_slice %arg9[%dma_wait3A, %dma_wait3A_133] : memref<128x128xf32, #tpu.memory_space<vmem>> -> memref<128x128xf32, #tpu.memory_space<vmem>>
      %dma_wait3A_135 = arith.constant 0 : i32
      %dma_wait3A_136 = tpu.memref_slice %arg6[%add3A_118, %dma_wait3A_135] : memref<20224x128xf32, #tpu.memory_space<hbm>> -> memref<128x128xf32, #tpu.memory_space<hbm>>
      %dma_wait3A_137 = arith.constant 0 : i32
      %dma_wait3A_138 = tpu.memref_slice %arg6[%add3A_118, %dma_wait3A_137] : memref<20224x128xf32, #tpu.memory_space<hbm>> -> memref<128x128xf32, #tpu.memory_space<hbm>>
      %dma_wait3A_139 = arith.constant 0 : i32
      %dma_wait3A_140 = arith.constant 0 : i32
      %dma_wait3A_141 = tpu.memref_slice %arg9[%dma_wait3A_139, %dma_wait3A_140] : memref<128x128xf32, #tpu.memory_space<vmem>> -> memref<128x128xf32, #tpu.memory_space<vmem>>
      tpu.wait_dma2 semaphore(%run_scoped3A : memref<!tpu.dma_semaphore, #tpu.memory_space<semaphore_mem>>) src(%dma_wait3A_141 : memref<128x128xf32, #tpu.memory_space<vmem>>) dst(%dma_wait3A_138 : memref<128x128xf32, #tpu.memory_space<hbm>>)
      tpu.yield
    }) : () -> ()
    %add3A_119 = arith.constant 512 : i32
    %add3A_120 = arith.addi %mul3A_4, %add3A_119 : i32
    "tpu.region"() ({
      %run_scoped3A = tpu.sem_alloc : memref<!tpu.dma_semaphore, #tpu.memory_space<semaphore_mem>>
      %dma_start3A_123 = arith.constant 0 : i32
      %dma_start3A_124 = arith.constant 0 : i32
      %dma_start3A_125 = tpu.memref_slice %arg9[%dma_start3A_123, %dma_start3A_124] : memref<128x128xf32, #tpu.memory_space<vmem>> -> memref<120x128xf32, #tpu.memory_space<vmem>>
      %dma_start3A_126 = arith.constant 0 : i32
      %dma_start3A_127 = tpu.memref_slice %arg11[%add3A_120, %dma_start3A_126] : memref<10112x128xf32, #tpu.memory_space<vmem_shared>> -> memref<120x128xf32, #tpu.memory_space<vmem_shared>>
      %dma_start3A_128 = arith.constant 0 : i32
      %dma_start3A_129 = arith.constant 0 : i32
      %dma_start3A_130 = tpu.memref_slice %arg9[%dma_start3A_128, %dma_start3A_129] : memref<128x128xf32, #tpu.memory_space<vmem>> -> memref<120x128xf32, #tpu.memory_space<vmem>>
      %dma_start3A_131 = arith.constant 0 : i32
      %dma_start3A_132 = tpu.memref_slice %arg11[%add3A_120, %dma_start3A_131] : memref<10112x128xf32, #tpu.memory_space<vmem_shared>> -> memref<120x128xf32, #tpu.memory_space<vmem_shared>>
      tpu.enqueue_dma source(%dma_start3A_132 : memref<120x128xf32, #tpu.memory_space<vmem_shared>>) target(%dma_start3A_130 : memref<120x128xf32, #tpu.memory_space<vmem>>) target_semaphore(%run_scoped3A : memref<!tpu.dma_semaphore, #tpu.memory_space<semaphore_mem>>)
      %dma_wait3A = arith.constant 0 : i32
      %dma_wait3A_133 = arith.constant 0 : i32
      %dma_wait3A_134 = tpu.memref_slice %arg9[%dma_wait3A, %dma_wait3A_133] : memref<128x128xf32, #tpu.memory_space<vmem>> -> memref<120x128xf32, #tpu.memory_space<vmem>>
      %dma_wait3A_135 = arith.constant 0 : i32
      %dma_wait3A_136 = tpu.memref_slice %arg11[%add3A_120, %dma_wait3A_135] : memref<10112x128xf32, #tpu.memory_space<vmem_shared>> -> memref<120x128xf32, #tpu.memory_space<vmem_shared>>
      %dma_wait3A_137 = arith.constant 0 : i32
      %dma_wait3A_138 = arith.constant 0 : i32
      %dma_wait3A_139 = tpu.memref_slice %arg9[%dma_wait3A_137, %dma_wait3A_138] : memref<128x128xf32, #tpu.memory_space<vmem>> -> memref<120x128xf32, #tpu.memory_space<vmem>>
      %dma_wait3A_140 = arith.constant 0 : i32
      %dma_wait3A_141 = tpu.memref_slice %arg11[%add3A_120, %dma_wait3A_140] : memref<10112x128xf32, #tpu.memory_space<vmem_shared>> -> memref<120x128xf32, #tpu.memory_space<vmem_shared>>
      tpu.wait_dma2 semaphore(%run_scoped3A : memref<!tpu.dma_semaphore, #tpu.memory_space<semaphore_mem>>) src(%dma_wait3A_141 : memref<120x128xf32, #tpu.memory_space<vmem_shared>>) dst(%dma_wait3A_139 : memref<120x128xf32, #tpu.memory_space<vmem>>)
      tpu.yield
    }) : () -> ()
    %add3A_121 = arith.constant 512 : i32
    %add3A_122 = arith.addi %add3A_102, %add3A_121 : i32
    "tpu.region"() ({
      %run_scoped3A = tpu.sem_alloc : memref<!tpu.dma_semaphore, #tpu.memory_space<semaphore_mem>>
      %dma_start3A_123 = arith.constant 0 : i32
      %dma_start3A_124 = arith.constant 0 : i32
      %dma_start3A_125 = tpu.memref_slice %arg9[%dma_start3A_123, %dma_start3A_124] : memref<128x128xf32, #tpu.memory_space<vmem>> -> memref<120x128xf32, #tpu.memory_space<vmem>>
      %dma_start3A_126 = arith.constant 0 : i32
      %dma_start3A_127 = tpu.memref_slice %arg6[%add3A_122, %dma_start3A_126] : memref<20224x128xf32, #tpu.memory_space<hbm>> -> memref<120x128xf32, #tpu.memory_space<hbm>>
      %dma_start3A_128 = arith.constant 0 : i32
      %dma_start3A_129 = tpu.memref_slice %arg6[%add3A_122, %dma_start3A_128] : memref<20224x128xf32, #tpu.memory_space<hbm>> -> memref<120x128xf32, #tpu.memory_space<hbm>>
      %dma_start3A_130 = arith.constant 0 : i32
      %dma_start3A_131 = arith.constant 0 : i32
      %dma_start3A_132 = tpu.memref_slice %arg9[%dma_start3A_130, %dma_start3A_131] : memref<128x128xf32, #tpu.memory_space<vmem>> -> memref<120x128xf32, #tpu.memory_space<vmem>>
      tpu.enqueue_dma source(%dma_start3A_132 : memref<120x128xf32, #tpu.memory_space<vmem>>) target(%dma_start3A_129 : memref<120x128xf32, #tpu.memory_space<hbm>>) target_semaphore(%run_scoped3A : memref<!tpu.dma_semaphore, #tpu.memory_space<semaphore_mem>>)
      %dma_wait3A = arith.constant 0 : i32
      %dma_wait3A_133 = arith.constant 0 : i32
      %dma_wait3A_134 = tpu.memref_slice %arg9[%dma_wait3A, %dma_wait3A_133] : memref<128x128xf32, #tpu.memory_space<vmem>> -> memref<120x128xf32, #tpu.memory_space<vmem>>
      %dma_wait3A_135 = arith.constant 0 : i32
      %dma_wait3A_136 = tpu.memref_slice %arg6[%add3A_122, %dma_wait3A_135] : memref<20224x128xf32, #tpu.memory_space<hbm>> -> memref<120x128xf32, #tpu.memory_space<hbm>>
      %dma_wait3A_137 = arith.constant 0 : i32
      %dma_wait3A_138 = tpu.memref_slice %arg6[%add3A_122, %dma_wait3A_137] : memref<20224x128xf32, #tpu.memory_space<hbm>> -> memref<120x128xf32, #tpu.memory_space<hbm>>
      %dma_wait3A_139 = arith.constant 0 : i32
      %dma_wait3A_140 = arith.constant 0 : i32
      %dma_wait3A_141 = tpu.memref_slice %arg9[%dma_wait3A_139, %dma_wait3A_140] : memref<128x128xf32, #tpu.memory_space<vmem>> -> memref<120x128xf32, #tpu.memory_space<vmem>>
      tpu.wait_dma2 semaphore(%run_scoped3A : memref<!tpu.dma_semaphore, #tpu.memory_space<semaphore_mem>>) src(%dma_wait3A_141 : memref<120x128xf32, #tpu.memory_space<vmem>>) dst(%dma_wait3A_138 : memref<120x128xf32, #tpu.memory_space<hbm>>)
      tpu.yield
    }) : () -> ()
    return
  }
}

module attributes {stable_mosaic.version = 14 : i64} {
  func.func @_tc_b_body(%arg0: i32, %arg1: memref<1000x128xf32, #tpu.memory_space<vmem>>, %arg2: memref<128x128xf32, #tpu.memory_space<vmem>>, %arg3: memref<2x1000x128xf32, #tpu.memory_space<vmem>>, %arg4: memref<1000x128xf32, #tpu.memory_space<vmem>>) attributes {dimension_semantics = [#tpu.dimension_semantics<arbitrary>], iteration_bounds = array<i64: 10>, scalar_prefetch = 0 : i64, scratch_operands = 0 : i64, tpu.core_type = #tpu.core_type<tc>, window_params = [{transform_indices = @transform_0, window_bounds = array<i64: 1000, 128>}, {pipeline_mode = #tpu.pipeline_mode<synchronous>, transform_indices = @transform_1, window_bounds = array<i64: 128, 128>}, {transform_indices = @transform_2, window_bounds = array<i64: 2, 1000, 128>}, {transform_indices = @transform_3, window_bounds = array<i64: 1000, 128>}]} {
    %get3A = arith.constant 0 : index
    %get3A_0 = arith.constant 0 : index
    %get3A_1 = arith.constant 0 : index
    %get3A_2 = vector.load %arg3[%get3A, %get3A_0, %get3A_1] : memref<2x1000x128xf32, #tpu.memory_space<vmem>>, vector<2x1000x128xf32>
    %slice3A = vector.extract_strided_slice %get3A_2 {offsets = [0, 0, 0], sizes = [1, 1000, 1], strides = [1, 1, 1]} : vector<2x1000x128xf32> to vector<1x1000x1xf32>
    %squeeze3A = vector.shape_cast %slice3A : vector<1x1000x1xf32> to vector<1000x1xf32>
    %slice3A_3 = vector.extract_strided_slice %get3A_2 {offsets = [1, 0, 0], sizes = [1, 1000, 1], strides = [1, 1, 1]} : vector<2x1000x128xf32> to vector<1x1000x1xf32>
    %squeeze3A_4 = vector.shape_cast %slice3A_3 : vector<1x1000x1xf32> to vector<1000x1xf32>
    %add3A = arith.addf %squeeze3A, %squeeze3A_4 : vector<1000x1xf32>
    %add3A_5 = arith.constant 1.000000e+00 : f32
    %add3A_6 = vector.broadcast %add3A_5 : f32 to vector<1000x1xf32>
    %add3A_7 = arith.addf %add3A, %add3A_6 : vector<1000x1xf32>
    %rsqrt3A = math.rsqrt %add3A_7 : vector<1000x1xf32>
    %get3A_8 = arith.constant 0 : index
    %get3A_9 = arith.constant 0 : index
    %get3A_10 = vector.load %arg1[%get3A_8, %get3A_9] : memref<1000x128xf32, #tpu.memory_space<vmem>>, vector<1000x128xf32>
    %get3A_11 = arith.constant 0 : index
    %get3A_12 = arith.constant 0 : index
    %get3A_13 = vector.load %arg2[%get3A_11, %get3A_12] : memref<128x128xf32, #tpu.memory_space<vmem>>, vector<128x128xf32>
    %dot_general3A = arith.constant dense<0.000000e+00> : vector<1000x128xf32>
    %dot_general3A_14 = tpu.matmul %get3A_10, %get3A_13, %dot_general3A {dimension_numbers = #tpu.dot_dimension_numbers<[1], [0], [0], [1], [0, 0, 1, 1], [], []>, precision = #tpu.contract_precision<fp32>, transpose_lhs_hint = false} : vector<1000x128xf32>, vector<128x128xf32>, vector<1000x128xf32> -> vector<1000x128xf32>
    %mul3A = vector.broadcast %rsqrt3A : vector<1000x1xf32> to vector<1000x128xf32>
    %mul3A_15 = arith.mulf %mul3A, %dot_general3A_14 : vector<1000x128xf32>
    %swap3A = arith.constant 0 : index
    %swap3A_16 = arith.constant 0 : index
    %swap3A_17 = vector.load %arg4[%swap3A, %swap3A_16] : memref<1000x128xf32, #tpu.memory_space<vmem>>, vector<1000x128xf32>
    tpu.vector_store %arg4[%swap3A, %swap3A_16], %mul3A_15 {strides = array<i32>} : memref<1000x128xf32, #tpu.memory_space<vmem>>, vector<1000x128xf32>,
    return
  }
  func.func @transform_0(%arg0: i32) -> (i32, i32) {
    %c0_i32 = arith.constant 0 : i32
    %c0_i32_0 = arith.constant 0 : i32
    return %arg0, %c0_i32 : i32, i32
  }
  func.func @transform_1(%arg0: i32) -> (i32, i32) {
    %c0_i32 = arith.constant 0 : i32
    %c0_i32_0 = arith.constant 0 : i32
    %c0_i32_1 = arith.constant 0 : i32
    return %c0_i32, %c0_i32_0 : i32, i32
  }
  func.func @transform_2(%arg0: i32) -> (i32, i32, i32) {
    %c0_i32 = arith.constant 0 : i32
    %c0_i32_0 = arith.constant 0 : i32
    %c0_i32_1 = arith.constant 0 : i32
    return %c0_i32, %arg0, %c0_i32_0 : i32, i32, i32
  }
  func.func @transform_3(%arg0: i32) -> (i32, i32) {
    %c0_i32 = arith.constant 0 : i32
    %c0_i32_0 = arith.constant 0 : i32
    return %arg0, %c0_i32 : i32, i32
  }
}

module attributes {stable_mosaic.version = 14 : i64} {
  func.func @_tc_d_body(%arg0: i32, %arg1: memref<2x1000x128xf32, #tpu.memory_space<vmem>>, %arg2: memref<1000x128xf32, #tpu.memory_space<vmem>>, %arg3: memref<2x1000x128xf32, #tpu.memory_space<vmem>>, %arg4: memref<128x128xf32, #tpu.memory_space<vmem>>, %arg5: memref<1x128xf32, #tpu.memory_space<vmem>>, %arg6: memref<1000x128xf32, #tpu.memory_space<vmem>>) attributes {dimension_semantics = [#tpu.dimension_semantics<arbitrary>], iteration_bounds = array<i64: 10>, scalar_prefetch = 0 : i64, scratch_operands = 0 : i64, tpu.core_type = #tpu.core_type<tc>, window_params = [{transform_indices = @transform_0, window_bounds = array<i64: 2, 1000, 128>}, {transform_indices = @transform_1, window_bounds = array<i64: 1000, 128>}, {transform_indices = @transform_2, window_bounds = array<i64: 2, 1000, 128>}, {pipeline_mode = #tpu.pipeline_mode<synchronous>, transform_indices = @transform_3, window_bounds = array<i64: 128, 128>}, {pipeline_mode = #tpu.pipeline_mode<synchronous>, transform_indices = @transform_4, window_bounds = array<i64: 1, 128>}, {transform_indices = @transform_5, window_bounds = array<i64: 1000, 128>}]} {
    %get3A = arith.constant 0 : index
    %get3A_0 = arith.constant 0 : index
    %get3A_1 = arith.constant 0 : index
    %get3A_2 = vector.load %arg3[%get3A, %get3A_0, %get3A_1] : memref<2x1000x128xf32, #tpu.memory_space<vmem>>, vector<2x1000x128xf32>
    %slice3A = vector.extract_strided_slice %get3A_2 {offsets = [0, 0, 0], sizes = [1, 1000, 1], strides = [1, 1, 1]} : vector<2x1000x128xf32> to vector<1x1000x1xf32>
    %squeeze3A = vector.shape_cast %slice3A : vector<1x1000x1xf32> to vector<1000x1xf32>
    %slice3A_3 = vector.extract_strided_slice %get3A_2 {offsets = [1, 0, 0], sizes = [1, 1000, 1], strides = [1, 1, 1]} : vector<2x1000x128xf32> to vector<1x1000x1xf32>
    %squeeze3A_4 = vector.shape_cast %slice3A_3 : vector<1x1000x1xf32> to vector<1000x1xf32>
    %add3A = arith.addf %squeeze3A, %squeeze3A_4 : vector<1000x1xf32>
    %add3A_5 = arith.constant 1.000000e+00 : f32
    %add3A_6 = vector.broadcast %add3A_5 : f32 to vector<1000x1xf32>
    %add3A_7 = arith.addf %add3A, %add3A_6 : vector<1000x1xf32>
    %rsqrt3A = math.rsqrt %add3A_7 : vector<1000x1xf32>
    %get3A_8 = arith.constant 0 : index
    %get3A_9 = arith.constant 0 : index
    %get3A_10 = arith.constant 0 : index
    %get3A_11 = vector.load %arg1[%get3A_8, %get3A_9, %get3A_10] : memref<2x1000x128xf32, #tpu.memory_space<vmem>>, vector<2x1000x128xf32>
    %slice3A_12 = vector.extract_strided_slice %get3A_11 {offsets = [0, 0, 0], sizes = [1, 1000, 128], strides = [1, 1, 1]} : vector<2x1000x128xf32> to vector<1x1000x128xf32>
    %squeeze3A_13 = vector.shape_cast %slice3A_12 : vector<1x1000x128xf32> to vector<1000x128xf32>
    %slice3A_14 = vector.extract_strided_slice %get3A_11 {offsets = [1, 0, 0], sizes = [1, 1000, 128], strides = [1, 1, 1]} : vector<2x1000x128xf32> to vector<1x1000x128xf32>
    %squeeze3A_15 = vector.shape_cast %slice3A_14 : vector<1x1000x128xf32> to vector<1000x128xf32>
    %add3A_16 = arith.addf %squeeze3A_13, %squeeze3A_15 : vector<1000x128xf32>
    %get3A_17 = arith.constant 0 : index
    %get3A_18 = arith.constant 0 : index
    %get3A_19 = vector.load %arg2[%get3A_17, %get3A_18] : memref<1000x128xf32, #tpu.memory_space<vmem>>, vector<1000x128xf32>
    %add3A_20 = arith.addf %add3A_16, %get3A_19 : vector<1000x128xf32>
    %mul3A = vector.broadcast %rsqrt3A : vector<1000x1xf32> to vector<1000x128xf32>
    %mul3A_21 = arith.mulf %mul3A, %add3A_20 : vector<1000x128xf32>
    %get3A_22 = arith.constant 0 : index
    %get3A_23 = arith.constant 0 : index
    %get3A_24 = vector.load %arg5[%get3A_22, %get3A_23] : memref<1x128xf32, #tpu.memory_space<vmem>>, vector<1x128xf32>
    %add3A_25 = vector.broadcast %get3A_24 : vector<1x128xf32> to vector<1000x128xf32>
    %add3A_26 = arith.addf %mul3A_21, %add3A_25 : vector<1000x128xf32>
    %get3A_27 = arith.constant 0 : index
    %get3A_28 = arith.constant 0 : index
    %get3A_29 = vector.load %arg4[%get3A_27, %get3A_28] : memref<128x128xf32, #tpu.memory_space<vmem>>, vector<128x128xf32>
    %dot_general3A = arith.constant dense<0.000000e+00> : vector<1000x128xf32>
    %dot_general3A_30 = tpu.matmul %add3A_26, %get3A_29, %dot_general3A {dimension_numbers = #tpu.dot_dimension_numbers<[1], [0], [0], [1], [0, 0, 1, 1], [], []>, precision = #tpu.contract_precision<fp32>, transpose_lhs_hint = false} : vector<1000x128xf32>, vector<128x128xf32>, vector<1000x128xf32> -> vector<1000x128xf32>
    %mul3A_31 = vector.broadcast %rsqrt3A : vector<1000x1xf32> to vector<1000x128xf32>
    %mul3A_32 = arith.mulf %mul3A_31, %dot_general3A_30 : vector<1000x128xf32>
    %swap3A = arith.constant 0 : index
    %swap3A_33 = arith.constant 0 : index
    %swap3A_34 = vector.load %arg6[%swap3A, %swap3A_33] : memref<1000x128xf32, #tpu.memory_space<vmem>>, vector<1000x128xf32>
    tpu.vector_store %arg6[%swap3A, %swap3A_33], %mul3A_32 {strides = array<i32>} : memref<1000x128xf32, #tpu.memory_space<vmem>>, vector<1000x128xf32>,
    return
  }
  func.func @transform_0(%arg0: i32) -> (i32, i32, i32) {
    %c0_i32 = arith.constant 0 : i32
    %c0_i32_0 = arith.constant 0 : i32
    %c0_i32_1 = arith.constant 0 : i32
    return %c0_i32, %arg0, %c0_i32_0 : i32, i32, i32
  }
  func.func @transform_1(%arg0: i32) -> (i32, i32) {
    %c0_i32 = arith.constant 0 : i32
    %c0_i32_0 = arith.constant 0 : i32
    return %arg0, %c0_i32 : i32, i32
  }
  func.func @transform_2(%arg0: i32) -> (i32, i32, i32) {
    %c0_i32 = arith.constant 0 : i32
    %c0_i32_0 = arith.constant 0 : i32
    %c0_i32_1 = arith.constant 0 : i32
    return %c0_i32, %arg0, %c0_i32_0 : i32, i32, i32
  }
  func.func @transform_3(%arg0: i32) -> (i32, i32) {
    %c0_i32 = arith.constant 0 : i32
    %c0_i32_0 = arith.constant 0 : i32
    %c0_i32_1 = arith.constant 0 : i32
    return %c0_i32, %c0_i32_0 : i32, i32
  }
  func.func @transform_4(%arg0: i32) -> (i32, i32) {
    %c0_i32 = arith.constant 0 : i32
    %c0_i32_0 = arith.constant 0 : i32
    %c0_i32_1 = arith.constant 0 : i32
    return %c0_i32, %c0_i32_0 : i32, i32
  }
  func.func @transform_5(%arg0: i32) -> (i32, i32) {
    %c0_i32 = arith.constant 0 : i32
    %c0_i32_0 = arith.constant 0 : i32
    return %arg0, %c0_i32 : i32, i32
  }
}

module attributes {stable_mosaic.version = 14 : i64} {
  func.func @_tc_f_body(%arg0: i32, %arg1: memref<2x1000x128xf32, #tpu.memory_space<vmem>>, %arg2: memref<1000x128xf32, #tpu.memory_space<vmem>>, %arg3: memref<2x1000x128xf32, #tpu.memory_space<vmem>>, %arg4: memref<1x128xf32, #tpu.memory_space<vmem>>, %arg5: memref<1000x64xf32, #tpu.memory_space<vmem>>) attributes {dimension_semantics = [#tpu.dimension_semantics<arbitrary>], iteration_bounds = array<i64: 10>, scalar_prefetch = 0 : i64, scratch_operands = 0 : i64, tpu.core_type = #tpu.core_type<tc>, window_params = [{transform_indices = @transform_0, window_bounds = array<i64: 2, 1000, 128>}, {transform_indices = @transform_1, window_bounds = array<i64: 1000, 128>}, {transform_indices = @transform_2, window_bounds = array<i64: 2, 1000, 128>}, {pipeline_mode = #tpu.pipeline_mode<synchronous>, transform_indices = @transform_3, window_bounds = array<i64: 1, 128>}, {transform_indices = @transform_4, window_bounds = array<i64: 1000, 64>}]} {
    %get3A = arith.constant 0 : index
    %get3A_0 = arith.constant 0 : index
    %get3A_1 = arith.constant 0 : index
    %get3A_2 = vector.load %arg3[%get3A, %get3A_0, %get3A_1] : memref<2x1000x128xf32, #tpu.memory_space<vmem>>, vector<2x1000x128xf32>
    %slice3A = vector.extract_strided_slice %get3A_2 {offsets = [0, 0, 0], sizes = [1, 1000, 1], strides = [1, 1, 1]} : vector<2x1000x128xf32> to vector<1x1000x1xf32>
    %squeeze3A = vector.shape_cast %slice3A : vector<1x1000x1xf32> to vector<1000x1xf32>
    %slice3A_3 = vector.extract_strided_slice %get3A_2 {offsets = [1, 0, 0], sizes = [1, 1000, 1], strides = [1, 1, 1]} : vector<2x1000x128xf32> to vector<1x1000x1xf32>
    %squeeze3A_4 = vector.shape_cast %slice3A_3 : vector<1x1000x1xf32> to vector<1000x1xf32>
    %add3A = arith.addf %squeeze3A, %squeeze3A_4 : vector<1000x1xf32>
    %add3A_5 = arith.constant 1.000000e+00 : f32
    %add3A_6 = vector.broadcast %add3A_5 : f32 to vector<1000x1xf32>
    %add3A_7 = arith.addf %add3A, %add3A_6 : vector<1000x1xf32>
    %rsqrt3A = math.rsqrt %add3A_7 : vector<1000x1xf32>
    %get3A_8 = arith.constant 0 : index
    %get3A_9 = arith.constant 0 : index
    %get3A_10 = arith.constant 0 : index
    %get3A_11 = vector.load %arg1[%get3A_8, %get3A_9, %get3A_10] : memref<2x1000x128xf32, #tpu.memory_space<vmem>>, vector<2x1000x128xf32>
    %get3A_12 = arith.constant 0 : index
    %get3A_13 = arith.constant 0 : index
    %get3A_14 = vector.load %arg2[%get3A_12, %get3A_13] : memref<1000x128xf32, #tpu.memory_space<vmem>>, vector<1000x128xf32>
    %slice3A_15 = vector.extract_strided_slice %get3A_11 {offsets = [0, 0, 0], sizes = [1, 1000, 128], strides = [1, 1, 1]} : vector<2x1000x128xf32> to vector<1x1000x128xf32>
    %squeeze3A_16 = vector.shape_cast %slice3A_15 : vector<1x1000x128xf32> to vector<1000x128xf32>
    %slice3A_17 = vector.extract_strided_slice %get3A_11 {offsets = [1, 0, 0], sizes = [1, 1000, 128], strides = [1, 1, 1]} : vector<2x1000x128xf32> to vector<1x1000x128xf32>
    %squeeze3A_18 = vector.shape_cast %slice3A_17 : vector<1x1000x128xf32> to vector<1000x128xf32>
    %add3A_19 = arith.addf %squeeze3A_16, %squeeze3A_18 : vector<1000x128xf32>
    %add3A_20 = arith.addf %add3A_19, %get3A_14 : vector<1000x128xf32>
    %mul3A = vector.broadcast %rsqrt3A : vector<1000x1xf32> to vector<1000x128xf32>
    %mul3A_21 = arith.mulf %mul3A, %add3A_20 : vector<1000x128xf32>
    %get3A_22 = arith.constant 0 : index
    %get3A_23 = arith.constant 0 : index
    %get3A_24 = vector.load %arg4[%get3A_22, %get3A_23] : memref<1x128xf32, #tpu.memory_space<vmem>>, vector<1x128xf32>
    %add3A_25 = vector.broadcast %get3A_24 : vector<1x128xf32> to vector<1000x128xf32>
    %add3A_26 = arith.addf %mul3A_21, %add3A_25 : vector<1000x128xf32>
    %slice3A_27 = vector.extract_strided_slice %add3A_26 {offsets = [0, 0], sizes = [1000, 64], strides = [1, 1]} : vector<1000x128xf32> to vector<1000x64xf32>
    %reduce_max3A = arith.constant dense<0xFF800000> : vector<1000xf32>
    %reduce_max3A_28 = vector.multi_reduction <maximumf>, %slice3A_27, %reduce_max3A [1] : vector<1000x64xf32> to vector<1000xf32>
    %broadcast_in_dim3A = vector.shape_cast %reduce_max3A_28 : vector<1000xf32> to vector<1000x1xf32>
    %reduce_min3A = arith.constant dense<0x7F800000> : vector<1000xf32>
    %reduce_min3A_29 = vector.multi_reduction <minimumf>, %slice3A_27, %reduce_min3A [1] : vector<1000x64xf32> to vector<1000xf32>
    %broadcast_in_dim3A_30 = vector.shape_cast %reduce_min3A_29 : vector<1000xf32> to vector<1000x1xf32>
    %sub3A = vector.broadcast %broadcast_in_dim3A_30 : vector<1000x1xf32> to vector<1000x64xf32>
    %sub3A_31 = arith.subf %slice3A_27, %sub3A : vector<1000x64xf32>
    %sub3A_32 = arith.subf %broadcast_in_dim3A, %broadcast_in_dim3A_30 : vector<1000x1xf32>
    %div3A = vector.broadcast %sub3A_32 : vector<1000x1xf32> to vector<1000x64xf32>
    %div3A_33 = arith.divf %sub3A_31, %div3A : vector<1000x64xf32>
    %mul3A_34 = arith.mulf %div3A_33, %div3A_33 : vector<1000x64xf32>
    %reduce_sum3A = arith.constant dense<0.000000e+00> : vector<1000xf32>
    %reduce_sum3A_35 = vector.multi_reduction <add>, %mul3A_34, %reduce_sum3A [1] : vector<1000x64xf32> to vector<1000xf32>
    %broadcast_in_dim3A_36 = vector.shape_cast %reduce_sum3A_35 : vector<1000xf32> to vector<1000x1xf32>
    %sqrt3A = math.sqrt %broadcast_in_dim3A_36 : vector<1000x1xf32>
    %max3A = arith.constant 9.99999996E-13 : f32
    %max3A_37 = vector.broadcast %max3A : f32 to vector<1000x1xf32>
    %max3A_38 = arith.maximumf %sqrt3A, %max3A_37 : vector<1000x1xf32>
    %div3A_39 = vector.broadcast %max3A_38 : vector<1000x1xf32> to vector<1000x64xf32>
    %div3A_40 = arith.divf %div3A_33, %div3A_39 : vector<1000x64xf32>
    %swap3A = arith.constant 0 : index
    %swap3A_41 = arith.constant 0 : index
    %swap3A_42 = vector.load %arg5[%swap3A, %swap3A_41] : memref<1000x64xf32, #tpu.memory_space<vmem>>, vector<1000x64xf32>
    tpu.vector_store %arg5[%swap3A, %swap3A_41], %div3A_40 {strides = array<i32>} : memref<1000x64xf32, #tpu.memory_space<vmem>>, vector<1000x64xf32>,
    return
  }
  func.func @transform_0(%arg0: i32) -> (i32, i32, i32) {
    %c0_i32 = arith.constant 0 : i32
    %c0_i32_0 = arith.constant 0 : i32
    %c0_i32_1 = arith.constant 0 : i32
    return %c0_i32, %arg0, %c0_i32_0 : i32, i32, i32
  }
  func.func @transform_1(%arg0: i32) -> (i32, i32) {
    %c0_i32 = arith.constant 0 : i32
    %c0_i32_0 = arith.constant 0 : i32
    return %arg0, %c0_i32 : i32, i32
  }
  func.func @transform_2(%arg0: i32) -> (i32, i32, i32) {
    %c0_i32 = arith.constant 0 : i32
    %c0_i32_0 = arith.constant 0 : i32
    %c0_i32_1 = arith.constant 0 : i32
    return %c0_i32, %arg0, %c0_i32_0 : i32, i32, i32
  }
  func.func @transform_3(%arg0: i32) -> (i32, i32) {
    %c0_i32 = arith.constant 0 : i32
    %c0_i32_0 = arith.constant 0 : i32
    %c0_i32_1 = arith.constant 0 : i32
    return %c0_i32, %c0_i32_0 : i32, i32
  }
  func.func @transform_4(%arg0: i32) -> (i32, i32) {
    %c0_i32 = arith.constant 0 : i32
    %c0_i32_0 = arith.constant 0 : i32
    return %arg0, %c0_i32 : i32, i32
  }
}

</mosaic_0001>

<sc_bundles>
// kernel: kernel.11.cloned.1.call-start
scs
__scs_entry_jumppad:
0x0: {  	(pc) =	sbr.rel $0x88, $3  }
0x1: {  	(tag) =	ssettag $0x0;
	lr =	simm.s32 $0x1  }
0x2: {  	[smem:$0x3F9B] =	sst lr;
	_ =	strace $0xD0000000  }
0x3: {  	_ = 	snop  }
0x4: {  	_ = 	snop  }
0x5: {  	_ = 	snop  }
0x6: {  	_ = 	snop  }
0x7: {  	_ = 	snop  }
__scs_overlays_trampoline_lowered:
0x8: {  	[smem:$0x3FAA] =	sst s0  }
0x9: {  	[smem:$0x3FAB] =	sst s1  }
0xa: {  	[smem:$0x3FAC] =	sst s2  }
0xb: {  	[smem:$0x3FAD] =	sst s3  }
0xc: {  	[smem:$0x3FAE] =	sst s4  }
0xd: {  	[smem:$0x3FAF] =	sst s5  }
0xe: {  	[smem:$0x3FB0] =	sst s6  }
0xf: {  	[smem:$0x3FB1] =	sst s7  }
0x10: {  	[smem:$0x3FB2] =	sst s8  }
0x11: {  	[smem:$0x3FB3] =	sst s9;
	s0 =	simm.s32 @!p0 $0x0  }
0x12: {  	s1 =	sld [smem:$0x3F99];
	s0 =	simm.s32 @p0 $0x1  }
0x13: {  	[smem:$0x3FB4] =	sst s0;
	s0 =	simm.s32 @!p1 $0x0  }
0x14: {  	s2 =	sld [smem:$0x3F98];
	s0 =	simm.s32 @p1 $0x1  }
0x15: {  	[smem:$0x3FB5] =	sst s0;
	s0 =	simm.s32 @!p2 $0x0  }
0x16: {  	s3 =	sld [smem:$0x3FDB];
	s0 =	simm.s32 @p2 $0x1  }
0x17: {  	s4 =	simm.s32 $0x1BF5;
	[smem:$0x3FB7] =	sst s0  }
0x18: {  	s0 =	sld [smem:$0x3F9A];
	_ =	swait.ge [sflag:s4], $0x0  }
0x19: {  	s7 =	sld [smem:$0x3F9B]  }
0x1a: {  	s8 =	sadd.s32 $0xFFFFE003, lr  }
0x1b: {  	s9 =	sadd.s32 $0xFFFFFEF7, lr;
	s5 =	simm.s32 $0xFFFFFFFF;
	p2 =	slt.u32 s8, $0xFFFFF086  }
0x1c: {  	p1 =	slt.u32 s9, $0xF7A;
	s5 =	simm.s32 @!p2 $0x0  }
0x1d: {  	s5 =	simm.s32 @p1 $0x1;
	p0 =	seq.s32 s7, s2  }
0x1e: {  	s7 =	smul.u32 @!p0 $0xF7A, s2;
	p2 =	seq.s32 @!p0 s5, $0x0  }
0x1f: {  	s9 =	smul.u32 $0xF7A, s1;
	s8 =	simm.s32 @!p0 $0x1BF5;
	p2 =	por !p2, p0  }
0x20: {  	[sflag:s8] =	ssyncset.s32 @!p0 $0xFFFFF086;
	s6 =	sadd.s32 @!p0 s3, s7;
	s7 =	simm.s32 @!p0 $0x108  }
0x21: {  	s3 =	sadd.s32 s3, s9;
	s6 =	sadd.s32 @!p0 $0x88, s6;
	s7 =	simm.s32 @p2 $0x1082  }
0x22: {  	[simem:s7], [sflag:s8] =	dma.local @!p0 [hbm:s6], $0xF7A  }
0x23: {  	s9 =	sor.u32 $0xD0000000, s2;
	s6 =	simm.s32 $0x108;
	_ =	swait.ge @!p0 [sflag:s8], $0x0  }
0x24: {  	s3 =	sadd.s32 $0x88, s3;
	s6 =	simm.s32 @!p1 $0x1082;
	[sflag:s4] =	ssyncset.s32 $0xFFFFF086  }
0x25: {  	[simem:s6], [sflag:s4] =	dma.local [hbm:s3], $0xF7A  }
0x26: {  	[smem:$0x3F9B] =	sst s1;
	(tag) =	ssettag s2;
	_ =	strace s9  }
0x27: {  	s1 =	sld [smem:$0x3FAB]  }
0x28: {  	s2 =	sld [smem:$0x3FAC]  }
0x29: {  	s4 =	sld [smem:$0x3FAE]  }
0x2a: {  	p0 =	seq.s32 s5, $0x0;
	s5 =	sld [smem:$0x3FAF]  }
0x2b: {  	s6 =	sld [smem:$0x3FB0]  }
0x2c: {  	s7 =	sld [smem:$0x3FB1]  }
0x2d: {  	s3 =	simm.s32 $0x108;
	s8 =	sld [smem:$0x3FB2]  }
0x2e: {  	s3 =	simm.s32 @!p0 $0x1082;
	s9 =	sld [smem:$0x3FB3]  }
0x2f: {  	lr =	sadd.s32 s0, s3;
	s0 =	sld [smem:$0x3FAA]  }
0x30: {  	s3 =	sld [smem:$0x3FAD]  }
0x31: {  	[smem:$0x3FB6] =	sst s10  }
0x32: {  	s10 =	sld [smem:$0x3FB4];
	_ =	sdelay $0x3  }
0x33: {  	p0 =	seq.s32 s10, $0x1;
	s10 =	sld [smem:$0x3FB6];
	_ =	sdelay $0x3  }
0x34: {  	[smem:$0x3FB6] =	sst s10  }
0x35: {  	s10 =	sld [smem:$0x3FB5];
	_ =	sdelay $0x3  }
0x36: {  	p1 =	seq.s32 s10, $0x1;
	s10 =	sld [smem:$0x3FB6];
	_ =	sdelay $0x3  }
0x37: {  	[smem:$0x3FB6] =	sst s10  }
0x38: {  	s10 =	sld [smem:$0x3FB7]  }
0x39: {  	_ = 	snop;
	(pc) =	sbr.ind lr, $3  }
0x3a: {  	_ = 	snop  }
0x3b: {  	_ = 	snop  }
0x3c: {  	p2 =	seq.s32 s10, $0x1;
	s10 =	sld [smem:$0x3FB6]  }
0x3d: {  	_ =	shalt  }
0x3e: {  	_ =	shalt  }
0x3f: {  	_ =	shalt  }
0x40: {  	_ =	shalt  }
0x41: {  	_ =	shalt  }
0x42: {  	_ =	shalt  }
0x43: {  	_ =	shalt  }
0x44: {  	_ =	shalt  }
0x45: {  	_ =	shalt  }
0x46: {  	_ =	shalt  }
0x47: {  	_ =	shalt  }
0x48: {  	_ =	shalt  }
0x49: {  	_ =	shalt  }
0x4a: {  	_ =	shalt  }
0x4b: {  	_ =	shalt  }
0x4c: {  	_ =	shalt  }
0x4d: {  	_ =	shalt  }
0x4e: {  	_ =	shalt  }
0x4f: {  	_ =	shalt  }
0x50: {  	_ =	shalt  }
0x51: {  	_ =	shalt  }
0x52: {  	_ =	shalt  }
0x53: {  	_ =	shalt  }
0x54: {  	_ =	shalt  }
0x55: {  	_ =	shalt  }
0x56: {  	_ =	shalt  }
0x57: {  	_ =	shalt  }
0x58: {  	_ =	shalt  }
0x59: {  	_ =	shalt  }
0x5a: {  	_ =	shalt  }
0x5b: {  	_ =	shalt  }
0x5c: {  	_ =	shalt  }
0x5d: {  	_ =	shalt  }
0x5e: {  	_ =	shalt  }
0x5f: {  	_ =	shalt  }
0x60: {  	_ =	shalt  }
0x61: {  	_ =	shalt  }
0x62: {  	_ =	shalt  }
0x63: {  	_ =	shalt  }
0x64: {  	_ =	shalt  }
0x65: {  	_ =	shalt  }
0x66: {  	_ =	shalt  }
0x67: {  	_ =	shalt  }
0x68: {  	_ =	shalt  }
0x69: {  	_ =	shalt  }
0x6a: {  	_ =	shalt  }
0x6b: {  	_ =	shalt  }
0x6c: {  	_ =	shalt  }
0x6d: {  	_ =	shalt  }
0x6e: {  	_ =	shalt  }
0x6f: {  	_ =	shalt  }
0x70: {  	_ =	shalt  }
0x71: {  	_ =	shalt  }
0x72: {  	_ =	shalt  }
0x73: {  	_ =	shalt  }
0x74: {  	_ =	shalt  }
0x75: {  	_ =	shalt  }
0x76: {  	_ =	shalt  }
0x77: {  	_ =	shalt  }
0x78: {  	_ =	shalt  }
0x79: {  	_ =	shalt  }
0x7a: {  	_ =	shalt  }
0x7b: {  	_ =	shalt  }
0x7c: {  	_ =	shalt  }
0x7d: {  	_ =	shalt  }
0x7e: {  	_ =	shalt  }
0x7f: {  	_ =	shalt  }
0x80: {  	_ =	shalt  }
0x81: {  	_ =	shalt  }
0x82: {  	_ =	shalt  }
0x83: {  	_ =	shalt  }
0x84: {  	_ =	shalt  }
0x85: {  	_ =	shalt  }
0x86: {  	_ =	shalt  }
0x87: {  	_ =	shalt  }
.Lfunc_end0:
.L_simem_size_0:
called_computation.1_lowered:
.L_overlay_start_0:
0x88: {  	s2 =	sld [smem:$0x3FD9]  }
0x89: {  	s3 =	sld [smem:$0x3FFE];
	_ =	sdelay $0x1  }
0x8a: {  	s1 =	srdreg.scid  }
0x8b: {  	s0 =	sand.u32 $0x1, s1  }
0x8c: {  	s17 =	sshll.u32 s0, $0xA;
	s2 =	sadd.s32 s3, s2  }
0x8d: {  	s2 =	sadd.s32 s2, s17  }
0x8e: {  	[smem:$0x3FC2] =	sst s2  }
0x8f: {  	_ = 	snop  }
0x90: {  	s2 =	sld [smem:$0x3FD0];
	(tm) =	ssettm $0x1  }
0x91: {  	s18 =	sld [smem:$0x3FFB];
	_ =	sdelay $0x3  }
0x92: {  	_ =	strace s18  }
0x93: {  	s3 =	sld [smem:$0x3FFC];
	_ =	sdelay $0x3  }
0x94: {  	_ =	strace s3  }
0x95: {  	s3 =	sld [smem:$0x3FFD];
	_ =	sdelay $0x3  }
0x96: {  	_ =	strace s3  }
0x97: {  	_ =	strace $0x8FFFFFFF  }
0x98: {  	s19 =	sld [smem:$0x3FDB];
	_ =	sdelay $0x1  }
0x99: {  	s4 =	simm.s32 $_scs_section_size  }
0x9a: {  	s5 =	simm.s32 $_size__tile_overlayer_lowered;
	s6 =	simm.s32 $_tile_overlayer_lowered  }
0x9b: {  	s22 =	simm.s32 $0x1BFF;
	s21 =	sshll.u32 s6, $0x1;
	s3 =	sadd.s32 s4, s19  }
0x9c: {  	s7 =	simm.s32 $0x0;
	s20 =	sshll.u32 s5, $0x1;
	s5 =	sadd.s32 s21, s3  }
0x9d: {  	[timem:s7], [sflag:s22] =	dma.local [hbm:s5], s20  }
0x9e: {  	_ =	swait.ge [sflag:s22], s20  }
0x9f: {  	s4 =	ssub.s32 $0x0, s20;
	[sflag:s22] =	ssyncset.done $0x0  }
0xa0: {  	[sflag:s22] =	ssyncadd.s32 s4;
	_ =	sdelay $0x1  }
0xa1: {  	s23 =	simm.s32 $0x1B8B  }
0xa2: {  	_ =	swait.ge [sflag:s23], $0x1  }
0xa3: {  	[sflag:s23] =	ssyncset.done $0x0  }
0xa4: {  	s25 =	simm.s32 $0x1B8E;
	s24 =	sld [smem:$0x3FFE];
	[sflag:s23] =	ssyncadd.s32 $0xFFFFFFFF  }
0xa5: {  	s26 =	simm.s32 $execute0_lowered;
	[smem:$0x3FD2] =	sst s25  }
0xa6: {  	s5 =	sshll.u32 s26, $0x1;
	_ =	strace $0x80000049;
	[dreg:$0x1] =	wrdreg $0xFFFFFFFF  }
0xa7: {  	s28 =	simm.s32 $_size_execute0_lowered;
	s3 =	sadd.s32 s3, s5;
	[dreg:$0x0] =	wrdreg $0x0  }
0xa8: {  	s5 =	sshll.u32 s28, $0x1;
	[dreg:$0x2] =	wrdreg s3  }
0xa9: {  	[dreg:$0x3] =	wrdreg s5  }
0xaa: {  	[dreg:$0x4] =	wrdreg $0xC0  }
0xab: {  	_ =	task [dreg:s7], $0x5FFFF  }
0xac: {  	[dreg:$0x1] =	wrdreg $0xFFFFFFFF  }
0xad: {  	[dreg:$0x0] =	wrdreg $0x60  }
0xae: {  	[dreg:$0x2] =	wrdreg s2  }
0xaf: {  	[dreg:$0x3] =	wrdreg s24  }
0xb0: {  	[dreg:$0x4] =	wrdreg $0xA8000  }
0xb1: {  	[dreg:$0x5] =	wrdreg $0x9  }
0xb2: {  	_ =	task.clear_ibuf [dreg:s7], $0x6FFFF;
	_ =	strace $0x90000049  }
0xb3: {  	s29 =	simm.s32 $0x9;
	_ =	strace $0x8000004B  }
0xb4: {  	_ =	swait.ge [sflag:s29], $0x1  }
0xb5: {  	[sflag:s29] =	ssyncadd.s32 $0xFFFFFFFF  }
0xb6: {  	_ =	strace $0x9000004B  }
0xb7: {  	_ =	sfence  }
0xb8: {  	s30 =	sld [smem:$0x0];
	_ =	sdelay $0x2  }
0xb9: {  	s31 =	sshll.u32 s1, $0xD;
	s1 =	sshrl.u32 s1, $0x2  }
0xba: {  	s3 =	sand.u32 $0x4000, s31;
	s1 =	sadd.s32 s1, s30  }
0xbb: {  	s0 =	sor.u32 s3, s0;
	s1 =	sshll.u32 s1, $0x11  }
0xbc: {  	s0 =	sor.u32 s1, s0  }
0xbd: {  	s0 =	sadd.s32 $0x8F2B, s0  }
0xbe: {  	[sflag:s0] =	ssyncadd.remote.s32 $0x1  }
0xbf: {  	_ =	sfence.sel $0xFFFF  }
0xc0: {  	[dreg:$0x0] =	wrdreg $0xFFFFFFFF;
	(pc) =	sbr.abs _section_cstart, $3  }
0xc1: {  	[dreg:$0x1] =	wrdreg $0xFFFFFFFF  }
0xc2: {  	_ =	task.clear_ibuf [dreg:s7], $0x2FFFF;
	_ =	strace $0x9FFFFFFF  }
0xc3: {  	(tm) =	ssettm $0x7FFFFFFF  }
tec
execute0_lowered:
.L_overlay_start_1:
0x0: {  	(tag) =	ssettag $0x1  }
0x1: {  	s0 =	rddreg [dreg:$0x0]  }
0x2: {  	s1 =	rddreg [dreg:$0x1]  }
0x3: {  	s2 =	rddreg [dreg:$0x2]  }
0x4: {  	s4 =	srdreg.scid;
	s10 =	stileid.u32;
	s3 =	simm.s32 $0x0  }
0x5: {  	s21 =	simm.s32 $0x2800;
	s22 =	simm.s32 $0x5;
	s23 =	simm.s32 $0x1400  }
0x6: {  	s24 =	simm.s32 $0x6800;
	s28 =	simm.s32 $0x1;
	s29 =	simm.s32 $0x2  }
0x7: {  	s30 =	simm.s32 $0x3;
	s31 =	simm.s32 $0x2780;
	s5 =	smul.u32 $0x278, s10  }
0x8: {  	s6 =	sand.u32 $0x1, s4;
	[smem:$0x7FF] =	sst s3;
	s8 =	smul.u32 $0x4F000, s10  }
0x9: {  	s11 =	sadd.s32 $0x1E00, s1;
	s4 =	sadd.s32 $0x5BE00, s1;
	s7 =	smul.u32 $0x2780, s6  }
0xa: {  	_ =	strace $0x8000004A;
	s25 =	ssub.s32 $0x2, s6;
	s6 =	sshll.u32 s6, $0x4  }
0xb: {  	s9 =	sshrl.u32 s25, $0x1;
	s10 =	sor.u32 s10, s6;
	s26 =	sshrl.u32 s8, $0x2  }
0xc: {  	s7 =	sadd.s32 s5, s7;
	s5 =	sadd.s32 $0xC600, s1;
	s13 =	smul.u32 $0x2800, s10  }
0xd: {  	s12 =	ssub.s32 s25, s9;
	s6 =	sadd.s32 s26, s2;
	s14 =	smul.u32 $0x500, s10  }
0xe: {  	s25 =	simm.s32 $0x80;
	s26 =	simm.s32 $0x4;
	s7 =	sshll.u32 s7, $0x4  }
0xf: {  	s8 =	sadd.s32 $0x8000, s6;
	s9 =	sadd.s32 $0xC000, s6;
	s10 =	sadd.s32 $0x10000, s6  }
0x10: {  	s20 =	smax.u32 s12, $0x1;
	s1 =	sadd.s32 s7, s1;
	s15 =	sadd.s32 s11, s14  }
0x11: {  	s13 =	sshrl.u32 s13, $0x3;
	s14 =	sadd.s32 s0, s14;
	[dreg:$0x4] =	wrdreg s15  }
0x12: {  	s7 =	sadd.s32 $0x4000, s6;
	[dreg:$0x5] =	wrdreg s14;
	s13 =	sadd.s32 $0x280, s13  }
0x13: {  	s15 =	sadd.s32 $0x83000, s1;
	s16 =	sadd.s32 $0x83800, s1;
	s17 =	sadd.s32 $0x84000, s1  }
0x14: {  	s18 =	sadd.s32 $0x84800, s1;
	s19 =	sadd.s32 $0x85000, s1;
	s11 =	sadd.s32 s11, s13  }
0x15: {  	s1 =	simm.s32 $0x1380;
	s0 =	sadd.s32 s0, s13;
	[dreg:$0x6] =	wrdreg s11  }
0x16: {  	[dreg:$0x7] =	wrdreg s0;
	s0 =	simm.s32 $0x1300;
	s11 =	simm.s32 $0x0  }
.LBB2_1:
0x17: {  	[tilespmem:s21], [sflag:$0x5] =	stream.linear.gather [hbm4b:s5+s3], $0x4000, $0x38;
	[tilespmem:$0x1E400] =	vst v63  }
0x18: {  	_ =	swait.ge [sflag:s22], $0x4000  }
0x19: {  	[sflag:s22] =	ssyncset.done $0x0  }
0x1a: {  	[sflag:s22] =	ssyncadd.s32 $0xFFFFC000  }
0x1b: {  	[spmem:s6] =	stream.linear.scatter [tilespmem:s21], [sflag:$0x5], $0x4000, $0x38;
	[tilespmem:$0x1E400] =	vst v63  }
0x1c: {  	_ =	swait.ge [sflag:s22], $0x4000  }
0x1d: {  	[sflag:s22] =	ssyncset.done $0x0  }
0x1e: {  	[sflag:s22] =	ssyncadd.s32 $0xFFFFC000  }
0x1f: {  	[spmem:s7] =	stream.linear.scatter [tilespmem:s21], [sflag:$0x5], $0x4000, $0x38;
	[tilespmem:$0x1E400] =	vst v63  }
0x20: {  	_ =	swait.ge [sflag:s22], $0x4000  }
0x21: {  	[sflag:s22] =	ssyncset.done $0x0  }
0x22: {  	[sflag:s22] =	ssyncadd.s32 $0xFFFFC000  }
0x23: {  	[spmem:s8] =	stream.linear.scatter [tilespmem:s21], [sflag:$0x5], $0x4000, $0x38;
	[tilespmem:$0x1E400] =	vst v63  }
0x24: {  	_ =	swait.ge [sflag:s22], $0x4000  }
0x25: {  	[sflag:s22] =	ssyncset.done $0x0  }
0x26: {  	[sflag:s22] =	ssyncadd.s32 $0xFFFFC000  }
0x27: {  	[spmem:s9] =	stream.linear.scatter [tilespmem:s21], [sflag:$0x5], $0x4000, $0x38;
	[tilespmem:$0x1E400] =	vst v63  }
0x28: {  	_ =	swait.ge [sflag:s22], $0x4000  }
0x29: {  	[sflag:s22] =	ssyncset.done $0x0  }
0x2a: {  	[sflag:s22] =	ssyncadd.s32 $0xFFFFC000  }
0x2b: {  	[spmem:s10] =	stream.linear.scatter [tilespmem:s21], [sflag:$0x5], $0x3C00, $0x38;
	[tilespmem:$0x1E400] =	vst v63  }
0x2c: {  	_ =	swait.ge [sflag:s22], $0x3C00  }
0x2d: {  	[sflag:s22] =	ssyncset.done $0x0  }
0x2e: {  	[sflag:s22] =	ssyncadd.s32 $0xFFFFC400  }
0x2f: {  	[bflag:$0x0] =	sbarrier.arrive $0xFFFF  }
0x30: {  	s12 =	rddreg [dreg:$0x4]  }
0x31: {  	[tilespmem:s3], [sflag:$0x5] =	stream.linear.gather [hbm4b:s12+s3], $0x1400, $0x38;
	[tilespmem:$0x1E400] =	vst v63  }
0x32: {  	_ =	swait.ge [sflag:s22], $0x1400  }
0x33: {  	[sflag:s22] =	ssyncset.done $0x0  }
0x34: {  	s13 =	rddreg [dreg:$0x5];
	[sflag:s22] =	ssyncadd.s32 $0xFFFFEC00  }
0x35: {  	[tilespmem:s23], [sflag:$0x5] =	stream.linear.gather [hbm4b:s13+s3], $0x1400, $0x38;
	[tilespmem:$0x1E400] =	vst v63  }
0x36: {  	_ =	swait.ge [sflag:s22], $0x1400  }
0x37: {  	[sflag:s22] =	ssyncset.done $0x0  }
0x38: {  	[sflag:s22] =	ssyncadd.s32 $0xFFFFEC00  }
0x39: {  	[tilespmem:s24], [sflag:$0x5] =	stream.linear.gather [hbm4b:s5+s3], $0x4000, $0x38;
	[tilespmem:$0x1E400] =	vst v63  }
0x3a: {  	_ =	swait.ge [sflag:s22], $0x4000  }
0x3b: {  	[sflag:s22] =	ssyncset.done $0x0  }
0x3c: {  	[sflag:s22] =	ssyncadd.s32 $0xFFFFC000  }
0x3d: {  	[tilespmem:s21], [sflag:$0x1] =	stream.indirect.gather [hbm4b:s4+s25], $0x80, s23, s25, $0xb8;
	[tilespmem:$0x1E400] =	vst v63  }
0x3e: {  	_ = 	snop  }
0x3f: {  	[spmem:s2] =	stream.indirect.scatter.add.f32 [tilespmem:s24], [sflag:$0x4], $0x80, s3, s25, $0xb8;
	[tilespmem:$0x1E400] =	vst v63  }
0x40: {  	_ =	swait.ge [sflag:s26], $0x4000  }
0x41: {  	[sflag:s26] =	ssyncset.done $0x0  }
0x42: {  	s14 =	simm.s32 $0x1480;
	[sflag:s26] =	ssyncadd.s32 $0xFFFFC000  }
0x43: {  	[tilespmem:s24], [sflag:$0x2] =	stream.indirect.gather [hbm4b:s4+s25], $0x80, s14, s25, $0xb8;
	[tilespmem:$0x1E400] =	vst v63  }
0x44: {  	_ =	swait.ge [sflag:s28], $0x4000  }
0x45: {  	[sflag:s28] =	ssyncset.done $0x0  }
0x46: {  	s13 =	simm.s32 $0x0;
	[sflag:s28] =	ssyncadd.s32 $0xFFFFC000  }
0x47: {  	[spmem:s2] =	stream.indirect.scatter.add.f32 [tilespmem:s21], [sflag:$0x3], $0x80, s13, s25, $0xb8;
	[tilespmem:$0x1E400] =	vst v63  }
0x48: {  	_ =	swait.ge [sflag:s29], $0x4000  }
0x49: {  	[sflag:s29] =	ssyncset.done $0x0  }
0x4a: {  	s14 =	simm.s32 $0x80;
	[sflag:s29] =	ssyncadd.s32 $0xFFFFC000  }
0x4b: {  	[spmem:s2] =	stream.indirect.scatter.add.f32 [tilespmem:s24], [sflag:$0x4], $0x80, s14, s25, $0xb8;
	[tilespmem:$0x1E400] =	vst v63  }
0x4c: {  	_ =	swait.ge [sflag:s30], $0x4000  }
0x4d: {  	[sflag:s30] =	ssyncset.done $0x0  }
0x4e: {  	s12 =	simm.s32 $0x400;
	s13 =	simm.s32 $0x1500;
	[sflag:s30] =	ssyncadd.s32 $0xFFFFC000  }
.LBB2_2:
0x4f: {  	[tilespmem:s21], [sflag:$0x1] =	stream.indirect.gather [hbm4b:s4+s25], $0x80, s13, s25, $0xb8;
	[tilespmem:$0x1E400] =	vst v63  }
0x50: {  	s13 =	smov.u32 s12  }
0x51: {  	p0 =	sne.s32 s12, $0x4800;
	s12 =	sadd.s32 $0x400, s12;
	_ =	swait.ge [sflag:s26], $0x4000  }
0x52: {  	s13 =	sshra.s32 s13, $0x2;
	[sflag:s26] =	ssyncset.done $0x0  }
0x53: {  	s14 =	sadd.s32 $0x1480, s13;
	[sflag:s26] =	ssyncadd.s32 $0xFFFFC000  }
0x54: {  	[tilespmem:s24], [sflag:$0x2] =	stream.indirect.gather [hbm4b:s4+s25], $0x80, s14, s25, $0xb8;
	[tilespmem:$0x1E400] =	vst v63  }
0x55: {  	_ =	swait.ge [sflag:s28], $0x4000  }
0x56: {  	[sflag:s28] =	ssyncset.done $0x0  }
0x57: {  	[sflag:s28] =	ssyncadd.s32 $0xFFFFC000  }
0x58: {  	[spmem:s2] =	stream.indirect.scatter.add.f32 [tilespmem:s21], [sflag:$0x3], $0x80, s13, s25, $0xb8;
	[tilespmem:$0x1E400] =	vst v63  }
0x59: {  	_ =	swait.ge [sflag:s29], $0x4000  }
0x5a: {  	[sflag:s29] =	ssyncset.done $0x0  }
.Ltmp0:
0x5b: {  	s14 =	sadd.s32 $0x80, s13;
	[sflag:s29] =	ssyncadd.s32 $0xFFFFC000;
	(pc) =	sbr.rel @p0 .LBB2_2-.Ltmp0, $4  }
0x5c: {  	[spmem:s2] =	stream.indirect.scatter.add.f32 [tilespmem:s24], [sflag:$0x4], $0x80, s14, s25, $0xb8;
	[tilespmem:$0x1E400] =	vst v63  }
0x5d: {  	_ =	swait.ge [sflag:s30], $0x4000  }
0x5e: {  	[sflag:s30] =	ssyncset.done $0x0  }
0x5f: {  	s13 =	sadd.s32 $0x1500, s13;
	[sflag:s30] =	ssyncadd.s32 $0xFFFFC000  }
0x60: {  	[tilespmem:s21], [sflag:$0x1] =	stream.indirect.gather [hbm4b:s4+s25], $0x80, s13, s25, $0xb8;
	[tilespmem:$0x1E400] =	vst v63  }
0x61: {  	_ =	swait.ge [sflag:s26], $0x4000  }
0x62: {  	[sflag:s26] =	ssyncset.done $0x0  }
0x63: {  	[sflag:s26] =	ssyncadd.s32 $0xFFFFC000  }
0x64: {  	[tilespmem:s24], [sflag:$0x2] =	stream.indirect.gather [hbm4b:s4+s25], $0x80, s31, s25, $0xb8;
	[tilespmem:$0x1E400] =	vst v63  }
0x65: {  	_ =	swait.ge [sflag:s28], $0x4000  }
0x66: {  	[sflag:s28] =	ssyncset.done $0x0  }
0x67: {  	[sflag:s28] =	ssyncadd.s32 $0xFFFFC000  }
0x68: {  	[spmem:s2] =	stream.indirect.scatter.add.f32 [tilespmem:s21], [sflag:$0x3], $0x80, s0, s25, $0xb8;
	[tilespmem:$0x1E400] =	vst v63  }
0x69: {  	_ =	swait.ge [sflag:s29], $0x4000  }
0x6a: {  	[sflag:s29] =	ssyncset.done $0x0  }
0x6b: {  	[sflag:s29] =	ssyncadd.s32 $0xFFFFC000  }
0x6c: {  	[spmem:s2] =	stream.indirect.scatter.add.f32 [tilespmem:s24], [sflag:$0x4], $0x80, s1, s25, $0xb8;
	[tilespmem:$0x1E400] =	vst v63  }
0x6d: {  	_ =	swait.ge [sflag:s30], $0x4000  }
0x6e: {  	[sflag:s30] =	ssyncset.done $0x0  }
0x6f: {  	[sflag:s30] =	ssyncadd.s32 $0xFFFFC000  }
0x70: {  	_ =	swait.ge [sflag:s26], $0x4000  }
0x71: {  	[sflag:s26] =	ssyncset.done $0x0  }
0x72: {  	s12 =	simm.s32 $0x0;
	s14 =	rddreg [dreg:$0x6];
	[sflag:s26] =	ssyncadd.s32 $0xFFFFC000  }
0x73: {  	[tilespmem:s12], [sflag:$0x5] =	stream.linear.gather [hbm4b:s14+s12], $0x1400, $0x38;
	[tilespmem:$0x1E400] =	vst v63  }
0x74: {  	_ =	swait.ge [sflag:s22], $0x1400  }
0x75: {  	[sflag:s22] =	ssyncset.done $0x0  }
0x76: {  	s14 =	rddreg [dreg:$0x7];
	[sflag:s22] =	ssyncadd.s32 $0xFFFFEC00  }
0x77: {  	[tilespmem:s23], [sflag:$0x5] =	stream.linear.gather [hbm4b:s14+s12], $0x1400, $0x38;
	[tilespmem:$0x1E400] =	vst v63  }
0x78: {  	_ =	swait.ge [sflag:s22], $0x1400  }
0x79: {  	[sflag:s22] =	ssyncset.done $0x0  }
0x7a: {  	[sflag:s22] =	ssyncadd.s32 $0xFFFFEC00  }
0x7b: {  	[tilespmem:s24], [sflag:$0x5] =	stream.linear.gather [hbm4b:s5+s12], $0x4000, $0x38;
	[tilespmem:$0x1E400] =	vst v63  }
0x7c: {  	_ =	swait.ge [sflag:s22], $0x4000  }
0x7d: {  	[sflag:s22] =	ssyncset.done $0x0  }
0x7e: {  	[sflag:s22] =	ssyncadd.s32 $0xFFFFC000  }
0x7f: {  	[tilespmem:s21], [sflag:$0x1] =	stream.indirect.gather [hbm4b:s4+s25], $0x80, s23, s25, $0xb8;
	[tilespmem:$0x1E400] =	vst v63  }
0x80: {  	_ = 	snop  }
0x81: {  	[spmem:s2] =	stream.indirect.scatter.add.f32 [tilespmem:s24], [sflag:$0x4], $0x80, s12, s25, $0xb8;
	[tilespmem:$0x1E400] =	vst v63  }
0x82: {  	_ =	swait.ge [sflag:s26], $0x4000  }
0x83: {  	[sflag:s26] =	ssyncset.done $0x0  }
0x84: {  	s14 =	simm.s32 $0x1480;
	[sflag:s26] =	ssyncadd.s32 $0xFFFFC000  }
0x85: {  	[tilespmem:s24], [sflag:$0x2] =	stream.indirect.gather [hbm4b:s4+s25], $0x80, s14, s25, $0xb8;
	[tilespmem:$0x1E400] =	vst v63  }
0x86: {  	_ =	swait.ge [sflag:s28], $0x4000  }
0x87: {  	[sflag:s28] =	ssyncset.done $0x0  }
0x88: {  	s13 =	simm.s32 $0x0;
	[sflag:s28] =	ssyncadd.s32 $0xFFFFC000  }
0x89: {  	[spmem:s2] =	stream.indirect.scatter.add.f32 [tilespmem:s21], [sflag:$0x3], $0x80, s13, s25, $0xb8;
	[tilespmem:$0x1E400] =	vst v63  }
0x8a: {  	_ =	swait.ge [sflag:s29], $0x4000  }
0x8b: {  	[sflag:s29] =	ssyncset.done $0x0  }
0x8c: {  	s14 =	simm.s32 $0x80;
	[sflag:s29] =	ssyncadd.s32 $0xFFFFC000  }
0x8d: {  	[spmem:s2] =	stream.indirect.scatter.add.f32 [tilespmem:s24], [sflag:$0x4], $0x80, s14, s25, $0xb8;
	[tilespmem:$0x1E400] =	vst v63  }
0x8e: {  	_ =	swait.ge [sflag:s30], $0x4000  }
0x8f: {  	[sflag:s30] =	ssyncset.done $0x0  }
0x90: {  	s12 =	simm.s32 $0x400;
	s13 =	simm.s32 $0x1500;
	[sflag:s30] =	ssyncadd.s32 $0xFFFFC000  }
.LBB2_4:
0x91: {  	[tilespmem:s21], [sflag:$0x1] =	stream.indirect.gather [hbm4b:s4+s25], $0x80, s13, s25, $0xb8;
	[tilespmem:$0x1E400] =	vst v63  }
0x92: {  	s13 =	smov.u32 s12  }
0x93: {  	p0 =	sne.s32 s12, $0x4800;
	s12 =	sadd.s32 $0x400, s12;
	_ =	swait.ge [sflag:s26], $0x4000  }
0x94: {  	s13 =	sshra.s32 s13, $0x2;
	[sflag:s26] =	ssyncset.done $0x0  }
0x95: {  	s14 =	sadd.s32 $0x1480, s13;
	[sflag:s26] =	ssyncadd.s32 $0xFFFFC000  }
0x96: {  	[tilespmem:s24], [sflag:$0x2] =	stream.indirect.gather [hbm4b:s4+s25], $0x80, s14, s25, $0xb8;
	[tilespmem:$0x1E400] =	vst v63  }
0x97: {  	_ =	swait.ge [sflag:s28], $0x4000  }
0x98: {  	[sflag:s28] =	ssyncset.done $0x0  }
0x99: {  	[sflag:s28] =	ssyncadd.s32 $0xFFFFC000  }
0x9a: {  	[spmem:s2] =	stream.indirect.scatter.add.f32 [tilespmem:s21], [sflag:$0x3], $0x80, s13, s25, $0xb8;
	[tilespmem:$0x1E400] =	vst v63  }
0x9b: {  	_ =	swait.ge [sflag:s29], $0x4000  }
0x9c: {  	[sflag:s29] =	ssyncset.done $0x0  }
.Ltmp1:
0x9d: {  	s14 =	sadd.s32 $0x80, s13;
	[sflag:s29] =	ssyncadd.s32 $0xFFFFC000;
	(pc) =	sbr.rel @p0 .LBB2_4-.Ltmp1, $4  }
0x9e: {  	[spmem:s2] =	stream.indirect.scatter.add.f32 [tilespmem:s24], [sflag:$0x4], $0x80, s14, s25, $0xb8;
	[tilespmem:$0x1E400] =	vst v63  }
0x9f: {  	_ =	swait.ge [sflag:s30], $0x4000  }
0xa0: {  	[sflag:s30] =	ssyncset.done $0x0  }
0xa1: {  	s13 =	sadd.s32 $0x1500, s13;
	[sflag:s30] =	ssyncadd.s32 $0xFFFFC000  }
0xa2: {  	[tilespmem:s21], [sflag:$0x1] =	stream.indirect.gather [hbm4b:s4+s25], $0x80, s13, s25, $0xb8;
	[tilespmem:$0x1E400] =	vst v63  }
0xa3: {  	_ =	swait.ge [sflag:s26], $0x4000  }
0xa4: {  	[sflag:s26] =	ssyncset.done $0x0  }
0xa5: {  	[sflag:s26] =	ssyncadd.s32 $0xFFFFC000  }
0xa6: {  	[tilespmem:s24], [sflag:$0x2] =	stream.indirect.gather [hbm4b:s4+s25], $0x80, s31, s25, $0xb8;
	[tilespmem:$0x1E400] =	vst v63  }
0xa7: {  	_ =	swait.ge [sflag:s28], $0x4000  }
0xa8: {  	[sflag:s28] =	ssyncset.done $0x0  }
0xa9: {  	[sflag:s28] =	ssyncadd.s32 $0xFFFFC000  }
0xaa: {  	[spmem:s2] =	stream.indirect.scatter.add.f32 [tilespmem:s21], [sflag:$0x3], $0x80, s0, s25, $0xb8;
	[tilespmem:$0x1E400] =	vst v63  }
0xab: {  	_ =	swait.ge [sflag:s29], $0x4000  }
0xac: {  	[sflag:s29] =	ssyncset.done $0x0  }
0xad: {  	[sflag:s29] =	ssyncadd.s32 $0xFFFFC000  }
0xae: {  	[spmem:s2] =	stream.indirect.scatter.add.f32 [tilespmem:s24], [sflag:$0x4], $0x80, s1, s25, $0xb8;
	[tilespmem:$0x1E400] =	vst v63  }
0xaf: {  	_ =	swait.ge [sflag:s30], $0x4000  }
0xb0: {  	[sflag:s30] =	ssyncset.done $0x0  }
0xb1: {  	[sflag:s30] =	ssyncadd.s32 $0xFFFFC000  }
0xb2: {  	_ =	swait.ge [sflag:s26], $0x4000  }
0xb3: {  	[sflag:s26] =	ssyncset.done $0x0  }
0xb4: {  	[sflag:s26] =	ssyncadd.s32 $0xFFFFC000  }
0xb5: {  	[bflag:$0x0] =	sbarrier.arrive $0xFFFF  }
0xb6: {  	[tilespmem:s21], [sflag:$0x5] =	stream.linear.gather [spmem:s6], $0x4000, $0x38;
	[tilespmem:$0x1E400] =	vst v63  }
0xb7: {  	_ =	swait.ge [sflag:s22], $0x4000  }
0xb8: {  	[sflag:s22] =	ssyncset.done $0x0  }
0xb9: {  	[sflag:s22] =	ssyncadd.s32 $0xFFFFC000  }
0xba: {  	[hbm4b:s15+s3] =	stream.linear.scatter [tilespmem:s21], [sflag:$0x5], $0x4000, $0x38;
	[tilespmem:$0x1E400] =	vst v63  }
0xbb: {  	_ =	swait.ge [sflag:s22], $0x4000  }
0xbc: {  	[sflag:s22] =	ssyncset.done $0x0  }
0xbd: {  	[sflag:s22] =	ssyncadd.s32 $0xFFFFC000  }
0xbe: {  	[tilespmem:s21], [sflag:$0x5] =	stream.linear.gather [spmem:s7], $0x4000, $0x38;
	[tilespmem:$0x1E400] =	vst v63  }
0xbf: {  	_ =	swait.ge [sflag:s22], $0x4000  }
0xc0: {  	[sflag:s22] =	ssyncset.done $0x0  }
0xc1: {  	[sflag:s22] =	ssyncadd.s32 $0xFFFFC000  }
0xc2: {  	[hbm4b:s16+s3] =	stream.linear.scatter [tilespmem:s21], [sflag:$0x5], $0x4000, $0x38;
	[tilespmem:$0x1E400] =	vst v63  }
0xc3: {  	_ =	swait.ge [sflag:s22], $0x4000  }
0xc4: {  	[sflag:s22] =	ssyncset.done $0x0  }
0xc5: {  	[sflag:s22] =	ssyncadd.s32 $0xFFFFC000  }
0xc6: {  	[tilespmem:s21], [sflag:$0x5] =	stream.linear.gather [spmem:s8], $0x4000, $0x38;
	[tilespmem:$0x1E400] =	vst v63  }
0xc7: {  	_ =	swait.ge [sflag:s22], $0x4000  }
0xc8: {  	[sflag:s22] =	ssyncset.done $0x0  }
0xc9: {  	[sflag:s22] =	ssyncadd.s32 $0xFFFFC000  }
0xca: {  	[hbm4b:s17+s3] =	stream.linear.scatter [tilespmem:s21], [sflag:$0x5], $0x4000, $0x38;
	[tilespmem:$0x1E400] =	vst v63  }
0xcb: {  	_ =	swait.ge [sflag:s22], $0x4000  }
0xcc: {  	[sflag:s22] =	ssyncset.done $0x0  }
0xcd: {  	[sflag:s22] =	ssyncadd.s32 $0xFFFFC000  }
0xce: {  	[tilespmem:s21], [sflag:$0x5] =	stream.linear.gather [spmem:s9], $0x4000, $0x38;
	[tilespmem:$0x1E400] =	vst v63  }
0xcf: {  	_ =	swait.ge [sflag:s22], $0x4000  }
0xd0: {  	[sflag:s22] =	ssyncset.done $0x0  }
0xd1: {  	[sflag:s22] =	ssyncadd.s32 $0xFFFFC000  }
0xd2: {  	[hbm4b:s18+s3] =	stream.linear.scatter [tilespmem:s21], [sflag:$0x5], $0x4000, $0x38;
	[tilespmem:$0x1E400] =	vst v63  }
0xd3: {  	_ =	swait.ge [sflag:s22], $0x4000  }
0xd4: {  	[sflag:s22] =	ssyncset.done $0x0  }
0xd5: {  	[sflag:s22] =	ssyncadd.s32 $0xFFFFC000  }
0xd6: {  	[tilespmem:s21], [sflag:$0x5] =	stream.linear.gather [spmem:s10], $0x3C00, $0x38;
	[tilespmem:$0x1E400] =	vst v63  }
0xd7: {  	s11 =	sadd.s32 $0x1, s11;
	_ =	swait.ge [sflag:s22], $0x3C00  }
0xd8: {  	p0 =	sne.s32 s11, s20;
	[sflag:s22] =	ssyncset.done $0x0  }
.Ltmp2:
0xd9: {  	[sflag:s22] =	ssyncadd.s32 $0xFFFFC400;
	(pc) =	sbr.rel @p0 .LBB2_1-.Ltmp2, $4  }
0xda: {  	[hbm4b:s19+s3] =	stream.linear.scatter [tilespmem:s21], [sflag:$0x5], $0x3C00, $0x38;
	[tilespmem:$0x1E400] =	vst v63  }
0xdb: {  	_ =	swait.ge [sflag:s22], $0x3C00  }
0xdc: {  	[sflag:s22] =	ssyncset.done $0x0  }
0xdd: {  	[sflag:s22] =	ssyncadd.s32 $0xFFFFC400  }
0xde: {  	_ =	sfence.sel $0x180000  }
0xdf: {  	[bflag:$0x0] =	sbarrier.arrive $0xFFFF  }
0xe0: {  	_ =	strace $0x9000004A  }
0xe1: {  	s0 =	stileid.u32;
	[bflag:$0x2] =	sbarrier.arrive $0xFFFF  }
0xe2: {  	p0 =	sne.s32 s0, $0x0;
	s0 =	rddreg [dreg:$0x3]  }
0xe3: {  	s0 =	sadd.s32 @!p0 $0x100000, s0  }
0xe4: {  	[sflag:s0] =	ssyncadd.tile.s32 @!p0 $0x1;
	_ =	shalt  }
.Lfunc_end2:
_tile_overlayer_lowered:
.L_overlay_start_2:
0xe5: {  	(tag) =	ssettag $0x2  }
0xe6: {  	s0 =	rddreg [dreg:$0x0];
	s2 =	stileid.u32  }
0xe7: {  	s1 =	rddreg [dreg:$0x1];
	p0 =	sne.s32 s2, $0x0  }
0xe8: {  	s3 =	rddreg [dreg:$0x2];
	[bflag:$0x3] =	sbarrier.arrive $0xFFFF;
	s2 =	simm.s32 @!p0 $0x1C05  }
0xe9: {  	[timem:s3], [sflag:s2] =	dma.local @!p0 [hbm:s0], s1  }
0xea: {  	s0 =	simm.s32 @!p0 $0x5  }
0xeb: {  	_ =	swait.ge @!p0 [sflag:s0], s1  }
0xec: {  	s1 =	ssub.s32 @!p0 $0x0, s1;
	[sflag:s0] =	ssyncset.done @!p0 $0x0  }
0xed: {  	[sflag:s0] =	ssyncadd.s32 @!p0 s1  }
0xee: {  	[bflag:$0x3] =	sbarrier.arrive $0xFFFF  }
0xef: {  	_ =	shalt  }

// kernel: kernel.14.cloned.1.call-start
scs
__scs_entry_jumppad:
0x0: {  	(pc) =	sbr.rel $0x88, $3  }
0x1: {  	(tag) =	ssettag $0x0;
	lr =	simm.s32 $0x1  }
0x2: {  	[smem:$0x3F9B] =	sst lr;
	_ =	strace $0xD0000000  }
0x3: {  	_ = 	snop  }
0x4: {  	_ = 	snop  }
0x5: {  	_ = 	snop  }
0x6: {  	_ = 	snop  }
0x7: {  	_ = 	snop  }
__scs_overlays_trampoline_lowered:
0x8: {  	[smem:$0x3FAA] =	sst s0  }
0x9: {  	[smem:$0x3FAB] =	sst s1  }
0xa: {  	[smem:$0x3FAC] =	sst s2  }
0xb: {  	[smem:$0x3FAD] =	sst s3  }
0xc: {  	[smem:$0x3FAE] =	sst s4  }
0xd: {  	[smem:$0x3FAF] =	sst s5  }
0xe: {  	[smem:$0x3FB0] =	sst s6  }
0xf: {  	[smem:$0x3FB1] =	sst s7  }
0x10: {  	[smem:$0x3FB2] =	sst s8  }
0x11: {  	[smem:$0x3FB3] =	sst s9;
	s0 =	simm.s32 @!p0 $0x0  }
0x12: {  	s1 =	sld [smem:$0x3F99];
	s0 =	simm.s32 @p0 $0x1  }
0x13: {  	[smem:$0x3FB4] =	sst s0;
	s0 =	simm.s32 @!p1 $0x0  }
0x14: {  	s2 =	sld [smem:$0x3F98];
	s0 =	simm.s32 @p1 $0x1  }
0x15: {  	[smem:$0x3FB5] =	sst s0;
	s0 =	simm.s32 @!p2 $0x0  }
0x16: {  	s3 =	sld [smem:$0x3FDB];
	s0 =	simm.s32 @p2 $0x1  }
0x17: {  	s4 =	simm.s32 $0x1BF5;
	[smem:$0x3FB7] =	sst s0  }
0x18: {  	s0 =	sld [smem:$0x3F9A];
	_ =	swait.ge [sflag:s4], $0x0  }
0x19: {  	s7 =	sld [smem:$0x3F9B]  }
0x1a: {  	s8 =	sadd.s32 $0xFFFFE003, lr  }
0x1b: {  	s9 =	sadd.s32 $0xFFFFFEF7, lr;
	s5 =	simm.s32 $0xFFFFFFFF;
	p2 =	slt.u32 s8, $0xFFFFF086  }
0x1c: {  	p1 =	slt.u32 s9, $0xF7A;
	s5 =	simm.s32 @!p2 $0x0  }
0x1d: {  	s5 =	simm.s32 @p1 $0x1;
	p0 =	seq.s32 s7, s2  }
0x1e: {  	s7 =	smul.u32 @!p0 $0xF7A, s2;
	p2 =	seq.s32 @!p0 s5, $0x0  }
0x1f: {  	s9 =	smul.u32 $0xF7A, s1;
	s8 =	simm.s32 @!p0 $0x1BF5;
	p2 =	por !p2, p0  }
0x20: {  	[sflag:s8] =	ssyncset.s32 @!p0 $0xFFFFF086;
	s6 =	sadd.s32 @!p0 s3, s7;
	s7 =	simm.s32 @!p0 $0x108  }
0x21: {  	s3 =	sadd.s32 s3, s9;
	s6 =	sadd.s32 @!p0 $0x88, s6;
	s7 =	simm.s32 @p2 $0x1082  }
0x22: {  	[simem:s7], [sflag:s8] =	dma.local @!p0 [hbm:s6], $0xF7A  }
0x23: {  	s9 =	sor.u32 $0xD0000000, s2;
	s6 =	simm.s32 $0x108;
	_ =	swait.ge @!p0 [sflag:s8], $0x0  }
0x24: {  	s3 =	sadd.s32 $0x88, s3;
	s6 =	simm.s32 @!p1 $0x1082;
	[sflag:s4] =	ssyncset.s32 $0xFFFFF086  }
0x25: {  	[simem:s6], [sflag:s4] =	dma.local [hbm:s3], $0xF7A  }
0x26: {  	[smem:$0x3F9B] =	sst s1;
	(tag) =	ssettag s2;
	_ =	strace s9  }
0x27: {  	s1 =	sld [smem:$0x3FAB]  }
0x28: {  	s2 =	sld [smem:$0x3FAC]  }
0x29: {  	s4 =	sld [smem:$0x3FAE]  }
0x2a: {  	p0 =	seq.s32 s5, $0x0;
	s5 =	sld [smem:$0x3FAF]  }
0x2b: {  	s6 =	sld [smem:$0x3FB0]  }
0x2c: {  	s7 =	sld [smem:$0x3FB1]  }
0x2d: {  	s3 =	simm.s32 $0x108;
	s8 =	sld [smem:$0x3FB2]  }
0x2e: {  	s3 =	simm.s32 @!p0 $0x1082;
	s9 =	sld [smem:$0x3FB3]  }
0x2f: {  	lr =	sadd.s32 s0, s3;
	s0 =	sld [smem:$0x3FAA]  }
0x30: {  	s3 =	sld [smem:$0x3FAD]  }
0x31: {  	[smem:$0x3FB6] =	sst s10  }
0x32: {  	s10 =	sld [smem:$0x3FB4];
	_ =	sdelay $0x3  }
0x33: {  	p0 =	seq.s32 s10, $0x1;
	s10 =	sld [smem:$0x3FB6];
	_ =	sdelay $0x3  }
0x34: {  	[smem:$0x3FB6] =	sst s10  }
0x35: {  	s10 =	sld [smem:$0x3FB5];
	_ =	sdelay $0x3  }
0x36: {  	p1 =	seq.s32 s10, $0x1;
	s10 =	sld [smem:$0x3FB6];
	_ =	sdelay $0x3  }
0x37: {  	[smem:$0x3FB6] =	sst s10  }
0x38: {  	s10 =	sld [smem:$0x3FB7]  }
0x39: {  	_ = 	snop;
	(pc) =	sbr.ind lr, $3  }
0x3a: {  	_ = 	snop  }
0x3b: {  	_ = 	snop  }
0x3c: {  	p2 =	seq.s32 s10, $0x1;
	s10 =	sld [smem:$0x3FB6]  }
0x3d: {  	_ =	shalt  }
0x3e: {  	_ =	shalt  }
0x3f: {  	_ =	shalt  }
0x40: {  	_ =	shalt  }
0x41: {  	_ =	shalt  }
0x42: {  	_ =	shalt  }
0x43: {  	_ =	shalt  }
0x44: {  	_ =	shalt  }
0x45: {  	_ =	shalt  }
0x46: {  	_ =	shalt  }
0x47: {  	_ =	shalt  }
0x48: {  	_ =	shalt  }
0x49: {  	_ =	shalt  }
0x4a: {  	_ =	shalt  }
0x4b: {  	_ =	shalt  }
0x4c: {  	_ =	shalt  }
0x4d: {  	_ =	shalt  }
0x4e: {  	_ =	shalt  }
0x4f: {  	_ =	shalt  }
0x50: {  	_ =	shalt  }
0x51: {  	_ =	shalt  }
0x52: {  	_ =	shalt  }
0x53: {  	_ =	shalt  }
0x54: {  	_ =	shalt  }
0x55: {  	_ =	shalt  }
0x56: {  	_ =	shalt  }
0x57: {  	_ =	shalt  }
0x58: {  	_ =	shalt  }
0x59: {  	_ =	shalt  }
0x5a: {  	_ =	shalt  }
0x5b: {  	_ =	shalt  }
0x5c: {  	_ =	shalt  }
0x5d: {  	_ =	shalt  }
0x5e: {  	_ =	shalt  }
0x5f: {  	_ =	shalt  }
0x60: {  	_ =	shalt  }
0x61: {  	_ =	shalt  }
0x62: {  	_ =	shalt  }
0x63: {  	_ =	shalt  }
0x64: {  	_ =	shalt  }
0x65: {  	_ =	shalt  }
0x66: {  	_ =	shalt  }
0x67: {  	_ =	shalt  }
0x68: {  	_ =	shalt  }
0x69: {  	_ =	shalt  }
0x6a: {  	_ =	shalt  }
0x6b: {  	_ =	shalt  }
0x6c: {  	_ =	shalt  }
0x6d: {  	_ =	shalt  }
0x6e: {  	_ =	shalt  }
0x6f: {  	_ =	shalt  }
0x70: {  	_ =	shalt  }
0x71: {  	_ =	shalt  }
0x72: {  	_ =	shalt  }
0x73: {  	_ =	shalt  }
0x74: {  	_ =	shalt  }
0x75: {  	_ =	shalt  }
0x76: {  	_ =	shalt  }
0x77: {  	_ =	shalt  }
0x78: {  	_ =	shalt  }
0x79: {  	_ =	shalt  }
0x7a: {  	_ =	shalt  }
0x7b: {  	_ =	shalt  }
0x7c: {  	_ =	shalt  }
0x7d: {  	_ =	shalt  }
0x7e: {  	_ =	shalt  }
0x7f: {  	_ =	shalt  }
0x80: {  	_ =	shalt  }
0x81: {  	_ =	shalt  }
0x82: {  	_ =	shalt  }
0x83: {  	_ =	shalt  }
0x84: {  	_ =	shalt  }
0x85: {  	_ =	shalt  }
0x86: {  	_ =	shalt  }
0x87: {  	_ =	shalt  }
.Lfunc_end0:
.L_simem_size_0:
called_computation.2_lowered:
.L_overlay_start_0:
0x88: {  	s2 =	sld [smem:$0x3FD9]  }
0x89: {  	s3 =	sld [smem:$0x3FFE];
	_ =	sdelay $0x1  }
0x8a: {  	s1 =	srdreg.scid  }
0x8b: {  	s0 =	sand.u32 $0x1, s1  }
0x8c: {  	s17 =	sshll.u32 s0, $0xA;
	s2 =	sadd.s32 s3, s2  }
0x8d: {  	s2 =	sadd.s32 s2, s17  }
0x8e: {  	[smem:$0x3FC2] =	sst s2  }
0x8f: {  	_ = 	snop  }
0x90: {  	s2 =	sld [smem:$0x3FD0];
	(tm) =	ssettm $0x1  }
0x91: {  	s18 =	sld [smem:$0x3FFB];
	_ =	sdelay $0x3  }
0x92: {  	_ =	strace s18  }
0x93: {  	s3 =	sld [smem:$0x3FFC];
	_ =	sdelay $0x3  }
0x94: {  	_ =	strace s3  }
0x95: {  	s3 =	sld [smem:$0x3FFD];
	_ =	sdelay $0x3  }
0x96: {  	_ =	strace s3  }
0x97: {  	_ =	strace $0x8FFFFFFF  }
0x98: {  	s19 =	sld [smem:$0x3FDB];
	_ =	sdelay $0x1  }
0x99: {  	s4 =	simm.s32 $_scs_section_size  }
0x9a: {  	s5 =	simm.s32 $_size__tile_overlayer_lowered;
	s6 =	simm.s32 $_tile_overlayer_lowered  }
0x9b: {  	s22 =	simm.s32 $0x1BFF;
	s21 =	sshll.u32 s6, $0x1;
	s3 =	sadd.s32 s4, s19  }
0x9c: {  	s7 =	simm.s32 $0x0;
	s20 =	sshll.u32 s5, $0x1;
	s5 =	sadd.s32 s21, s3  }
0x9d: {  	[timem:s7], [sflag:s22] =	dma.local [hbm:s5], s20  }
0x9e: {  	_ =	swait.ge [sflag:s22], s20  }
0x9f: {  	s4 =	ssub.s32 $0x0, s20;
	[sflag:s22] =	ssyncset.done $0x0  }
0xa0: {  	[sflag:s22] =	ssyncadd.s32 s4;
	_ =	sdelay $0x1  }
0xa1: {  	s23 =	simm.s32 $0x1B8B  }
0xa2: {  	_ =	swait.ge [sflag:s23], $0x1  }
0xa3: {  	[sflag:s23] =	ssyncset.done $0x0  }
0xa4: {  	s25 =	simm.s32 $0x1B8E;
	s24 =	sld [smem:$0x3FFE];
	[sflag:s23] =	ssyncadd.s32 $0xFFFFFFFF  }
0xa5: {  	s26 =	simm.s32 $execute0_lowered;
	[smem:$0x3FD2] =	sst s25  }
0xa6: {  	s5 =	sshll.u32 s26, $0x1;
	_ =	strace $0x8000004C;
	[dreg:$0x1] =	wrdreg $0xFFFFFFFF  }
0xa7: {  	s28 =	simm.s32 $_size_execute0_lowered;
	s3 =	sadd.s32 s3, s5;
	[dreg:$0x0] =	wrdreg $0x0  }
0xa8: {  	s5 =	sshll.u32 s28, $0x1;
	[dreg:$0x2] =	wrdreg s3  }
0xa9: {  	[dreg:$0x3] =	wrdreg s5  }
0xaa: {  	[dreg:$0x4] =	wrdreg $0xC0  }
0xab: {  	_ =	task [dreg:s7], $0x5FFFF  }
0xac: {  	[dreg:$0x1] =	wrdreg $0xFFFFFFFF  }
0xad: {  	[dreg:$0x0] =	wrdreg $0x60  }
0xae: {  	[dreg:$0x2] =	wrdreg s2  }
0xaf: {  	[dreg:$0x3] =	wrdreg s24  }
0xb0: {  	[dreg:$0x4] =	wrdreg $0xA8000  }
0xb1: {  	[dreg:$0x5] =	wrdreg $0x9  }
0xb2: {  	_ =	task.clear_ibuf [dreg:s7], $0x6FFFF;
	_ =	strace $0x9000004C  }
0xb3: {  	s29 =	simm.s32 $0x9;
	_ =	strace $0x8000004E  }
0xb4: {  	_ =	swait.ge [sflag:s29], $0x1  }
0xb5: {  	[sflag:s29] =	ssyncadd.s32 $0xFFFFFFFF  }
0xb6: {  	_ =	strace $0x9000004E  }
0xb7: {  	_ =	sfence  }
0xb8: {  	s30 =	sld [smem:$0x0];
	_ =	sdelay $0x2  }
0xb9: {  	s31 =	sshll.u32 s1, $0xD;
	s1 =	sshrl.u32 s1, $0x2  }
0xba: {  	s3 =	sand.u32 $0x4000, s31;
	s1 =	sadd.s32 s1, s30  }
0xbb: {  	s0 =	sor.u32 s3, s0;
	s1 =	sshll.u32 s1, $0x11  }
0xbc: {  	s0 =	sor.u32 s1, s0  }
0xbd: {  	s0 =	sadd.s32 $0x8F2B, s0  }
0xbe: {  	[sflag:s0] =	ssyncadd.remote.s32 $0x1  }
0xbf: {  	_ =	sfence.sel $0xFFFF  }
0xc0: {  	[dreg:$0x0] =	wrdreg $0xFFFFFFFF;
	(pc) =	sbr.abs _section_cstart, $3  }
0xc1: {  	[dreg:$0x1] =	wrdreg $0xFFFFFFFF  }
0xc2: {  	_ =	task.clear_ibuf [dreg:s7], $0x2FFFF;
	_ =	strace $0x9FFFFFFF  }
0xc3: {  	(tm) =	ssettm $0x7FFFFFFF  }
tec
execute0_lowered:
.L_overlay_start_1:
0x0: {  	(tag) =	ssettag $0x1  }
0x1: {  	s0 =	rddreg [dreg:$0x0]  }
0x2: {  	s1 =	rddreg [dreg:$0x1]  }
0x3: {  	s2 =	rddreg [dreg:$0x2]  }
0x4: {  	s4 =	srdreg.scid;
	s10 =	stileid.u32;
	s3 =	simm.s32 $0x0  }
0x5: {  	s21 =	simm.s32 $0x2800;
	s22 =	simm.s32 $0x5;
	s23 =	simm.s32 $0x1400  }
0x6: {  	s24 =	simm.s32 $0x6800;
	s28 =	simm.s32 $0x1;
	s29 =	simm.s32 $0x2  }
0x7: {  	s30 =	simm.s32 $0x3;
	s31 =	simm.s32 $0x2780;
	s5 =	smul.u32 $0x278, s10  }
0x8: {  	s6 =	sand.u32 $0x1, s4;
	[smem:$0x7FF] =	sst s3;
	s8 =	smul.u32 $0x4F000, s10  }
0x9: {  	s11 =	sadd.s32 $0x1E00, s1;
	s4 =	sadd.s32 $0x5BE00, s1;
	s7 =	smul.u32 $0x2780, s6  }
0xa: {  	_ =	strace $0x8000004D;
	s25 =	ssub.s32 $0x2, s6;
	s6 =	sshll.u32 s6, $0x4  }
0xb: {  	s9 =	sshrl.u32 s25, $0x1;
	s10 =	sor.u32 s10, s6;
	s26 =	sshrl.u32 s8, $0x2  }
0xc: {  	s7 =	sadd.s32 s5, s7;
	s5 =	sadd.s32 $0xC600, s1;
	s13 =	smul.u32 $0x2800, s10  }
0xd: {  	s12 =	ssub.s32 s25, s9;
	s6 =	sadd.s32 s26, s2;
	s14 =	smul.u32 $0x500, s10  }
0xe: {  	s25 =	simm.s32 $0x80;
	s26 =	simm.s32 $0x4;
	s7 =	sshll.u32 s7, $0x4  }
0xf: {  	s8 =	sadd.s32 $0x8000, s6;
	s9 =	sadd.s32 $0xC000, s6;
	s10 =	sadd.s32 $0x10000, s6  }
0x10: {  	s20 =	smax.u32 s12, $0x1;
	s1 =	sadd.s32 s7, s1;
	s15 =	sadd.s32 s11, s14  }
0x11: {  	s13 =	sshrl.u32 s13, $0x3;
	s14 =	sadd.s32 s0, s14;
	[dreg:$0x4] =	wrdreg s15  }
0x12: {  	s7 =	sadd.s32 $0x4000, s6;
	[dreg:$0x5] =	wrdreg s14;
	s13 =	sadd.s32 $0x280, s13  }
0x13: {  	s15 =	sadd.s32 $0x83000, s1;
	s16 =	sadd.s32 $0x83800, s1;
	s17 =	sadd.s32 $0x84000, s1  }
0x14: {  	s18 =	sadd.s32 $0x84800, s1;
	s19 =	sadd.s32 $0x85000, s1;
	s11 =	sadd.s32 s11, s13  }
0x15: {  	s1 =	simm.s32 $0x1380;
	s0 =	sadd.s32 s0, s13;
	[dreg:$0x6] =	wrdreg s11  }
0x16: {  	[dreg:$0x7] =	wrdreg s0;
	s0 =	simm.s32 $0x1300;
	s11 =	simm.s32 $0x0  }
.LBB2_1:
0x17: {  	[tilespmem:s21], [sflag:$0x5] =	stream.linear.gather [hbm4b:s5+s3], $0x4000, $0x38;
	[tilespmem:$0x1E400] =	vst v63  }
0x18: {  	_ =	swait.ge [sflag:s22], $0x4000  }
0x19: {  	[sflag:s22] =	ssyncset.done $0x0  }
0x1a: {  	[sflag:s22] =	ssyncadd.s32 $0xFFFFC000  }
0x1b: {  	[spmem:s6] =	stream.linear.scatter [tilespmem:s21], [sflag:$0x5], $0x4000, $0x38;
	[tilespmem:$0x1E400] =	vst v63  }
0x1c: {  	_ =	swait.ge [sflag:s22], $0x4000  }
0x1d: {  	[sflag:s22] =	ssyncset.done $0x0  }
0x1e: {  	[sflag:s22] =	ssyncadd.s32 $0xFFFFC000  }
0x1f: {  	[spmem:s7] =	stream.linear.scatter [tilespmem:s21], [sflag:$0x5], $0x4000, $0x38;
	[tilespmem:$0x1E400] =	vst v63  }
0x20: {  	_ =	swait.ge [sflag:s22], $0x4000  }
0x21: {  	[sflag:s22] =	ssyncset.done $0x0  }
0x22: {  	[sflag:s22] =	ssyncadd.s32 $0xFFFFC000  }
0x23: {  	[spmem:s8] =	stream.linear.scatter [tilespmem:s21], [sflag:$0x5], $0x4000, $0x38;
	[tilespmem:$0x1E400] =	vst v63  }
0x24: {  	_ =	swait.ge [sflag:s22], $0x4000  }
0x25: {  	[sflag:s22] =	ssyncset.done $0x0  }
0x26: {  	[sflag:s22] =	ssyncadd.s32 $0xFFFFC000  }
0x27: {  	[spmem:s9] =	stream.linear.scatter [tilespmem:s21], [sflag:$0x5], $0x4000, $0x38;
	[tilespmem:$0x1E400] =	vst v63  }
0x28: {  	_ =	swait.ge [sflag:s22], $0x4000  }
0x29: {  	[sflag:s22] =	ssyncset.done $0x0  }
0x2a: {  	[sflag:s22] =	ssyncadd.s32 $0xFFFFC000  }
0x2b: {  	[spmem:s10] =	stream.linear.scatter [tilespmem:s21], [sflag:$0x5], $0x3C00, $0x38;
	[tilespmem:$0x1E400] =	vst v63  }
0x2c: {  	_ =	swait.ge [sflag:s22], $0x3C00  }
0x2d: {  	[sflag:s22] =	ssyncset.done $0x0  }
0x2e: {  	[sflag:s22] =	ssyncadd.s32 $0xFFFFC400  }
0x2f: {  	[bflag:$0x0] =	sbarrier.arrive $0xFFFF  }
0x30: {  	s12 =	rddreg [dreg:$0x4]  }
0x31: {  	[tilespmem:s3], [sflag:$0x5] =	stream.linear.gather [hbm4b:s12+s3], $0x1400, $0x38;
	[tilespmem:$0x1E400] =	vst v63  }
0x32: {  	_ =	swait.ge [sflag:s22], $0x1400  }
0x33: {  	[sflag:s22] =	ssyncset.done $0x0  }
0x34: {  	s13 =	rddreg [dreg:$0x5];
	[sflag:s22] =	ssyncadd.s32 $0xFFFFEC00  }
0x35: {  	[tilespmem:s23], [sflag:$0x5] =	stream.linear.gather [hbm4b:s13+s3], $0x1400, $0x38;
	[tilespmem:$0x1E400] =	vst v63  }
0x36: {  	_ =	swait.ge [sflag:s22], $0x1400  }
0x37: {  	[sflag:s22] =	ssyncset.done $0x0  }
0x38: {  	[sflag:s22] =	ssyncadd.s32 $0xFFFFEC00  }
0x39: {  	[tilespmem:s24], [sflag:$0x5] =	stream.linear.gather [hbm4b:s5+s3], $0x4000, $0x38;
	[tilespmem:$0x1E400] =	vst v63  }
0x3a: {  	_ =	swait.ge [sflag:s22], $0x4000  }
0x3b: {  	[sflag:s22] =	ssyncset.done $0x0  }
0x3c: {  	[sflag:s22] =	ssyncadd.s32 $0xFFFFC000  }
0x3d: {  	[tilespmem:s21], [sflag:$0x1] =	stream.indirect.gather [hbm4b:s4+s25], $0x80, s23, s25, $0xb8;
	[tilespmem:$0x1E400] =	vst v63  }
0x3e: {  	_ = 	snop  }
0x3f: {  	[spmem:s2] =	stream.indirect.scatter.add.f32 [tilespmem:s24], [sflag:$0x4], $0x80, s3, s25, $0xb8;
	[tilespmem:$0x1E400] =	vst v63  }
0x40: {  	_ =	swait.ge [sflag:s26], $0x4000  }
0x41: {  	[sflag:s26] =	ssyncset.done $0x0  }
0x42: {  	s14 =	simm.s32 $0x1480;
	[sflag:s26] =	ssyncadd.s32 $0xFFFFC000  }
0x43: {  	[tilespmem:s24], [sflag:$0x2] =	stream.indirect.gather [hbm4b:s4+s25], $0x80, s14, s25, $0xb8;
	[tilespmem:$0x1E400] =	vst v63  }
0x44: {  	_ =	swait.ge [sflag:s28], $0x4000  }
0x45: {  	[sflag:s28] =	ssyncset.done $0x0  }
0x46: {  	s13 =	simm.s32 $0x0;
	[sflag:s28] =	ssyncadd.s32 $0xFFFFC000  }
0x47: {  	[spmem:s2] =	stream.indirect.scatter.add.f32 [tilespmem:s21], [sflag:$0x3], $0x80, s13, s25, $0xb8;
	[tilespmem:$0x1E400] =	vst v63  }
0x48: {  	_ =	swait.ge [sflag:s29], $0x4000  }
0x49: {  	[sflag:s29] =	ssyncset.done $0x0  }
0x4a: {  	s14 =	simm.s32 $0x80;
	[sflag:s29] =	ssyncadd.s32 $0xFFFFC000  }
0x4b: {  	[spmem:s2] =	stream.indirect.scatter.add.f32 [tilespmem:s24], [sflag:$0x4], $0x80, s14, s25, $0xb8;
	[tilespmem:$0x1E400] =	vst v63  }
0x4c: {  	_ =	swait.ge [sflag:s30], $0x4000  }
0x4d: {  	[sflag:s30] =	ssyncset.done $0x0  }
0x4e: {  	s12 =	simm.s32 $0x400;
	s13 =	simm.s32 $0x1500;
	[sflag:s30] =	ssyncadd.s32 $0xFFFFC000  }
.LBB2_2:
0x4f: {  	[tilespmem:s21], [sflag:$0x1] =	stream.indirect.gather [hbm4b:s4+s25], $0x80, s13, s25, $0xb8;
	[tilespmem:$0x1E400] =	vst v63  }
0x50: {  	s13 =	smov.u32 s12  }
0x51: {  	p0 =	sne.s32 s12, $0x4800;
	s12 =	sadd.s32 $0x400, s12;
	_ =	swait.ge [sflag:s26], $0x4000  }
0x52: {  	s13 =	sshra.s32 s13, $0x2;
	[sflag:s26] =	ssyncset.done $0x0  }
0x53: {  	s14 =	sadd.s32 $0x1480, s13;
	[sflag:s26] =	ssyncadd.s32 $0xFFFFC000  }
0x54: {  	[tilespmem:s24], [sflag:$0x2] =	stream.indirect.gather [hbm4b:s4+s25], $0x80, s14, s25, $0xb8;
	[tilespmem:$0x1E400] =	vst v63  }
0x55: {  	_ =	swait.ge [sflag:s28], $0x4000  }
0x56: {  	[sflag:s28] =	ssyncset.done $0x0  }
0x57: {  	[sflag:s28] =	ssyncadd.s32 $0xFFFFC000  }
0x58: {  	[spmem:s2] =	stream.indirect.scatter.add.f32 [tilespmem:s21], [sflag:$0x3], $0x80, s13, s25, $0xb8;
	[tilespmem:$0x1E400] =	vst v63  }
0x59: {  	_ =	swait.ge [sflag:s29], $0x4000  }
0x5a: {  	[sflag:s29] =	ssyncset.done $0x0  }
.Ltmp0:
0x5b: {  	s14 =	sadd.s32 $0x80, s13;
	[sflag:s29] =	ssyncadd.s32 $0xFFFFC000;
	(pc) =	sbr.rel @p0 .LBB2_2-.Ltmp0, $4  }
0x5c: {  	[spmem:s2] =	stream.indirect.scatter.add.f32 [tilespmem:s24], [sflag:$0x4], $0x80, s14, s25, $0xb8;
	[tilespmem:$0x1E400] =	vst v63  }
0x5d: {  	_ =	swait.ge [sflag:s30], $0x4000  }
0x5e: {  	[sflag:s30] =	ssyncset.done $0x0  }
0x5f: {  	s13 =	sadd.s32 $0x1500, s13;
	[sflag:s30] =	ssyncadd.s32 $0xFFFFC000  }
0x60: {  	[tilespmem:s21], [sflag:$0x1] =	stream.indirect.gather [hbm4b:s4+s25], $0x80, s13, s25, $0xb8;
	[tilespmem:$0x1E400] =	vst v63  }
0x61: {  	_ =	swait.ge [sflag:s26], $0x4000  }
0x62: {  	[sflag:s26] =	ssyncset.done $0x0  }
0x63: {  	[sflag:s26] =	ssyncadd.s32 $0xFFFFC000  }
0x64: {  	[tilespmem:s24], [sflag:$0x2] =	stream.indirect.gather [hbm4b:s4+s25], $0x80, s31, s25, $0xb8;
	[tilespmem:$0x1E400] =	vst v63  }
0x65: {  	_ =	swait.ge [sflag:s28], $0x4000  }
0x66: {  	[sflag:s28] =	ssyncset.done $0x0  }
0x67: {  	[sflag:s28] =	ssyncadd.s32 $0xFFFFC000  }
0x68: {  	[spmem:s2] =	stream.indirect.scatter.add.f32 [tilespmem:s21], [sflag:$0x3], $0x80, s0, s25, $0xb8;
	[tilespmem:$0x1E400] =	vst v63  }
0x69: {  	_ =	swait.ge [sflag:s29], $0x4000  }
0x6a: {  	[sflag:s29] =	ssyncset.done $0x0  }
0x6b: {  	[sflag:s29] =	ssyncadd.s32 $0xFFFFC000  }
0x6c: {  	[spmem:s2] =	stream.indirect.scatter.add.f32 [tilespmem:s24], [sflag:$0x4], $0x80, s1, s25, $0xb8;
	[tilespmem:$0x1E400] =	vst v63  }
0x6d: {  	_ =	swait.ge [sflag:s30], $0x4000  }
0x6e: {  	[sflag:s30] =	ssyncset.done $0x0  }
0x6f: {  	[sflag:s30] =	ssyncadd.s32 $0xFFFFC000  }
0x70: {  	_ =	swait.ge [sflag:s26], $0x4000  }
0x71: {  	[sflag:s26] =	ssyncset.done $0x0  }
0x72: {  	s12 =	simm.s32 $0x0;
	s14 =	rddreg [dreg:$0x6];
	[sflag:s26] =	ssyncadd.s32 $0xFFFFC000  }
0x73: {  	[tilespmem:s12], [sflag:$0x5] =	stream.linear.gather [hbm4b:s14+s12], $0x1400, $0x38;
	[tilespmem:$0x1E400] =	vst v63  }
0x74: {  	_ =	swait.ge [sflag:s22], $0x1400  }
0x75: {  	[sflag:s22] =	ssyncset.done $0x0  }
0x76: {  	s14 =	rddreg [dreg:$0x7];
	[sflag:s22] =	ssyncadd.s32 $0xFFFFEC00  }
0x77: {  	[tilespmem:s23], [sflag:$0x5] =	stream.linear.gather [hbm4b:s14+s12], $0x1400, $0x38;
	[tilespmem:$0x1E400] =	vst v63  }
0x78: {  	_ =	swait.ge [sflag:s22], $0x1400  }
0x79: {  	[sflag:s22] =	ssyncset.done $0x0  }
0x7a: {  	[sflag:s22] =	ssyncadd.s32 $0xFFFFEC00  }
0x7b: {  	[tilespmem:s24], [sflag:$0x5] =	stream.linear.gather [hbm4b:s5+s12], $0x4000, $0x38;
	[tilespmem:$0x1E400] =	vst v63  }
0x7c: {  	_ =	swait.ge [sflag:s22], $0x4000  }
0x7d: {  	[sflag:s22] =	ssyncset.done $0x0  }
0x7e: {  	[sflag:s22] =	ssyncadd.s32 $0xFFFFC000  }
0x7f: {  	[tilespmem:s21], [sflag:$0x1] =	stream.indirect.gather [hbm4b:s4+s25], $0x80, s23, s25, $0xb8;
	[tilespmem:$0x1E400] =	vst v63  }
0x80: {  	_ = 	snop  }
0x81: {  	[spmem:s2] =	stream.indirect.scatter.add.f32 [tilespmem:s24], [sflag:$0x4], $0x80, s12, s25, $0xb8;
	[tilespmem:$0x1E400] =	vst v63  }
0x82: {  	_ =	swait.ge [sflag:s26], $0x4000  }
0x83: {  	[sflag:s26] =	ssyncset.done $0x0  }
0x84: {  	s14 =	simm.s32 $0x1480;
	[sflag:s26] =	ssyncadd.s32 $0xFFFFC000  }
0x85: {  	[tilespmem:s24], [sflag:$0x2] =	stream.indirect.gather [hbm4b:s4+s25], $0x80, s14, s25, $0xb8;
	[tilespmem:$0x1E400] =	vst v63  }
0x86: {  	_ =	swait.ge [sflag:s28], $0x4000  }
0x87: {  	[sflag:s28] =	ssyncset.done $0x0  }
0x88: {  	s13 =	simm.s32 $0x0;
	[sflag:s28] =	ssyncadd.s32 $0xFFFFC000  }
0x89: {  	[spmem:s2] =	stream.indirect.scatter.add.f32 [tilespmem:s21], [sflag:$0x3], $0x80, s13, s25, $0xb8;
	[tilespmem:$0x1E400] =	vst v63  }
0x8a: {  	_ =	swait.ge [sflag:s29], $0x4000  }
0x8b: {  	[sflag:s29] =	ssyncset.done $0x0  }
0x8c: {  	s14 =	simm.s32 $0x80;
	[sflag:s29] =	ssyncadd.s32 $0xFFFFC000  }
0x8d: {  	[spmem:s2] =	stream.indirect.scatter.add.f32 [tilespmem:s24], [sflag:$0x4], $0x80, s14, s25, $0xb8;
	[tilespmem:$0x1E400] =	vst v63  }
0x8e: {  	_ =	swait.ge [sflag:s30], $0x4000  }
0x8f: {  	[sflag:s30] =	ssyncset.done $0x0  }
0x90: {  	s12 =	simm.s32 $0x400;
	s13 =	simm.s32 $0x1500;
	[sflag:s30] =	ssyncadd.s32 $0xFFFFC000  }
.LBB2_4:
0x91: {  	[tilespmem:s21], [sflag:$0x1] =	stream.indirect.gather [hbm4b:s4+s25], $0x80, s13, s25, $0xb8;
	[tilespmem:$0x1E400] =	vst v63  }
0x92: {  	s13 =	smov.u32 s12  }
0x93: {  	p0 =	sne.s32 s12, $0x4800;
	s12 =	sadd.s32 $0x400, s12;
	_ =	swait.ge [sflag:s26], $0x4000  }
0x94: {  	s13 =	sshra.s32 s13, $0x2;
	[sflag:s26] =	ssyncset.done $0x0  }
0x95: {  	s14 =	sadd.s32 $0x1480, s13;
	[sflag:s26] =	ssyncadd.s32 $0xFFFFC000  }
0x96: {  	[tilespmem:s24], [sflag:$0x2] =	stream.indirect.gather [hbm4b:s4+s25], $0x80, s14, s25, $0xb8;
	[tilespmem:$0x1E400] =	vst v63  }
0x97: {  	_ =	swait.ge [sflag:s28], $0x4000  }
0x98: {  	[sflag:s28] =	ssyncset.done $0x0  }
0x99: {  	[sflag:s28] =	ssyncadd.s32 $0xFFFFC000  }
0x9a: {  	[spmem:s2] =	stream.indirect.scatter.add.f32 [tilespmem:s21], [sflag:$0x3], $0x80, s13, s25, $0xb8;
	[tilespmem:$0x1E400] =	vst v63  }
0x9b: {  	_ =	swait.ge [sflag:s29], $0x4000  }
0x9c: {  	[sflag:s29] =	ssyncset.done $0x0  }
.Ltmp1:
0x9d: {  	s14 =	sadd.s32 $0x80, s13;
	[sflag:s29] =	ssyncadd.s32 $0xFFFFC000;
	(pc) =	sbr.rel @p0 .LBB2_4-.Ltmp1, $4  }
0x9e: {  	[spmem:s2] =	stream.indirect.scatter.add.f32 [tilespmem:s24], [sflag:$0x4], $0x80, s14, s25, $0xb8;
	[tilespmem:$0x1E400] =	vst v63  }
0x9f: {  	_ =	swait.ge [sflag:s30], $0x4000  }
0xa0: {  	[sflag:s30] =	ssyncset.done $0x0  }
0xa1: {  	s13 =	sadd.s32 $0x1500, s13;
	[sflag:s30] =	ssyncadd.s32 $0xFFFFC000  }
0xa2: {  	[tilespmem:s21], [sflag:$0x1] =	stream.indirect.gather [hbm4b:s4+s25], $0x80, s13, s25, $0xb8;
	[tilespmem:$0x1E400] =	vst v63  }
0xa3: {  	_ =	swait.ge [sflag:s26], $0x4000  }
0xa4: {  	[sflag:s26] =	ssyncset.done $0x0  }
0xa5: {  	[sflag:s26] =	ssyncadd.s32 $0xFFFFC000  }
0xa6: {  	[tilespmem:s24], [sflag:$0x2] =	stream.indirect.gather [hbm4b:s4+s25], $0x80, s31, s25, $0xb8;
	[tilespmem:$0x1E400] =	vst v63  }
0xa7: {  	_ =	swait.ge [sflag:s28], $0x4000  }
0xa8: {  	[sflag:s28] =	ssyncset.done $0x0  }
0xa9: {  	[sflag:s28] =	ssyncadd.s32 $0xFFFFC000  }
0xaa: {  	[spmem:s2] =	stream.indirect.scatter.add.f32 [tilespmem:s21], [sflag:$0x3], $0x80, s0, s25, $0xb8;
	[tilespmem:$0x1E400] =	vst v63  }
0xab: {  	_ =	swait.ge [sflag:s29], $0x4000  }
0xac: {  	[sflag:s29] =	ssyncset.done $0x0  }
0xad: {  	[sflag:s29] =	ssyncadd.s32 $0xFFFFC000  }
0xae: {  	[spmem:s2] =	stream.indirect.scatter.add.f32 [tilespmem:s24], [sflag:$0x4], $0x80, s1, s25, $0xb8;
	[tilespmem:$0x1E400] =	vst v63  }
0xaf: {  	_ =	swait.ge [sflag:s30], $0x4000  }
0xb0: {  	[sflag:s30] =	ssyncset.done $0x0  }
0xb1: {  	[sflag:s30] =	ssyncadd.s32 $0xFFFFC000  }
0xb2: {  	_ =	swait.ge [sflag:s26], $0x4000  }
0xb3: {  	[sflag:s26] =	ssyncset.done $0x0  }
0xb4: {  	[sflag:s26] =	ssyncadd.s32 $0xFFFFC000  }
0xb5: {  	[bflag:$0x0] =	sbarrier.arrive $0xFFFF  }
0xb6: {  	[tilespmem:s21], [sflag:$0x5] =	stream.linear.gather [spmem:s6], $0x4000, $0x38;
	[tilespmem:$0x1E400] =	vst v63  }
0xb7: {  	_ =	swait.ge [sflag:s22], $0x4000  }
0xb8: {  	[sflag:s22] =	ssyncset.done $0x0  }
0xb9: {  	[sflag:s22] =	ssyncadd.s32 $0xFFFFC000  }
0xba: {  	[hbm4b:s15+s3] =	stream.linear.scatter [tilespmem:s21], [sflag:$0x5], $0x4000, $0x38;
	[tilespmem:$0x1E400] =	vst v63  }
0xbb: {  	_ =	swait.ge [sflag:s22], $0x4000  }
0xbc: {  	[sflag:s22] =	ssyncset.done $0x0  }
0xbd: {  	[sflag:s22] =	ssyncadd.s32 $0xFFFFC000  }
0xbe: {  	[tilespmem:s21], [sflag:$0x5] =	stream.linear.gather [spmem:s7], $0x4000, $0x38;
	[tilespmem:$0x1E400] =	vst v63  }
0xbf: {  	_ =	swait.ge [sflag:s22], $0x4000  }
0xc0: {  	[sflag:s22] =	ssyncset.done $0x0  }
0xc1: {  	[sflag:s22] =	ssyncadd.s32 $0xFFFFC000  }
0xc2: {  	[hbm4b:s16+s3] =	stream.linear.scatter [tilespmem:s21], [sflag:$0x5], $0x4000, $0x38;
	[tilespmem:$0x1E400] =	vst v63  }
0xc3: {  	_ =	swait.ge [sflag:s22], $0x4000  }
0xc4: {  	[sflag:s22] =	ssyncset.done $0x0  }
0xc5: {  	[sflag:s22] =	ssyncadd.s32 $0xFFFFC000  }
0xc6: {  	[tilespmem:s21], [sflag:$0x5] =	stream.linear.gather [spmem:s8], $0x4000, $0x38;
	[tilespmem:$0x1E400] =	vst v63  }
0xc7: {  	_ =	swait.ge [sflag:s22], $0x4000  }
0xc8: {  	[sflag:s22] =	ssyncset.done $0x0  }
0xc9: {  	[sflag:s22] =	ssyncadd.s32 $0xFFFFC000  }
0xca: {  	[hbm4b:s17+s3] =	stream.linear.scatter [tilespmem:s21], [sflag:$0x5], $0x4000, $0x38;
	[tilespmem:$0x1E400] =	vst v63  }
0xcb: {  	_ =	swait.ge [sflag:s22], $0x4000  }
0xcc: {  	[sflag:s22] =	ssyncset.done $0x0  }
0xcd: {  	[sflag:s22] =	ssyncadd.s32 $0xFFFFC000  }
0xce: {  	[tilespmem:s21], [sflag:$0x5] =	stream.linear.gather [spmem:s9], $0x4000, $0x38;
	[tilespmem:$0x1E400] =	vst v63  }
0xcf: {  	_ =	swait.ge [sflag:s22], $0x4000  }
0xd0: {  	[sflag:s22] =	ssyncset.done $0x0  }
0xd1: {  	[sflag:s22] =	ssyncadd.s32 $0xFFFFC000  }
0xd2: {  	[hbm4b:s18+s3] =	stream.linear.scatter [tilespmem:s21], [sflag:$0x5], $0x4000, $0x38;
	[tilespmem:$0x1E400] =	vst v63  }
0xd3: {  	_ =	swait.ge [sflag:s22], $0x4000  }
0xd4: {  	[sflag:s22] =	ssyncset.done $0x0  }
0xd5: {  	[sflag:s22] =	ssyncadd.s32 $0xFFFFC000  }
0xd6: {  	[tilespmem:s21], [sflag:$0x5] =	stream.linear.gather [spmem:s10], $0x3C00, $0x38;
	[tilespmem:$0x1E400] =	vst v63  }
0xd7: {  	s11 =	sadd.s32 $0x1, s11;
	_ =	swait.ge [sflag:s22], $0x3C00  }
0xd8: {  	p0 =	sne.s32 s11, s20;
	[sflag:s22] =	ssyncset.done $0x0  }
.Ltmp2:
0xd9: {  	[sflag:s22] =	ssyncadd.s32 $0xFFFFC400;
	(pc) =	sbr.rel @p0 .LBB2_1-.Ltmp2, $4  }
0xda: {  	[hbm4b:s19+s3] =	stream.linear.scatter [tilespmem:s21], [sflag:$0x5], $0x3C00, $0x38;
	[tilespmem:$0x1E400] =	vst v63  }
0xdb: {  	_ =	swait.ge [sflag:s22], $0x3C00  }
0xdc: {  	[sflag:s22] =	ssyncset.done $0x0  }
0xdd: {  	[sflag:s22] =	ssyncadd.s32 $0xFFFFC400  }
0xde: {  	_ =	sfence.sel $0x180000  }
0xdf: {  	[bflag:$0x0] =	sbarrier.arrive $0xFFFF  }
0xe0: {  	_ =	strace $0x9000004D  }
0xe1: {  	s0 =	stileid.u32;
	[bflag:$0x2] =	sbarrier.arrive $0xFFFF  }
0xe2: {  	p0 =	sne.s32 s0, $0x0;
	s0 =	rddreg [dreg:$0x3]  }
0xe3: {  	s0 =	sadd.s32 @!p0 $0x100000, s0  }
0xe4: {  	[sflag:s0] =	ssyncadd.tile.s32 @!p0 $0x1;
	_ =	shalt  }
.Lfunc_end2:
_tile_overlayer_lowered:
.L_overlay_start_2:
0xe5: {  	(tag) =	ssettag $0x2  }
0xe6: {  	s0 =	rddreg [dreg:$0x0];
	s2 =	stileid.u32  }
0xe7: {  	s1 =	rddreg [dreg:$0x1];
	p0 =	sne.s32 s2, $0x0  }
0xe8: {  	s3 =	rddreg [dreg:$0x2];
	[bflag:$0x3] =	sbarrier.arrive $0xFFFF;
	s2 =	simm.s32 @!p0 $0x1C05  }
0xe9: {  	[timem:s3], [sflag:s2] =	dma.local @!p0 [hbm:s0], s1  }
0xea: {  	s0 =	simm.s32 @!p0 $0x5  }
0xeb: {  	_ =	swait.ge @!p0 [sflag:s0], s1  }
0xec: {  	s1 =	ssub.s32 @!p0 $0x0, s1;
	[sflag:s0] =	ssyncset.done @!p0 $0x0  }
0xed: {  	[sflag:s0] =	ssyncadd.s32 @!p0 s1  }
0xee: {  	[bflag:$0x3] =	sbarrier.arrive $0xFFFF  }
0xef: {  	_ =	shalt  }

// kernel: kernel.8.cloned.1.call-start
scs
__scs_entry_jumppad:
0x0: {  	(pc) =	sbr.rel $0x88, $3  }
0x1: {  	(tag) =	ssettag $0x0;
	lr =	simm.s32 $0x1  }
0x2: {  	[smem:$0x3F9B] =	sst lr;
	_ =	strace $0xD0000000  }
0x3: {  	_ = 	snop  }
0x4: {  	_ = 	snop  }
0x5: {  	_ = 	snop  }
0x6: {  	_ = 	snop  }
0x7: {  	_ = 	snop  }
__scs_overlays_trampoline_lowered:
0x8: {  	[smem:$0x3FAA] =	sst s0  }
0x9: {  	[smem:$0x3FAB] =	sst s1  }
0xa: {  	[smem:$0x3FAC] =	sst s2  }
0xb: {  	[smem:$0x3FAD] =	sst s3  }
0xc: {  	[smem:$0x3FAE] =	sst s4  }
0xd: {  	[smem:$0x3FAF] =	sst s5  }
0xe: {  	[smem:$0x3FB0] =	sst s6  }
0xf: {  	[smem:$0x3FB1] =	sst s7  }
0x10: {  	[smem:$0x3FB2] =	sst s8  }
0x11: {  	[smem:$0x3FB3] =	sst s9;
	s0 =	simm.s32 @!p0 $0x0  }
0x12: {  	s1 =	sld [smem:$0x3F99];
	s0 =	simm.s32 @p0 $0x1  }
0x13: {  	[smem:$0x3FB4] =	sst s0;
	s0 =	simm.s32 @!p1 $0x0  }
0x14: {  	s2 =	sld [smem:$0x3F98];
	s0 =	simm.s32 @p1 $0x1  }
0x15: {  	[smem:$0x3FB5] =	sst s0;
	s0 =	simm.s32 @!p2 $0x0  }
0x16: {  	s3 =	sld [smem:$0x3FDB];
	s0 =	simm.s32 @p2 $0x1  }
0x17: {  	s4 =	simm.s32 $0x1BF5;
	[smem:$0x3FB7] =	sst s0  }
0x18: {  	s0 =	sld [smem:$0x3F9A];
	_ =	swait.ge [sflag:s4], $0x0  }
0x19: {  	s7 =	sld [smem:$0x3F9B]  }
0x1a: {  	s8 =	sadd.s32 $0xFFFFE003, lr  }
0x1b: {  	s9 =	sadd.s32 $0xFFFFFEF7, lr;
	s5 =	simm.s32 $0xFFFFFFFF;
	p2 =	slt.u32 s8, $0xFFFFF086  }
0x1c: {  	p1 =	slt.u32 s9, $0xF7A;
	s5 =	simm.s32 @!p2 $0x0  }
0x1d: {  	s5 =	simm.s32 @p1 $0x1;
	p0 =	seq.s32 s7, s2  }
0x1e: {  	s7 =	smul.u32 @!p0 $0xF7A, s2;
	p2 =	seq.s32 @!p0 s5, $0x0  }
0x1f: {  	s9 =	smul.u32 $0xF7A, s1;
	s8 =	simm.s32 @!p0 $0x1BF5;
	p2 =	por !p2, p0  }
0x20: {  	[sflag:s8] =	ssyncset.s32 @!p0 $0xFFFFF086;
	s6 =	sadd.s32 @!p0 s3, s7;
	s7 =	simm.s32 @!p0 $0x108  }
0x21: {  	s3 =	sadd.s32 s3, s9;
	s6 =	sadd.s32 @!p0 $0x88, s6;
	s7 =	simm.s32 @p2 $0x1082  }
0x22: {  	[simem:s7], [sflag:s8] =	dma.local @!p0 [hbm:s6], $0xF7A  }
0x23: {  	s9 =	sor.u32 $0xD0000000, s2;
	s6 =	simm.s32 $0x108;
	_ =	swait.ge @!p0 [sflag:s8], $0x0  }
0x24: {  	s3 =	sadd.s32 $0x88, s3;
	s6 =	simm.s32 @!p1 $0x1082;
	[sflag:s4] =	ssyncset.s32 $0xFFFFF086  }
0x25: {  	[simem:s6], [sflag:s4] =	dma.local [hbm:s3], $0xF7A  }
0x26: {  	[smem:$0x3F9B] =	sst s1;
	(tag) =	ssettag s2;
	_ =	strace s9  }
0x27: {  	s1 =	sld [smem:$0x3FAB]  }
0x28: {  	s2 =	sld [smem:$0x3FAC]  }
0x29: {  	s4 =	sld [smem:$0x3FAE]  }
0x2a: {  	p0 =	seq.s32 s5, $0x0;
	s5 =	sld [smem:$0x3FAF]  }
0x2b: {  	s6 =	sld [smem:$0x3FB0]  }
0x2c: {  	s7 =	sld [smem:$0x3FB1]  }
0x2d: {  	s3 =	simm.s32 $0x108;
	s8 =	sld [smem:$0x3FB2]  }
0x2e: {  	s3 =	simm.s32 @!p0 $0x1082;
	s9 =	sld [smem:$0x3FB3]  }
0x2f: {  	lr =	sadd.s32 s0, s3;
	s0 =	sld [smem:$0x3FAA]  }
0x30: {  	s3 =	sld [smem:$0x3FAD]  }
0x31: {  	[smem:$0x3FB6] =	sst s10  }
0x32: {  	s10 =	sld [smem:$0x3FB4];
	_ =	sdelay $0x3  }
0x33: {  	p0 =	seq.s32 s10, $0x1;
	s10 =	sld [smem:$0x3FB6];
	_ =	sdelay $0x3  }
0x34: {  	[smem:$0x3FB6] =	sst s10  }
0x35: {  	s10 =	sld [smem:$0x3FB5];
	_ =	sdelay $0x3  }
0x36: {  	p1 =	seq.s32 s10, $0x1;
	s10 =	sld [smem:$0x3FB6];
	_ =	sdelay $0x3  }
0x37: {  	[smem:$0x3FB6] =	sst s10  }
0x38: {  	s10 =	sld [smem:$0x3FB7]  }
0x39: {  	_ = 	snop;
	(pc) =	sbr.ind lr, $3  }
0x3a: {  	_ = 	snop  }
0x3b: {  	_ = 	snop  }
0x3c: {  	p2 =	seq.s32 s10, $0x1;
	s10 =	sld [smem:$0x3FB6]  }
0x3d: {  	_ =	shalt  }
0x3e: {  	_ =	shalt  }
0x3f: {  	_ =	shalt  }
0x40: {  	_ =	shalt  }
0x41: {  	_ =	shalt  }
0x42: {  	_ =	shalt  }
0x43: {  	_ =	shalt  }
0x44: {  	_ =	shalt  }
0x45: {  	_ =	shalt  }
0x46: {  	_ =	shalt  }
0x47: {  	_ =	shalt  }
0x48: {  	_ =	shalt  }
0x49: {  	_ =	shalt  }
0x4a: {  	_ =	shalt  }
0x4b: {  	_ =	shalt  }
0x4c: {  	_ =	shalt  }
0x4d: {  	_ =	shalt  }
0x4e: {  	_ =	shalt  }
0x4f: {  	_ =	shalt  }
0x50: {  	_ =	shalt  }
0x51: {  	_ =	shalt  }
0x52: {  	_ =	shalt  }
0x53: {  	_ =	shalt  }
0x54: {  	_ =	shalt  }
0x55: {  	_ =	shalt  }
0x56: {  	_ =	shalt  }
0x57: {  	_ =	shalt  }
0x58: {  	_ =	shalt  }
0x59: {  	_ =	shalt  }
0x5a: {  	_ =	shalt  }
0x5b: {  	_ =	shalt  }
0x5c: {  	_ =	shalt  }
0x5d: {  	_ =	shalt  }
0x5e: {  	_ =	shalt  }
0x5f: {  	_ =	shalt  }
0x60: {  	_ =	shalt  }
0x61: {  	_ =	shalt  }
0x62: {  	_ =	shalt  }
0x63: {  	_ =	shalt  }
0x64: {  	_ =	shalt  }
0x65: {  	_ =	shalt  }
0x66: {  	_ =	shalt  }
0x67: {  	_ =	shalt  }
0x68: {  	_ =	shalt  }
0x69: {  	_ =	shalt  }
0x6a: {  	_ =	shalt  }
0x6b: {  	_ =	shalt  }
0x6c: {  	_ =	shalt  }
0x6d: {  	_ =	shalt  }
0x6e: {  	_ =	shalt  }
0x6f: {  	_ =	shalt  }
0x70: {  	_ =	shalt  }
0x71: {  	_ =	shalt  }
0x72: {  	_ =	shalt  }
0x73: {  	_ =	shalt  }
0x74: {  	_ =	shalt  }
0x75: {  	_ =	shalt  }
0x76: {  	_ =	shalt  }
0x77: {  	_ =	shalt  }
0x78: {  	_ =	shalt  }
0x79: {  	_ =	shalt  }
0x7a: {  	_ =	shalt  }
0x7b: {  	_ =	shalt  }
0x7c: {  	_ =	shalt  }
0x7d: {  	_ =	shalt  }
0x7e: {  	_ =	shalt  }
0x7f: {  	_ =	shalt  }
0x80: {  	_ =	shalt  }
0x81: {  	_ =	shalt  }
0x82: {  	_ =	shalt  }
0x83: {  	_ =	shalt  }
0x84: {  	_ =	shalt  }
0x85: {  	_ =	shalt  }
0x86: {  	_ =	shalt  }
0x87: {  	_ =	shalt  }
.Lfunc_end0:
.L_simem_size_0:
called_computation_lowered:
.L_overlay_start_0:
0x88: {  	s2 =	sld [smem:$0x3FD9]  }
0x89: {  	s3 =	sld [smem:$0x3FFE];
	_ =	sdelay $0x1  }
0x8a: {  	s1 =	srdreg.scid  }
0x8b: {  	s0 =	sand.u32 $0x1, s1  }
0x8c: {  	s16 =	sshll.u32 s0, $0xA;
	s2 =	sadd.s32 s3, s2  }
0x8d: {  	s2 =	sadd.s32 s2, s16  }
0x8e: {  	[smem:$0x3FC2] =	sst s2  }
0x8f: {  	_ = 	snop  }
0x90: {  	(tm) =	ssettm $0x1  }
0x91: {  	s17 =	sld [smem:$0x3FFB];
	_ =	sdelay $0x3  }
0x92: {  	_ =	strace s17  }
0x93: {  	s2 =	sld [smem:$0x3FFC];
	_ =	sdelay $0x3  }
0x94: {  	_ =	strace s2  }
0x95: {  	s2 =	sld [smem:$0x3FFD];
	_ =	sdelay $0x3  }
0x96: {  	_ =	strace s2  }
0x97: {  	_ =	strace $0x8FFFFFFF  }
0x98: {  	s18 =	sld [smem:$0x3FDB];
	_ =	sdelay $0x1  }
0x99: {  	s19 =	simm.s32 $_scs_section_size  }
0x9a: {  	s4 =	simm.s32 $_size__tile_overlayer_lowered;
	s5 =	simm.s32 $_tile_overlayer_lowered  }
0x9b: {  	s22 =	simm.s32 $0x1BFF;
	s21 =	sshll.u32 s5, $0x1;
	s2 =	sadd.s32 s19, s18  }
0x9c: {  	s6 =	simm.s32 $0x0;
	s20 =	sshll.u32 s4, $0x1;
	s4 =	sadd.s32 s21, s2  }
0x9d: {  	[timem:s6], [sflag:s22] =	dma.local [hbm:s4], s20  }
0x9e: {  	_ =	swait.ge [sflag:s22], s20  }
0x9f: {  	s3 =	ssub.s32 $0x0, s20;
	[sflag:s22] =	ssyncset.done $0x0  }
0xa0: {  	[sflag:s22] =	ssyncadd.s32 s3;
	_ =	sdelay $0x1  }
0xa1: {  	s23 =	simm.s32 $0x1B8B  }
0xa2: {  	_ =	swait.ge [sflag:s23], $0x1  }
0xa3: {  	[sflag:s23] =	ssyncset.done $0x0  }
0xa4: {  	s25 =	simm.s32 $0x1B8E;
	s24 =	sld [smem:$0x3FFE];
	[sflag:s23] =	ssyncadd.s32 $0xFFFFFFFF  }
0xa5: {  	s26 =	simm.s32 $execute0_lowered;
	[smem:$0x3FD2] =	sst s25  }
0xa6: {  	s4 =	sshll.u32 s26, $0x1;
	_ =	strace $0x80000046;
	[dreg:$0x1] =	wrdreg $0xFFFFFFFF  }
0xa7: {  	s28 =	simm.s32 $_size_execute0_lowered;
	s2 =	sadd.s32 s2, s4;
	[dreg:$0x0] =	wrdreg $0x0  }
0xa8: {  	s4 =	sshll.u32 s28, $0x1;
	[dreg:$0x2] =	wrdreg s2  }
0xa9: {  	[dreg:$0x3] =	wrdreg s4  }
0xaa: {  	[dreg:$0x4] =	wrdreg $0xC0  }
0xab: {  	_ =	task [dreg:s6], $0x5FFFF  }
0xac: {  	[dreg:$0x1] =	wrdreg $0xFFFFFFFF  }
0xad: {  	[dreg:$0x0] =	wrdreg $0x60  }
0xae: {  	[dreg:$0x2] =	wrdreg s24  }
0xaf: {  	[dreg:$0x3] =	wrdreg $0x68000  }
0xb0: {  	[dreg:$0x4] =	wrdreg $0x9  }
0xb1: {  	_ =	task.clear_ibuf [dreg:s6], $0x5FFFF;
	_ =	strace $0x90000046  }
0xb2: {  	s29 =	simm.s32 $0x9;
	_ =	strace $0x80000048  }
0xb3: {  	_ =	swait.ge [sflag:s29], $0x1  }
0xb4: {  	[sflag:s29] =	ssyncadd.s32 $0xFFFFFFFF  }
0xb5: {  	_ =	strace $0x90000048  }
0xb6: {  	_ =	sfence  }
0xb7: {  	s30 =	sld [smem:$0x0];
	_ =	sdelay $0x2  }
0xb8: {  	s31 =	sshll.u32 s1, $0xD;
	s1 =	sshrl.u32 s1, $0x2  }
0xb9: {  	s3 =	sand.u32 $0x4000, s31;
	s1 =	sadd.s32 s1, s30  }
0xba: {  	s0 =	sor.u32 s3, s0;
	s1 =	sshll.u32 s1, $0x11  }
0xbb: {  	s0 =	sor.u32 s1, s0  }
0xbc: {  	s0 =	sadd.s32 $0x8F2B, s0  }
0xbd: {  	[sflag:s0] =	ssyncadd.remote.s32 $0x1  }
0xbe: {  	_ =	sfence.sel $0xFFFF  }
0xbf: {  	[dreg:$0x0] =	wrdreg $0xFFFFFFFF;
	(pc) =	sbr.abs _section_cstart, $3  }
0xc0: {  	[dreg:$0x1] =	wrdreg $0xFFFFFFFF  }
0xc1: {  	_ =	task.clear_ibuf [dreg:s6], $0x2FFFF;
	_ =	strace $0x9FFFFFFF  }
0xc2: {  	(tm) =	ssettm $0x7FFFFFFF  }
0xc3: {  	_ =	shalt  }
tec
execute0_lowered:
.L_overlay_start_1:
0x0: {  	(tag) =	ssettag $0x1  }
0x1: {  	s7 =	rddreg [dreg:$0x0]  }
0x2: {  	s0 =	srdreg.scid;
	s2 =	rddreg [dreg:$0x1]  }
0x3: {  	s3 =	simm.s32 $0x0;
	s18 =	simm.s32 $0x2800;
	s19 =	simm.s32 $0x2  }
0x4: {  	s20 =	simm.s32 $0x80;
	s6 =	sand.u32 $0x1, s0;
	s0 =	stileid.u32  }
0x5: {  	s21 =	simm.s32 $0x1;
	s22 =	simm.s32 $0x0;
	s8 =	smul.u32 $0x278, s0  }
0x6: {  	[smem:$0x7FF] =	sst s3;
	s1 =	sshll.u32 s6, $0x4;
	s9 =	smul.u32 $0x2780, s6  }
0x7: {  	s10 =	smul.u32 $0x4F000, s0;
	s29 =	ssub.s32 $0x2, s6;
	s1 =	sor.u32 s0, s1  }
0x8: {  	s5 =	sadd.s32 $0xC600, s7;
	s31 =	sshrl.u32 s29, $0x1;
	s4 =	smul.u32 $0x500, s1  }
0x9: {  	s1 =	rddreg [dreg:$0x2];
	_ =	strace $0x80000047;
	s8 =	sadd.s32 s8, s9  }
0xa: {  	s30 =	sshrl.u32 s10, $0x2;
	s17 =	ssub.s32 s29, s31;
	s8 =	sshll.u32 s8, $0x4  }
0xb: {  	s6 =	sadd.s32 s30, s2;
	s17 =	smax.u32 s17, $0x1;
	s11 =	sadd.s32 s4, s7  }
0xc: {  	s4 =	sadd.s32 $0xBE00, s7;
	s16 =	sadd.s32 s8, s7;
	s7 =	sadd.s32 $0x4000, s6  }
0xd: {  	s8 =	sadd.s32 $0x8000, s6;
	s9 =	sadd.s32 $0xC000, s6;
	s10 =	sadd.s32 $0x10000, s6  }
0xe: {  	s11 =	sadd.s32 $0x1E00, s11;
	s12 =	sadd.s32 $0xCE00, s16;
	s13 =	sadd.s32 $0xD600, s16  }
0xf: {  	s14 =	sadd.s32 $0xDE00, s16;
	s15 =	sadd.s32 $0xE600, s16;
	s16 =	sadd.s32 $0xEE00, s16  }
.LBB2_1:
0x10: {  	[tilespmem:s18], [sflag:$0x2] =	stream.linear.gather [hbm4b:s5+s3], $0x4000, $0x38;
	[tilespmem:$0x1A400] =	vst v63  }
0x11: {  	_ =	swait.ge [sflag:s19], $0x4000  }
0x12: {  	[sflag:s19] =	ssyncset.done $0x0  }
0x13: {  	[sflag:s19] =	ssyncadd.s32 $0xFFFFC000  }
0x14: {  	[spmem:s6] =	stream.linear.scatter [tilespmem:s18], [sflag:$0x2], $0x4000, $0x38;
	[tilespmem:$0x1A400] =	vst v63  }
0x15: {  	_ =	swait.ge [sflag:s19], $0x4000  }
0x16: {  	[sflag:s19] =	ssyncset.done $0x0  }
0x17: {  	[sflag:s19] =	ssyncadd.s32 $0xFFFFC000  }
0x18: {  	[spmem:s7] =	stream.linear.scatter [tilespmem:s18], [sflag:$0x2], $0x4000, $0x38;
	[tilespmem:$0x1A400] =	vst v63  }
0x19: {  	_ =	swait.ge [sflag:s19], $0x4000  }
0x1a: {  	[sflag:s19] =	ssyncset.done $0x0  }
0x1b: {  	[sflag:s19] =	ssyncadd.s32 $0xFFFFC000  }
0x1c: {  	[spmem:s8] =	stream.linear.scatter [tilespmem:s18], [sflag:$0x2], $0x4000, $0x38;
	[tilespmem:$0x1A400] =	vst v63  }
0x1d: {  	_ =	swait.ge [sflag:s19], $0x4000  }
0x1e: {  	[sflag:s19] =	ssyncset.done $0x0  }
0x1f: {  	[sflag:s19] =	ssyncadd.s32 $0xFFFFC000  }
0x20: {  	[spmem:s9] =	stream.linear.scatter [tilespmem:s18], [sflag:$0x2], $0x4000, $0x38;
	[tilespmem:$0x1A400] =	vst v63  }
0x21: {  	_ =	swait.ge [sflag:s19], $0x4000  }
0x22: {  	[sflag:s19] =	ssyncset.done $0x0  }
0x23: {  	[sflag:s19] =	ssyncadd.s32 $0xFFFFC000  }
0x24: {  	[spmem:s10] =	stream.linear.scatter [tilespmem:s18], [sflag:$0x2], $0x3C00, $0x38;
	[tilespmem:$0x1A400] =	vst v63  }
0x25: {  	_ =	swait.ge [sflag:s19], $0x3C00  }
0x26: {  	[sflag:s19] =	ssyncset.done $0x0  }
0x27: {  	[sflag:s19] =	ssyncadd.s32 $0xFFFFC400  }
0x28: {  	[tilespmem:s3], [sflag:$0x2] =	stream.linear.gather [hbm4b:s11+s3], $0x2800, $0x38;
	[tilespmem:$0x1A400] =	vst v63  }
0x29: {  	_ =	swait.ge [sflag:s19], $0x2800  }
0x2a: {  	[sflag:s19] =	ssyncset.done $0x0  }
0x2b: {  	[sflag:s19] =	ssyncadd.s32 $0xFFFFD800  }
0x2c: {  	[tilespmem:s18], [sflag:$0x2] =	stream.linear.gather [hbm4b:s4+s3], $0x4000, $0x38;
	[tilespmem:$0x1A400] =	vst v63  }
0x2d: {  	_ =	swait.ge [sflag:s19], $0x4000  }
0x2e: {  	[sflag:s19] =	ssyncset.done $0x0  }
0x2f: {  	[sflag:s19] =	ssyncadd.s32 $0xFFFFC000  }
0x30: {  	s23 =	simm.s32 $0x0;
	[bflag:$0x0] =	sbarrier.arrive $0xFFFF  }
0x31: {  	[spmem:s2] =	stream.indirect.scatter.add.f32 [tilespmem:s18], [sflag:$0x1], $0x80, s23, s20, $0xb8;
	[tilespmem:$0x1A400] =	vst v63  }
0x32: {  	s24 =	simm.s32 $0x80  }
0x33: {  	[spmem:s2] =	stream.indirect.scatter.add.f32 [tilespmem:s18], [sflag:$0x1], $0x80, s24, s20, $0xb8;
	[tilespmem:$0x1A400] =	vst v63  }
0x34: {  	s25 =	simm.s32 $0x100  }
0x35: {  	[spmem:s2] =	stream.indirect.scatter.add.f32 [tilespmem:s18], [sflag:$0x1], $0x80, s25, s20, $0xb8;
	[tilespmem:$0x1A400] =	vst v63  }
0x36: {  	s26 =	simm.s32 $0x180  }
0x37: {  	[spmem:s2] =	stream.indirect.scatter.add.f32 [tilespmem:s18], [sflag:$0x1], $0x80, s26, s20, $0xb8;
	[tilespmem:$0x1A400] =	vst v63  }
0x38: {  	s28 =	simm.s32 $0x200  }
0x39: {  	[spmem:s2] =	stream.indirect.scatter.add.f32 [tilespmem:s18], [sflag:$0x1], $0x80, s28, s20, $0xb8;
	[tilespmem:$0x1A400] =	vst v63  }
0x3a: {  	s29 =	simm.s32 $0x280  }
0x3b: {  	[spmem:s2] =	stream.indirect.scatter.add.f32 [tilespmem:s18], [sflag:$0x1], $0x80, s29, s20, $0xb8;
	[tilespmem:$0x1A400] =	vst v63  }
0x3c: {  	s30 =	simm.s32 $0x300  }
0x3d: {  	[spmem:s2] =	stream.indirect.scatter.add.f32 [tilespmem:s18], [sflag:$0x1], $0x80, s30, s20, $0xb8;
	[tilespmem:$0x1A400] =	vst v63  }
0x3e: {  	s31 =	simm.s32 $0x380  }
0x3f: {  	[spmem:s2] =	stream.indirect.scatter.add.f32 [tilespmem:s18], [sflag:$0x1], $0x80, s31, s20, $0xb8;
	[tilespmem:$0x1A400] =	vst v63  }
0x40: {  	_ =	swait.ge [sflag:s21], $0x4000  }
0x41: {  	[sflag:s21] =	ssyncset.done $0x0  }
0x42: {  	[sflag:s21] =	ssyncadd.s32 $0xFFFFC000  }
0x43: {  	_ =	swait.ge [sflag:s21], $0x4000  }
0x44: {  	[sflag:s21] =	ssyncset.done $0x0  }
0x45: {  	[sflag:s21] =	ssyncadd.s32 $0xFFFFC000  }
0x46: {  	_ =	swait.ge [sflag:s21], $0x4000  }
0x47: {  	[sflag:s21] =	ssyncset.done $0x0  }
0x48: {  	[sflag:s21] =	ssyncadd.s32 $0xFFFFC000  }
0x49: {  	_ =	swait.ge [sflag:s21], $0x4000  }
0x4a: {  	[sflag:s21] =	ssyncset.done $0x0  }
0x4b: {  	[sflag:s21] =	ssyncadd.s32 $0xFFFFC000  }
0x4c: {  	_ =	swait.ge [sflag:s21], $0x4000  }
0x4d: {  	[sflag:s21] =	ssyncset.done $0x0  }
0x4e: {  	[sflag:s21] =	ssyncadd.s32 $0xFFFFC000  }
0x4f: {  	_ =	swait.ge [sflag:s21], $0x4000  }
0x50: {  	[sflag:s21] =	ssyncset.done $0x0  }
0x51: {  	[sflag:s21] =	ssyncadd.s32 $0xFFFFC000  }
0x52: {  	_ =	swait.ge [sflag:s21], $0x4000  }
0x53: {  	[sflag:s21] =	ssyncset.done $0x0  }
0x54: {  	[sflag:s21] =	ssyncadd.s32 $0xFFFFC000  }
0x55: {  	_ =	swait.ge [sflag:s21], $0x4000  }
0x56: {  	s23 =	simm.s32 $0x1000;
	s25 =	simm.s32 $0x2000;
	[sflag:s21] =	ssyncset.done $0x0  }
.LBB2_2:
0x57: {  	s26 =	sshra.s32 s23, $0x2  }
0x58: {  	[sflag:s21] =	ssyncadd.s32 $0xFFFFC000;
	s23 =	smov.u32 s25;
	s24 =	sadd.s32 $0x1000, s25  }
0x59: {  	[spmem:s2] =	stream.indirect.scatter.add.f32 [tilespmem:s18], [sflag:$0x1], $0x80, s26, s20, $0xb8;
	[tilespmem:$0x1A400] =	vst v63  }
0x5a: {  	p0 =	sne.s32 s25, $0x9000;
	s25 =	sadd.s32 $0x80, s26  }
0x5b: {  	[spmem:s2] =	stream.indirect.scatter.add.f32 [tilespmem:s18], [sflag:$0x1], $0x80, s25, s20, $0xb8;
	[tilespmem:$0x1A400] =	vst v63  }
0x5c: {  	s25 =	sadd.s32 $0x100, s26  }
0x5d: {  	[spmem:s2] =	stream.indirect.scatter.add.f32 [tilespmem:s18], [sflag:$0x1], $0x80, s25, s20, $0xb8;
	[tilespmem:$0x1A400] =	vst v63  }
0x5e: {  	s25 =	sadd.s32 $0x180, s26  }
0x5f: {  	[spmem:s2] =	stream.indirect.scatter.add.f32 [tilespmem:s18], [sflag:$0x1], $0x80, s25, s20, $0xb8;
	[tilespmem:$0x1A400] =	vst v63  }
0x60: {  	s25 =	sadd.s32 $0x200, s26  }
0x61: {  	[spmem:s2] =	stream.indirect.scatter.add.f32 [tilespmem:s18], [sflag:$0x1], $0x80, s25, s20, $0xb8;
	[tilespmem:$0x1A400] =	vst v63  }
0x62: {  	s25 =	sadd.s32 $0x280, s26  }
0x63: {  	[spmem:s2] =	stream.indirect.scatter.add.f32 [tilespmem:s18], [sflag:$0x1], $0x80, s25, s20, $0xb8;
	[tilespmem:$0x1A400] =	vst v63  }
0x64: {  	s25 =	sadd.s32 $0x300, s26  }
0x65: {  	[spmem:s2] =	stream.indirect.scatter.add.f32 [tilespmem:s18], [sflag:$0x1], $0x80, s25, s20, $0xb8;
	[tilespmem:$0x1A400] =	vst v63  }
0x66: {  	s25 =	sadd.s32 $0x380, s26  }
0x67: {  	[spmem:s2] =	stream.indirect.scatter.add.f32 [tilespmem:s18], [sflag:$0x1], $0x80, s25, s20, $0xb8;
	[tilespmem:$0x1A400] =	vst v63  }
0x68: {  	_ =	swait.ge [sflag:s21], $0x4000  }
0x69: {  	[sflag:s21] =	ssyncset.done $0x0  }
0x6a: {  	[sflag:s21] =	ssyncadd.s32 $0xFFFFC000  }
0x6b: {  	_ =	swait.ge [sflag:s21], $0x4000  }
0x6c: {  	[sflag:s21] =	ssyncset.done $0x0  }
0x6d: {  	[sflag:s21] =	ssyncadd.s32 $0xFFFFC000  }
0x6e: {  	_ =	swait.ge [sflag:s21], $0x4000  }
0x6f: {  	[sflag:s21] =	ssyncset.done $0x0  }
0x70: {  	[sflag:s21] =	ssyncadd.s32 $0xFFFFC000  }
0x71: {  	_ =	swait.ge [sflag:s21], $0x4000  }
0x72: {  	[sflag:s21] =	ssyncset.done $0x0  }
0x73: {  	[sflag:s21] =	ssyncadd.s32 $0xFFFFC000  }
0x74: {  	_ =	swait.ge [sflag:s21], $0x4000  }
0x75: {  	[sflag:s21] =	ssyncset.done $0x0  }
0x76: {  	[sflag:s21] =	ssyncadd.s32 $0xFFFFC000  }
0x77: {  	_ =	swait.ge [sflag:s21], $0x4000  }
0x78: {  	[sflag:s21] =	ssyncset.done $0x0  }
0x79: {  	[sflag:s21] =	ssyncadd.s32 $0xFFFFC000  }
.Ltmp0:
0x7a: {  	_ =	swait.ge [sflag:s21], $0x4000;
	(pc) =	sbr.rel @p0 .LBB2_2-.Ltmp0, $4  }
0x7b: {  	[sflag:s21] =	ssyncset.done $0x0  }
0x7c: {  	[sflag:s21] =	ssyncadd.s32 $0xFFFFC000  }
0x7d: {  	_ =	swait.ge [sflag:s21], $0x4000  }
0x7e: {  	s25 =	smov.u32 s24;
	[sflag:s21] =	ssyncset.done $0x0  }
0x7f: {  	s23 =	sshra.s32 s23, $0x2;
	[sflag:s21] =	ssyncadd.s32 $0xFFFFC000  }
0x80: {  	[spmem:s2] =	stream.indirect.scatter.add.f32 [tilespmem:s18], [sflag:$0x1], $0x80, s23, s20, $0xb8;
	[tilespmem:$0x1A400] =	vst v63  }
0x81: {  	s24 =	sadd.s32 $0x80, s23  }
0x82: {  	[spmem:s2] =	stream.indirect.scatter.add.f32 [tilespmem:s18], [sflag:$0x1], $0x80, s24, s20, $0xb8;
	[tilespmem:$0x1A400] =	vst v63  }
0x83: {  	s26 =	sadd.s32 $0x100, s23  }
0x84: {  	[spmem:s2] =	stream.indirect.scatter.add.f32 [tilespmem:s18], [sflag:$0x1], $0x80, s26, s20, $0xb8;
	[tilespmem:$0x1A400] =	vst v63  }
0x85: {  	s28 =	sadd.s32 $0x180, s23  }
0x86: {  	[spmem:s2] =	stream.indirect.scatter.add.f32 [tilespmem:s18], [sflag:$0x1], $0x80, s28, s20, $0xb8;
	[tilespmem:$0x1A400] =	vst v63  }
0x87: {  	s29 =	sadd.s32 $0x200, s23  }
0x88: {  	[spmem:s2] =	stream.indirect.scatter.add.f32 [tilespmem:s18], [sflag:$0x1], $0x80, s29, s20, $0xb8;
	[tilespmem:$0x1A400] =	vst v63  }
0x89: {  	s30 =	sadd.s32 $0x280, s23  }
0x8a: {  	[spmem:s2] =	stream.indirect.scatter.add.f32 [tilespmem:s18], [sflag:$0x1], $0x80, s30, s20, $0xb8;
	[tilespmem:$0x1A400] =	vst v63  }
0x8b: {  	s31 =	sadd.s32 $0x300, s23  }
0x8c: {  	[spmem:s2] =	stream.indirect.scatter.add.f32 [tilespmem:s18], [sflag:$0x1], $0x80, s31, s20, $0xb8;
	[tilespmem:$0x1A400] =	vst v63  }
0x8d: {  	s23 =	sadd.s32 $0x380, s23  }
0x8e: {  	[spmem:s2] =	stream.indirect.scatter.add.f32 [tilespmem:s18], [sflag:$0x1], $0x80, s23, s20, $0xb8;
	[tilespmem:$0x1A400] =	vst v63  }
0x8f: {  	_ =	swait.ge [sflag:s21], $0x4000  }
0x90: {  	[sflag:s21] =	ssyncset.done $0x0  }
0x91: {  	[sflag:s21] =	ssyncadd.s32 $0xFFFFC000  }
0x92: {  	_ =	swait.ge [sflag:s21], $0x4000  }
0x93: {  	[sflag:s21] =	ssyncset.done $0x0  }
0x94: {  	[sflag:s21] =	ssyncadd.s32 $0xFFFFC000  }
0x95: {  	_ =	swait.ge [sflag:s21], $0x4000  }
0x96: {  	[sflag:s21] =	ssyncset.done $0x0  }
0x97: {  	[sflag:s21] =	ssyncadd.s32 $0xFFFFC000  }
0x98: {  	_ =	swait.ge [sflag:s21], $0x4000  }
0x99: {  	[sflag:s21] =	ssyncset.done $0x0  }
0x9a: {  	[sflag:s21] =	ssyncadd.s32 $0xFFFFC000  }
0x9b: {  	_ =	swait.ge [sflag:s21], $0x4000  }
0x9c: {  	[sflag:s21] =	ssyncset.done $0x0  }
0x9d: {  	[sflag:s21] =	ssyncadd.s32 $0xFFFFC000  }
0x9e: {  	_ =	swait.ge [sflag:s21], $0x4000  }
0x9f: {  	[sflag:s21] =	ssyncset.done $0x0  }
0xa0: {  	[sflag:s21] =	ssyncadd.s32 $0xFFFFC000  }
0xa1: {  	_ =	swait.ge [sflag:s21], $0x4000  }
0xa2: {  	[sflag:s21] =	ssyncset.done $0x0  }
0xa3: {  	[sflag:s21] =	ssyncadd.s32 $0xFFFFC000  }
0xa4: {  	_ =	swait.ge [sflag:s21], $0x4000  }
0xa5: {  	[sflag:s21] =	ssyncset.done $0x0  }
0xa6: {  	[sflag:s21] =	ssyncadd.s32 $0xFFFFC000  }
0xa7: {  	[bflag:$0x0] =	sbarrier.arrive $0xFFFF  }
0xa8: {  	[tilespmem:s18], [sflag:$0x2] =	stream.linear.gather [spmem:s6], $0x4000, $0x38;
	[tilespmem:$0x1A400] =	vst v63  }
0xa9: {  	_ =	swait.ge [sflag:s19], $0x4000  }
0xaa: {  	[sflag:s19] =	ssyncset.done $0x0  }
0xab: {  	[sflag:s19] =	ssyncadd.s32 $0xFFFFC000  }
0xac: {  	[hbm4b:s12+s3] =	stream.linear.scatter [tilespmem:s18], [sflag:$0x2], $0x4000, $0x38;
	[tilespmem:$0x1A400] =	vst v63  }
0xad: {  	_ =	swait.ge [sflag:s19], $0x4000  }
0xae: {  	[sflag:s19] =	ssyncset.done $0x0  }
0xaf: {  	[sflag:s19] =	ssyncadd.s32 $0xFFFFC000  }
0xb0: {  	[tilespmem:s18], [sflag:$0x2] =	stream.linear.gather [spmem:s7], $0x4000, $0x38;
	[tilespmem:$0x1A400] =	vst v63  }
0xb1: {  	_ =	swait.ge [sflag:s19], $0x4000  }
0xb2: {  	[sflag:s19] =	ssyncset.done $0x0  }
0xb3: {  	[sflag:s19] =	ssyncadd.s32 $0xFFFFC000  }
0xb4: {  	[hbm4b:s13+s3] =	stream.linear.scatter [tilespmem:s18], [sflag:$0x2], $0x4000, $0x38;
	[tilespmem:$0x1A400] =	vst v63  }
0xb5: {  	_ =	swait.ge [sflag:s19], $0x4000  }
0xb6: {  	[sflag:s19] =	ssyncset.done $0x0  }
0xb7: {  	[sflag:s19] =	ssyncadd.s32 $0xFFFFC000  }
0xb8: {  	[tilespmem:s18], [sflag:$0x2] =	stream.linear.gather [spmem:s8], $0x4000, $0x38;
	[tilespmem:$0x1A400] =	vst v63  }
0xb9: {  	_ =	swait.ge [sflag:s19], $0x4000  }
0xba: {  	[sflag:s19] =	ssyncset.done $0x0  }
0xbb: {  	[sflag:s19] =	ssyncadd.s32 $0xFFFFC000  }
0xbc: {  	[hbm4b:s14+s3] =	stream.linear.scatter [tilespmem:s18], [sflag:$0x2], $0x4000, $0x38;
	[tilespmem:$0x1A400] =	vst v63  }
0xbd: {  	_ =	swait.ge [sflag:s19], $0x4000  }
0xbe: {  	[sflag:s19] =	ssyncset.done $0x0  }
0xbf: {  	[sflag:s19] =	ssyncadd.s32 $0xFFFFC000  }
0xc0: {  	[tilespmem:s18], [sflag:$0x2] =	stream.linear.gather [spmem:s9], $0x4000, $0x38;
	[tilespmem:$0x1A400] =	vst v63  }
0xc1: {  	_ =	swait.ge [sflag:s19], $0x4000  }
0xc2: {  	[sflag:s19] =	ssyncset.done $0x0  }
0xc3: {  	[sflag:s19] =	ssyncadd.s32 $0xFFFFC000  }
0xc4: {  	[hbm4b:s15+s3] =	stream.linear.scatter [tilespmem:s18], [sflag:$0x2], $0x4000, $0x38;
	[tilespmem:$0x1A400] =	vst v63  }
0xc5: {  	_ =	swait.ge [sflag:s19], $0x4000  }
0xc6: {  	[sflag:s19] =	ssyncset.done $0x0  }
0xc7: {  	[sflag:s19] =	ssyncadd.s32 $0xFFFFC000  }
0xc8: {  	[tilespmem:s18], [sflag:$0x2] =	stream.linear.gather [spmem:s10], $0x3C00, $0x38;
	[tilespmem:$0x1A400] =	vst v63  }
0xc9: {  	s22 =	sadd.s32 $0x1, s22;
	_ =	swait.ge [sflag:s19], $0x3C00  }
0xca: {  	p0 =	sne.s32 s22, s17;
	[sflag:s19] =	ssyncset.done $0x0  }
.Ltmp1:
0xcb: {  	[sflag:s19] =	ssyncadd.s32 $0xFFFFC400;
	(pc) =	sbr.rel @p0 .LBB2_1-.Ltmp1, $4  }
0xcc: {  	[hbm4b:s16+s3] =	stream.linear.scatter [tilespmem:s18], [sflag:$0x2], $0x3C00, $0x38;
	[tilespmem:$0x1A400] =	vst v63  }
0xcd: {  	_ =	swait.ge [sflag:s19], $0x3C00  }
0xce: {  	[sflag:s19] =	ssyncset.done $0x0  }
0xcf: {  	[sflag:s19] =	ssyncadd.s32 $0xFFFFC400  }
0xd0: {  	_ =	sfence.sel $0x180000  }
0xd1: {  	[bflag:$0x0] =	sbarrier.arrive $0xFFFF  }
0xd2: {  	p0 =	sne.s32 s0, $0x0;
	_ =	strace $0x90000047  }
0xd3: {  	s0 =	sadd.s32 @!p0 $0x100000, s1;
	[bflag:$0x2] =	sbarrier.arrive $0xFFFF  }
0xd4: {  	[sflag:s0] =	ssyncadd.tile.s32 @!p0 $0x1;
	_ =	shalt  }
.Lfunc_end2:
_tile_overlayer_lowered:
.L_overlay_start_2:
0xd5: {  	(tag) =	ssettag $0x2  }
0xd6: {  	s0 =	rddreg [dreg:$0x0];
	s2 =	stileid.u32  }
0xd7: {  	s1 =	rddreg [dreg:$0x1];
	p0 =	sne.s32 s2, $0x0  }
0xd8: {  	s3 =	rddreg [dreg:$0x2];
	[bflag:$0x3] =	sbarrier.arrive $0xFFFF;
	s2 =	simm.s32 @!p0 $0x1C02  }
0xd9: {  	[timem:s3], [sflag:s2] =	dma.local @!p0 [hbm:s0], s1  }
0xda: {  	s0 =	simm.s32 @!p0 $0x2  }
0xdb: {  	_ =	swait.ge @!p0 [sflag:s0], s1  }
0xdc: {  	s1 =	ssub.s32 @!p0 $0x0, s1;
	[sflag:s0] =	ssyncset.done @!p0 $0x0  }
0xdd: {  	[sflag:s0] =	ssyncadd.s32 @!p0 s1  }
0xde: {  	[bflag:$0x3] =	sbarrier.arrive $0xFFFF  }
0xdf: {  	_ =	shalt  }

</sc_bundles>
